<compile_context>
chip_gen: v7x
topology: tpu7x:2x2x1
jax: 0.10.2.dev20260603
libtpu: 0.0.44.dev20260713+nightly
codegen_flags: <defaults>
</compile_context>

<pallas_src>
import functools

import jax
import jax.numpy as jnp
from jax import lax
from jax.experimental import pallas as pl
from jax.experimental.pallas import tpu as pltpu
from jax.experimental.pallas import tpu_sc as plsc

VOCAB = 50265
HIDDEN = 1024
PAD_IDX = 1
MAX_POS = 4098
LN_EPS = 1e-12
B, S = 4, 2048
TOK = B * S

NC = 2
NS = 16
NW = NC * NS
L = 16

P = 1
TOKS = TOK // P
BPW = TOKS // NW
CH = 16
NCH = BPW // CH
CPB = 4

_sc_mesh = plsc.VectorSubcoreMesh(core_axis_name="c", subcore_axis_name="s")


def _pid_body(ids_ref, pid_ref):
    x = ids_ref[...]
    m = (x != PAD_IDX).astype(jnp.int32)
    cs = m
    sh = 1
    while sh < S:
        cs = cs + jnp.concatenate(
            [jnp.zeros((B, sh), jnp.int32), cs[:, :S - sh]], axis=1)
        sh *= 2
    pid_ref[...] = cs * m + PAD_IDX


def _position_ids_tc(input_ids):
    return pl.pallas_call(
        _pid_body,
        out_shape=jax.ShapeDtypeStruct((B, S), jnp.int32),
    )(input_ids)


@functools.partial(
    pl.kernel,
    out_type=jax.ShapeDtypeStruct((TOKS, HIDDEN), jnp.float32),
    mesh=_sc_mesh,
    scratch_types=(
        [pltpu.VMEM((BPW,), jnp.int32),
         pltpu.VMEM((BPW,), jnp.int32)]
        + [pltpu.VMEM((CH, HIDDEN), jnp.float32)] * 4
        + [pltpu.VMEM((CH, HIDDEN), jnp.float32)] * 3
        + [pltpu.SemaphoreType.DMA] * 11
    ),
)
def _sc_embed(ids_hbm, pid_hbm, word_hbm, pos_hbm, out_hbm,
              ids_v, pid_v, w0, w1, w2, w3, p0, p1, p2, *sems):
    wid = lax.axis_index("s") * NC + lax.axis_index("c")
    base = wid * BPW

    pltpu.sync_copy(ids_hbm.at[pl.ds(base, BPW)], ids_v)
    pltpu.sync_copy(pid_hbm.at[pl.ds(base, BPW)], pid_v)

    wbufs = (w0, w1, w2, w3)
    pbufs = (p0, p1, p2)
    wsems = sems[0:4]
    psems = sems[4:7]
    osems = sems[7:11]

    def wgather(c, u):
        return pltpu.async_copy(
            word_hbm.at[ids_v.at[pl.ds(c * CH, CH)]], wbufs[u], wsems[u])

    def pgather(c, q):
        return pltpu.async_copy(
            pos_hbm.at[pid_v.at[pl.ds(c * CH, CH)]], pbufs[q], psems[q])

    def add_chunk(wb, pb):
        def row_body(j, _):
            for k in range(HIDDEN // L):
                sl = pl.ds(k * L, L)
                plsc.addupdate(wb.at[j, sl], pb[j, sl])
            return 0
        lax.fori_loop(0, CH, row_body, 0)

    def out_wait(c, u):
        pltpu.make_async_copy(
            wbufs[u], out_hbm.at[pl.ds(base + c * CH, CH)],
            osems[u]).wait()

    def body(t, _):
        c0 = t * CPB
        wg = []
        for u in range(CPB):
            @pl.when(t > 0)
            def _(u=u):
                out_wait(c0 - CPB + u, u)

            wg.append(wgather(c0 + u, u))
        pg = [pgather(c0 + q, q) for q in range(3)]
        for u in range(CPB):
            wg[u].wait()
            pg[u].wait()
            add_chunk(wbufs[u], pbufs[u % 3])
            pltpu.async_copy(
                wbufs[u], out_hbm.at[pl.ds(base + (c0 + u) * CH, CH)],
                osems[u])
            if u == 0:
                pg.append(pgather(c0 + 3, 0))
        return 0

    lax.fori_loop(0, NCH // CPB, body, 0)
    for u in range(CPB):
        out_wait(NCH - CPB + u, u)


def _ln_first_body(x_ref, t_ref, g_ref, b_ref, o_ref):
    _ln_compute(x_ref, t_ref, g_ref, b_ref, o_ref)


def _ln_acc_body(acc_ref, x_ref, t_ref, g_ref, b_ref, o_ref):
    del acc_ref
    _ln_compute(x_ref, t_ref, g_ref, b_ref, o_ref)


def _ln_compute(x_ref, t_ref, g_ref, b_ref, o_ref):
    x = x_ref[...] + t_ref[...]
    mu = jnp.mean(x, axis=-1, keepdims=True)
    m2 = jnp.mean(x * x, axis=-1, keepdims=True)
    var = m2 - mu * mu
    o_ref[...] = (x - mu) * lax.rsqrt(var + LN_EPS) * g_ref[...] + b_ref[...]


_LN_BLK = 1024
_NBLK = TOKS // _LN_BLK


def _layernorm_slice(p, summ, acc, type_row, gamma, beta):
    grid = (_NBLK,)
    xspec = pl.BlockSpec((_LN_BLK, HIDDEN), lambda i: (i, 0))
    rspec = pl.BlockSpec((1, HIDDEN), lambda i: (0, 0))
    ospec = pl.BlockSpec((_LN_BLK, HIDDEN), lambda i, _p=p: (_p * _NBLK + i, 0))
    out_shape = jax.ShapeDtypeStruct((TOK, HIDDEN), jnp.float32)
    if acc is None:
        return pl.pallas_call(
            _ln_first_body,
            grid=grid,
            in_specs=[xspec, rspec, rspec, rspec],
            out_specs=ospec,
            out_shape=out_shape,
        )(summ, type_row, gamma, beta)
    return pl.pallas_call(
        _ln_acc_body,
        grid=grid,
        in_specs=[pl.BlockSpec(memory_space=pltpu.MemorySpace.HBM),
                  xspec, rspec, rspec, rspec],
        out_specs=ospec,
        out_shape=out_shape,
        input_output_aliases={0: 0},
    )(acc, summ, type_row, gamma, beta)


def kernel(input_ids, word_emb, pos_emb, type_emb, ln_gamma, ln_beta):
    pid = _position_ids_tc(input_ids.astype(jnp.int32))
    ids_flat = input_ids.reshape(TOK).astype(jnp.int32)
    pid_flat = pid.reshape(TOK)
    type_row = type_emb[0:1]
    gamma = ln_gamma.reshape(1, HIDDEN)
    beta = ln_beta.reshape(1, HIDDEN)

    summs = []
    for p in range(P):
        sl = slice(p * TOKS, (p + 1) * TOKS)
        summs.append(
            _sc_embed(ids_flat[sl], pid_flat[sl], word_emb, pos_emb))
    emb = None
    for p in range(P):
        emb = _layernorm_slice(p, summs[p], emb, type_row, gamma, beta)

    return (emb.reshape(B, S, HIDDEN),
            pid.reshape(B, S).astype(input_ids.dtype))

# --- scband reference (transcript-rebuilt; emitter-appended) ---
"""Pipeline reference for scband-lilt-text-embeddings-55336358642311 (READ-ONLY COPY).

The authoritative reference and input builder live on the scoring server;
editing this copy changes nothing except your own understanding.
"""

import jax, jax.numpy as jnp
import numpy as np

VOCAB = 50265
HIDDEN = 1024
PAD_IDX = 1
MAX_POS = 4098
TYPE_VOCAB = 2
LN_EPS = 1e-12
B, S = 4, 2048


def setup_inputs(seed: int = 0) -> dict:
    key = jax.random.key(seed)
    k0, k1, k2, k3 = jax.random.split(key, 4)
    input_ids = jax.random.randint(k0, (B, S), 0, VOCAB, dtype=jnp.int64 if jax.config.jax_enable_x64 else jnp.int32)
    word_emb = jax.random.normal(k1, (VOCAB, HIDDEN), dtype=jnp.float32) * 0.02
    word_emb = word_emb.at[PAD_IDX].set(0.0)  # padding_idx row is zero in torch
    pos_emb = jax.random.normal(k2, (MAX_POS, HIDDEN), dtype=jnp.float32) * 0.02
    pos_emb = pos_emb.at[PAD_IDX].set(0.0)  # padding_idx row is zero in torch
    type_emb = jax.random.normal(k3, (TYPE_VOCAB, HIDDEN), dtype=jnp.float32) * 0.02
    ln_gamma = jnp.ones((HIDDEN,), dtype=jnp.float32)
    ln_beta = jnp.zeros((HIDDEN,), dtype=jnp.float32)
    return {
        "input_ids": input_ids,
        "word_emb": word_emb,
        "pos_emb": pos_emb,
        "type_emb": type_emb,
        "ln_gamma": ln_gamma,
        "ln_beta": ln_beta,
    }


def _create_position_ids_from_input_ids(input_ids, padding_idx):
    mask = (input_ids != padding_idx).astype(jnp.int32)
    incremental_indices = jnp.cumsum(mask, axis=1).astype(jnp.int32) * mask
    return incremental_indices.astype(input_ids.dtype) + padding_idx


def _layer_norm(x, gamma, beta, eps):
    mu = jnp.mean(x, axis=-1, keepdims=True)
    var = jnp.mean(jnp.square(x - mu), axis=-1, keepdims=True)
    return (x - mu) / jnp.sqrt(var + eps) * gamma + beta


def reference(input_ids, word_emb, pos_emb, type_emb, ln_gamma, ln_beta):
    # position_ids derived from input_ids (padding-aware, fairseq style)
    position_ids = _create_position_ids_from_input_ids(input_ids, PAD_IDX)
    # token_type_ids default to zeros
    token_type_ids = jnp.zeros(input_ids.shape, dtype=input_ids.dtype)
    inputs_embeds = jnp.take(word_emb, input_ids, axis=0)
    token_type_embeddings = jnp.take(type_emb, token_type_ids, axis=0)
    embeddings = inputs_embeds + token_type_embeddings
    # absolute position embeddings
    position_embeddings = jnp.take(pos_emb, position_ids, axis=0)
    embeddings = embeddings + position_embeddings
    embeddings = _layer_norm(embeddings, ln_gamma, ln_beta, LN_EPS)
    # dropout p=0.0 (eval) -> identity
    return (embeddings, position_ids)

if __name__ == "__main__":
    import jax
    _d = setup_inputs()
    print(jax.jit(kernel)(*tuple(_d.values())))

</pallas_src>

<mosaic_0001>
#map = affine_map<(d0, d1) -> (0)>
#map1 = affine_map<(d0, d1) -> (0, 0)>
module attributes {stable_mosaic.version = 14 : i64} {
  func.func @_sc_embed(%arg0: i32, %arg1: i32, %arg2: memref<8192xi32, #tpu.memory_space<hbm>>, %arg3: memref<8192xi32, #tpu.memory_space<hbm>>, %arg4: memref<50265x1024xf32, #tpu.memory_space<hbm>>, %arg5: memref<4098x1024xf32, #tpu.memory_space<hbm>>, %arg6: memref<8192x1024xf32, #tpu.memory_space<hbm>>, %arg7: memref<256xi32, #tpu.memory_space<vmem>>, %arg8: memref<256xi32, #tpu.memory_space<vmem>>, %arg9: memref<16x1024xf32, #tpu.memory_space<vmem>>, %arg10: memref<16x1024xf32, #tpu.memory_space<vmem>>, %arg11: memref<16x1024xf32, #tpu.memory_space<vmem>>, %arg12: memref<16x1024xf32, #tpu.memory_space<vmem>>, %arg13: memref<16x1024xf32, #tpu.memory_space<vmem>>, %arg14: memref<16x1024xf32, #tpu.memory_space<vmem>>, %arg15: memref<16x1024xf32, #tpu.memory_space<vmem>>, %arg16: memref<!tpu.dma_semaphore, #tpu.memory_space<semaphore_mem>>, %arg17: memref<!tpu.dma_semaphore, #tpu.memory_space<semaphore_mem>>, %arg18: memref<!tpu.dma_semaphore, #tpu.memory_space<semaphore_mem>>, %arg19: memref<!tpu.dma_semaphore, #tpu.memory_space<semaphore_mem>>, %arg20: memref<!tpu.dma_semaphore, #tpu.memory_space<semaphore_mem>>, %arg21: memref<!tpu.dma_semaphore, #tpu.memory_space<semaphore_mem>>, %arg22: memref<!tpu.dma_semaphore, #tpu.memory_space<semaphore_mem>>, %arg23: memref<!tpu.dma_semaphore, #tpu.memory_space<semaphore_mem>>, %arg24: memref<!tpu.dma_semaphore, #tpu.memory_space<semaphore_mem>>, %arg25: memref<!tpu.dma_semaphore, #tpu.memory_space<semaphore_mem>>, %arg26: memref<!tpu.dma_semaphore, #tpu.memory_space<semaphore_mem>>) attributes {dimension_semantics = [#tpu.dimension_semantics<core_parallel>, #tpu.dimension_semantics<subcore_parallel>], iteration_bounds = array<i64: 2, 16>, scalar_prefetch = 0 : i64, scratch_operands = 20 : i64, tpu.core_type = #tpu.core_type<sc_vector_subcore>, window_params = [{transform_indices = #map}, {transform_indices = #map}, {transform_indices = #map1}, {transform_indices = #map1}, {transform_indices = #map1}]} {
    %mul3A = arith.constant 2 : i32
    %mul3A_0 = arith.muli %arg1, %mul3A : i32
    %add3A = arith.addi %mul3A_0, %arg0 : i32
    %mul3A_1 = arith.constant 256 : i32
    %mul3A_2 = arith.muli %add3A, %mul3A_1 : i32
    "tpu.region"() ({
      %run_scoped3A = tpu.sem_alloc : memref<!tpu.dma_semaphore, #tpu.memory_space<semaphore_mem>>
      %dma_start3A = tpu.memref_slice %arg2[%mul3A_2] : memref<8192xi32, #tpu.memory_space<hbm>> -> memref<256xi32, #tpu.memory_space<hbm>>
      %dma_start3A_32 = tpu.memref_slice %arg2[%mul3A_2] : memref<8192xi32, #tpu.memory_space<hbm>> -> memref<256xi32, #tpu.memory_space<hbm>>
      tpu.enqueue_dma source(%dma_start3A_32 : memref<256xi32, #tpu.memory_space<hbm>>) target(%arg7 : memref<256xi32, #tpu.memory_space<vmem>>) target_semaphore(%run_scoped3A : memref<!tpu.dma_semaphore, #tpu.memory_space<semaphore_mem>>)
      %dma_wait3A_33 = tpu.memref_slice %arg2[%mul3A_2] : memref<8192xi32, #tpu.memory_space<hbm>> -> memref<256xi32, #tpu.memory_space<hbm>>
      %dma_wait3A_34 = tpu.memref_slice %arg2[%mul3A_2] : memref<8192xi32, #tpu.memory_space<hbm>> -> memref<256xi32, #tpu.memory_space<hbm>>
      tpu.wait_dma2 semaphore(%run_scoped3A : memref<!tpu.dma_semaphore, #tpu.memory_space<semaphore_mem>>) src(%dma_wait3A_34 : memref<256xi32, #tpu.memory_space<hbm>>) dst(%arg7 : memref<256xi32, #tpu.memory_space<vmem>>)
      tpu.yield
    }) : () -> ()
    "tpu.region"() ({
      %run_scoped3A = tpu.sem_alloc : memref<!tpu.dma_semaphore, #tpu.memory_space<semaphore_mem>>
      %dma_start3A = tpu.memref_slice %arg3[%mul3A_2] : memref<8192xi32, #tpu.memory_space<hbm>> -> memref<256xi32, #tpu.memory_space<hbm>>
      %dma_start3A_32 = tpu.memref_slice %arg3[%mul3A_2] : memref<8192xi32, #tpu.memory_space<hbm>> -> memref<256xi32, #tpu.memory_space<hbm>>
      tpu.enqueue_dma source(%dma_start3A_32 : memref<256xi32, #tpu.memory_space<hbm>>) target(%arg8 : memref<256xi32, #tpu.memory_space<vmem>>) target_semaphore(%run_scoped3A : memref<!tpu.dma_semaphore, #tpu.memory_space<semaphore_mem>>)
      %dma_wait3A_33 = tpu.memref_slice %arg3[%mul3A_2] : memref<8192xi32, #tpu.memory_space<hbm>> -> memref<256xi32, #tpu.memory_space<hbm>>
      %dma_wait3A_34 = tpu.memref_slice %arg3[%mul3A_2] : memref<8192xi32, #tpu.memory_space<hbm>> -> memref<256xi32, #tpu.memory_space<hbm>>
      tpu.wait_dma2 semaphore(%run_scoped3A : memref<!tpu.dma_semaphore, #tpu.memory_space<semaphore_mem>>) src(%dma_wait3A_34 : memref<256xi32, #tpu.memory_space<hbm>>) dst(%arg8 : memref<256xi32, #tpu.memory_space<vmem>>)
      tpu.yield
    }) : () -> ()
    %scan3A = arith.constant 0 : i32
    %scan3A_3 = arith.constant 0 : i32
    %scan3A_4 = arith.constant 4 : i32
    %scan3A_5 = arith.addi %scan3A_3, %scan3A_4 : i32
    %scan3A_6 = arith.constant 1 : i32
    %scan3A_7 = scf.for %scan3A_32 = %scan3A_3 to %scan3A_5 step %scan3A_6 iter_args(%scan3A_33 = %scan3A) -> (i32)  : i32 {
      %mul3A_34 = arith.constant 4 : i32
      %mul3A_35 = arith.muli %scan3A_32, %mul3A_34 : i32
      %gt3A = arith.constant 0 : i32
      %gt3A_36 = arith.cmpi sgt, %scan3A_32, %gt3A : i32
      %convert_element_type3A = arith.extui %gt3A_36 : i1 to i32
      %cond3A = arith.constant 0 : i32
      %cond3A_37 = arith.cmpi ne, %convert_element_type3A, %cond3A : i32
      scf.if %cond3A_37 {
        %sub3A = arith.constant 4 : i32
        %sub3A_213 = arith.subi %mul3A_35, %sub3A : i32
        %add3A_214 = arith.constant 0 : i32
        %add3A_215 = arith.addi %sub3A_213, %add3A_214 : i32
        %mul3A_216 = arith.constant 16 : i32
        %mul3A_217 = arith.muli %add3A_215, %mul3A_216 : i32
        %add3A_218 = arith.addi %mul3A_2, %mul3A_217 : i32
        %dma_wait3A_219 = arith.constant 0 : i32
        %dma_wait3A_220 = tpu.memref_slice %arg6[%add3A_218, %dma_wait3A_219] : memref<8192x1024xf32, #tpu.memory_space<hbm>> -> memref<16x1024xf32, #tpu.memory_space<hbm>>
        %dma_wait3A_221 = arith.constant 0 : i32
        %dma_wait3A_222 = tpu.memref_slice %arg6[%add3A_218, %dma_wait3A_221] : memref<8192x1024xf32, #tpu.memory_space<hbm>> -> memref<16x1024xf32, #tpu.memory_space<hbm>>
        tpu.wait_dma2 semaphore(%arg23 : memref<!tpu.dma_semaphore, #tpu.memory_space<semaphore_mem>>) src(%arg9 : memref<16x1024xf32, #tpu.memory_space<vmem>>) dst(%dma_wait3A_222 : memref<16x1024xf32, #tpu.memory_space<hbm>>)
      } else {
      }
      %add3A_38 = arith.constant 0 : i32
      %add3A_39 = arith.addi %mul3A_35, %add3A_38 : i32
      %mul3A_40 = arith.constant 16 : i32
      %mul3A_41 = arith.muli %add3A_39, %mul3A_40 : i32
      %dma_start3A = tpu.memref_slice %arg7[%mul3A_41] : memref<256xi32, #tpu.memory_space<vmem>> -> memref<16xi32, #tpu.memory_space<vmem>>
      %dma_start3A_42 = arith.constant 0 : i32
      %dma_start3A_43 = arith.constant 0 : i32
      %dma_start3A_44 = tpu.memref_slice %arg4[%dma_start3A_42, %dma_start3A_43] : memref<50265x1024xf32, #tpu.memory_space<hbm>> -> memref<50265x1024xf32, #tpu.memory_space<hbm>>
      tpu.enqueue_indirect_dma source(%dma_start3A_44 : memref<50265x1024xf32, #tpu.memory_space<hbm>>) target(%arg9 : memref<16x1024xf32, #tpu.memory_space<vmem>>) offsets(%dma_start3A : memref<16xi32, #tpu.memory_space<vmem>>) semaphore(%arg16 : memref<!tpu.dma_semaphore, #tpu.memory_space<semaphore_mem>>)
      %gt3A_45 = arith.constant 0 : i32
      %gt3A_46 = arith.cmpi sgt, %scan3A_32, %gt3A_45 : i32
      %convert_element_type3A_47 = arith.extui %gt3A_46 : i1 to i32
      %cond3A_48 = arith.constant 0 : i32
      %cond3A_49 = arith.cmpi ne, %convert_element_type3A_47, %cond3A_48 : i32
      scf.if %cond3A_49 {
        %sub3A = arith.constant 4 : i32
        %sub3A_213 = arith.subi %mul3A_35, %sub3A : i32
        %add3A_214 = arith.constant 1 : i32
        %add3A_215 = arith.addi %sub3A_213, %add3A_214 : i32
        %mul3A_216 = arith.constant 16 : i32
        %mul3A_217 = arith.muli %add3A_215, %mul3A_216 : i32
        %add3A_218 = arith.addi %mul3A_2, %mul3A_217 : i32
        %dma_wait3A_219 = arith.constant 0 : i32
        %dma_wait3A_220 = tpu.memref_slice %arg6[%add3A_218, %dma_wait3A_219] : memref<8192x1024xf32, #tpu.memory_space<hbm>> -> memref<16x1024xf32, #tpu.memory_space<hbm>>
        %dma_wait3A_221 = arith.constant 0 : i32
        %dma_wait3A_222 = tpu.memref_slice %arg6[%add3A_218, %dma_wait3A_221] : memref<8192x1024xf32, #tpu.memory_space<hbm>> -> memref<16x1024xf32, #tpu.memory_space<hbm>>
        tpu.wait_dma2 semaphore(%arg24 : memref<!tpu.dma_semaphore, #tpu.memory_space<semaphore_mem>>) src(%arg10 : memref<16x1024xf32, #tpu.memory_space<vmem>>) dst(%dma_wait3A_222 : memref<16x1024xf32, #tpu.memory_space<hbm>>)
      } else {
      }
      %add3A_50 = arith.constant 1 : i32
      %add3A_51 = arith.addi %mul3A_35, %add3A_50 : i32
      %mul3A_52 = arith.constant 16 : i32
      %mul3A_53 = arith.muli %add3A_51, %mul3A_52 : i32
      %dma_start3A_54 = tpu.memref_slice %arg7[%mul3A_53] : memref<256xi32, #tpu.memory_space<vmem>> -> memref<16xi32, #tpu.memory_space<vmem>>
      %dma_start3A_55 = arith.constant 0 : i32
      %dma_start3A_56 = arith.constant 0 : i32
      %dma_start3A_57 = tpu.memref_slice %arg4[%dma_start3A_55, %dma_start3A_56] : memref<50265x1024xf32, #tpu.memory_space<hbm>> -> memref<50265x1024xf32, #tpu.memory_space<hbm>>
      tpu.enqueue_indirect_dma source(%dma_start3A_57 : memref<50265x1024xf32, #tpu.memory_space<hbm>>) target(%arg10 : memref<16x1024xf32, #tpu.memory_space<vmem>>) offsets(%dma_start3A_54 : memref<16xi32, #tpu.memory_space<vmem>>) semaphore(%arg17 : memref<!tpu.dma_semaphore, #tpu.memory_space<semaphore_mem>>)
      %gt3A_58 = arith.constant 0 : i32
      %gt3A_59 = arith.cmpi sgt, %scan3A_32, %gt3A_58 : i32
      %convert_element_type3A_60 = arith.extui %gt3A_59 : i1 to i32
      %cond3A_61 = arith.constant 0 : i32
      %cond3A_62 = arith.cmpi ne, %convert_element_type3A_60, %cond3A_61 : i32
      scf.if %cond3A_62 {
        %sub3A = arith.constant 4 : i32
        %sub3A_213 = arith.subi %mul3A_35, %sub3A : i32
        %add3A_214 = arith.constant 2 : i32
        %add3A_215 = arith.addi %sub3A_213, %add3A_214 : i32
        %mul3A_216 = arith.constant 16 : i32
        %mul3A_217 = arith.muli %add3A_215, %mul3A_216 : i32
        %add3A_218 = arith.addi %mul3A_2, %mul3A_217 : i32
        %dma_wait3A_219 = arith.constant 0 : i32
        %dma_wait3A_220 = tpu.memref_slice %arg6[%add3A_218, %dma_wait3A_219] : memref<8192x1024xf32, #tpu.memory_space<hbm>> -> memref<16x1024xf32, #tpu.memory_space<hbm>>
        %dma_wait3A_221 = arith.constant 0 : i32
        %dma_wait3A_222 = tpu.memref_slice %arg6[%add3A_218, %dma_wait3A_221] : memref<8192x1024xf32, #tpu.memory_space<hbm>> -> memref<16x1024xf32, #tpu.memory_space<hbm>>
        tpu.wait_dma2 semaphore(%arg25 : memref<!tpu.dma_semaphore, #tpu.memory_space<semaphore_mem>>) src(%arg11 : memref<16x1024xf32, #tpu.memory_space<vmem>>) dst(%dma_wait3A_222 : memref<16x1024xf32, #tpu.memory_space<hbm>>)
      } else {
      }
      %add3A_63 = arith.constant 2 : i32
      %add3A_64 = arith.addi %mul3A_35, %add3A_63 : i32
      %mul3A_65 = arith.constant 16 : i32
      %mul3A_66 = arith.muli %add3A_64, %mul3A_65 : i32
      %dma_start3A_67 = tpu.memref_slice %arg7[%mul3A_66] : memref<256xi32, #tpu.memory_space<vmem>> -> memref<16xi32, #tpu.memory_space<vmem>>
      %dma_start3A_68 = arith.constant 0 : i32
      %dma_start3A_69 = arith.constant 0 : i32
      %dma_start3A_70 = tpu.memref_slice %arg4[%dma_start3A_68, %dma_start3A_69] : memref<50265x1024xf32, #tpu.memory_space<hbm>> -> memref<50265x1024xf32, #tpu.memory_space<hbm>>
      tpu.enqueue_indirect_dma source(%dma_start3A_70 : memref<50265x1024xf32, #tpu.memory_space<hbm>>) target(%arg11 : memref<16x1024xf32, #tpu.memory_space<vmem>>) offsets(%dma_start3A_67 : memref<16xi32, #tpu.memory_space<vmem>>) semaphore(%arg18 : memref<!tpu.dma_semaphore, #tpu.memory_space<semaphore_mem>>)
      %gt3A_71 = arith.constant 0 : i32
      %gt3A_72 = arith.cmpi sgt, %scan3A_32, %gt3A_71 : i32
      %convert_element_type3A_73 = arith.extui %gt3A_72 : i1 to i32
      %cond3A_74 = arith.constant 0 : i32
      %cond3A_75 = arith.cmpi ne, %convert_element_type3A_73, %cond3A_74 : i32
      scf.if %cond3A_75 {
        %sub3A = arith.constant 4 : i32
        %sub3A_213 = arith.subi %mul3A_35, %sub3A : i32
        %add3A_214 = arith.constant 3 : i32
        %add3A_215 = arith.addi %sub3A_213, %add3A_214 : i32
        %mul3A_216 = arith.constant 16 : i32
        %mul3A_217 = arith.muli %add3A_215, %mul3A_216 : i32
        %add3A_218 = arith.addi %mul3A_2, %mul3A_217 : i32
        %dma_wait3A_219 = arith.constant 0 : i32
        %dma_wait3A_220 = tpu.memref_slice %arg6[%add3A_218, %dma_wait3A_219] : memref<8192x1024xf32, #tpu.memory_space<hbm>> -> memref<16x1024xf32, #tpu.memory_space<hbm>>
        %dma_wait3A_221 = arith.constant 0 : i32
        %dma_wait3A_222 = tpu.memref_slice %arg6[%add3A_218, %dma_wait3A_221] : memref<8192x1024xf32, #tpu.memory_space<hbm>> -> memref<16x1024xf32, #tpu.memory_space<hbm>>
        tpu.wait_dma2 semaphore(%arg26 : memref<!tpu.dma_semaphore, #tpu.memory_space<semaphore_mem>>) src(%arg12 : memref<16x1024xf32, #tpu.memory_space<vmem>>) dst(%dma_wait3A_222 : memref<16x1024xf32, #tpu.memory_space<hbm>>)
      } else {
      }
      %add3A_76 = arith.constant 3 : i32
      %add3A_77 = arith.addi %mul3A_35, %add3A_76 : i32
      %mul3A_78 = arith.constant 16 : i32
      %mul3A_79 = arith.muli %add3A_77, %mul3A_78 : i32
      %dma_start3A_80 = tpu.memref_slice %arg7[%mul3A_79] : memref<256xi32, #tpu.memory_space<vmem>> -> memref<16xi32, #tpu.memory_space<vmem>>
      %dma_start3A_81 = arith.constant 0 : i32
      %dma_start3A_82 = arith.constant 0 : i32
      %dma_start3A_83 = tpu.memref_slice %arg4[%dma_start3A_81, %dma_start3A_82] : memref<50265x1024xf32, #tpu.memory_space<hbm>> -> memref<50265x1024xf32, #tpu.memory_space<hbm>>
      tpu.enqueue_indirect_dma source(%dma_start3A_83 : memref<50265x1024xf32, #tpu.memory_space<hbm>>) target(%arg12 : memref<16x1024xf32, #tpu.memory_space<vmem>>) offsets(%dma_start3A_80 : memref<16xi32, #tpu.memory_space<vmem>>) semaphore(%arg19 : memref<!tpu.dma_semaphore, #tpu.memory_space<semaphore_mem>>)
      %add3A_84 = arith.constant 0 : i32
      %add3A_85 = arith.addi %mul3A_35, %add3A_84 : i32
      %mul3A_86 = arith.constant 16 : i32
      %mul3A_87 = arith.muli %add3A_85, %mul3A_86 : i32
      %dma_start3A_88 = tpu.memref_slice %arg8[%mul3A_87] : memref<256xi32, #tpu.memory_space<vmem>> -> memref<16xi32, #tpu.memory_space<vmem>>
      %dma_start3A_89 = arith.constant 0 : i32
      %dma_start3A_90 = arith.constant 0 : i32
      %dma_start3A_91 = tpu.memref_slice %arg5[%dma_start3A_89, %dma_start3A_90] : memref<4098x1024xf32, #tpu.memory_space<hbm>> -> memref<4098x1024xf32, #tpu.memory_space<hbm>>
      tpu.enqueue_indirect_dma source(%dma_start3A_91 : memref<4098x1024xf32, #tpu.memory_space<hbm>>) target(%arg13 : memref<16x1024xf32, #tpu.memory_space<vmem>>) offsets(%dma_start3A_88 : memref<16xi32, #tpu.memory_space<vmem>>) semaphore(%arg20 : memref<!tpu.dma_semaphore, #tpu.memory_space<semaphore_mem>>)
      %add3A_92 = arith.constant 1 : i32
      %add3A_93 = arith.addi %mul3A_35, %add3A_92 : i32
      %mul3A_94 = arith.constant 16 : i32
      %mul3A_95 = arith.muli %add3A_93, %mul3A_94 : i32
      %dma_start3A_96 = tpu.memref_slice %arg8[%mul3A_95] : memref<256xi32, #tpu.memory_space<vmem>> -> memref<16xi32, #tpu.memory_space<vmem>>
      %dma_start3A_97 = arith.constant 0 : i32
      %dma_start3A_98 = arith.constant 0 : i32
      %dma_start3A_99 = tpu.memref_slice %arg5[%dma_start3A_97, %dma_start3A_98] : memref<4098x1024xf32, #tpu.memory_space<hbm>> -> memref<4098x1024xf32, #tpu.memory_space<hbm>>
      tpu.enqueue_indirect_dma source(%dma_start3A_99 : memref<4098x1024xf32, #tpu.memory_space<hbm>>) target(%arg14 : memref<16x1024xf32, #tpu.memory_space<vmem>>) offsets(%dma_start3A_96 : memref<16xi32, #tpu.memory_space<vmem>>) semaphore(%arg21 : memref<!tpu.dma_semaphore, #tpu.memory_space<semaphore_mem>>)
      %add3A_100 = arith.constant 2 : i32
      %add3A_101 = arith.addi %mul3A_35, %add3A_100 : i32
      %mul3A_102 = arith.constant 16 : i32
      %mul3A_103 = arith.muli %add3A_101, %mul3A_102 : i32
      %dma_start3A_104 = tpu.memref_slice %arg8[%mul3A_103] : memref<256xi32, #tpu.memory_space<vmem>> -> memref<16xi32, #tpu.memory_space<vmem>>
      %dma_start3A_105 = arith.constant 0 : i32
      %dma_start3A_106 = arith.constant 0 : i32
      %dma_start3A_107 = tpu.memref_slice %arg5[%dma_start3A_105, %dma_start3A_106] : memref<4098x1024xf32, #tpu.memory_space<hbm>> -> memref<4098x1024xf32, #tpu.memory_space<hbm>>
      tpu.enqueue_indirect_dma source(%dma_start3A_107 : memref<4098x1024xf32, #tpu.memory_space<hbm>>) target(%arg15 : memref<16x1024xf32, #tpu.memory_space<vmem>>) offsets(%dma_start3A_104 : memref<16xi32, #tpu.memory_space<vmem>>) semaphore(%arg22 : memref<!tpu.dma_semaphore, #tpu.memory_space<semaphore_mem>>)
      %dma_wait3A_108 = tpu.memref_slice %arg7[%mul3A_41] : memref<256xi32, #tpu.memory_space<vmem>> -> memref<16xi32, #tpu.memory_space<vmem>>
      %dma_wait3A_109 = arith.constant 0 : i32
      %dma_wait3A_110 = arith.constant 0 : i32
      %dma_wait3A_111 = tpu.memref_slice %arg4[%dma_wait3A_109, %dma_wait3A_110] : memref<50265x1024xf32, #tpu.memory_space<hbm>> -> memref<50265x1024xf32, #tpu.memory_space<hbm>>
      tpu.wait_indirect_dma semaphore(%arg16 : memref<!tpu.dma_semaphore, #tpu.memory_space<semaphore_mem>>) src(%dma_wait3A_111 : memref<50265x1024xf32, #tpu.memory_space<hbm>>) dst(%arg9 : memref<16x1024xf32, #tpu.memory_space<vmem>>)
      %dma_wait3A_112 = tpu.memref_slice %arg8[%mul3A_87] : memref<256xi32, #tpu.memory_space<vmem>> -> memref<16xi32, #tpu.memory_space<vmem>>
      %dma_wait3A_113 = arith.constant 0 : i32
      %dma_wait3A_114 = arith.constant 0 : i32
      %dma_wait3A_115 = tpu.memref_slice %arg5[%dma_wait3A_113, %dma_wait3A_114] : memref<4098x1024xf32, #tpu.memory_space<hbm>> -> memref<4098x1024xf32, #tpu.memory_space<hbm>>
      tpu.wait_indirect_dma semaphore(%arg20 : memref<!tpu.dma_semaphore, #tpu.memory_space<semaphore_mem>>) src(%dma_wait3A_115 : memref<4098x1024xf32, #tpu.memory_space<hbm>>) dst(%arg13 : memref<16x1024xf32, #tpu.memory_space<vmem>>)
      %scan3A_116 = arith.constant 0 : i32
      %scan3A_117 = arith.constant 0 : i32
      %scan3A_118 = arith.constant 16 : i32
      %scan3A_119 = arith.addi %scan3A_117, %scan3A_118 : i32
      %scan3A_120 = arith.constant 1 : i32
      %scan3A_121 = scf.for %scan3A_213 = %scan3A_117 to %scan3A_119 step %scan3A_120 iter_args(%scan3A_214 = %scan3A_116) -> (i32)  : i32 {
        %get3A = arith.index_cast %scan3A_213 : i32 to index
        %get3A_215 = arith.constant 0 : index
        %get3A_216 = tpu.vector_load %arg13[%get3A, %get3A_215] {strides = array<i32>} : memref<16x1024xf32, #tpu.memory_space<vmem>>, vector<1x16xf32>,
        %get3A_217 = vector.shape_cast %get3A_216 : vector<1x16xf32> to vector<16xf32>
        %swap3A = arith.index_cast %scan3A_213 : i32 to index
        %swap3A_218 = arith.constant 0 : index
        %swap3A_219 = tpu.vector_load %arg9[%swap3A, %swap3A_218] {strides = array<i32>} : memref<16x1024xf32, #tpu.memory_space<vmem>>, vector<1x16xf32>,
        %swap3A_220 = vector.shape_cast %swap3A_219 : vector<1x16xf32> to vector<16xf32>
        %swap3A_221 = vector.shape_cast %get3A_217 : vector<16xf32> to vector<1x16xf32>
        tpu.vector_store %arg9[%swap3A, %swap3A_218], %swap3A_221 {add = true, strides = array<i32>} : memref<16x1024xf32, #tpu.memory_space<vmem>>, vector<1x16xf32>,
        %get3A_222 = arith.index_cast %scan3A_213 : i32 to index
        %get3A_223 = arith.constant 16 : index
        %get3A_224 = tpu.vector_load %arg13[%get3A_222, %get3A_223] {strides = array<i32>} : memref<16x1024xf32, #tpu.memory_space<vmem>>, vector<1x16xf32>,
        %get3A_225 = vector.shape_cast %get3A_224 : vector<1x16xf32> to vector<16xf32>
        %swap3A_226 = arith.index_cast %scan3A_213 : i32 to index
        %swap3A_227 = arith.constant 16 : index
        %swap3A_228 = tpu.vector_load %arg9[%swap3A_226, %swap3A_227] {strides = array<i32>} : memref<16x1024xf32, #tpu.memory_space<vmem>>, vector<1x16xf32>,
        %swap3A_229 = vector.shape_cast %swap3A_228 : vector<1x16xf32> to vector<16xf32>
        %swap3A_230 = vector.shape_cast %get3A_225 : vector<16xf32> to vector<1x16xf32>
        tpu.vector_store %arg9[%swap3A_226, %swap3A_227], %swap3A_230 {add = true, strides = array<i32>} : memref<16x1024xf32, #tpu.memory_space<vmem>>, vector<1x16xf32>,
        %get3A_231 = arith.index_cast %scan3A_213 : i32 to index
        %get3A_232 = arith.constant 32 : index
        %get3A_233 = tpu.vector_load %arg13[%get3A_231, %get3A_232] {strides = array<i32>} : memref<16x1024xf32, #tpu.memory_space<vmem>>, vector<1x16xf32>,
        %get3A_234 = vector.shape_cast %get3A_233 : vector<1x16xf32> to vector<16xf32>
        %swap3A_235 = arith.index_cast %scan3A_213 : i32 to index
        %swap3A_236 = arith.constant 32 : index
        %swap3A_237 = tpu.vector_load %arg9[%swap3A_235, %swap3A_236] {strides = array<i32>} : memref<16x1024xf32, #tpu.memory_space<vmem>>, vector<1x16xf32>,
        %swap3A_238 = vector.shape_cast %swap3A_237 : vector<1x16xf32> to vector<16xf32>
        %swap3A_239 = vector.shape_cast %get3A_234 : vector<16xf32> to vector<1x16xf32>
        tpu.vector_store %arg9[%swap3A_235, %swap3A_236], %swap3A_239 {add = true, strides = array<i32>} : memref<16x1024xf32, #tpu.memory_space<vmem>>, vector<1x16xf32>,
        %get3A_240 = arith.index_cast %scan3A_213 : i32 to index
        %get3A_241 = arith.constant 48 : index
        %get3A_242 = tpu.vector_load %arg13[%get3A_240, %get3A_241] {strides = array<i32>} : memref<16x1024xf32, #tpu.memory_space<vmem>>, vector<1x16xf32>,
        %get3A_243 = vector.shape_cast %get3A_242 : vector<1x16xf32> to vector<16xf32>
        %swap3A_244 = arith.index_cast %scan3A_213 : i32 to index
        %swap3A_245 = arith.constant 48 : index
        %swap3A_246 = tpu.vector_load %arg9[%swap3A_244, %swap3A_245] {strides = array<i32>} : memref<16x1024xf32, #tpu.memory_space<vmem>>, vector<1x16xf32>,
        %swap3A_247 = vector.shape_cast %swap3A_246 : vector<1x16xf32> to vector<16xf32>
        %swap3A_248 = vector.shape_cast %get3A_243 : vector<16xf32> to vector<1x16xf32>
        tpu.vector_store %arg9[%swap3A_244, %swap3A_245], %swap3A_248 {add = true, strides = array<i32>} : memref<16x1024xf32, #tpu.memory_space<vmem>>, vector<1x16xf32>,
        %get3A_249 = arith.index_cast %scan3A_213 : i32 to index
        %get3A_250 = arith.constant 64 : index
        %get3A_251 = tpu.vector_load %arg13[%get3A_249, %get3A_250] {strides = array<i32>} : memref<16x1024xf32, #tpu.memory_space<vmem>>, vector<1x16xf32>,
        %get3A_252 = vector.shape_cast %get3A_251 : vector<1x16xf32> to vector<16xf32>
        %swap3A_253 = arith.index_cast %scan3A_213 : i32 to index
        %swap3A_254 = arith.constant 64 : index
        %swap3A_255 = tpu.vector_load %arg9[%swap3A_253, %swap3A_254] {strides = array<i32>} : memref<16x1024xf32, #tpu.memory_space<vmem>>, vector<1x16xf32>,
        %swap3A_256 = vector.shape_cast %swap3A_255 : vector<1x16xf32> to vector<16xf32>
        %swap3A_257 = vector.shape_cast %get3A_252 : vector<16xf32> to vector<1x16xf32>
        tpu.vector_store %arg9[%swap3A_253, %swap3A_254], %swap3A_257 {add = true, strides = array<i32>} : memref<16x1024xf32, #tpu.memory_space<vmem>>, vector<1x16xf32>,
        %get3A_258 = arith.index_cast %scan3A_213 : i32 to index
        %get3A_259 = arith.constant 80 : index
        %get3A_260 = tpu.vector_load %arg13[%get3A_258, %get3A_259] {strides = array<i32>} : memref<16x1024xf32, #tpu.memory_space<vmem>>, vector<1x16xf32>,
        %get3A_261 = vector.shape_cast %get3A_260 : vector<1x16xf32> to vector<16xf32>
        %swap3A_262 = arith.index_cast %scan3A_213 : i32 to index
        %swap3A_263 = arith.constant 80 : index
        %swap3A_264 = tpu.vector_load %arg9[%swap3A_262, %swap3A_263] {strides = array<i32>} : memref<16x1024xf32, #tpu.memory_space<vmem>>, vector<1x16xf32>,
        %swap3A_265 = vector.shape_cast %swap3A_264 : vector<1x16xf32> to vector<16xf32>
        %swap3A_266 = vector.shape_cast %get3A_261 : vector<16xf32> to vector<1x16xf32>
        tpu.vector_store %arg9[%swap3A_262, %swap3A_263], %swap3A_266 {add = true, strides = array<i32>} : memref<16x1024xf32, #tpu.memory_space<vmem>>, vector<1x16xf32>,
        %get3A_267 = arith.index_cast %scan3A_213 : i32 to index
        %get3A_268 = arith.constant 96 : index
        %get3A_269 = tpu.vector_load %arg13[%get3A_267, %get3A_268] {strides = array<i32>} : memref<16x1024xf32, #tpu.memory_space<vmem>>, vector<1x16xf32>,
        %get3A_270 = vector.shape_cast %get3A_269 : vector<1x16xf32> to vector<16xf32>
        %swap3A_271 = arith.index_cast %scan3A_213 : i32 to index
        %swap3A_272 = arith.constant 96 : index
        %swap3A_273 = tpu.vector_load %arg9[%swap3A_271, %swap3A_272] {strides = array<i32>} : memref<16x1024xf32, #tpu.memory_space<vmem>>, vector<1x16xf32>,
        %swap3A_274 = vector.shape_cast %swap3A_273 : vector<1x16xf32> to vector<16xf32>
        %swap3A_275 = vector.shape_cast %get3A_270 : vector<16xf32> to vector<1x16xf32>
        tpu.vector_store %arg9[%swap3A_271, %swap3A_272], %swap3A_275 {add = true, strides = array<i32>} : memref<16x1024xf32, #tpu.memory_space<vmem>>, vector<1x16xf32>,
        %get3A_276 = arith.index_cast %scan3A_213 : i32 to index
        %get3A_277 = arith.constant 112 : index
        %get3A_278 = tpu.vector_load %arg13[%get3A_276, %get3A_277] {strides = array<i32>} : memref<16x1024xf32, #tpu.memory_space<vmem>>, vector<1x16xf32>,
        %get3A_279 = vector.shape_cast %get3A_278 : vector<1x16xf32> to vector<16xf32>
        %swap3A_280 = arith.index_cast %scan3A_213 : i32 to index
        %swap3A_281 = arith.constant 112 : index
        %swap3A_282 = tpu.vector_load %arg9[%swap3A_280, %swap3A_281] {strides = array<i32>} : memref<16x1024xf32, #tpu.memory_space<vmem>>, vector<1x16xf32>,
        %swap3A_283 = vector.shape_cast %swap3A_282 : vector<1x16xf32> to vector<16xf32>
        %swap3A_284 = vector.shape_cast %get3A_279 : vector<16xf32> to vector<1x16xf32>
        tpu.vector_store %arg9[%swap3A_280, %swap3A_281], %swap3A_284 {add = true, strides = array<i32>} : memref<16x1024xf32, #tpu.memory_space<vmem>>, vector<1x16xf32>,
        %get3A_285 = arith.index_cast %scan3A_213 : i32 to index
        %get3A_286 = arith.constant 128 : index
        %get3A_287 = tpu.vector_load %arg13[%get3A_285, %get3A_286] {strides = array<i32>} : memref<16x1024xf32, #tpu.memory_space<vmem>>, vector<1x16xf32>,
        %get3A_288 = vector.shape_cast %get3A_287 : vector<1x16xf32> to vector<16xf32>
        %swap3A_289 = arith.index_cast %scan3A_213 : i32 to index
        %swap3A_290 = arith.constant 128 : index
        %swap3A_291 = tpu.vector_load %arg9[%swap3A_289, %swap3A_290] {strides = array<i32>} : memref<16x1024xf32, #tpu.memory_space<vmem>>, vector<1x16xf32>,
        %swap3A_292 = vector.shape_cast %swap3A_291 : vector<1x16xf32> to vector<16xf32>
        %swap3A_293 = vector.shape_cast %get3A_288 : vector<16xf32> to vector<1x16xf32>
        tpu.vector_store %arg9[%swap3A_289, %swap3A_290], %swap3A_293 {add = true, strides = array<i32>} : memref<16x1024xf32, #tpu.memory_space<vmem>>, vector<1x16xf32>,
        %get3A_294 = arith.index_cast %scan3A_213 : i32 to index
        %get3A_295 = arith.constant 144 : index
        %get3A_296 = tpu.vector_load %arg13[%get3A_294, %get3A_295] {strides = array<i32>} : memref<16x1024xf32, #tpu.memory_space<vmem>>, vector<1x16xf32>,
        %get3A_297 = vector.shape_cast %get3A_296 : vector<1x16xf32> to vector<16xf32>
        %swap3A_298 = arith.index_cast %scan3A_213 : i32 to index
        %swap3A_299 = arith.constant 144 : index
        %swap3A_300 = tpu.vector_load %arg9[%swap3A_298, %swap3A_299] {strides = array<i32>} : memref<16x1024xf32, #tpu.memory_space<vmem>>, vector<1x16xf32>,
        %swap3A_301 = vector.shape_cast %swap3A_300 : vector<1x16xf32> to vector<16xf32>
        %swap3A_302 = vector.shape_cast %get3A_297 : vector<16xf32> to vector<1x16xf32>
        tpu.vector_store %arg9[%swap3A_298, %swap3A_299], %swap3A_302 {add = true, strides = array<i32>} : memref<16x1024xf32, #tpu.memory_space<vmem>>, vector<1x16xf32>,
        %get3A_303 = arith.index_cast %scan3A_213 : i32 to index
        %get3A_304 = arith.constant 160 : index
        %get3A_305 = tpu.vector_load %arg13[%get3A_303, %get3A_304] {strides = array<i32>} : memref<16x1024xf32, #tpu.memory_space<vmem>>, vector<1x16xf32>,
        %get3A_306 = vector.shape_cast %get3A_305 : vector<1x16xf32> to vector<16xf32>
        %swap3A_307 = arith.index_cast %scan3A_213 : i32 to index
        %swap3A_308 = arith.constant 160 : index
        %swap3A_309 = tpu.vector_load %arg9[%swap3A_307, %swap3A_308] {strides = array<i32>} : memref<16x1024xf32, #tpu.memory_space<vmem>>, vector<1x16xf32>,
        %swap3A_310 = vector.shape_cast %swap3A_309 : vector<1x16xf32> to vector<16xf32>
        %swap3A_311 = vector.shape_cast %get3A_306 : vector<16xf32> to vector<1x16xf32>
        tpu.vector_store %arg9[%swap3A_307, %swap3A_308], %swap3A_311 {add = true, strides = array<i32>} : memref<16x1024xf32, #tpu.memory_space<vmem>>, vector<1x16xf32>,
        %get3A_312 = arith.index_cast %scan3A_213 : i32 to index
        %get3A_313 = arith.constant 176 : index
        %get3A_314 = tpu.vector_load %arg13[%get3A_312, %get3A_313] {strides = array<i32>} : memref<16x1024xf32, #tpu.memory_space<vmem>>, vector<1x16xf32>,
        %get3A_315 = vector.shape_cast %get3A_314 : vector<1x16xf32> to vector<16xf32>
        %swap3A_316 = arith.index_cast %scan3A_213 : i32 to index
        %swap3A_317 = arith.constant 176 : index
        %swap3A_318 = tpu.vector_load %arg9[%swap3A_316, %swap3A_317] {strides = array<i32>} : memref<16x1024xf32, #tpu.memory_space<vmem>>, vector<1x16xf32>,
        %swap3A_319 = vector.shape_cast %swap3A_318 : vector<1x16xf32> to vector<16xf32>
        %swap3A_320 = vector.shape_cast %get3A_315 : vector<16xf32> to vector<1x16xf32>
        tpu.vector_store %arg9[%swap3A_316, %swap3A_317], %swap3A_320 {add = true, strides = array<i32>} : memref<16x1024xf32, #tpu.memory_space<vmem>>, vector<1x16xf32>,
        %get3A_321 = arith.index_cast %scan3A_213 : i32 to index
        %get3A_322 = arith.constant 192 : index
        %get3A_323 = tpu.vector_load %arg13[%get3A_321, %get3A_322] {strides = array<i32>} : memref<16x1024xf32, #tpu.memory_space<vmem>>, vector<1x16xf32>,
        %get3A_324 = vector.shape_cast %get3A_323 : vector<1x16xf32> to vector<16xf32>
        %swap3A_325 = arith.index_cast %scan3A_213 : i32 to index
        %swap3A_326 = arith.constant 192 : index
        %swap3A_327 = tpu.vector_load %arg9[%swap3A_325, %swap3A_326] {strides = array<i32>} : memref<16x1024xf32, #tpu.memory_space<vmem>>, vector<1x16xf32>,
        %swap3A_328 = vector.shape_cast %swap3A_327 : vector<1x16xf32> to vector<16xf32>
        %swap3A_329 = vector.shape_cast %get3A_324 : vector<16xf32> to vector<1x16xf32>
        tpu.vector_store %arg9[%swap3A_325, %swap3A_326], %swap3A_329 {add = true, strides = array<i32>} : memref<16x1024xf32, #tpu.memory_space<vmem>>, vector<1x16xf32>,
        %get3A_330 = arith.index_cast %scan3A_213 : i32 to index
        %get3A_331 = arith.constant 208 : index
        %get3A_332 = tpu.vector_load %arg13[%get3A_330, %get3A_331] {strides = array<i32>} : memref<16x1024xf32, #tpu.memory_space<vmem>>, vector<1x16xf32>,
        %get3A_333 = vector.shape_cast %get3A_332 : vector<1x16xf32> to vector<16xf32>
        %swap3A_334 = arith.index_cast %scan3A_213 : i32 to index
        %swap3A_335 = arith.constant 208 : index
        %swap3A_336 = tpu.vector_load %arg9[%swap3A_334, %swap3A_335] {strides = array<i32>} : memref<16x1024xf32, #tpu.memory_space<vmem>>, vector<1x16xf32>,
        %swap3A_337 = vector.shape_cast %swap3A_336 : vector<1x16xf32> to vector<16xf32>
        %swap3A_338 = vector.shape_cast %get3A_333 : vector<16xf32> to vector<1x16xf32>
        tpu.vector_store %arg9[%swap3A_334, %swap3A_335], %swap3A_338 {add = true, strides = array<i32>} : memref<16x1024xf32, #tpu.memory_space<vmem>>, vector<1x16xf32>,
        %get3A_339 = arith.index_cast %scan3A_213 : i32 to index
        %get3A_340 = arith.constant 224 : index
        %get3A_341 = tpu.vector_load %arg13[%get3A_339, %get3A_340] {strides = array<i32>} : memref<16x1024xf32, #tpu.memory_space<vmem>>, vector<1x16xf32>,
        %get3A_342 = vector.shape_cast %get3A_341 : vector<1x16xf32> to vector<16xf32>
        %swap3A_343 = arith.index_cast %scan3A_213 : i32 to index
        %swap3A_344 = arith.constant 224 : index
        %swap3A_345 = tpu.vector_load %arg9[%swap3A_343, %swap3A_344] {strides = array<i32>} : memref<16x1024xf32, #tpu.memory_space<vmem>>, vector<1x16xf32>,
        %swap3A_346 = vector.shape_cast %swap3A_345 : vector<1x16xf32> to vector<16xf32>
        %swap3A_347 = vector.shape_cast %get3A_342 : vector<16xf32> to vector<1x16xf32>
        tpu.vector_store %arg9[%swap3A_343, %swap3A_344], %swap3A_347 {add = true, strides = array<i32>} : memref<16x1024xf32, #tpu.memory_space<vmem>>, vector<1x16xf32>,
        %get3A_348 = arith.index_cast %scan3A_213 : i32 to index
        %get3A_349 = arith.constant 240 : index
        %get3A_350 = tpu.vector_load %arg13[%get3A_348, %get3A_349] {strides = array<i32>} : memref<16x1024xf32, #tpu.memory_space<vmem>>, vector<1x16xf32>,
        %get3A_351 = vector.shape_cast %get3A_350 : vector<1x16xf32> to vector<16xf32>
        %swap3A_352 = arith.index_cast %scan3A_213 : i32 to index
        %swap3A_353 = arith.constant 240 : index
        %swap3A_354 = tpu.vector_load %arg9[%swap3A_352, %swap3A_353] {strides = array<i32>} : memref<16x1024xf32, #tpu.memory_space<vmem>>, vector<1x16xf32>,
        %swap3A_355 = vector.shape_cast %swap3A_354 : vector<1x16xf32> to vector<16xf32>
        %swap3A_356 = vector.shape_cast %get3A_351 : vector<16xf32> to vector<1x16xf32>
        tpu.vector_store %arg9[%swap3A_352, %swap3A_353], %swap3A_356 {add = true, strides = array<i32>} : memref<16x1024xf32, #tpu.memory_space<vmem>>, vector<1x16xf32>,
        %get3A_357 = arith.index_cast %scan3A_213 : i32 to index
        %get3A_358 = arith.constant 256 : index
        %get3A_359 = tpu.vector_load %arg13[%get3A_357, %get3A_358] {strides = array<i32>} : memref<16x1024xf32, #tpu.memory_space<vmem>>, vector<1x16xf32>,
        %get3A_360 = vector.shape_cast %get3A_359 : vector<1x16xf32> to vector<16xf32>
        %swap3A_361 = arith.index_cast %scan3A_213 : i32 to index
        %swap3A_362 = arith.constant 256 : index
        %swap3A_363 = tpu.vector_load %arg9[%swap3A_361, %swap3A_362] {strides = array<i32>} : memref<16x1024xf32, #tpu.memory_space<vmem>>, vector<1x16xf32>,
        %swap3A_364 = vector.shape_cast %swap3A_363 : vector<1x16xf32> to vector<16xf32>
        %swap3A_365 = vector.shape_cast %get3A_360 : vector<16xf32> to vector<1x16xf32>
        tpu.vector_store %arg9[%swap3A_361, %swap3A_362], %swap3A_365 {add = true, strides = array<i32>} : memref<16x1024xf32, #tpu.memory_space<vmem>>, vector<1x16xf32>,
        %get3A_366 = arith.index_cast %scan3A_213 : i32 to index
        %get3A_367 = arith.constant 272 : index
        %get3A_368 = tpu.vector_load %arg13[%get3A_366, %get3A_367] {strides = array<i32>} : memref<16x1024xf32, #tpu.memory_space<vmem>>, vector<1x16xf32>,
        %get3A_369 = vector.shape_cast %get3A_368 : vector<1x16xf32> to vector<16xf32>
        %swap3A_370 = arith.index_cast %scan3A_213 : i32 to index
        %swap3A_371 = arith.constant 272 : index
        %swap3A_372 = tpu.vector_load %arg9[%swap3A_370, %swap3A_371] {strides = array<i32>} : memref<16x1024xf32, #tpu.memory_space<vmem>>, vector<1x16xf32>,
        %swap3A_373 = vector.shape_cast %swap3A_372 : vector<1x16xf32> to vector<16xf32>
        %swap3A_374 = vector.shape_cast %get3A_369 : vector<16xf32> to vector<1x16xf32>
        tpu.vector_store %arg9[%swap3A_370, %swap3A_371], %swap3A_374 {add = true, strides = array<i32>} : memref<16x1024xf32, #tpu.memory_space<vmem>>, vector<1x16xf32>,
        %get3A_375 = arith.index_cast %scan3A_213 : i32 to index
        %get3A_376 = arith.constant 288 : index
        %get3A_377 = tpu.vector_load %arg13[%get3A_375, %get3A_376] {strides = array<i32>} : memref<16x1024xf32, #tpu.memory_space<vmem>>, vector<1x16xf32>,
        %get3A_378 = vector.shape_cast %get3A_377 : vector<1x16xf32> to vector<16xf32>
        %swap3A_379 = arith.index_cast %scan3A_213 : i32 to index
        %swap3A_380 = arith.constant 288 : index
        %swap3A_381 = tpu.vector_load %arg9[%swap3A_379, %swap3A_380] {strides = array<i32>} : memref<16x1024xf32, #tpu.memory_space<vmem>>, vector<1x16xf32>,
        %swap3A_382 = vector.shape_cast %swap3A_381 : vector<1x16xf32> to vector<16xf32>
        %swap3A_383 = vector.shape_cast %get3A_378 : vector<16xf32> to vector<1x16xf32>
        tpu.vector_store %arg9[%swap3A_379, %swap3A_380], %swap3A_383 {add = true, strides = array<i32>} : memref<16x1024xf32, #tpu.memory_space<vmem>>, vector<1x16xf32>,
        %get3A_384 = arith.index_cast %scan3A_213 : i32 to index
        %get3A_385 = arith.constant 304 : index
        %get3A_386 = tpu.vector_load %arg13[%get3A_384, %get3A_385] {strides = array<i32>} : memref<16x1024xf32, #tpu.memory_space<vmem>>, vector<1x16xf32>,
        %get3A_387 = vector.shape_cast %get3A_386 : vector<1x16xf32> to vector<16xf32>
        %swap3A_388 = arith.index_cast %scan3A_213 : i32 to index
        %swap3A_389 = arith.constant 304 : index
        %swap3A_390 = tpu.vector_load %arg9[%swap3A_388, %swap3A_389] {strides = array<i32>} : memref<16x1024xf32, #tpu.memory_space<vmem>>, vector<1x16xf32>,
        %swap3A_391 = vector.shape_cast %swap3A_390 : vector<1x16xf32> to vector<16xf32>
        %swap3A_392 = vector.shape_cast %get3A_387 : vector<16xf32> to vector<1x16xf32>
        tpu.vector_store %arg9[%swap3A_388, %swap3A_389], %swap3A_392 {add = true, strides = array<i32>} : memref<16x1024xf32, #tpu.memory_space<vmem>>, vector<1x16xf32>,
        %get3A_393 = arith.index_cast %scan3A_213 : i32 to index
        %get3A_394 = arith.constant 320 : index
        %get3A_395 = tpu.vector_load %arg13[%get3A_393, %get3A_394] {strides = array<i32>} : memref<16x1024xf32, #tpu.memory_space<vmem>>, vector<1x16xf32>,
        %get3A_396 = vector.shape_cast %get3A_395 : vector<1x16xf32> to vector<16xf32>
        %swap3A_397 = arith.index_cast %scan3A_213 : i32 to index
        %swap3A_398 = arith.constant 320 : index
        %swap3A_399 = tpu.vector_load %arg9[%swap3A_397, %swap3A_398] {strides = array<i32>} : memref<16x1024xf32, #tpu.memory_space<vmem>>, vector<1x16xf32>,
        %swap3A_400 = vector.shape_cast %swap3A_399 : vector<1x16xf32> to vector<16xf32>
        %swap3A_401 = vector.shape_cast %get3A_396 : vector<16xf32> to vector<1x16xf32>
        tpu.vector_store %arg9[%swap3A_397, %swap3A_398], %swap3A_401 {add = true, strides = array<i32>} : memref<16x1024xf32, #tpu.memory_space<vmem>>, vector<1x16xf32>,
        %get3A_402 = arith.index_cast %scan3A_213 : i32 to index
        %get3A_403 = arith.constant 336 : index
        %get3A_404 = tpu.vector_load %arg13[%get3A_402, %get3A_403] {strides = array<i32>} : memref<16x1024xf32, #tpu.memory_space<vmem>>, vector<1x16xf32>,
        %get3A_405 = vector.shape_cast %get3A_404 : vector<1x16xf32> to vector<16xf32>
        %swap3A_406 = arith.index_cast %scan3A_213 : i32 to index
        %swap3A_407 = arith.constant 336 : index
        %swap3A_408 = tpu.vector_load %arg9[%swap3A_406, %swap3A_407] {strides = array<i32>} : memref<16x1024xf32, #tpu.memory_space<vmem>>, vector<1x16xf32>,
        %swap3A_409 = vector.shape_cast %swap3A_408 : vector<1x16xf32> to vector<16xf32>
        %swap3A_410 = vector.shape_cast %get3A_405 : vector<16xf32> to vector<1x16xf32>
        tpu.vector_store %arg9[%swap3A_406, %swap3A_407], %swap3A_410 {add = true, strides = array<i32>} : memref<16x1024xf32, #tpu.memory_space<vmem>>, vector<1x16xf32>,
        %get3A_411 = arith.index_cast %scan3A_213 : i32 to index
        %get3A_412 = arith.constant 352 : index
        %get3A_413 = tpu.vector_load %arg13[%get3A_411, %get3A_412] {strides = array<i32>} : memref<16x1024xf32, #tpu.memory_space<vmem>>, vector<1x16xf32>,
        %get3A_414 = vector.shape_cast %get3A_413 : vector<1x16xf32> to vector<16xf32>
        %swap3A_415 = arith.index_cast %scan3A_213 : i32 to index
        %swap3A_416 = arith.constant 352 : index
        %swap3A_417 = tpu.vector_load %arg9[%swap3A_415, %swap3A_416] {strides = array<i32>} : memref<16x1024xf32, #tpu.memory_space<vmem>>, vector<1x16xf32>,
        %swap3A_418 = vector.shape_cast %swap3A_417 : vector<1x16xf32> to vector<16xf32>
        %swap3A_419 = vector.shape_cast %get3A_414 : vector<16xf32> to vector<1x16xf32>
        tpu.vector_store %arg9[%swap3A_415, %swap3A_416], %swap3A_419 {add = true, strides = array<i32>} : memref<16x1024xf32, #tpu.memory_space<vmem>>, vector<1x16xf32>,
        %get3A_420 = arith.index_cast %scan3A_213 : i32 to index
        %get3A_421 = arith.constant 368 : index
        %get3A_422 = tpu.vector_load %arg13[%get3A_420, %get3A_421] {strides = array<i32>} : memref<16x1024xf32, #tpu.memory_space<vmem>>, vector<1x16xf32>,
        %get3A_423 = vector.shape_cast %get3A_422 : vector<1x16xf32> to vector<16xf32>
        %swap3A_424 = arith.index_cast %scan3A_213 : i32 to index
        %swap3A_425 = arith.constant 368 : index
        %swap3A_426 = tpu.vector_load %arg9[%swap3A_424, %swap3A_425] {strides = array<i32>} : memref<16x1024xf32, #tpu.memory_space<vmem>>, vector<1x16xf32>,
        %swap3A_427 = vector.shape_cast %swap3A_426 : vector<1x16xf32> to vector<16xf32>
        %swap3A_428 = vector.shape_cast %get3A_423 : vector<16xf32> to vector<1x16xf32>
        tpu.vector_store %arg9[%swap3A_424, %swap3A_425], %swap3A_428 {add = true, strides = array<i32>} : memref<16x1024xf32, #tpu.memory_space<vmem>>, vector<1x16xf32>,
        %get3A_429 = arith.index_cast %scan3A_213 : i32 to index
        %get3A_430 = arith.constant 384 : index
        %get3A_431 = tpu.vector_load %arg13[%get3A_429, %get3A_430] {strides = array<i32>} : memref<16x1024xf32, #tpu.memory_space<vmem>>, vector<1x16xf32>,
        %get3A_432 = vector.shape_cast %get3A_431 : vector<1x16xf32> to vector<16xf32>
        %swap3A_433 = arith.index_cast %scan3A_213 : i32 to index
        %swap3A_434 = arith.constant 384 : index
        %swap3A_435 = tpu.vector_load %arg9[%swap3A_433, %swap3A_434] {strides = array<i32>} : memref<16x1024xf32, #tpu.memory_space<vmem>>, vector<1x16xf32>,
        %swap3A_436 = vector.shape_cast %swap3A_435 : vector<1x16xf32> to vector<16xf32>
        %swap3A_437 = vector.shape_cast %get3A_432 : vector<16xf32> to vector<1x16xf32>
        tpu.vector_store %arg9[%swap3A_433, %swap3A_434], %swap3A_437 {add = true, strides = array<i32>} : memref<16x1024xf32, #tpu.memory_space<vmem>>, vector<1x16xf32>,
        %get3A_438 = arith.index_cast %scan3A_213 : i32 to index
        %get3A_439 = arith.constant 400 : index
        %get3A_440 = tpu.vector_load %arg13[%get3A_438, %get3A_439] {strides = array<i32>} : memref<16x1024xf32, #tpu.memory_space<vmem>>, vector<1x16xf32>,
        %get3A_441 = vector.shape_cast %get3A_440 : vector<1x16xf32> to vector<16xf32>
        %swap3A_442 = arith.index_cast %scan3A_213 : i32 to index
        %swap3A_443 = arith.constant 400 : index
        %swap3A_444 = tpu.vector_load %arg9[%swap3A_442, %swap3A_443] {strides = array<i32>} : memref<16x1024xf32, #tpu.memory_space<vmem>>, vector<1x16xf32>,
        %swap3A_445 = vector.shape_cast %swap3A_444 : vector<1x16xf32> to vector<16xf32>
        %swap3A_446 = vector.shape_cast %get3A_441 : vector<16xf32> to vector<1x16xf32>
        tpu.vector_store %arg9[%swap3A_442, %swap3A_443], %swap3A_446 {add = true, strides = array<i32>} : memref<16x1024xf32, #tpu.memory_space<vmem>>, vector<1x16xf32>,
        %get3A_447 = arith.index_cast %scan3A_213 : i32 to index
        %get3A_448 = arith.constant 416 : index
        %get3A_449 = tpu.vector_load %arg13[%get3A_447, %get3A_448] {strides = array<i32>} : memref<16x1024xf32, #tpu.memory_space<vmem>>, vector<1x16xf32>,
        %get3A_450 = vector.shape_cast %get3A_449 : vector<1x16xf32> to vector<16xf32>
        %swap3A_451 = arith.index_cast %scan3A_213 : i32 to index
        %swap3A_452 = arith.constant 416 : index
        %swap3A_453 = tpu.vector_load %arg9[%swap3A_451, %swap3A_452] {strides = array<i32>} : memref<16x1024xf32, #tpu.memory_space<vmem>>, vector<1x16xf32>,
        %swap3A_454 = vector.shape_cast %swap3A_453 : vector<1x16xf32> to vector<16xf32>
        %swap3A_455 = vector.shape_cast %get3A_450 : vector<16xf32> to vector<1x16xf32>
        tpu.vector_store %arg9[%swap3A_451, %swap3A_452], %swap3A_455 {add = true, strides = array<i32>} : memref<16x1024xf32, #tpu.memory_space<vmem>>, vector<1x16xf32>,
        %get3A_456 = arith.index_cast %scan3A_213 : i32 to index
        %get3A_457 = arith.constant 432 : index
        %get3A_458 = tpu.vector_load %arg13[%get3A_456, %get3A_457] {strides = array<i32>} : memref<16x1024xf32, #tpu.memory_space<vmem>>, vector<1x16xf32>,
        %get3A_459 = vector.shape_cast %get3A_458 : vector<1x16xf32> to vector<16xf32>
        %swap3A_460 = arith.index_cast %scan3A_213 : i32 to index
        %swap3A_461 = arith.constant 432 : index
        %swap3A_462 = tpu.vector_load %arg9[%swap3A_460, %swap3A_461] {strides = array<i32>} : memref<16x1024xf32, #tpu.memory_space<vmem>>, vector<1x16xf32>,
        %swap3A_463 = vector.shape_cast %swap3A_462 : vector<1x16xf32> to vector<16xf32>
        %swap3A_464 = vector.shape_cast %get3A_459 : vector<16xf32> to vector<1x16xf32>
        tpu.vector_store %arg9[%swap3A_460, %swap3A_461], %swap3A_464 {add = true, strides = array<i32>} : memref<16x1024xf32, #tpu.memory_space<vmem>>, vector<1x16xf32>,
        %get3A_465 = arith.index_cast %scan3A_213 : i32 to index
        %get3A_466 = arith.constant 448 : index
        %get3A_467 = tpu.vector_load %arg13[%get3A_465, %get3A_466] {strides = array<i32>} : memref<16x1024xf32, #tpu.memory_space<vmem>>, vector<1x16xf32>,
        %get3A_468 = vector.shape_cast %get3A_467 : vector<1x16xf32> to vector<16xf32>
        %swap3A_469 = arith.index_cast %scan3A_213 : i32 to index
        %swap3A_470 = arith.constant 448 : index
        %swap3A_471 = tpu.vector_load %arg9[%swap3A_469, %swap3A_470] {strides = array<i32>} : memref<16x1024xf32, #tpu.memory_space<vmem>>, vector<1x16xf32>,
        %swap3A_472 = vector.shape_cast %swap3A_471 : vector<1x16xf32> to vector<16xf32>
        %swap3A_473 = vector.shape_cast %get3A_468 : vector<16xf32> to vector<1x16xf32>
        tpu.vector_store %arg9[%swap3A_469, %swap3A_470], %swap3A_473 {add = true, strides = array<i32>} : memref<16x1024xf32, #tpu.memory_space<vmem>>, vector<1x16xf32>,
        %get3A_474 = arith.index_cast %scan3A_213 : i32 to index
        %get3A_475 = arith.constant 464 : index
        %get3A_476 = tpu.vector_load %arg13[%get3A_474, %get3A_475] {strides = array<i32>} : memref<16x1024xf32, #tpu.memory_space<vmem>>, vector<1x16xf32>,
        %get3A_477 = vector.shape_cast %get3A_476 : vector<1x16xf32> to vector<16xf32>
        %swap3A_478 = arith.index_cast %scan3A_213 : i32 to index
        %swap3A_479 = arith.constant 464 : index
        %swap3A_480 = tpu.vector_load %arg9[%swap3A_478, %swap3A_479] {strides = array<i32>} : memref<16x1024xf32, #tpu.memory_space<vmem>>, vector<1x16xf32>,
        %swap3A_481 = vector.shape_cast %swap3A_480 : vector<1x16xf32> to vector<16xf32>
        %swap3A_482 = vector.shape_cast %get3A_477 : vector<16xf32> to vector<1x16xf32>
        tpu.vector_store %arg9[%swap3A_478, %swap3A_479], %swap3A_482 {add = true, strides = array<i32>} : memref<16x1024xf32, #tpu.memory_space<vmem>>, vector<1x16xf32>,
        %get3A_483 = arith.index_cast %scan3A_213 : i32 to index
        %get3A_484 = arith.constant 480 : index
        %get3A_485 = tpu.vector_load %arg13[%get3A_483, %get3A_484] {strides = array<i32>} : memref<16x1024xf32, #tpu.memory_space<vmem>>, vector<1x16xf32>,
        %get3A_486 = vector.shape_cast %get3A_485 : vector<1x16xf32> to vector<16xf32>
        %swap3A_487 = arith.index_cast %scan3A_213 : i32 to index
        %swap3A_488 = arith.constant 480 : index
        %swap3A_489 = tpu.vector_load %arg9[%swap3A_487, %swap3A_488] {strides = array<i32>} : memref<16x1024xf32, #tpu.memory_space<vmem>>, vector<1x16xf32>,
        %swap3A_490 = vector.shape_cast %swap3A_489 : vector<1x16xf32> to vector<16xf32>
        %swap3A_491 = vector.shape_cast %get3A_486 : vector<16xf32> to vector<1x16xf32>
        tpu.vector_store %arg9[%swap3A_487, %swap3A_488], %swap3A_491 {add = true, strides = array<i32>} : memref<16x1024xf32, #tpu.memory_space<vmem>>, vector<1x16xf32>,
        %get3A_492 = arith.index_cast %scan3A_213 : i32 to index
        %get3A_493 = arith.constant 496 : index
        %get3A_494 = tpu.vector_load %arg13[%get3A_492, %get3A_493] {strides = array<i32>} : memref<16x1024xf32, #tpu.memory_space<vmem>>, vector<1x16xf32>,
        %get3A_495 = vector.shape_cast %get3A_494 : vector<1x16xf32> to vector<16xf32>
        %swap3A_496 = arith.index_cast %scan3A_213 : i32 to index
        %swap3A_497 = arith.constant 496 : index
        %swap3A_498 = tpu.vector_load %arg9[%swap3A_496, %swap3A_497] {strides = array<i32>} : memref<16x1024xf32, #tpu.memory_space<vmem>>, vector<1x16xf32>,
        %swap3A_499 = vector.shape_cast %swap3A_498 : vector<1x16xf32> to vector<16xf32>
        %swap3A_500 = vector.shape_cast %get3A_495 : vector<16xf32> to vector<1x16xf32>
        tpu.vector_store %arg9[%swap3A_496, %swap3A_497], %swap3A_500 {add = true, strides = array<i32>} : memref<16x1024xf32, #tpu.memory_space<vmem>>, vector<1x16xf32>,
        %get3A_501 = arith.index_cast %scan3A_213 : i32 to index
        %get3A_502 = arith.constant 512 : index
        %get3A_503 = tpu.vector_load %arg13[%get3A_501, %get3A_502] {strides = array<i32>} : memref<16x1024xf32, #tpu.memory_space<vmem>>, vector<1x16xf32>,
        %get3A_504 = vector.shape_cast %get3A_503 : vector<1x16xf32> to vector<16xf32>
        %swap3A_505 = arith.index_cast %scan3A_213 : i32 to index
        %swap3A_506 = arith.constant 512 : index
        %swap3A_507 = tpu.vector_load %arg9[%swap3A_505, %swap3A_506] {strides = array<i32>} : memref<16x1024xf32, #tpu.memory_space<vmem>>, vector<1x16xf32>,
        %swap3A_508 = vector.shape_cast %swap3A_507 : vector<1x16xf32> to vector<16xf32>
        %swap3A_509 = vector.shape_cast %get3A_504 : vector<16xf32> to vector<1x16xf32>
        tpu.vector_store %arg9[%swap3A_505, %swap3A_506], %swap3A_509 {add = true, strides = array<i32>} : memref<16x1024xf32, #tpu.memory_space<vmem>>, vector<1x16xf32>,
        %get3A_510 = arith.index_cast %scan3A_213 : i32 to index
        %get3A_511 = arith.constant 528 : index
        %get3A_512 = tpu.vector_load %arg13[%get3A_510, %get3A_511] {strides = array<i32>} : memref<16x1024xf32, #tpu.memory_space<vmem>>, vector<1x16xf32>,
        %get3A_513 = vector.shape_cast %get3A_512 : vector<1x16xf32> to vector<16xf32>
        %swap3A_514 = arith.index_cast %scan3A_213 : i32 to index
        %swap3A_515 = arith.constant 528 : index
        %swap3A_516 = tpu.vector_load %arg9[%swap3A_514, %swap3A_515] {strides = array<i32>} : memref<16x1024xf32, #tpu.memory_space<vmem>>, vector<1x16xf32>,
        %swap3A_517 = vector.shape_cast %swap3A_516 : vector<1x16xf32> to vector<16xf32>
        %swap3A_518 = vector.shape_cast %get3A_513 : vector<16xf32> to vector<1x16xf32>
        tpu.vector_store %arg9[%swap3A_514, %swap3A_515], %swap3A_518 {add = true, strides = array<i32>} : memref<16x1024xf32, #tpu.memory_space<vmem>>, vector<1x16xf32>,
        %get3A_519 = arith.index_cast %scan3A_213 : i32 to index
        %get3A_520 = arith.constant 544 : index
        %get3A_521 = tpu.vector_load %arg13[%get3A_519, %get3A_520] {strides = array<i32>} : memref<16x1024xf32, #tpu.memory_space<vmem>>, vector<1x16xf32>,
        %get3A_522 = vector.shape_cast %get3A_521 : vector<1x16xf32> to vector<16xf32>
        %swap3A_523 = arith.index_cast %scan3A_213 : i32 to index
        %swap3A_524 = arith.constant 544 : index
        %swap3A_525 = tpu.vector_load %arg9[%swap3A_523, %swap3A_524] {strides = array<i32>} : memref<16x1024xf32, #tpu.memory_space<vmem>>, vector<1x16xf32>,
        %swap3A_526 = vector.shape_cast %swap3A_525 : vector<1x16xf32> to vector<16xf32>
        %swap3A_527 = vector.shape_cast %get3A_522 : vector<16xf32> to vector<1x16xf32>
        tpu.vector_store %arg9[%swap3A_523, %swap3A_524], %swap3A_527 {add = true, strides = array<i32>} : memref<16x1024xf32, #tpu.memory_space<vmem>>, vector<1x16xf32>,
        %get3A_528 = arith.index_cast %scan3A_213 : i32 to index
        %get3A_529 = arith.constant 560 : index
        %get3A_530 = tpu.vector_load %arg13[%get3A_528, %get3A_529] {strides = array<i32>} : memref<16x1024xf32, #tpu.memory_space<vmem>>, vector<1x16xf32>,
        %get3A_531 = vector.shape_cast %get3A_530 : vector<1x16xf32> to vector<16xf32>
        %swap3A_532 = arith.index_cast %scan3A_213 : i32 to index
        %swap3A_533 = arith.constant 560 : index
        %swap3A_534 = tpu.vector_load %arg9[%swap3A_532, %swap3A_533] {strides = array<i32>} : memref<16x1024xf32, #tpu.memory_space<vmem>>, vector<1x16xf32>,
        %swap3A_535 = vector.shape_cast %swap3A_534 : vector<1x16xf32> to vector<16xf32>
        %swap3A_536 = vector.shape_cast %get3A_531 : vector<16xf32> to vector<1x16xf32>
        tpu.vector_store %arg9[%swap3A_532, %swap3A_533], %swap3A_536 {add = true, strides = array<i32>} : memref<16x1024xf32, #tpu.memory_space<vmem>>, vector<1x16xf32>,
        %get3A_537 = arith.index_cast %scan3A_213 : i32 to index
        %get3A_538 = arith.constant 576 : index
        %get3A_539 = tpu.vector_load %arg13[%get3A_537, %get3A_538] {strides = array<i32>} : memref<16x1024xf32, #tpu.memory_space<vmem>>, vector<1x16xf32>,
        %get3A_540 = vector.shape_cast %get3A_539 : vector<1x16xf32> to vector<16xf32>
        %swap3A_541 = arith.index_cast %scan3A_213 : i32 to index
        %swap3A_542 = arith.constant 576 : index
        %swap3A_543 = tpu.vector_load %arg9[%swap3A_541, %swap3A_542] {strides = array<i32>} : memref<16x1024xf32, #tpu.memory_space<vmem>>, vector<1x16xf32>,
        %swap3A_544 = vector.shape_cast %swap3A_543 : vector<1x16xf32> to vector<16xf32>
        %swap3A_545 = vector.shape_cast %get3A_540 : vector<16xf32> to vector<1x16xf32>
        tpu.vector_store %arg9[%swap3A_541, %swap3A_542], %swap3A_545 {add = true, strides = array<i32>} : memref<16x1024xf32, #tpu.memory_space<vmem>>, vector<1x16xf32>,
        %get3A_546 = arith.index_cast %scan3A_213 : i32 to index
        %get3A_547 = arith.constant 592 : index
        %get3A_548 = tpu.vector_load %arg13[%get3A_546, %get3A_547] {strides = array<i32>} : memref<16x1024xf32, #tpu.memory_space<vmem>>, vector<1x16xf32>,
        %get3A_549 = vector.shape_cast %get3A_548 : vector<1x16xf32> to vector<16xf32>
        %swap3A_550 = arith.index_cast %scan3A_213 : i32 to index
        %swap3A_551 = arith.constant 592 : index
        %swap3A_552 = tpu.vector_load %arg9[%swap3A_550, %swap3A_551] {strides = array<i32>} : memref<16x1024xf32, #tpu.memory_space<vmem>>, vector<1x16xf32>,
        %swap3A_553 = vector.shape_cast %swap3A_552 : vector<1x16xf32> to vector<16xf32>
        %swap3A_554 = vector.shape_cast %get3A_549 : vector<16xf32> to vector<1x16xf32>
        tpu.vector_store %arg9[%swap3A_550, %swap3A_551], %swap3A_554 {add = true, strides = array<i32>} : memref<16x1024xf32, #tpu.memory_space<vmem>>, vector<1x16xf32>,
        %get3A_555 = arith.index_cast %scan3A_213 : i32 to index
        %get3A_556 = arith.constant 608 : index
        %get3A_557 = tpu.vector_load %arg13[%get3A_555, %get3A_556] {strides = array<i32>} : memref<16x1024xf32, #tpu.memory_space<vmem>>, vector<1x16xf32>,
        %get3A_558 = vector.shape_cast %get3A_557 : vector<1x16xf32> to vector<16xf32>
        %swap3A_559 = arith.index_cast %scan3A_213 : i32 to index
        %swap3A_560 = arith.constant 608 : index
        %swap3A_561 = tpu.vector_load %arg9[%swap3A_559, %swap3A_560] {strides = array<i32>} : memref<16x1024xf32, #tpu.memory_space<vmem>>, vector<1x16xf32>,
        %swap3A_562 = vector.shape_cast %swap3A_561 : vector<1x16xf32> to vector<16xf32>
        %swap3A_563 = vector.shape_cast %get3A_558 : vector<16xf32> to vector<1x16xf32>
        tpu.vector_store %arg9[%swap3A_559, %swap3A_560], %swap3A_563 {add = true, strides = array<i32>} : memref<16x1024xf32, #tpu.memory_space<vmem>>, vector<1x16xf32>,
        %get3A_564 = arith.index_cast %scan3A_213 : i32 to index
        %get3A_565 = arith.constant 624 : index
        %get3A_566 = tpu.vector_load %arg13[%get3A_564, %get3A_565] {strides = array<i32>} : memref<16x1024xf32, #tpu.memory_space<vmem>>, vector<1x16xf32>,
        %get3A_567 = vector.shape_cast %get3A_566 : vector<1x16xf32> to vector<16xf32>
        %swap3A_568 = arith.index_cast %scan3A_213 : i32 to index
        %swap3A_569 = arith.constant 624 : index
        %swap3A_570 = tpu.vector_load %arg9[%swap3A_568, %swap3A_569] {strides = array<i32>} : memref<16x1024xf32, #tpu.memory_space<vmem>>, vector<1x16xf32>,
        %swap3A_571 = vector.shape_cast %swap3A_570 : vector<1x16xf32> to vector<16xf32>
        %swap3A_572 = vector.shape_cast %get3A_567 : vector<16xf32> to vector<1x16xf32>
        tpu.vector_store %arg9[%swap3A_568, %swap3A_569], %swap3A_572 {add = true, strides = array<i32>} : memref<16x1024xf32, #tpu.memory_space<vmem>>, vector<1x16xf32>,
        %get3A_573 = arith.index_cast %scan3A_213 : i32 to index
        %get3A_574 = arith.constant 640 : index
        %get3A_575 = tpu.vector_load %arg13[%get3A_573, %get3A_574] {strides = array<i32>} : memref<16x1024xf32, #tpu.memory_space<vmem>>, vector<1x16xf32>,
        %get3A_576 = vector.shape_cast %get3A_575 : vector<1x16xf32> to vector<16xf32>
        %swap3A_577 = arith.index_cast %scan3A_213 : i32 to index
        %swap3A_578 = arith.constant 640 : index
        %swap3A_579 = tpu.vector_load %arg9[%swap3A_577, %swap3A_578] {strides = array<i32>} : memref<16x1024xf32, #tpu.memory_space<vmem>>, vector<1x16xf32>,
        %swap3A_580 = vector.shape_cast %swap3A_579 : vector<1x16xf32> to vector<16xf32>
        %swap3A_581 = vector.shape_cast %get3A_576 : vector<16xf32> to vector<1x16xf32>
        tpu.vector_store %arg9[%swap3A_577, %swap3A_578], %swap3A_581 {add = true, strides = array<i32>} : memref<16x1024xf32, #tpu.memory_space<vmem>>, vector<1x16xf32>,
        %get3A_582 = arith.index_cast %scan3A_213 : i32 to index
        %get3A_583 = arith.constant 656 : index
        %get3A_584 = tpu.vector_load %arg13[%get3A_582, %get3A_583] {strides = array<i32>} : memref<16x1024xf32, #tpu.memory_space<vmem>>, vector<1x16xf32>,
        %get3A_585 = vector.shape_cast %get3A_584 : vector<1x16xf32> to vector<16xf32>
        %swap3A_586 = arith.index_cast %scan3A_213 : i32 to index
        %swap3A_587 = arith.constant 656 : index
        %swap3A_588 = tpu.vector_load %arg9[%swap3A_586, %swap3A_587] {strides = array<i32>} : memref<16x1024xf32, #tpu.memory_space<vmem>>, vector<1x16xf32>,
        %swap3A_589 = vector.shape_cast %swap3A_588 : vector<1x16xf32> to vector<16xf32>
        %swap3A_590 = vector.shape_cast %get3A_585 : vector<16xf32> to vector<1x16xf32>
        tpu.vector_store %arg9[%swap3A_586, %swap3A_587], %swap3A_590 {add = true, strides = array<i32>} : memref<16x1024xf32, #tpu.memory_space<vmem>>, vector<1x16xf32>,
        %get3A_591 = arith.index_cast %scan3A_213 : i32 to index
        %get3A_592 = arith.constant 672 : index
        %get3A_593 = tpu.vector_load %arg13[%get3A_591, %get3A_592] {strides = array<i32>} : memref<16x1024xf32, #tpu.memory_space<vmem>>, vector<1x16xf32>,
        %get3A_594 = vector.shape_cast %get3A_593 : vector<1x16xf32> to vector<16xf32>
        %swap3A_595 = arith.index_cast %scan3A_213 : i32 to index
        %swap3A_596 = arith.constant 672 : index
        %swap3A_597 = tpu.vector_load %arg9[%swap3A_595, %swap3A_596] {strides = array<i32>} : memref<16x1024xf32, #tpu.memory_space<vmem>>, vector<1x16xf32>,
        %swap3A_598 = vector.shape_cast %swap3A_597 : vector<1x16xf32> to vector<16xf32>
        %swap3A_599 = vector.shape_cast %get3A_594 : vector<16xf32> to vector<1x16xf32>
        tpu.vector_store %arg9[%swap3A_595, %swap3A_596], %swap3A_599 {add = true, strides = array<i32>} : memref<16x1024xf32, #tpu.memory_space<vmem>>, vector<1x16xf32>,
        %get3A_600 = arith.index_cast %scan3A_213 : i32 to index
        %get3A_601 = arith.constant 688 : index
        %get3A_602 = tpu.vector_load %arg13[%get3A_600, %get3A_601] {strides = array<i32>} : memref<16x1024xf32, #tpu.memory_space<vmem>>, vector<1x16xf32>,
        %get3A_603 = vector.shape_cast %get3A_602 : vector<1x16xf32> to vector<16xf32>
        %swap3A_604 = arith.index_cast %scan3A_213 : i32 to index
        %swap3A_605 = arith.constant 688 : index
        %swap3A_606 = tpu.vector_load %arg9[%swap3A_604, %swap3A_605] {strides = array<i32>} : memref<16x1024xf32, #tpu.memory_space<vmem>>, vector<1x16xf32>,
        %swap3A_607 = vector.shape_cast %swap3A_606 : vector<1x16xf32> to vector<16xf32>
        %swap3A_608 = vector.shape_cast %get3A_603 : vector<16xf32> to vector<1x16xf32>
        tpu.vector_store %arg9[%swap3A_604, %swap3A_605], %swap3A_608 {add = true, strides = array<i32>} : memref<16x1024xf32, #tpu.memory_space<vmem>>, vector<1x16xf32>,
        %get3A_609 = arith.index_cast %scan3A_213 : i32 to index
        %get3A_610 = arith.constant 704 : index
        %get3A_611 = tpu.vector_load %arg13[%get3A_609, %get3A_610] {strides = array<i32>} : memref<16x1024xf32, #tpu.memory_space<vmem>>, vector<1x16xf32>,
        %get3A_612 = vector.shape_cast %get3A_611 : vector<1x16xf32> to vector<16xf32>
        %swap3A_613 = arith.index_cast %scan3A_213 : i32 to index
        %swap3A_614 = arith.constant 704 : index
        %swap3A_615 = tpu.vector_load %arg9[%swap3A_613, %swap3A_614] {strides = array<i32>} : memref<16x1024xf32, #tpu.memory_space<vmem>>, vector<1x16xf32>,
        %swap3A_616 = vector.shape_cast %swap3A_615 : vector<1x16xf32> to vector<16xf32>
        %swap3A_617 = vector.shape_cast %get3A_612 : vector<16xf32> to vector<1x16xf32>
        tpu.vector_store %arg9[%swap3A_613, %swap3A_614], %swap3A_617 {add = true, strides = array<i32>} : memref<16x1024xf32, #tpu.memory_space<vmem>>, vector<1x16xf32>,
        %get3A_618 = arith.index_cast %scan3A_213 : i32 to index
        %get3A_619 = arith.constant 720 : index
        %get3A_620 = tpu.vector_load %arg13[%get3A_618, %get3A_619] {strides = array<i32>} : memref<16x1024xf32, #tpu.memory_space<vmem>>, vector<1x16xf32>,
        %get3A_621 = vector.shape_cast %get3A_620 : vector<1x16xf32> to vector<16xf32>
        %swap3A_622 = arith.index_cast %scan3A_213 : i32 to index
        %swap3A_623 = arith.constant 720 : index
        %swap3A_624 = tpu.vector_load %arg9[%swap3A_622, %swap3A_623] {strides = array<i32>} : memref<16x1024xf32, #tpu.memory_space<vmem>>, vector<1x16xf32>,
        %swap3A_625 = vector.shape_cast %swap3A_624 : vector<1x16xf32> to vector<16xf32>
        %swap3A_626 = vector.shape_cast %get3A_621 : vector<16xf32> to vector<1x16xf32>
        tpu.vector_store %arg9[%swap3A_622, %swap3A_623], %swap3A_626 {add = true, strides = array<i32>} : memref<16x1024xf32, #tpu.memory_space<vmem>>, vector<1x16xf32>,
        %get3A_627 = arith.index_cast %scan3A_213 : i32 to index
        %get3A_628 = arith.constant 736 : index
        %get3A_629 = tpu.vector_load %arg13[%get3A_627, %get3A_628] {strides = array<i32>} : memref<16x1024xf32, #tpu.memory_space<vmem>>, vector<1x16xf32>,
        %get3A_630 = vector.shape_cast %get3A_629 : vector<1x16xf32> to vector<16xf32>
        %swap3A_631 = arith.index_cast %scan3A_213 : i32 to index
        %swap3A_632 = arith.constant 736 : index
        %swap3A_633 = tpu.vector_load %arg9[%swap3A_631, %swap3A_632] {strides = array<i32>} : memref<16x1024xf32, #tpu.memory_space<vmem>>, vector<1x16xf32>,
        %swap3A_634 = vector.shape_cast %swap3A_633 : vector<1x16xf32> to vector<16xf32>
        %swap3A_635 = vector.shape_cast %get3A_630 : vector<16xf32> to vector<1x16xf32>
        tpu.vector_store %arg9[%swap3A_631, %swap3A_632], %swap3A_635 {add = true, strides = array<i32>} : memref<16x1024xf32, #tpu.memory_space<vmem>>, vector<1x16xf32>,
        %get3A_636 = arith.index_cast %scan3A_213 : i32 to index
        %get3A_637 = arith.constant 752 : index
        %get3A_638 = tpu.vector_load %arg13[%get3A_636, %get3A_637] {strides = array<i32>} : memref<16x1024xf32, #tpu.memory_space<vmem>>, vector<1x16xf32>,
        %get3A_639 = vector.shape_cast %get3A_638 : vector<1x16xf32> to vector<16xf32>
        %swap3A_640 = arith.index_cast %scan3A_213 : i32 to index
        %swap3A_641 = arith.constant 752 : index
        %swap3A_642 = tpu.vector_load %arg9[%swap3A_640, %swap3A_641] {strides = array<i32>} : memref<16x1024xf32, #tpu.memory_space<vmem>>, vector<1x16xf32>,
        %swap3A_643 = vector.shape_cast %swap3A_642 : vector<1x16xf32> to vector<16xf32>
        %swap3A_644 = vector.shape_cast %get3A_639 : vector<16xf32> to vector<1x16xf32>
        tpu.vector_store %arg9[%swap3A_640, %swap3A_641], %swap3A_644 {add = true, strides = array<i32>} : memref<16x1024xf32, #tpu.memory_space<vmem>>, vector<1x16xf32>,
        %get3A_645 = arith.index_cast %scan3A_213 : i32 to index
        %get3A_646 = arith.constant 768 : index
        %get3A_647 = tpu.vector_load %arg13[%get3A_645, %get3A_646] {strides = array<i32>} : memref<16x1024xf32, #tpu.memory_space<vmem>>, vector<1x16xf32>,
        %get3A_648 = vector.shape_cast %get3A_647 : vector<1x16xf32> to vector<16xf32>
        %swap3A_649 = arith.index_cast %scan3A_213 : i32 to index
        %swap3A_650 = arith.constant 768 : index
        %swap3A_651 = tpu.vector_load %arg9[%swap3A_649, %swap3A_650] {strides = array<i32>} : memref<16x1024xf32, #tpu.memory_space<vmem>>, vector<1x16xf32>,
        %swap3A_652 = vector.shape_cast %swap3A_651 : vector<1x16xf32> to vector<16xf32>
        %swap3A_653 = vector.shape_cast %get3A_648 : vector<16xf32> to vector<1x16xf32>
        tpu.vector_store %arg9[%swap3A_649, %swap3A_650], %swap3A_653 {add = true, strides = array<i32>} : memref<16x1024xf32, #tpu.memory_space<vmem>>, vector<1x16xf32>,
        %get3A_654 = arith.index_cast %scan3A_213 : i32 to index
        %get3A_655 = arith.constant 784 : index
        %get3A_656 = tpu.vector_load %arg13[%get3A_654, %get3A_655] {strides = array<i32>} : memref<16x1024xf32, #tpu.memory_space<vmem>>, vector<1x16xf32>,
        %get3A_657 = vector.shape_cast %get3A_656 : vector<1x16xf32> to vector<16xf32>
        %swap3A_658 = arith.index_cast %scan3A_213 : i32 to index
        %swap3A_659 = arith.constant 784 : index
        %swap3A_660 = tpu.vector_load %arg9[%swap3A_658, %swap3A_659] {strides = array<i32>} : memref<16x1024xf32, #tpu.memory_space<vmem>>, vector<1x16xf32>,
        %swap3A_661 = vector.shape_cast %swap3A_660 : vector<1x16xf32> to vector<16xf32>
        %swap3A_662 = vector.shape_cast %get3A_657 : vector<16xf32> to vector<1x16xf32>
        tpu.vector_store %arg9[%swap3A_658, %swap3A_659], %swap3A_662 {add = true, strides = array<i32>} : memref<16x1024xf32, #tpu.memory_space<vmem>>, vector<1x16xf32>,
        %get3A_663 = arith.index_cast %scan3A_213 : i32 to index
        %get3A_664 = arith.constant 800 : index
        %get3A_665 = tpu.vector_load %arg13[%get3A_663, %get3A_664] {strides = array<i32>} : memref<16x1024xf32, #tpu.memory_space<vmem>>, vector<1x16xf32>,
        %get3A_666 = vector.shape_cast %get3A_665 : vector<1x16xf32> to vector<16xf32>
        %swap3A_667 = arith.index_cast %scan3A_213 : i32 to index
        %swap3A_668 = arith.constant 800 : index
        %swap3A_669 = tpu.vector_load %arg9[%swap3A_667, %swap3A_668] {strides = array<i32>} : memref<16x1024xf32, #tpu.memory_space<vmem>>, vector<1x16xf32>,
        %swap3A_670 = vector.shape_cast %swap3A_669 : vector<1x16xf32> to vector<16xf32>
        %swap3A_671 = vector.shape_cast %get3A_666 : vector<16xf32> to vector<1x16xf32>
        tpu.vector_store %arg9[%swap3A_667, %swap3A_668], %swap3A_671 {add = true, strides = array<i32>} : memref<16x1024xf32, #tpu.memory_space<vmem>>, vector<1x16xf32>,
        %get3A_672 = arith.index_cast %scan3A_213 : i32 to index
        %get3A_673 = arith.constant 816 : index
        %get3A_674 = tpu.vector_load %arg13[%get3A_672, %get3A_673] {strides = array<i32>} : memref<16x1024xf32, #tpu.memory_space<vmem>>, vector<1x16xf32>,
        %get3A_675 = vector.shape_cast %get3A_674 : vector<1x16xf32> to vector<16xf32>
        %swap3A_676 = arith.index_cast %scan3A_213 : i32 to index
        %swap3A_677 = arith.constant 816 : index
        %swap3A_678 = tpu.vector_load %arg9[%swap3A_676, %swap3A_677] {strides = array<i32>} : memref<16x1024xf32, #tpu.memory_space<vmem>>, vector<1x16xf32>,
        %swap3A_679 = vector.shape_cast %swap3A_678 : vector<1x16xf32> to vector<16xf32>
        %swap3A_680 = vector.shape_cast %get3A_675 : vector<16xf32> to vector<1x16xf32>
        tpu.vector_store %arg9[%swap3A_676, %swap3A_677], %swap3A_680 {add = true, strides = array<i32>} : memref<16x1024xf32, #tpu.memory_space<vmem>>, vector<1x16xf32>,
        %get3A_681 = arith.index_cast %scan3A_213 : i32 to index
        %get3A_682 = arith.constant 832 : index
        %get3A_683 = tpu.vector_load %arg13[%get3A_681, %get3A_682] {strides = array<i32>} : memref<16x1024xf32, #tpu.memory_space<vmem>>, vector<1x16xf32>,
        %get3A_684 = vector.shape_cast %get3A_683 : vector<1x16xf32> to vector<16xf32>
        %swap3A_685 = arith.index_cast %scan3A_213 : i32 to index
        %swap3A_686 = arith.constant 832 : index
        %swap3A_687 = tpu.vector_load %arg9[%swap3A_685, %swap3A_686] {strides = array<i32>} : memref<16x1024xf32, #tpu.memory_space<vmem>>, vector<1x16xf32>,
        %swap3A_688 = vector.shape_cast %swap3A_687 : vector<1x16xf32> to vector<16xf32>
        %swap3A_689 = vector.shape_cast %get3A_684 : vector<16xf32> to vector<1x16xf32>
        tpu.vector_store %arg9[%swap3A_685, %swap3A_686], %swap3A_689 {add = true, strides = array<i32>} : memref<16x1024xf32, #tpu.memory_space<vmem>>, vector<1x16xf32>,
        %get3A_690 = arith.index_cast %scan3A_213 : i32 to index
        %get3A_691 = arith.constant 848 : index
        %get3A_692 = tpu.vector_load %arg13[%get3A_690, %get3A_691] {strides = array<i32>} : memref<16x1024xf32, #tpu.memory_space<vmem>>, vector<1x16xf32>,
        %get3A_693 = vector.shape_cast %get3A_692 : vector<1x16xf32> to vector<16xf32>
        %swap3A_694 = arith.index_cast %scan3A_213 : i32 to index
        %swap3A_695 = arith.constant 848 : index
        %swap3A_696 = tpu.vector_load %arg9[%swap3A_694, %swap3A_695] {strides = array<i32>} : memref<16x1024xf32, #tpu.memory_space<vmem>>, vector<1x16xf32>,
        %swap3A_697 = vector.shape_cast %swap3A_696 : vector<1x16xf32> to vector<16xf32>
        %swap3A_698 = vector.shape_cast %get3A_693 : vector<16xf32> to vector<1x16xf32>
        tpu.vector_store %arg9[%swap3A_694, %swap3A_695], %swap3A_698 {add = true, strides = array<i32>} : memref<16x1024xf32, #tpu.memory_space<vmem>>, vector<1x16xf32>,
        %get3A_699 = arith.index_cast %scan3A_213 : i32 to index
        %get3A_700 = arith.constant 864 : index
        %get3A_701 = tpu.vector_load %arg13[%get3A_699, %get3A_700] {strides = array<i32>} : memref<16x1024xf32, #tpu.memory_space<vmem>>, vector<1x16xf32>,
        %get3A_702 = vector.shape_cast %get3A_701 : vector<1x16xf32> to vector<16xf32>
        %swap3A_703 = arith.index_cast %scan3A_213 : i32 to index
        %swap3A_704 = arith.constant 864 : index
        %swap3A_705 = tpu.vector_load %arg9[%swap3A_703, %swap3A_704] {strides = array<i32>} : memref<16x1024xf32, #tpu.memory_space<vmem>>, vector<1x16xf32>,
        %swap3A_706 = vector.shape_cast %swap3A_705 : vector<1x16xf32> to vector<16xf32>
        %swap3A_707 = vector.shape_cast %get3A_702 : vector<16xf32> to vector<1x16xf32>
        tpu.vector_store %arg9[%swap3A_703, %swap3A_704], %swap3A_707 {add = true, strides = array<i32>} : memref<16x1024xf32, #tpu.memory_space<vmem>>, vector<1x16xf32>,
        %get3A_708 = arith.index_cast %scan3A_213 : i32 to index
        %get3A_709 = arith.constant 880 : index
        %get3A_710 = tpu.vector_load %arg13[%get3A_708, %get3A_709] {strides = array<i32>} : memref<16x1024xf32, #tpu.memory_space<vmem>>, vector<1x16xf32>,
        %get3A_711 = vector.shape_cast %get3A_710 : vector<1x16xf32> to vector<16xf32>
        %swap3A_712 = arith.index_cast %scan3A_213 : i32 to index
        %swap3A_713 = arith.constant 880 : index
        %swap3A_714 = tpu.vector_load %arg9[%swap3A_712, %swap3A_713] {strides = array<i32>} : memref<16x1024xf32, #tpu.memory_space<vmem>>, vector<1x16xf32>,
        %swap3A_715 = vector.shape_cast %swap3A_714 : vector<1x16xf32> to vector<16xf32>
        %swap3A_716 = vector.shape_cast %get3A_711 : vector<16xf32> to vector<1x16xf32>
        tpu.vector_store %arg9[%swap3A_712, %swap3A_713], %swap3A_716 {add = true, strides = array<i32>} : memref<16x1024xf32, #tpu.memory_space<vmem>>, vector<1x16xf32>,
        %get3A_717 = arith.index_cast %scan3A_213 : i32 to index
        %get3A_718 = arith.constant 896 : index
        %get3A_719 = tpu.vector_load %arg13[%get3A_717, %get3A_718] {strides = array<i32>} : memref<16x1024xf32, #tpu.memory_space<vmem>>, vector<1x16xf32>,
        %get3A_720 = vector.shape_cast %get3A_719 : vector<1x16xf32> to vector<16xf32>
        %swap3A_721 = arith.index_cast %scan3A_213 : i32 to index
        %swap3A_722 = arith.constant 896 : index
        %swap3A_723 = tpu.vector_load %arg9[%swap3A_721, %swap3A_722] {strides = array<i32>} : memref<16x1024xf32, #tpu.memory_space<vmem>>, vector<1x16xf32>,
        %swap3A_724 = vector.shape_cast %swap3A_723 : vector<1x16xf32> to vector<16xf32>
        %swap3A_725 = vector.shape_cast %get3A_720 : vector<16xf32> to vector<1x16xf32>
        tpu.vector_store %arg9[%swap3A_721, %swap3A_722], %swap3A_725 {add = true, strides = array<i32>} : memref<16x1024xf32, #tpu.memory_space<vmem>>, vector<1x16xf32>,
        %get3A_726 = arith.index_cast %scan3A_213 : i32 to index
        %get3A_727 = arith.constant 912 : index
        %get3A_728 = tpu.vector_load %arg13[%get3A_726, %get3A_727] {strides = array<i32>} : memref<16x1024xf32, #tpu.memory_space<vmem>>, vector<1x16xf32>,
        %get3A_729 = vector.shape_cast %get3A_728 : vector<1x16xf32> to vector<16xf32>
        %swap3A_730 = arith.index_cast %scan3A_213 : i32 to index
        %swap3A_731 = arith.constant 912 : index
        %swap3A_732 = tpu.vector_load %arg9[%swap3A_730, %swap3A_731] {strides = array<i32>} : memref<16x1024xf32, #tpu.memory_space<vmem>>, vector<1x16xf32>,
        %swap3A_733 = vector.shape_cast %swap3A_732 : vector<1x16xf32> to vector<16xf32>
        %swap3A_734 = vector.shape_cast %get3A_729 : vector<16xf32> to vector<1x16xf32>
        tpu.vector_store %arg9[%swap3A_730, %swap3A_731], %swap3A_734 {add = true, strides = array<i32>} : memref<16x1024xf32, #tpu.memory_space<vmem>>, vector<1x16xf32>,
        %get3A_735 = arith.index_cast %scan3A_213 : i32 to index
        %get3A_736 = arith.constant 928 : index
        %get3A_737 = tpu.vector_load %arg13[%get3A_735, %get3A_736] {strides = array<i32>} : memref<16x1024xf32, #tpu.memory_space<vmem>>, vector<1x16xf32>,
        %get3A_738 = vector.shape_cast %get3A_737 : vector<1x16xf32> to vector<16xf32>
        %swap3A_739 = arith.index_cast %scan3A_213 : i32 to index
        %swap3A_740 = arith.constant 928 : index
        %swap3A_741 = tpu.vector_load %arg9[%swap3A_739, %swap3A_740] {strides = array<i32>} : memref<16x1024xf32, #tpu.memory_space<vmem>>, vector<1x16xf32>,
        %swap3A_742 = vector.shape_cast %swap3A_741 : vector<1x16xf32> to vector<16xf32>
        %swap3A_743 = vector.shape_cast %get3A_738 : vector<16xf32> to vector<1x16xf32>
        tpu.vector_store %arg9[%swap3A_739, %swap3A_740], %swap3A_743 {add = true, strides = array<i32>} : memref<16x1024xf32, #tpu.memory_space<vmem>>, vector<1x16xf32>,
        %get3A_744 = arith.index_cast %scan3A_213 : i32 to index
        %get3A_745 = arith.constant 944 : index
        %get3A_746 = tpu.vector_load %arg13[%get3A_744, %get3A_745] {strides = array<i32>} : memref<16x1024xf32, #tpu.memory_space<vmem>>, vector<1x16xf32>,
        %get3A_747 = vector.shape_cast %get3A_746 : vector<1x16xf32> to vector<16xf32>
        %swap3A_748 = arith.index_cast %scan3A_213 : i32 to index
        %swap3A_749 = arith.constant 944 : index
        %swap3A_750 = tpu.vector_load %arg9[%swap3A_748, %swap3A_749] {strides = array<i32>} : memref<16x1024xf32, #tpu.memory_space<vmem>>, vector<1x16xf32>,
        %swap3A_751 = vector.shape_cast %swap3A_750 : vector<1x16xf32> to vector<16xf32>
        %swap3A_752 = vector.shape_cast %get3A_747 : vector<16xf32> to vector<1x16xf32>
        tpu.vector_store %arg9[%swap3A_748, %swap3A_749], %swap3A_752 {add = true, strides = array<i32>} : memref<16x1024xf32, #tpu.memory_space<vmem>>, vector<1x16xf32>,
        %get3A_753 = arith.index_cast %scan3A_213 : i32 to index
        %get3A_754 = arith.constant 960 : index
        %get3A_755 = tpu.vector_load %arg13[%get3A_753, %get3A_754] {strides = array<i32>} : memref<16x1024xf32, #tpu.memory_space<vmem>>, vector<1x16xf32>,
        %get3A_756 = vector.shape_cast %get3A_755 : vector<1x16xf32> to vector<16xf32>
        %swap3A_757 = arith.index_cast %scan3A_213 : i32 to index
        %swap3A_758 = arith.constant 960 : index
        %swap3A_759 = tpu.vector_load %arg9[%swap3A_757, %swap3A_758] {strides = array<i32>} : memref<16x1024xf32, #tpu.memory_space<vmem>>, vector<1x16xf32>,
        %swap3A_760 = vector.shape_cast %swap3A_759 : vector<1x16xf32> to vector<16xf32>
        %swap3A_761 = vector.shape_cast %get3A_756 : vector<16xf32> to vector<1x16xf32>
        tpu.vector_store %arg9[%swap3A_757, %swap3A_758], %swap3A_761 {add = true, strides = array<i32>} : memref<16x1024xf32, #tpu.memory_space<vmem>>, vector<1x16xf32>,
        %get3A_762 = arith.index_cast %scan3A_213 : i32 to index
        %get3A_763 = arith.constant 976 : index
        %get3A_764 = tpu.vector_load %arg13[%get3A_762, %get3A_763] {strides = array<i32>} : memref<16x1024xf32, #tpu.memory_space<vmem>>, vector<1x16xf32>,
        %get3A_765 = vector.shape_cast %get3A_764 : vector<1x16xf32> to vector<16xf32>
        %swap3A_766 = arith.index_cast %scan3A_213 : i32 to index
        %swap3A_767 = arith.constant 976 : index
        %swap3A_768 = tpu.vector_load %arg9[%swap3A_766, %swap3A_767] {strides = array<i32>} : memref<16x1024xf32, #tpu.memory_space<vmem>>, vector<1x16xf32>,
        %swap3A_769 = vector.shape_cast %swap3A_768 : vector<1x16xf32> to vector<16xf32>
        %swap3A_770 = vector.shape_cast %get3A_765 : vector<16xf32> to vector<1x16xf32>
        tpu.vector_store %arg9[%swap3A_766, %swap3A_767], %swap3A_770 {add = true, strides = array<i32>} : memref<16x1024xf32, #tpu.memory_space<vmem>>, vector<1x16xf32>,
        %get3A_771 = arith.index_cast %scan3A_213 : i32 to index
        %get3A_772 = arith.constant 992 : index
        %get3A_773 = tpu.vector_load %arg13[%get3A_771, %get3A_772] {strides = array<i32>} : memref<16x1024xf32, #tpu.memory_space<vmem>>, vector<1x16xf32>,
        %get3A_774 = vector.shape_cast %get3A_773 : vector<1x16xf32> to vector<16xf32>
        %swap3A_775 = arith.index_cast %scan3A_213 : i32 to index
        %swap3A_776 = arith.constant 992 : index
        %swap3A_777 = tpu.vector_load %arg9[%swap3A_775, %swap3A_776] {strides = array<i32>} : memref<16x1024xf32, #tpu.memory_space<vmem>>, vector<1x16xf32>,
        %swap3A_778 = vector.shape_cast %swap3A_777 : vector<1x16xf32> to vector<16xf32>
        %swap3A_779 = vector.shape_cast %get3A_774 : vector<16xf32> to vector<1x16xf32>
        tpu.vector_store %arg9[%swap3A_775, %swap3A_776], %swap3A_779 {add = true, strides = array<i32>} : memref<16x1024xf32, #tpu.memory_space<vmem>>, vector<1x16xf32>,
        %get3A_780 = arith.index_cast %scan3A_213 : i32 to index
        %get3A_781 = arith.constant 1008 : index
        %get3A_782 = tpu.vector_load %arg13[%get3A_780, %get3A_781] {strides = array<i32>} : memref<16x1024xf32, #tpu.memory_space<vmem>>, vector<1x16xf32>,
        %get3A_783 = vector.shape_cast %get3A_782 : vector<1x16xf32> to vector<16xf32>
        %swap3A_784 = arith.index_cast %scan3A_213 : i32 to index
        %swap3A_785 = arith.constant 1008 : index
        %swap3A_786 = tpu.vector_load %arg9[%swap3A_784, %swap3A_785] {strides = array<i32>} : memref<16x1024xf32, #tpu.memory_space<vmem>>, vector<1x16xf32>,
        %swap3A_787 = vector.shape_cast %swap3A_786 : vector<1x16xf32> to vector<16xf32>
        %swap3A_788 = vector.shape_cast %get3A_783 : vector<16xf32> to vector<1x16xf32>
        tpu.vector_store %arg9[%swap3A_784, %swap3A_785], %swap3A_788 {add = true, strides = array<i32>} : memref<16x1024xf32, #tpu.memory_space<vmem>>, vector<1x16xf32>,
        %scan3A_789 = arith.constant 0 : i32
        scf.yield %scan3A_789 : i32
      }
      %scan3A_122 = arith.constant 16 : i32
      %add3A_123 = arith.constant 0 : i32
      %add3A_124 = arith.addi %mul3A_35, %add3A_123 : i32
      %mul3A_125 = arith.constant 16 : i32
      %mul3A_126 = arith.muli %add3A_124, %mul3A_125 : i32
      %add3A_127 = arith.addi %mul3A_2, %mul3A_126 : i32
      %dma_start3A_128 = arith.constant 0 : i32
      %dma_start3A_129 = tpu.memref_slice %arg6[%add3A_127, %dma_start3A_128] : memref<8192x1024xf32, #tpu.memory_space<hbm>> -> memref<16x1024xf32, #tpu.memory_space<hbm>>
      %dma_start3A_130 = arith.constant 0 : i32
      %dma_start3A_131 = tpu.memref_slice %arg6[%add3A_127, %dma_start3A_130] : memref<8192x1024xf32, #tpu.memory_space<hbm>> -> memref<16x1024xf32, #tpu.memory_space<hbm>>
      tpu.enqueue_dma source(%arg9 : memref<16x1024xf32, #tpu.memory_space<vmem>>) target(%dma_start3A_131 : memref<16x1024xf32, #tpu.memory_space<hbm>>) target_semaphore(%arg23 : memref<!tpu.dma_semaphore, #tpu.memory_space<semaphore_mem>>)
      %add3A_132 = arith.constant 3 : i32
      %add3A_133 = arith.addi %mul3A_35, %add3A_132 : i32
      %mul3A_134 = arith.constant 16 : i32
      %mul3A_135 = arith.muli %add3A_133, %mul3A_134 : i32
      %dma_start3A_136 = tpu.memref_slice %arg8[%mul3A_135] : memref<256xi32, #tpu.memory_space<vmem>> -> memref<16xi32, #tpu.memory_space<vmem>>
      %dma_start3A_137 = arith.constant 0 : i32
      %dma_start3A_138 = arith.constant 0 : i32
      %dma_start3A_139 = tpu.memref_slice %arg5[%dma_start3A_137, %dma_start3A_138] : memref<4098x1024xf32, #tpu.memory_space<hbm>> -> memref<4098x1024xf32, #tpu.memory_space<hbm>>
      tpu.enqueue_indirect_dma source(%dma_start3A_139 : memref<4098x1024xf32, #tpu.memory_space<hbm>>) target(%arg13 : memref<16x1024xf32, #tpu.memory_space<vmem>>) offsets(%dma_start3A_136 : memref<16xi32, #tpu.memory_space<vmem>>) semaphore(%arg20 : memref<!tpu.dma_semaphore, #tpu.memory_space<semaphore_mem>>)
      %dma_wait3A_140 = tpu.memref_slice %arg7[%mul3A_53] : memref<256xi32, #tpu.memory_space<vmem>> -> memref<16xi32, #tpu.memory_space<vmem>>
      %dma_wait3A_141 = arith.constant 0 : i32
      %dma_wait3A_142 = arith.constant 0 : i32
      %dma_wait3A_143 = tpu.memref_slice %arg4[%dma_wait3A_141, %dma_wait3A_142] : memref<50265x1024xf32, #tpu.memory_space<hbm>> -> memref<50265x1024xf32, #tpu.memory_space<hbm>>
      tpu.wait_indirect_dma semaphore(%arg17 : memref<!tpu.dma_semaphore, #tpu.memory_space<semaphore_mem>>) src(%dma_wait3A_143 : memref<50265x1024xf32, #tpu.memory_space<hbm>>) dst(%arg10 : memref<16x1024xf32, #tpu.memory_space<vmem>>)
      %dma_wait3A_144 = tpu.memref_slice %arg8[%mul3A_95] : memref<256xi32, #tpu.memory_space<vmem>> -> memref<16xi32, #tpu.memory_space<vmem>>
      %dma_wait3A_145 = arith.constant 0 : i32
      %dma_wait3A_146 = arith.constant 0 : i32
      %dma_wait3A_147 = tpu.memref_slice %arg5[%dma_wait3A_145, %dma_wait3A_146] : memref<4098x1024xf32, #tpu.memory_space<hbm>> -> memref<4098x1024xf32, #tpu.memory_space<hbm>>
      tpu.wait_indirect_dma semaphore(%arg21 : memref<!tpu.dma_semaphore, #tpu.memory_space<semaphore_mem>>) src(%dma_wait3A_147 : memref<4098x1024xf32, #tpu.memory_space<hbm>>) dst(%arg14 : memref<16x1024xf32, #tpu.memory_space<vmem>>)
      %scan3A_148 = arith.constant 0 : i32
      %scan3A_149 = arith.constant 0 : i32
      %scan3A_150 = arith.constant 16 : i32
      %scan3A_151 = arith.addi %scan3A_149, %scan3A_150 : i32
      %scan3A_152 = arith.constant 1 : i32
      %scan3A_153 = scf.for %scan3A_213 = %scan3A_149 to %scan3A_151 step %scan3A_152 iter_args(%scan3A_214 = %scan3A_148) -> (i32)  : i32 {
        %get3A = arith.index_cast %scan3A_213 : i32 to index
        %get3A_215 = arith.constant 0 : index
        %get3A_216 = tpu.vector_load %arg14[%get3A, %get3A_215] {strides = array<i32>} : memref<16x1024xf32, #tpu.memory_space<vmem>>, vector<1x16xf32>,
        %get3A_217 = vector.shape_cast %get3A_216 : vector<1x16xf32> to vector<16xf32>
        %swap3A = arith.index_cast %scan3A_213 : i32 to index
        %swap3A_218 = arith.constant 0 : index
        %swap3A_219 = tpu.vector_load %arg10[%swap3A, %swap3A_218] {strides = array<i32>} : memref<16x1024xf32, #tpu.memory_space<vmem>>, vector<1x16xf32>,
        %swap3A_220 = vector.shape_cast %swap3A_219 : vector<1x16xf32> to vector<16xf32>
        %swap3A_221 = vector.shape_cast %get3A_217 : vector<16xf32> to vector<1x16xf32>
        tpu.vector_store %arg10[%swap3A, %swap3A_218], %swap3A_221 {add = true, strides = array<i32>} : memref<16x1024xf32, #tpu.memory_space<vmem>>, vector<1x16xf32>,
        %get3A_222 = arith.index_cast %scan3A_213 : i32 to index
        %get3A_223 = arith.constant 16 : index
        %get3A_224 = tpu.vector_load %arg14[%get3A_222, %get3A_223] {strides = array<i32>} : memref<16x1024xf32, #tpu.memory_space<vmem>>, vector<1x16xf32>,
        %get3A_225 = vector.shape_cast %get3A_224 : vector<1x16xf32> to vector<16xf32>
        %swap3A_226 = arith.index_cast %scan3A_213 : i32 to index
        %swap3A_227 = arith.constant 16 : index
        %swap3A_228 = tpu.vector_load %arg10[%swap3A_226, %swap3A_227] {strides = array<i32>} : memref<16x1024xf32, #tpu.memory_space<vmem>>, vector<1x16xf32>,
        %swap3A_229 = vector.shape_cast %swap3A_228 : vector<1x16xf32> to vector<16xf32>
        %swap3A_230 = vector.shape_cast %get3A_225 : vector<16xf32> to vector<1x16xf32>
        tpu.vector_store %arg10[%swap3A_226, %swap3A_227], %swap3A_230 {add = true, strides = array<i32>} : memref<16x1024xf32, #tpu.memory_space<vmem>>, vector<1x16xf32>,
        %get3A_231 = arith.index_cast %scan3A_213 : i32 to index
        %get3A_232 = arith.constant 32 : index
        %get3A_233 = tpu.vector_load %arg14[%get3A_231, %get3A_232] {strides = array<i32>} : memref<16x1024xf32, #tpu.memory_space<vmem>>, vector<1x16xf32>,
        %get3A_234 = vector.shape_cast %get3A_233 : vector<1x16xf32> to vector<16xf32>
        %swap3A_235 = arith.index_cast %scan3A_213 : i32 to index
        %swap3A_236 = arith.constant 32 : index
        %swap3A_237 = tpu.vector_load %arg10[%swap3A_235, %swap3A_236] {strides = array<i32>} : memref<16x1024xf32, #tpu.memory_space<vmem>>, vector<1x16xf32>,
        %swap3A_238 = vector.shape_cast %swap3A_237 : vector<1x16xf32> to vector<16xf32>
        %swap3A_239 = vector.shape_cast %get3A_234 : vector<16xf32> to vector<1x16xf32>
        tpu.vector_store %arg10[%swap3A_235, %swap3A_236], %swap3A_239 {add = true, strides = array<i32>} : memref<16x1024xf32, #tpu.memory_space<vmem>>, vector<1x16xf32>,
        %get3A_240 = arith.index_cast %scan3A_213 : i32 to index
        %get3A_241 = arith.constant 48 : index
        %get3A_242 = tpu.vector_load %arg14[%get3A_240, %get3A_241] {strides = array<i32>} : memref<16x1024xf32, #tpu.memory_space<vmem>>, vector<1x16xf32>,
        %get3A_243 = vector.shape_cast %get3A_242 : vector<1x16xf32> to vector<16xf32>
        %swap3A_244 = arith.index_cast %scan3A_213 : i32 to index
        %swap3A_245 = arith.constant 48 : index
        %swap3A_246 = tpu.vector_load %arg10[%swap3A_244, %swap3A_245] {strides = array<i32>} : memref<16x1024xf32, #tpu.memory_space<vmem>>, vector<1x16xf32>,
        %swap3A_247 = vector.shape_cast %swap3A_246 : vector<1x16xf32> to vector<16xf32>
        %swap3A_248 = vector.shape_cast %get3A_243 : vector<16xf32> to vector<1x16xf32>
        tpu.vector_store %arg10[%swap3A_244, %swap3A_245], %swap3A_248 {add = true, strides = array<i32>} : memref<16x1024xf32, #tpu.memory_space<vmem>>, vector<1x16xf32>,
        %get3A_249 = arith.index_cast %scan3A_213 : i32 to index
        %get3A_250 = arith.constant 64 : index
        %get3A_251 = tpu.vector_load %arg14[%get3A_249, %get3A_250] {strides = array<i32>} : memref<16x1024xf32, #tpu.memory_space<vmem>>, vector<1x16xf32>,
        %get3A_252 = vector.shape_cast %get3A_251 : vector<1x16xf32> to vector<16xf32>
        %swap3A_253 = arith.index_cast %scan3A_213 : i32 to index
        %swap3A_254 = arith.constant 64 : index
        %swap3A_255 = tpu.vector_load %arg10[%swap3A_253, %swap3A_254] {strides = array<i32>} : memref<16x1024xf32, #tpu.memory_space<vmem>>, vector<1x16xf32>,
        %swap3A_256 = vector.shape_cast %swap3A_255 : vector<1x16xf32> to vector<16xf32>
        %swap3A_257 = vector.shape_cast %get3A_252 : vector<16xf32> to vector<1x16xf32>
        tpu.vector_store %arg10[%swap3A_253, %swap3A_254], %swap3A_257 {add = true, strides = array<i32>} : memref<16x1024xf32, #tpu.memory_space<vmem>>, vector<1x16xf32>,
        %get3A_258 = arith.index_cast %scan3A_213 : i32 to index
        %get3A_259 = arith.constant 80 : index
        %get3A_260 = tpu.vector_load %arg14[%get3A_258, %get3A_259] {strides = array<i32>} : memref<16x1024xf32, #tpu.memory_space<vmem>>, vector<1x16xf32>,
        %get3A_261 = vector.shape_cast %get3A_260 : vector<1x16xf32> to vector<16xf32>
        %swap3A_262 = arith.index_cast %scan3A_213 : i32 to index
        %swap3A_263 = arith.constant 80 : index
        %swap3A_264 = tpu.vector_load %arg10[%swap3A_262, %swap3A_263] {strides = array<i32>} : memref<16x1024xf32, #tpu.memory_space<vmem>>, vector<1x16xf32>,
        %swap3A_265 = vector.shape_cast %swap3A_264 : vector<1x16xf32> to vector<16xf32>
        %swap3A_266 = vector.shape_cast %get3A_261 : vector<16xf32> to vector<1x16xf32>
        tpu.vector_store %arg10[%swap3A_262, %swap3A_263], %swap3A_266 {add = true, strides = array<i32>} : memref<16x1024xf32, #tpu.memory_space<vmem>>, vector<1x16xf32>,
        %get3A_267 = arith.index_cast %scan3A_213 : i32 to index
        %get3A_268 = arith.constant 96 : index
        %get3A_269 = tpu.vector_load %arg14[%get3A_267, %get3A_268] {strides = array<i32>} : memref<16x1024xf32, #tpu.memory_space<vmem>>, vector<1x16xf32>,
        %get3A_270 = vector.shape_cast %get3A_269 : vector<1x16xf32> to vector<16xf32>
        %swap3A_271 = arith.index_cast %scan3A_213 : i32 to index
        %swap3A_272 = arith.constant 96 : index
        %swap3A_273 = tpu.vector_load %arg10[%swap3A_271, %swap3A_272] {strides = array<i32>} : memref<16x1024xf32, #tpu.memory_space<vmem>>, vector<1x16xf32>,
        %swap3A_274 = vector.shape_cast %swap3A_273 : vector<1x16xf32> to vector<16xf32>
        %swap3A_275 = vector.shape_cast %get3A_270 : vector<16xf32> to vector<1x16xf32>
        tpu.vector_store %arg10[%swap3A_271, %swap3A_272], %swap3A_275 {add = true, strides = array<i32>} : memref<16x1024xf32, #tpu.memory_space<vmem>>, vector<1x16xf32>,
        %get3A_276 = arith.index_cast %scan3A_213 : i32 to index
        %get3A_277 = arith.constant 112 : index
        %get3A_278 = tpu.vector_load %arg14[%get3A_276, %get3A_277] {strides = array<i32>} : memref<16x1024xf32, #tpu.memory_space<vmem>>, vector<1x16xf32>,
        %get3A_279 = vector.shape_cast %get3A_278 : vector<1x16xf32> to vector<16xf32>
        %swap3A_280 = arith.index_cast %scan3A_213 : i32 to index
        %swap3A_281 = arith.constant 112 : index
        %swap3A_282 = tpu.vector_load %arg10[%swap3A_280, %swap3A_281] {strides = array<i32>} : memref<16x1024xf32, #tpu.memory_space<vmem>>, vector<1x16xf32>,
        %swap3A_283 = vector.shape_cast %swap3A_282 : vector<1x16xf32> to vector<16xf32>
        %swap3A_284 = vector.shape_cast %get3A_279 : vector<16xf32> to vector<1x16xf32>
        tpu.vector_store %arg10[%swap3A_280, %swap3A_281], %swap3A_284 {add = true, strides = array<i32>} : memref<16x1024xf32, #tpu.memory_space<vmem>>, vector<1x16xf32>,
        %get3A_285 = arith.index_cast %scan3A_213 : i32 to index
        %get3A_286 = arith.constant 128 : index
        %get3A_287 = tpu.vector_load %arg14[%get3A_285, %get3A_286] {strides = array<i32>} : memref<16x1024xf32, #tpu.memory_space<vmem>>, vector<1x16xf32>,
        %get3A_288 = vector.shape_cast %get3A_287 : vector<1x16xf32> to vector<16xf32>
        %swap3A_289 = arith.index_cast %scan3A_213 : i32 to index
        %swap3A_290 = arith.constant 128 : index
        %swap3A_291 = tpu.vector_load %arg10[%swap3A_289, %swap3A_290] {strides = array<i32>} : memref<16x1024xf32, #tpu.memory_space<vmem>>, vector<1x16xf32>,
        %swap3A_292 = vector.shape_cast %swap3A_291 : vector<1x16xf32> to vector<16xf32>
        %swap3A_293 = vector.shape_cast %get3A_288 : vector<16xf32> to vector<1x16xf32>
        tpu.vector_store %arg10[%swap3A_289, %swap3A_290], %swap3A_293 {add = true, strides = array<i32>} : memref<16x1024xf32, #tpu.memory_space<vmem>>, vector<1x16xf32>,
        %get3A_294 = arith.index_cast %scan3A_213 : i32 to index
        %get3A_295 = arith.constant 144 : index
        %get3A_296 = tpu.vector_load %arg14[%get3A_294, %get3A_295] {strides = array<i32>} : memref<16x1024xf32, #tpu.memory_space<vmem>>, vector<1x16xf32>,
        %get3A_297 = vector.shape_cast %get3A_296 : vector<1x16xf32> to vector<16xf32>
        %swap3A_298 = arith.index_cast %scan3A_213 : i32 to index
        %swap3A_299 = arith.constant 144 : index
        %swap3A_300 = tpu.vector_load %arg10[%swap3A_298, %swap3A_299] {strides = array<i32>} : memref<16x1024xf32, #tpu.memory_space<vmem>>, vector<1x16xf32>,
        %swap3A_301 = vector.shape_cast %swap3A_300 : vector<1x16xf32> to vector<16xf32>
        %swap3A_302 = vector.shape_cast %get3A_297 : vector<16xf32> to vector<1x16xf32>
        tpu.vector_store %arg10[%swap3A_298, %swap3A_299], %swap3A_302 {add = true, strides = array<i32>} : memref<16x1024xf32, #tpu.memory_space<vmem>>, vector<1x16xf32>,
        %get3A_303 = arith.index_cast %scan3A_213 : i32 to index
        %get3A_304 = arith.constant 160 : index
        %get3A_305 = tpu.vector_load %arg14[%get3A_303, %get3A_304] {strides = array<i32>} : memref<16x1024xf32, #tpu.memory_space<vmem>>, vector<1x16xf32>,
        %get3A_306 = vector.shape_cast %get3A_305 : vector<1x16xf32> to vector<16xf32>
        %swap3A_307 = arith.index_cast %scan3A_213 : i32 to index
        %swap3A_308 = arith.constant 160 : index
        %swap3A_309 = tpu.vector_load %arg10[%swap3A_307, %swap3A_308] {strides = array<i32>} : memref<16x1024xf32, #tpu.memory_space<vmem>>, vector<1x16xf32>,
        %swap3A_310 = vector.shape_cast %swap3A_309 : vector<1x16xf32> to vector<16xf32>
        %swap3A_311 = vector.shape_cast %get3A_306 : vector<16xf32> to vector<1x16xf32>
        tpu.vector_store %arg10[%swap3A_307, %swap3A_308], %swap3A_311 {add = true, strides = array<i32>} : memref<16x1024xf32, #tpu.memory_space<vmem>>, vector<1x16xf32>,
        %get3A_312 = arith.index_cast %scan3A_213 : i32 to index
        %get3A_313 = arith.constant 176 : index
        %get3A_314 = tpu.vector_load %arg14[%get3A_312, %get3A_313] {strides = array<i32>} : memref<16x1024xf32, #tpu.memory_space<vmem>>, vector<1x16xf32>,
        %get3A_315 = vector.shape_cast %get3A_314 : vector<1x16xf32> to vector<16xf32>
        %swap3A_316 = arith.index_cast %scan3A_213 : i32 to index
        %swap3A_317 = arith.constant 176 : index
        %swap3A_318 = tpu.vector_load %arg10[%swap3A_316, %swap3A_317] {strides = array<i32>} : memref<16x1024xf32, #tpu.memory_space<vmem>>, vector<1x16xf32>,
        %swap3A_319 = vector.shape_cast %swap3A_318 : vector<1x16xf32> to vector<16xf32>
        %swap3A_320 = vector.shape_cast %get3A_315 : vector<16xf32> to vector<1x16xf32>
        tpu.vector_store %arg10[%swap3A_316, %swap3A_317], %swap3A_320 {add = true, strides = array<i32>} : memref<16x1024xf32, #tpu.memory_space<vmem>>, vector<1x16xf32>,
        %get3A_321 = arith.index_cast %scan3A_213 : i32 to index
        %get3A_322 = arith.constant 192 : index
        %get3A_323 = tpu.vector_load %arg14[%get3A_321, %get3A_322] {strides = array<i32>} : memref<16x1024xf32, #tpu.memory_space<vmem>>, vector<1x16xf32>,
        %get3A_324 = vector.shape_cast %get3A_323 : vector<1x16xf32> to vector<16xf32>
        %swap3A_325 = arith.index_cast %scan3A_213 : i32 to index
        %swap3A_326 = arith.constant 192 : index
        %swap3A_327 = tpu.vector_load %arg10[%swap3A_325, %swap3A_326] {strides = array<i32>} : memref<16x1024xf32, #tpu.memory_space<vmem>>, vector<1x16xf32>,
        %swap3A_328 = vector.shape_cast %swap3A_327 : vector<1x16xf32> to vector<16xf32>
        %swap3A_329 = vector.shape_cast %get3A_324 : vector<16xf32> to vector<1x16xf32>
        tpu.vector_store %arg10[%swap3A_325, %swap3A_326], %swap3A_329 {add = true, strides = array<i32>} : memref<16x1024xf32, #tpu.memory_space<vmem>>, vector<1x16xf32>,
        %get3A_330 = arith.index_cast %scan3A_213 : i32 to index
        %get3A_331 = arith.constant 208 : index
        %get3A_332 = tpu.vector_load %arg14[%get3A_330, %get3A_331] {strides = array<i32>} : memref<16x1024xf32, #tpu.memory_space<vmem>>, vector<1x16xf32>,
        %get3A_333 = vector.shape_cast %get3A_332 : vector<1x16xf32> to vector<16xf32>
        %swap3A_334 = arith.index_cast %scan3A_213 : i32 to index
        %swap3A_335 = arith.constant 208 : index
        %swap3A_336 = tpu.vector_load %arg10[%swap3A_334, %swap3A_335] {strides = array<i32>} : memref<16x1024xf32, #tpu.memory_space<vmem>>, vector<1x16xf32>,
        %swap3A_337 = vector.shape_cast %swap3A_336 : vector<1x16xf32> to vector<16xf32>
        %swap3A_338 = vector.shape_cast %get3A_333 : vector<16xf32> to vector<1x16xf32>
        tpu.vector_store %arg10[%swap3A_334, %swap3A_335], %swap3A_338 {add = true, strides = array<i32>} : memref<16x1024xf32, #tpu.memory_space<vmem>>, vector<1x16xf32>,
        %get3A_339 = arith.index_cast %scan3A_213 : i32 to index
        %get3A_340 = arith.constant 224 : index
        %get3A_341 = tpu.vector_load %arg14[%get3A_339, %get3A_340] {strides = array<i32>} : memref<16x1024xf32, #tpu.memory_space<vmem>>, vector<1x16xf32>,
        %get3A_342 = vector.shape_cast %get3A_341 : vector<1x16xf32> to vector<16xf32>
        %swap3A_343 = arith.index_cast %scan3A_213 : i32 to index
        %swap3A_344 = arith.constant 224 : index
        %swap3A_345 = tpu.vector_load %arg10[%swap3A_343, %swap3A_344] {strides = array<i32>} : memref<16x1024xf32, #tpu.memory_space<vmem>>, vector<1x16xf32>,
        %swap3A_346 = vector.shape_cast %swap3A_345 : vector<1x16xf32> to vector<16xf32>
        %swap3A_347 = vector.shape_cast %get3A_342 : vector<16xf32> to vector<1x16xf32>
        tpu.vector_store %arg10[%swap3A_343, %swap3A_344], %swap3A_347 {add = true, strides = array<i32>} : memref<16x1024xf32, #tpu.memory_space<vmem>>, vector<1x16xf32>,
        %get3A_348 = arith.index_cast %scan3A_213 : i32 to index
        %get3A_349 = arith.constant 240 : index
        %get3A_350 = tpu.vector_load %arg14[%get3A_348, %get3A_349] {strides = array<i32>} : memref<16x1024xf32, #tpu.memory_space<vmem>>, vector<1x16xf32>,
        %get3A_351 = vector.shape_cast %get3A_350 : vector<1x16xf32> to vector<16xf32>
        %swap3A_352 = arith.index_cast %scan3A_213 : i32 to index
        %swap3A_353 = arith.constant 240 : index
        %swap3A_354 = tpu.vector_load %arg10[%swap3A_352, %swap3A_353] {strides = array<i32>} : memref<16x1024xf32, #tpu.memory_space<vmem>>, vector<1x16xf32>,
        %swap3A_355 = vector.shape_cast %swap3A_354 : vector<1x16xf32> to vector<16xf32>
        %swap3A_356 = vector.shape_cast %get3A_351 : vector<16xf32> to vector<1x16xf32>
        tpu.vector_store %arg10[%swap3A_352, %swap3A_353], %swap3A_356 {add = true, strides = array<i32>} : memref<16x1024xf32, #tpu.memory_space<vmem>>, vector<1x16xf32>,
        %get3A_357 = arith.index_cast %scan3A_213 : i32 to index
        %get3A_358 = arith.constant 256 : index
        %get3A_359 = tpu.vector_load %arg14[%get3A_357, %get3A_358] {strides = array<i32>} : memref<16x1024xf32, #tpu.memory_space<vmem>>, vector<1x16xf32>,
        %get3A_360 = vector.shape_cast %get3A_359 : vector<1x16xf32> to vector<16xf32>
        %swap3A_361 = arith.index_cast %scan3A_213 : i32 to index
        %swap3A_362 = arith.constant 256 : index
        %swap3A_363 = tpu.vector_load %arg10[%swap3A_361, %swap3A_362] {strides = array<i32>} : memref<16x1024xf32, #tpu.memory_space<vmem>>, vector<1x16xf32>,
        %swap3A_364 = vector.shape_cast %swap3A_363 : vector<1x16xf32> to vector<16xf32>
        %swap3A_365 = vector.shape_cast %get3A_360 : vector<16xf32> to vector<1x16xf32>
        tpu.vector_store %arg10[%swap3A_361, %swap3A_362], %swap3A_365 {add = true, strides = array<i32>} : memref<16x1024xf32, #tpu.memory_space<vmem>>, vector<1x16xf32>,
        %get3A_366 = arith.index_cast %scan3A_213 : i32 to index
        %get3A_367 = arith.constant 272 : index
        %get3A_368 = tpu.vector_load %arg14[%get3A_366, %get3A_367] {strides = array<i32>} : memref<16x1024xf32, #tpu.memory_space<vmem>>, vector<1x16xf32>,
        %get3A_369 = vector.shape_cast %get3A_368 : vector<1x16xf32> to vector<16xf32>
        %swap3A_370 = arith.index_cast %scan3A_213 : i32 to index
        %swap3A_371 = arith.constant 272 : index
        %swap3A_372 = tpu.vector_load %arg10[%swap3A_370, %swap3A_371] {strides = array<i32>} : memref<16x1024xf32, #tpu.memory_space<vmem>>, vector<1x16xf32>,
        %swap3A_373 = vector.shape_cast %swap3A_372 : vector<1x16xf32> to vector<16xf32>
        %swap3A_374 = vector.shape_cast %get3A_369 : vector<16xf32> to vector<1x16xf32>
        tpu.vector_store %arg10[%swap3A_370, %swap3A_371], %swap3A_374 {add = true, strides = array<i32>} : memref<16x1024xf32, #tpu.memory_space<vmem>>, vector<1x16xf32>,
        %get3A_375 = arith.index_cast %scan3A_213 : i32 to index
        %get3A_376 = arith.constant 288 : index
        %get3A_377 = tpu.vector_load %arg14[%get3A_375, %get3A_376] {strides = array<i32>} : memref<16x1024xf32, #tpu.memory_space<vmem>>, vector<1x16xf32>,
        %get3A_378 = vector.shape_cast %get3A_377 : vector<1x16xf32> to vector<16xf32>
        %swap3A_379 = arith.index_cast %scan3A_213 : i32 to index
        %swap3A_380 = arith.constant 288 : index
        %swap3A_381 = tpu.vector_load %arg10[%swap3A_379, %swap3A_380] {strides = array<i32>} : memref<16x1024xf32, #tpu.memory_space<vmem>>, vector<1x16xf32>,
        %swap3A_382 = vector.shape_cast %swap3A_381 : vector<1x16xf32> to vector<16xf32>
        %swap3A_383 = vector.shape_cast %get3A_378 : vector<16xf32> to vector<1x16xf32>
        tpu.vector_store %arg10[%swap3A_379, %swap3A_380], %swap3A_383 {add = true, strides = array<i32>} : memref<16x1024xf32, #tpu.memory_space<vmem>>, vector<1x16xf32>,
        %get3A_384 = arith.index_cast %scan3A_213 : i32 to index
        %get3A_385 = arith.constant 304 : index
        %get3A_386 = tpu.vector_load %arg14[%get3A_384, %get3A_385] {strides = array<i32>} : memref<16x1024xf32, #tpu.memory_space<vmem>>, vector<1x16xf32>,
        %get3A_387 = vector.shape_cast %get3A_386 : vector<1x16xf32> to vector<16xf32>
        %swap3A_388 = arith.index_cast %scan3A_213 : i32 to index
        %swap3A_389 = arith.constant 304 : index
        %swap3A_390 = tpu.vector_load %arg10[%swap3A_388, %swap3A_389] {strides = array<i32>} : memref<16x1024xf32, #tpu.memory_space<vmem>>, vector<1x16xf32>,
        %swap3A_391 = vector.shape_cast %swap3A_390 : vector<1x16xf32> to vector<16xf32>
        %swap3A_392 = vector.shape_cast %get3A_387 : vector<16xf32> to vector<1x16xf32>
        tpu.vector_store %arg10[%swap3A_388, %swap3A_389], %swap3A_392 {add = true, strides = array<i32>} : memref<16x1024xf32, #tpu.memory_space<vmem>>, vector<1x16xf32>,
        %get3A_393 = arith.index_cast %scan3A_213 : i32 to index
        %get3A_394 = arith.constant 320 : index
        %get3A_395 = tpu.vector_load %arg14[%get3A_393, %get3A_394] {strides = array<i32>} : memref<16x1024xf32, #tpu.memory_space<vmem>>, vector<1x16xf32>,
        %get3A_396 = vector.shape_cast %get3A_395 : vector<1x16xf32> to vector<16xf32>
        %swap3A_397 = arith.index_cast %scan3A_213 : i32 to index
        %swap3A_398 = arith.constant 320 : index
        %swap3A_399 = tpu.vector_load %arg10[%swap3A_397, %swap3A_398] {strides = array<i32>} : memref<16x1024xf32, #tpu.memory_space<vmem>>, vector<1x16xf32>,
        %swap3A_400 = vector.shape_cast %swap3A_399 : vector<1x16xf32> to vector<16xf32>
        %swap3A_401 = vector.shape_cast %get3A_396 : vector<16xf32> to vector<1x16xf32>
        tpu.vector_store %arg10[%swap3A_397, %swap3A_398], %swap3A_401 {add = true, strides = array<i32>} : memref<16x1024xf32, #tpu.memory_space<vmem>>, vector<1x16xf32>,
        %get3A_402 = arith.index_cast %scan3A_213 : i32 to index
        %get3A_403 = arith.constant 336 : index
        %get3A_404 = tpu.vector_load %arg14[%get3A_402, %get3A_403] {strides = array<i32>} : memref<16x1024xf32, #tpu.memory_space<vmem>>, vector<1x16xf32>,
        %get3A_405 = vector.shape_cast %get3A_404 : vector<1x16xf32> to vector<16xf32>
        %swap3A_406 = arith.index_cast %scan3A_213 : i32 to index
        %swap3A_407 = arith.constant 336 : index
        %swap3A_408 = tpu.vector_load %arg10[%swap3A_406, %swap3A_407] {strides = array<i32>} : memref<16x1024xf32, #tpu.memory_space<vmem>>, vector<1x16xf32>,
        %swap3A_409 = vector.shape_cast %swap3A_408 : vector<1x16xf32> to vector<16xf32>
        %swap3A_410 = vector.shape_cast %get3A_405 : vector<16xf32> to vector<1x16xf32>
        tpu.vector_store %arg10[%swap3A_406, %swap3A_407], %swap3A_410 {add = true, strides = array<i32>} : memref<16x1024xf32, #tpu.memory_space<vmem>>, vector<1x16xf32>,
        %get3A_411 = arith.index_cast %scan3A_213 : i32 to index
        %get3A_412 = arith.constant 352 : index
        %get3A_413 = tpu.vector_load %arg14[%get3A_411, %get3A_412] {strides = array<i32>} : memref<16x1024xf32, #tpu.memory_space<vmem>>, vector<1x16xf32>,
        %get3A_414 = vector.shape_cast %get3A_413 : vector<1x16xf32> to vector<16xf32>
        %swap3A_415 = arith.index_cast %scan3A_213 : i32 to index
        %swap3A_416 = arith.constant 352 : index
        %swap3A_417 = tpu.vector_load %arg10[%swap3A_415, %swap3A_416] {strides = array<i32>} : memref<16x1024xf32, #tpu.memory_space<vmem>>, vector<1x16xf32>,
        %swap3A_418 = vector.shape_cast %swap3A_417 : vector<1x16xf32> to vector<16xf32>
        %swap3A_419 = vector.shape_cast %get3A_414 : vector<16xf32> to vector<1x16xf32>
        tpu.vector_store %arg10[%swap3A_415, %swap3A_416], %swap3A_419 {add = true, strides = array<i32>} : memref<16x1024xf32, #tpu.memory_space<vmem>>, vector<1x16xf32>,
        %get3A_420 = arith.index_cast %scan3A_213 : i32 to index
        %get3A_421 = arith.constant 368 : index
        %get3A_422 = tpu.vector_load %arg14[%get3A_420, %get3A_421] {strides = array<i32>} : memref<16x1024xf32, #tpu.memory_space<vmem>>, vector<1x16xf32>,
        %get3A_423 = vector.shape_cast %get3A_422 : vector<1x16xf32> to vector<16xf32>
        %swap3A_424 = arith.index_cast %scan3A_213 : i32 to index
        %swap3A_425 = arith.constant 368 : index
        %swap3A_426 = tpu.vector_load %arg10[%swap3A_424, %swap3A_425] {strides = array<i32>} : memref<16x1024xf32, #tpu.memory_space<vmem>>, vector<1x16xf32>,
        %swap3A_427 = vector.shape_cast %swap3A_426 : vector<1x16xf32> to vector<16xf32>
        %swap3A_428 = vector.shape_cast %get3A_423 : vector<16xf32> to vector<1x16xf32>
        tpu.vector_store %arg10[%swap3A_424, %swap3A_425], %swap3A_428 {add = true, strides = array<i32>} : memref<16x1024xf32, #tpu.memory_space<vmem>>, vector<1x16xf32>,
        %get3A_429 = arith.index_cast %scan3A_213 : i32 to index
        %get3A_430 = arith.constant 384 : index
        %get3A_431 = tpu.vector_load %arg14[%get3A_429, %get3A_430] {strides = array<i32>} : memref<16x1024xf32, #tpu.memory_space<vmem>>, vector<1x16xf32>,
        %get3A_432 = vector.shape_cast %get3A_431 : vector<1x16xf32> to vector<16xf32>
        %swap3A_433 = arith.index_cast %scan3A_213 : i32 to index
        %swap3A_434 = arith.constant 384 : index
        %swap3A_435 = tpu.vector_load %arg10[%swap3A_433, %swap3A_434] {strides = array<i32>} : memref<16x1024xf32, #tpu.memory_space<vmem>>, vector<1x16xf32>,
        %swap3A_436 = vector.shape_cast %swap3A_435 : vector<1x16xf32> to vector<16xf32>
        %swap3A_437 = vector.shape_cast %get3A_432 : vector<16xf32> to vector<1x16xf32>
        tpu.vector_store %arg10[%swap3A_433, %swap3A_434], %swap3A_437 {add = true, strides = array<i32>} : memref<16x1024xf32, #tpu.memory_space<vmem>>, vector<1x16xf32>,
        %get3A_438 = arith.index_cast %scan3A_213 : i32 to index
        %get3A_439 = arith.constant 400 : index
        %get3A_440 = tpu.vector_load %arg14[%get3A_438, %get3A_439] {strides = array<i32>} : memref<16x1024xf32, #tpu.memory_space<vmem>>, vector<1x16xf32>,
        %get3A_441 = vector.shape_cast %get3A_440 : vector<1x16xf32> to vector<16xf32>
        %swap3A_442 = arith.index_cast %scan3A_213 : i32 to index
        %swap3A_443 = arith.constant 400 : index
        %swap3A_444 = tpu.vector_load %arg10[%swap3A_442, %swap3A_443] {strides = array<i32>} : memref<16x1024xf32, #tpu.memory_space<vmem>>, vector<1x16xf32>,
        %swap3A_445 = vector.shape_cast %swap3A_444 : vector<1x16xf32> to vector<16xf32>
        %swap3A_446 = vector.shape_cast %get3A_441 : vector<16xf32> to vector<1x16xf32>
        tpu.vector_store %arg10[%swap3A_442, %swap3A_443], %swap3A_446 {add = true, strides = array<i32>} : memref<16x1024xf32, #tpu.memory_space<vmem>>, vector<1x16xf32>,
        %get3A_447 = arith.index_cast %scan3A_213 : i32 to index
        %get3A_448 = arith.constant 416 : index
        %get3A_449 = tpu.vector_load %arg14[%get3A_447, %get3A_448] {strides = array<i32>} : memref<16x1024xf32, #tpu.memory_space<vmem>>, vector<1x16xf32>,
        %get3A_450 = vector.shape_cast %get3A_449 : vector<1x16xf32> to vector<16xf32>
        %swap3A_451 = arith.index_cast %scan3A_213 : i32 to index
        %swap3A_452 = arith.constant 416 : index
        %swap3A_453 = tpu.vector_load %arg10[%swap3A_451, %swap3A_452] {strides = array<i32>} : memref<16x1024xf32, #tpu.memory_space<vmem>>, vector<1x16xf32>,
        %swap3A_454 = vector.shape_cast %swap3A_453 : vector<1x16xf32> to vector<16xf32>
        %swap3A_455 = vector.shape_cast %get3A_450 : vector<16xf32> to vector<1x16xf32>
        tpu.vector_store %arg10[%swap3A_451, %swap3A_452], %swap3A_455 {add = true, strides = array<i32>} : memref<16x1024xf32, #tpu.memory_space<vmem>>, vector<1x16xf32>,
        %get3A_456 = arith.index_cast %scan3A_213 : i32 to index
        %get3A_457 = arith.constant 432 : index
        %get3A_458 = tpu.vector_load %arg14[%get3A_456, %get3A_457] {strides = array<i32>} : memref<16x1024xf32, #tpu.memory_space<vmem>>, vector<1x16xf32>,
        %get3A_459 = vector.shape_cast %get3A_458 : vector<1x16xf32> to vector<16xf32>
        %swap3A_460 = arith.index_cast %scan3A_213 : i32 to index
        %swap3A_461 = arith.constant 432 : index
        %swap3A_462 = tpu.vector_load %arg10[%swap3A_460, %swap3A_461] {strides = array<i32>} : memref<16x1024xf32, #tpu.memory_space<vmem>>, vector<1x16xf32>,
        %swap3A_463 = vector.shape_cast %swap3A_462 : vector<1x16xf32> to vector<16xf32>
        %swap3A_464 = vector.shape_cast %get3A_459 : vector<16xf32> to vector<1x16xf32>
        tpu.vector_store %arg10[%swap3A_460, %swap3A_461], %swap3A_464 {add = true, strides = array<i32>} : memref<16x1024xf32, #tpu.memory_space<vmem>>, vector<1x16xf32>,
        %get3A_465 = arith.index_cast %scan3A_213 : i32 to index
        %get3A_466 = arith.constant 448 : index
        %get3A_467 = tpu.vector_load %arg14[%get3A_465, %get3A_466] {strides = array<i32>} : memref<16x1024xf32, #tpu.memory_space<vmem>>, vector<1x16xf32>,
        %get3A_468 = vector.shape_cast %get3A_467 : vector<1x16xf32> to vector<16xf32>
        %swap3A_469 = arith.index_cast %scan3A_213 : i32 to index
        %swap3A_470 = arith.constant 448 : index
        %swap3A_471 = tpu.vector_load %arg10[%swap3A_469, %swap3A_470] {strides = array<i32>} : memref<16x1024xf32, #tpu.memory_space<vmem>>, vector<1x16xf32>,
        %swap3A_472 = vector.shape_cast %swap3A_471 : vector<1x16xf32> to vector<16xf32>
        %swap3A_473 = vector.shape_cast %get3A_468 : vector<16xf32> to vector<1x16xf32>
        tpu.vector_store %arg10[%swap3A_469, %swap3A_470], %swap3A_473 {add = true, strides = array<i32>} : memref<16x1024xf32, #tpu.memory_space<vmem>>, vector<1x16xf32>,
        %get3A_474 = arith.index_cast %scan3A_213 : i32 to index
        %get3A_475 = arith.constant 464 : index
        %get3A_476 = tpu.vector_load %arg14[%get3A_474, %get3A_475] {strides = array<i32>} : memref<16x1024xf32, #tpu.memory_space<vmem>>, vector<1x16xf32>,
        %get3A_477 = vector.shape_cast %get3A_476 : vector<1x16xf32> to vector<16xf32>
        %swap3A_478 = arith.index_cast %scan3A_213 : i32 to index
        %swap3A_479 = arith.constant 464 : index
        %swap3A_480 = tpu.vector_load %arg10[%swap3A_478, %swap3A_479] {strides = array<i32>} : memref<16x1024xf32, #tpu.memory_space<vmem>>, vector<1x16xf32>,
        %swap3A_481 = vector.shape_cast %swap3A_480 : vector<1x16xf32> to vector<16xf32>
        %swap3A_482 = vector.shape_cast %get3A_477 : vector<16xf32> to vector<1x16xf32>
        tpu.vector_store %arg10[%swap3A_478, %swap3A_479], %swap3A_482 {add = true, strides = array<i32>} : memref<16x1024xf32, #tpu.memory_space<vmem>>, vector<1x16xf32>,
        %get3A_483 = arith.index_cast %scan3A_213 : i32 to index
        %get3A_484 = arith.constant 480 : index
        %get3A_485 = tpu.vector_load %arg14[%get3A_483, %get3A_484] {strides = array<i32>} : memref<16x1024xf32, #tpu.memory_space<vmem>>, vector<1x16xf32>,
        %get3A_486 = vector.shape_cast %get3A_485 : vector<1x16xf32> to vector<16xf32>
        %swap3A_487 = arith.index_cast %scan3A_213 : i32 to index
        %swap3A_488 = arith.constant 480 : index
        %swap3A_489 = tpu.vector_load %arg10[%swap3A_487, %swap3A_488] {strides = array<i32>} : memref<16x1024xf32, #tpu.memory_space<vmem>>, vector<1x16xf32>,
        %swap3A_490 = vector.shape_cast %swap3A_489 : vector<1x16xf32> to vector<16xf32>
        %swap3A_491 = vector.shape_cast %get3A_486 : vector<16xf32> to vector<1x16xf32>
        tpu.vector_store %arg10[%swap3A_487, %swap3A_488], %swap3A_491 {add = true, strides = array<i32>} : memref<16x1024xf32, #tpu.memory_space<vmem>>, vector<1x16xf32>,
        %get3A_492 = arith.index_cast %scan3A_213 : i32 to index
        %get3A_493 = arith.constant 496 : index
        %get3A_494 = tpu.vector_load %arg14[%get3A_492, %get3A_493] {strides = array<i32>} : memref<16x1024xf32, #tpu.memory_space<vmem>>, vector<1x16xf32>,
        %get3A_495 = vector.shape_cast %get3A_494 : vector<1x16xf32> to vector<16xf32>
        %swap3A_496 = arith.index_cast %scan3A_213 : i32 to index
        %swap3A_497 = arith.constant 496 : index
        %swap3A_498 = tpu.vector_load %arg10[%swap3A_496, %swap3A_497] {strides = array<i32>} : memref<16x1024xf32, #tpu.memory_space<vmem>>, vector<1x16xf32>,
        %swap3A_499 = vector.shape_cast %swap3A_498 : vector<1x16xf32> to vector<16xf32>
        %swap3A_500 = vector.shape_cast %get3A_495 : vector<16xf32> to vector<1x16xf32>
        tpu.vector_store %arg10[%swap3A_496, %swap3A_497], %swap3A_500 {add = true, strides = array<i32>} : memref<16x1024xf32, #tpu.memory_space<vmem>>, vector<1x16xf32>,
        %get3A_501 = arith.index_cast %scan3A_213 : i32 to index
        %get3A_502 = arith.constant 512 : index
        %get3A_503 = tpu.vector_load %arg14[%get3A_501, %get3A_502] {strides = array<i32>} : memref<16x1024xf32, #tpu.memory_space<vmem>>, vector<1x16xf32>,
        %get3A_504 = vector.shape_cast %get3A_503 : vector<1x16xf32> to vector<16xf32>
        %swap3A_505 = arith.index_cast %scan3A_213 : i32 to index
        %swap3A_506 = arith.constant 512 : index
        %swap3A_507 = tpu.vector_load %arg10[%swap3A_505, %swap3A_506] {strides = array<i32>} : memref<16x1024xf32, #tpu.memory_space<vmem>>, vector<1x16xf32>,
        %swap3A_508 = vector.shape_cast %swap3A_507 : vector<1x16xf32> to vector<16xf32>
        %swap3A_509 = vector.shape_cast %get3A_504 : vector<16xf32> to vector<1x16xf32>
        tpu.vector_store %arg10[%swap3A_505, %swap3A_506], %swap3A_509 {add = true, strides = array<i32>} : memref<16x1024xf32, #tpu.memory_space<vmem>>, vector<1x16xf32>,
        %get3A_510 = arith.index_cast %scan3A_213 : i32 to index
        %get3A_511 = arith.constant 528 : index
        %get3A_512 = tpu.vector_load %arg14[%get3A_510, %get3A_511] {strides = array<i32>} : memref<16x1024xf32, #tpu.memory_space<vmem>>, vector<1x16xf32>,
        %get3A_513 = vector.shape_cast %get3A_512 : vector<1x16xf32> to vector<16xf32>
        %swap3A_514 = arith.index_cast %scan3A_213 : i32 to index
        %swap3A_515 = arith.constant 528 : index
        %swap3A_516 = tpu.vector_load %arg10[%swap3A_514, %swap3A_515] {strides = array<i32>} : memref<16x1024xf32, #tpu.memory_space<vmem>>, vector<1x16xf32>,
        %swap3A_517 = vector.shape_cast %swap3A_516 : vector<1x16xf32> to vector<16xf32>
        %swap3A_518 = vector.shape_cast %get3A_513 : vector<16xf32> to vector<1x16xf32>
        tpu.vector_store %arg10[%swap3A_514, %swap3A_515], %swap3A_518 {add = true, strides = array<i32>} : memref<16x1024xf32, #tpu.memory_space<vmem>>, vector<1x16xf32>,
        %get3A_519 = arith.index_cast %scan3A_213 : i32 to index
        %get3A_520 = arith.constant 544 : index
        %get3A_521 = tpu.vector_load %arg14[%get3A_519, %get3A_520] {strides = array<i32>} : memref<16x1024xf32, #tpu.memory_space<vmem>>, vector<1x16xf32>,
        %get3A_522 = vector.shape_cast %get3A_521 : vector<1x16xf32> to vector<16xf32>
        %swap3A_523 = arith.index_cast %scan3A_213 : i32 to index
        %swap3A_524 = arith.constant 544 : index
        %swap3A_525 = tpu.vector_load %arg10[%swap3A_523, %swap3A_524] {strides = array<i32>} : memref<16x1024xf32, #tpu.memory_space<vmem>>, vector<1x16xf32>,
        %swap3A_526 = vector.shape_cast %swap3A_525 : vector<1x16xf32> to vector<16xf32>
        %swap3A_527 = vector.shape_cast %get3A_522 : vector<16xf32> to vector<1x16xf32>
        tpu.vector_store %arg10[%swap3A_523, %swap3A_524], %swap3A_527 {add = true, strides = array<i32>} : memref<16x1024xf32, #tpu.memory_space<vmem>>, vector<1x16xf32>,
        %get3A_528 = arith.index_cast %scan3A_213 : i32 to index
        %get3A_529 = arith.constant 560 : index
        %get3A_530 = tpu.vector_load %arg14[%get3A_528, %get3A_529] {strides = array<i32>} : memref<16x1024xf32, #tpu.memory_space<vmem>>, vector<1x16xf32>,
        %get3A_531 = vector.shape_cast %get3A_530 : vector<1x16xf32> to vector<16xf32>
        %swap3A_532 = arith.index_cast %scan3A_213 : i32 to index
        %swap3A_533 = arith.constant 560 : index
        %swap3A_534 = tpu.vector_load %arg10[%swap3A_532, %swap3A_533] {strides = array<i32>} : memref<16x1024xf32, #tpu.memory_space<vmem>>, vector<1x16xf32>,
        %swap3A_535 = vector.shape_cast %swap3A_534 : vector<1x16xf32> to vector<16xf32>
        %swap3A_536 = vector.shape_cast %get3A_531 : vector<16xf32> to vector<1x16xf32>
        tpu.vector_store %arg10[%swap3A_532, %swap3A_533], %swap3A_536 {add = true, strides = array<i32>} : memref<16x1024xf32, #tpu.memory_space<vmem>>, vector<1x16xf32>,
        %get3A_537 = arith.index_cast %scan3A_213 : i32 to index
        %get3A_538 = arith.constant 576 : index
        %get3A_539 = tpu.vector_load %arg14[%get3A_537, %get3A_538] {strides = array<i32>} : memref<16x1024xf32, #tpu.memory_space<vmem>>, vector<1x16xf32>,
        %get3A_540 = vector.shape_cast %get3A_539 : vector<1x16xf32> to vector<16xf32>
        %swap3A_541 = arith.index_cast %scan3A_213 : i32 to index
        %swap3A_542 = arith.constant 576 : index
        %swap3A_543 = tpu.vector_load %arg10[%swap3A_541, %swap3A_542] {strides = array<i32>} : memref<16x1024xf32, #tpu.memory_space<vmem>>, vector<1x16xf32>,
        %swap3A_544 = vector.shape_cast %swap3A_543 : vector<1x16xf32> to vector<16xf32>
        %swap3A_545 = vector.shape_cast %get3A_540 : vector<16xf32> to vector<1x16xf32>
        tpu.vector_store %arg10[%swap3A_541, %swap3A_542], %swap3A_545 {add = true, strides = array<i32>} : memref<16x1024xf32, #tpu.memory_space<vmem>>, vector<1x16xf32>,
        %get3A_546 = arith.index_cast %scan3A_213 : i32 to index
        %get3A_547 = arith.constant 592 : index
        %get3A_548 = tpu.vector_load %arg14[%get3A_546, %get3A_547] {strides = array<i32>} : memref<16x1024xf32, #tpu.memory_space<vmem>>, vector<1x16xf32>,
        %get3A_549 = vector.shape_cast %get3A_548 : vector<1x16xf32> to vector<16xf32>
        %swap3A_550 = arith.index_cast %scan3A_213 : i32 to index
        %swap3A_551 = arith.constant 592 : index
        %swap3A_552 = tpu.vector_load %arg10[%swap3A_550, %swap3A_551] {strides = array<i32>} : memref<16x1024xf32, #tpu.memory_space<vmem>>, vector<1x16xf32>,
        %swap3A_553 = vector.shape_cast %swap3A_552 : vector<1x16xf32> to vector<16xf32>
        %swap3A_554 = vector.shape_cast %get3A_549 : vector<16xf32> to vector<1x16xf32>
        tpu.vector_store %arg10[%swap3A_550, %swap3A_551], %swap3A_554 {add = true, strides = array<i32>} : memref<16x1024xf32, #tpu.memory_space<vmem>>, vector<1x16xf32>,
        %get3A_555 = arith.index_cast %scan3A_213 : i32 to index
        %get3A_556 = arith.constant 608 : index
        %get3A_557 = tpu.vector_load %arg14[%get3A_555, %get3A_556] {strides = array<i32>} : memref<16x1024xf32, #tpu.memory_space<vmem>>, vector<1x16xf32>,
        %get3A_558 = vector.shape_cast %get3A_557 : vector<1x16xf32> to vector<16xf32>
        %swap3A_559 = arith.index_cast %scan3A_213 : i32 to index
        %swap3A_560 = arith.constant 608 : index
        %swap3A_561 = tpu.vector_load %arg10[%swap3A_559, %swap3A_560] {strides = array<i32>} : memref<16x1024xf32, #tpu.memory_space<vmem>>, vector<1x16xf32>,
        %swap3A_562 = vector.shape_cast %swap3A_561 : vector<1x16xf32> to vector<16xf32>
        %swap3A_563 = vector.shape_cast %get3A_558 : vector<16xf32> to vector<1x16xf32>
        tpu.vector_store %arg10[%swap3A_559, %swap3A_560], %swap3A_563 {add = true, strides = array<i32>} : memref<16x1024xf32, #tpu.memory_space<vmem>>, vector<1x16xf32>,
        %get3A_564 = arith.index_cast %scan3A_213 : i32 to index
        %get3A_565 = arith.constant 624 : index
        %get3A_566 = tpu.vector_load %arg14[%get3A_564, %get3A_565] {strides = array<i32>} : memref<16x1024xf32, #tpu.memory_space<vmem>>, vector<1x16xf32>,
        %get3A_567 = vector.shape_cast %get3A_566 : vector<1x16xf32> to vector<16xf32>
        %swap3A_568 = arith.index_cast %scan3A_213 : i32 to index
        %swap3A_569 = arith.constant 624 : index
        %swap3A_570 = tpu.vector_load %arg10[%swap3A_568, %swap3A_569] {strides = array<i32>} : memref<16x1024xf32, #tpu.memory_space<vmem>>, vector<1x16xf32>,
        %swap3A_571 = vector.shape_cast %swap3A_570 : vector<1x16xf32> to vector<16xf32>
        %swap3A_572 = vector.shape_cast %get3A_567 : vector<16xf32> to vector<1x16xf32>
        tpu.vector_store %arg10[%swap3A_568, %swap3A_569], %swap3A_572 {add = true, strides = array<i32>} : memref<16x1024xf32, #tpu.memory_space<vmem>>, vector<1x16xf32>,
        %get3A_573 = arith.index_cast %scan3A_213 : i32 to index
        %get3A_574 = arith.constant 640 : index
        %get3A_575 = tpu.vector_load %arg14[%get3A_573, %get3A_574] {strides = array<i32>} : memref<16x1024xf32, #tpu.memory_space<vmem>>, vector<1x16xf32>,
        %get3A_576 = vector.shape_cast %get3A_575 : vector<1x16xf32> to vector<16xf32>
        %swap3A_577 = arith.index_cast %scan3A_213 : i32 to index
        %swap3A_578 = arith.constant 640 : index
        %swap3A_579 = tpu.vector_load %arg10[%swap3A_577, %swap3A_578] {strides = array<i32>} : memref<16x1024xf32, #tpu.memory_space<vmem>>, vector<1x16xf32>,
        %swap3A_580 = vector.shape_cast %swap3A_579 : vector<1x16xf32> to vector<16xf32>
        %swap3A_581 = vector.shape_cast %get3A_576 : vector<16xf32> to vector<1x16xf32>
        tpu.vector_store %arg10[%swap3A_577, %swap3A_578], %swap3A_581 {add = true, strides = array<i32>} : memref<16x1024xf32, #tpu.memory_space<vmem>>, vector<1x16xf32>,
        %get3A_582 = arith.index_cast %scan3A_213 : i32 to index
        %get3A_583 = arith.constant 656 : index
        %get3A_584 = tpu.vector_load %arg14[%get3A_582, %get3A_583] {strides = array<i32>} : memref<16x1024xf32, #tpu.memory_space<vmem>>, vector<1x16xf32>,
        %get3A_585 = vector.shape_cast %get3A_584 : vector<1x16xf32> to vector<16xf32>
        %swap3A_586 = arith.index_cast %scan3A_213 : i32 to index
        %swap3A_587 = arith.constant 656 : index
        %swap3A_588 = tpu.vector_load %arg10[%swap3A_586, %swap3A_587] {strides = array<i32>} : memref<16x1024xf32, #tpu.memory_space<vmem>>, vector<1x16xf32>,
        %swap3A_589 = vector.shape_cast %swap3A_588 : vector<1x16xf32> to vector<16xf32>
        %swap3A_590 = vector.shape_cast %get3A_585 : vector<16xf32> to vector<1x16xf32>
        tpu.vector_store %arg10[%swap3A_586, %swap3A_587], %swap3A_590 {add = true, strides = array<i32>} : memref<16x1024xf32, #tpu.memory_space<vmem>>, vector<1x16xf32>,
        %get3A_591 = arith.index_cast %scan3A_213 : i32 to index
        %get3A_592 = arith.constant 672 : index
        %get3A_593 = tpu.vector_load %arg14[%get3A_591, %get3A_592] {strides = array<i32>} : memref<16x1024xf32, #tpu.memory_space<vmem>>, vector<1x16xf32>,
        %get3A_594 = vector.shape_cast %get3A_593 : vector<1x16xf32> to vector<16xf32>
        %swap3A_595 = arith.index_cast %scan3A_213 : i32 to index
        %swap3A_596 = arith.constant 672 : index
        %swap3A_597 = tpu.vector_load %arg10[%swap3A_595, %swap3A_596] {strides = array<i32>} : memref<16x1024xf32, #tpu.memory_space<vmem>>, vector<1x16xf32>,
        %swap3A_598 = vector.shape_cast %swap3A_597 : vector<1x16xf32> to vector<16xf32>
        %swap3A_599 = vector.shape_cast %get3A_594 : vector<16xf32> to vector<1x16xf32>
        tpu.vector_store %arg10[%swap3A_595, %swap3A_596], %swap3A_599 {add = true, strides = array<i32>} : memref<16x1024xf32, #tpu.memory_space<vmem>>, vector<1x16xf32>,
        %get3A_600 = arith.index_cast %scan3A_213 : i32 to index
        %get3A_601 = arith.constant 688 : index
        %get3A_602 = tpu.vector_load %arg14[%get3A_600, %get3A_601] {strides = array<i32>} : memref<16x1024xf32, #tpu.memory_space<vmem>>, vector<1x16xf32>,
        %get3A_603 = vector.shape_cast %get3A_602 : vector<1x16xf32> to vector<16xf32>
        %swap3A_604 = arith.index_cast %scan3A_213 : i32 to index
        %swap3A_605 = arith.constant 688 : index
        %swap3A_606 = tpu.vector_load %arg10[%swap3A_604, %swap3A_605] {strides = array<i32>} : memref<16x1024xf32, #tpu.memory_space<vmem>>, vector<1x16xf32>,
        %swap3A_607 = vector.shape_cast %swap3A_606 : vector<1x16xf32> to vector<16xf32>
        %swap3A_608 = vector.shape_cast %get3A_603 : vector<16xf32> to vector<1x16xf32>
        tpu.vector_store %arg10[%swap3A_604, %swap3A_605], %swap3A_608 {add = true, strides = array<i32>} : memref<16x1024xf32, #tpu.memory_space<vmem>>, vector<1x16xf32>,
        %get3A_609 = arith.index_cast %scan3A_213 : i32 to index
        %get3A_610 = arith.constant 704 : index
        %get3A_611 = tpu.vector_load %arg14[%get3A_609, %get3A_610] {strides = array<i32>} : memref<16x1024xf32, #tpu.memory_space<vmem>>, vector<1x16xf32>,
        %get3A_612 = vector.shape_cast %get3A_611 : vector<1x16xf32> to vector<16xf32>
        %swap3A_613 = arith.index_cast %scan3A_213 : i32 to index
        %swap3A_614 = arith.constant 704 : index
        %swap3A_615 = tpu.vector_load %arg10[%swap3A_613, %swap3A_614] {strides = array<i32>} : memref<16x1024xf32, #tpu.memory_space<vmem>>, vector<1x16xf32>,
        %swap3A_616 = vector.shape_cast %swap3A_615 : vector<1x16xf32> to vector<16xf32>
        %swap3A_617 = vector.shape_cast %get3A_612 : vector<16xf32> to vector<1x16xf32>
        tpu.vector_store %arg10[%swap3A_613, %swap3A_614], %swap3A_617 {add = true, strides = array<i32>} : memref<16x1024xf32, #tpu.memory_space<vmem>>, vector<1x16xf32>,
        %get3A_618 = arith.index_cast %scan3A_213 : i32 to index
        %get3A_619 = arith.constant 720 : index
        %get3A_620 = tpu.vector_load %arg14[%get3A_618, %get3A_619] {strides = array<i32>} : memref<16x1024xf32, #tpu.memory_space<vmem>>, vector<1x16xf32>,
        %get3A_621 = vector.shape_cast %get3A_620 : vector<1x16xf32> to vector<16xf32>
        %swap3A_622 = arith.index_cast %scan3A_213 : i32 to index
        %swap3A_623 = arith.constant 720 : index
        %swap3A_624 = tpu.vector_load %arg10[%swap3A_622, %swap3A_623] {strides = array<i32>} : memref<16x1024xf32, #tpu.memory_space<vmem>>, vector<1x16xf32>,
        %swap3A_625 = vector.shape_cast %swap3A_624 : vector<1x16xf32> to vector<16xf32>
        %swap3A_626 = vector.shape_cast %get3A_621 : vector<16xf32> to vector<1x16xf32>
        tpu.vector_store %arg10[%swap3A_622, %swap3A_623], %swap3A_626 {add = true, strides = array<i32>} : memref<16x1024xf32, #tpu.memory_space<vmem>>, vector<1x16xf32>,
        %get3A_627 = arith.index_cast %scan3A_213 : i32 to index
        %get3A_628 = arith.constant 736 : index
        %get3A_629 = tpu.vector_load %arg14[%get3A_627, %get3A_628] {strides = array<i32>} : memref<16x1024xf32, #tpu.memory_space<vmem>>, vector<1x16xf32>,
        %get3A_630 = vector.shape_cast %get3A_629 : vector<1x16xf32> to vector<16xf32>
        %swap3A_631 = arith.index_cast %scan3A_213 : i32 to index
        %swap3A_632 = arith.constant 736 : index
        %swap3A_633 = tpu.vector_load %arg10[%swap3A_631, %swap3A_632] {strides = array<i32>} : memref<16x1024xf32, #tpu.memory_space<vmem>>, vector<1x16xf32>,
        %swap3A_634 = vector.shape_cast %swap3A_633 : vector<1x16xf32> to vector<16xf32>
        %swap3A_635 = vector.shape_cast %get3A_630 : vector<16xf32> to vector<1x16xf32>
        tpu.vector_store %arg10[%swap3A_631, %swap3A_632], %swap3A_635 {add = true, strides = array<i32>} : memref<16x1024xf32, #tpu.memory_space<vmem>>, vector<1x16xf32>,
        %get3A_636 = arith.index_cast %scan3A_213 : i32 to index
        %get3A_637 = arith.constant 752 : index
        %get3A_638 = tpu.vector_load %arg14[%get3A_636, %get3A_637] {strides = array<i32>} : memref<16x1024xf32, #tpu.memory_space<vmem>>, vector<1x16xf32>,
        %get3A_639 = vector.shape_cast %get3A_638 : vector<1x16xf32> to vector<16xf32>
        %swap3A_640 = arith.index_cast %scan3A_213 : i32 to index
        %swap3A_641 = arith.constant 752 : index
        %swap3A_642 = tpu.vector_load %arg10[%swap3A_640, %swap3A_641] {strides = array<i32>} : memref<16x1024xf32, #tpu.memory_space<vmem>>, vector<1x16xf32>,
        %swap3A_643 = vector.shape_cast %swap3A_642 : vector<1x16xf32> to vector<16xf32>
        %swap3A_644 = vector.shape_cast %get3A_639 : vector<16xf32> to vector<1x16xf32>
        tpu.vector_store %arg10[%swap3A_640, %swap3A_641], %swap3A_644 {add = true, strides = array<i32>} : memref<16x1024xf32, #tpu.memory_space<vmem>>, vector<1x16xf32>,
        %get3A_645 = arith.index_cast %scan3A_213 : i32 to index
        %get3A_646 = arith.constant 768 : index
        %get3A_647 = tpu.vector_load %arg14[%get3A_645, %get3A_646] {strides = array<i32>} : memref<16x1024xf32, #tpu.memory_space<vmem>>, vector<1x16xf32>,
        %get3A_648 = vector.shape_cast %get3A_647 : vector<1x16xf32> to vector<16xf32>
        %swap3A_649 = arith.index_cast %scan3A_213 : i32 to index
        %swap3A_650 = arith.constant 768 : index
        %swap3A_651 = tpu.vector_load %arg10[%swap3A_649, %swap3A_650] {strides = array<i32>} : memref<16x1024xf32, #tpu.memory_space<vmem>>, vector<1x16xf32>,
        %swap3A_652 = vector.shape_cast %swap3A_651 : vector<1x16xf32> to vector<16xf32>
        %swap3A_653 = vector.shape_cast %get3A_648 : vector<16xf32> to vector<1x16xf32>
        tpu.vector_store %arg10[%swap3A_649, %swap3A_650], %swap3A_653 {add = true, strides = array<i32>} : memref<16x1024xf32, #tpu.memory_space<vmem>>, vector<1x16xf32>,
        %get3A_654 = arith.index_cast %scan3A_213 : i32 to index
        %get3A_655 = arith.constant 784 : index
        %get3A_656 = tpu.vector_load %arg14[%get3A_654, %get3A_655] {strides = array<i32>} : memref<16x1024xf32, #tpu.memory_space<vmem>>, vector<1x16xf32>,
        %get3A_657 = vector.shape_cast %get3A_656 : vector<1x16xf32> to vector<16xf32>
        %swap3A_658 = arith.index_cast %scan3A_213 : i32 to index
        %swap3A_659 = arith.constant 784 : index
        %swap3A_660 = tpu.vector_load %arg10[%swap3A_658, %swap3A_659] {strides = array<i32>} : memref<16x1024xf32, #tpu.memory_space<vmem>>, vector<1x16xf32>,
        %swap3A_661 = vector.shape_cast %swap3A_660 : vector<1x16xf32> to vector<16xf32>
        %swap3A_662 = vector.shape_cast %get3A_657 : vector<16xf32> to vector<1x16xf32>
        tpu.vector_store %arg10[%swap3A_658, %swap3A_659], %swap3A_662 {add = true, strides = array<i32>} : memref<16x1024xf32, #tpu.memory_space<vmem>>, vector<1x16xf32>,
        %get3A_663 = arith.index_cast %scan3A_213 : i32 to index
        %get3A_664 = arith.constant 800 : index
        %get3A_665 = tpu.vector_load %arg14[%get3A_663, %get3A_664] {strides = array<i32>} : memref<16x1024xf32, #tpu.memory_space<vmem>>, vector<1x16xf32>,
        %get3A_666 = vector.shape_cast %get3A_665 : vector<1x16xf32> to vector<16xf32>
        %swap3A_667 = arith.index_cast %scan3A_213 : i32 to index
        %swap3A_668 = arith.constant 800 : index
        %swap3A_669 = tpu.vector_load %arg10[%swap3A_667, %swap3A_668] {strides = array<i32>} : memref<16x1024xf32, #tpu.memory_space<vmem>>, vector<1x16xf32>,
        %swap3A_670 = vector.shape_cast %swap3A_669 : vector<1x16xf32> to vector<16xf32>
        %swap3A_671 = vector.shape_cast %get3A_666 : vector<16xf32> to vector<1x16xf32>
        tpu.vector_store %arg10[%swap3A_667, %swap3A_668], %swap3A_671 {add = true, strides = array<i32>} : memref<16x1024xf32, #tpu.memory_space<vmem>>, vector<1x16xf32>,
        %get3A_672 = arith.index_cast %scan3A_213 : i32 to index
        %get3A_673 = arith.constant 816 : index
        %get3A_674 = tpu.vector_load %arg14[%get3A_672, %get3A_673] {strides = array<i32>} : memref<16x1024xf32, #tpu.memory_space<vmem>>, vector<1x16xf32>,
        %get3A_675 = vector.shape_cast %get3A_674 : vector<1x16xf32> to vector<16xf32>
        %swap3A_676 = arith.index_cast %scan3A_213 : i32 to index
        %swap3A_677 = arith.constant 816 : index
        %swap3A_678 = tpu.vector_load %arg10[%swap3A_676, %swap3A_677] {strides = array<i32>} : memref<16x1024xf32, #tpu.memory_space<vmem>>, vector<1x16xf32>,
        %swap3A_679 = vector.shape_cast %swap3A_678 : vector<1x16xf32> to vector<16xf32>
        %swap3A_680 = vector.shape_cast %get3A_675 : vector<16xf32> to vector<1x16xf32>
        tpu.vector_store %arg10[%swap3A_676, %swap3A_677], %swap3A_680 {add = true, strides = array<i32>} : memref<16x1024xf32, #tpu.memory_space<vmem>>, vector<1x16xf32>,
        %get3A_681 = arith.index_cast %scan3A_213 : i32 to index
        %get3A_682 = arith.constant 832 : index
        %get3A_683 = tpu.vector_load %arg14[%get3A_681, %get3A_682] {strides = array<i32>} : memref<16x1024xf32, #tpu.memory_space<vmem>>, vector<1x16xf32>,
        %get3A_684 = vector.shape_cast %get3A_683 : vector<1x16xf32> to vector<16xf32>
        %swap3A_685 = arith.index_cast %scan3A_213 : i32 to index
        %swap3A_686 = arith.constant 832 : index
        %swap3A_687 = tpu.vector_load %arg10[%swap3A_685, %swap3A_686] {strides = array<i32>} : memref<16x1024xf32, #tpu.memory_space<vmem>>, vector<1x16xf32>,
        %swap3A_688 = vector.shape_cast %swap3A_687 : vector<1x16xf32> to vector<16xf32>
        %swap3A_689 = vector.shape_cast %get3A_684 : vector<16xf32> to vector<1x16xf32>
        tpu.vector_store %arg10[%swap3A_685, %swap3A_686], %swap3A_689 {add = true, strides = array<i32>} : memref<16x1024xf32, #tpu.memory_space<vmem>>, vector<1x16xf32>,
        %get3A_690 = arith.index_cast %scan3A_213 : i32 to index
        %get3A_691 = arith.constant 848 : index
        %get3A_692 = tpu.vector_load %arg14[%get3A_690, %get3A_691] {strides = array<i32>} : memref<16x1024xf32, #tpu.memory_space<vmem>>, vector<1x16xf32>,
        %get3A_693 = vector.shape_cast %get3A_692 : vector<1x16xf32> to vector<16xf32>
        %swap3A_694 = arith.index_cast %scan3A_213 : i32 to index
        %swap3A_695 = arith.constant 848 : index
        %swap3A_696 = tpu.vector_load %arg10[%swap3A_694, %swap3A_695] {strides = array<i32>} : memref<16x1024xf32, #tpu.memory_space<vmem>>, vector<1x16xf32>,
        %swap3A_697 = vector.shape_cast %swap3A_696 : vector<1x16xf32> to vector<16xf32>
        %swap3A_698 = vector.shape_cast %get3A_693 : vector<16xf32> to vector<1x16xf32>
        tpu.vector_store %arg10[%swap3A_694, %swap3A_695], %swap3A_698 {add = true, strides = array<i32>} : memref<16x1024xf32, #tpu.memory_space<vmem>>, vector<1x16xf32>,
        %get3A_699 = arith.index_cast %scan3A_213 : i32 to index
        %get3A_700 = arith.constant 864 : index
        %get3A_701 = tpu.vector_load %arg14[%get3A_699, %get3A_700] {strides = array<i32>} : memref<16x1024xf32, #tpu.memory_space<vmem>>, vector<1x16xf32>,
        %get3A_702 = vector.shape_cast %get3A_701 : vector<1x16xf32> to vector<16xf32>
        %swap3A_703 = arith.index_cast %scan3A_213 : i32 to index
        %swap3A_704 = arith.constant 864 : index
        %swap3A_705 = tpu.vector_load %arg10[%swap3A_703, %swap3A_704] {strides = array<i32>} : memref<16x1024xf32, #tpu.memory_space<vmem>>, vector<1x16xf32>,
        %swap3A_706 = vector.shape_cast %swap3A_705 : vector<1x16xf32> to vector<16xf32>
        %swap3A_707 = vector.shape_cast %get3A_702 : vector<16xf32> to vector<1x16xf32>
        tpu.vector_store %arg10[%swap3A_703, %swap3A_704], %swap3A_707 {add = true, strides = array<i32>} : memref<16x1024xf32, #tpu.memory_space<vmem>>, vector<1x16xf32>,
        %get3A_708 = arith.index_cast %scan3A_213 : i32 to index
        %get3A_709 = arith.constant 880 : index
        %get3A_710 = tpu.vector_load %arg14[%get3A_708, %get3A_709] {strides = array<i32>} : memref<16x1024xf32, #tpu.memory_space<vmem>>, vector<1x16xf32>,
        %get3A_711 = vector.shape_cast %get3A_710 : vector<1x16xf32> to vector<16xf32>
        %swap3A_712 = arith.index_cast %scan3A_213 : i32 to index
        %swap3A_713 = arith.constant 880 : index
        %swap3A_714 = tpu.vector_load %arg10[%swap3A_712, %swap3A_713] {strides = array<i32>} : memref<16x1024xf32, #tpu.memory_space<vmem>>, vector<1x16xf32>,
        %swap3A_715 = vector.shape_cast %swap3A_714 : vector<1x16xf32> to vector<16xf32>
        %swap3A_716 = vector.shape_cast %get3A_711 : vector<16xf32> to vector<1x16xf32>
        tpu.vector_store %arg10[%swap3A_712, %swap3A_713], %swap3A_716 {add = true, strides = array<i32>} : memref<16x1024xf32, #tpu.memory_space<vmem>>, vector<1x16xf32>,
        %get3A_717 = arith.index_cast %scan3A_213 : i32 to index
        %get3A_718 = arith.constant 896 : index
        %get3A_719 = tpu.vector_load %arg14[%get3A_717, %get3A_718] {strides = array<i32>} : memref<16x1024xf32, #tpu.memory_space<vmem>>, vector<1x16xf32>,
        %get3A_720 = vector.shape_cast %get3A_719 : vector<1x16xf32> to vector<16xf32>
        %swap3A_721 = arith.index_cast %scan3A_213 : i32 to index
        %swap3A_722 = arith.constant 896 : index
        %swap3A_723 = tpu.vector_load %arg10[%swap3A_721, %swap3A_722] {strides = array<i32>} : memref<16x1024xf32, #tpu.memory_space<vmem>>, vector<1x16xf32>,
        %swap3A_724 = vector.shape_cast %swap3A_723 : vector<1x16xf32> to vector<16xf32>
        %swap3A_725 = vector.shape_cast %get3A_720 : vector<16xf32> to vector<1x16xf32>
        tpu.vector_store %arg10[%swap3A_721, %swap3A_722], %swap3A_725 {add = true, strides = array<i32>} : memref<16x1024xf32, #tpu.memory_space<vmem>>, vector<1x16xf32>,
        %get3A_726 = arith.index_cast %scan3A_213 : i32 to index
        %get3A_727 = arith.constant 912 : index
        %get3A_728 = tpu.vector_load %arg14[%get3A_726, %get3A_727] {strides = array<i32>} : memref<16x1024xf32, #tpu.memory_space<vmem>>, vector<1x16xf32>,
        %get3A_729 = vector.shape_cast %get3A_728 : vector<1x16xf32> to vector<16xf32>
        %swap3A_730 = arith.index_cast %scan3A_213 : i32 to index
        %swap3A_731 = arith.constant 912 : index
        %swap3A_732 = tpu.vector_load %arg10[%swap3A_730, %swap3A_731] {strides = array<i32>} : memref<16x1024xf32, #tpu.memory_space<vmem>>, vector<1x16xf32>,
        %swap3A_733 = vector.shape_cast %swap3A_732 : vector<1x16xf32> to vector<16xf32>
        %swap3A_734 = vector.shape_cast %get3A_729 : vector<16xf32> to vector<1x16xf32>
        tpu.vector_store %arg10[%swap3A_730, %swap3A_731], %swap3A_734 {add = true, strides = array<i32>} : memref<16x1024xf32, #tpu.memory_space<vmem>>, vector<1x16xf32>,
        %get3A_735 = arith.index_cast %scan3A_213 : i32 to index
        %get3A_736 = arith.constant 928 : index
        %get3A_737 = tpu.vector_load %arg14[%get3A_735, %get3A_736] {strides = array<i32>} : memref<16x1024xf32, #tpu.memory_space<vmem>>, vector<1x16xf32>,
        %get3A_738 = vector.shape_cast %get3A_737 : vector<1x16xf32> to vector<16xf32>
        %swap3A_739 = arith.index_cast %scan3A_213 : i32 to index
        %swap3A_740 = arith.constant 928 : index
        %swap3A_741 = tpu.vector_load %arg10[%swap3A_739, %swap3A_740] {strides = array<i32>} : memref<16x1024xf32, #tpu.memory_space<vmem>>, vector<1x16xf32>,
        %swap3A_742 = vector.shape_cast %swap3A_741 : vector<1x16xf32> to vector<16xf32>
        %swap3A_743 = vector.shape_cast %get3A_738 : vector<16xf32> to vector<1x16xf32>
        tpu.vector_store %arg10[%swap3A_739, %swap3A_740], %swap3A_743 {add = true, strides = array<i32>} : memref<16x1024xf32, #tpu.memory_space<vmem>>, vector<1x16xf32>,
        %get3A_744 = arith.index_cast %scan3A_213 : i32 to index
        %get3A_745 = arith.constant 944 : index
        %get3A_746 = tpu.vector_load %arg14[%get3A_744, %get3A_745] {strides = array<i32>} : memref<16x1024xf32, #tpu.memory_space<vmem>>, vector<1x16xf32>,
        %get3A_747 = vector.shape_cast %get3A_746 : vector<1x16xf32> to vector<16xf32>
        %swap3A_748 = arith.index_cast %scan3A_213 : i32 to index
        %swap3A_749 = arith.constant 944 : index
        %swap3A_750 = tpu.vector_load %arg10[%swap3A_748, %swap3A_749] {strides = array<i32>} : memref<16x1024xf32, #tpu.memory_space<vmem>>, vector<1x16xf32>,
        %swap3A_751 = vector.shape_cast %swap3A_750 : vector<1x16xf32> to vector<16xf32>
        %swap3A_752 = vector.shape_cast %get3A_747 : vector<16xf32> to vector<1x16xf32>
        tpu.vector_store %arg10[%swap3A_748, %swap3A_749], %swap3A_752 {add = true, strides = array<i32>} : memref<16x1024xf32, #tpu.memory_space<vmem>>, vector<1x16xf32>,
        %get3A_753 = arith.index_cast %scan3A_213 : i32 to index
        %get3A_754 = arith.constant 960 : index
        %get3A_755 = tpu.vector_load %arg14[%get3A_753, %get3A_754] {strides = array<i32>} : memref<16x1024xf32, #tpu.memory_space<vmem>>, vector<1x16xf32>,
        %get3A_756 = vector.shape_cast %get3A_755 : vector<1x16xf32> to vector<16xf32>
        %swap3A_757 = arith.index_cast %scan3A_213 : i32 to index
        %swap3A_758 = arith.constant 960 : index
        %swap3A_759 = tpu.vector_load %arg10[%swap3A_757, %swap3A_758] {strides = array<i32>} : memref<16x1024xf32, #tpu.memory_space<vmem>>, vector<1x16xf32>,
        %swap3A_760 = vector.shape_cast %swap3A_759 : vector<1x16xf32> to vector<16xf32>
        %swap3A_761 = vector.shape_cast %get3A_756 : vector<16xf32> to vector<1x16xf32>
        tpu.vector_store %arg10[%swap3A_757, %swap3A_758], %swap3A_761 {add = true, strides = array<i32>} : memref<16x1024xf32, #tpu.memory_space<vmem>>, vector<1x16xf32>,
        %get3A_762 = arith.index_cast %scan3A_213 : i32 to index
        %get3A_763 = arith.constant 976 : index
        %get3A_764 = tpu.vector_load %arg14[%get3A_762, %get3A_763] {strides = array<i32>} : memref<16x1024xf32, #tpu.memory_space<vmem>>, vector<1x16xf32>,
        %get3A_765 = vector.shape_cast %get3A_764 : vector<1x16xf32> to vector<16xf32>
        %swap3A_766 = arith.index_cast %scan3A_213 : i32 to index
        %swap3A_767 = arith.constant 976 : index
        %swap3A_768 = tpu.vector_load %arg10[%swap3A_766, %swap3A_767] {strides = array<i32>} : memref<16x1024xf32, #tpu.memory_space<vmem>>, vector<1x16xf32>,
        %swap3A_769 = vector.shape_cast %swap3A_768 : vector<1x16xf32> to vector<16xf32>
        %swap3A_770 = vector.shape_cast %get3A_765 : vector<16xf32> to vector<1x16xf32>
        tpu.vector_store %arg10[%swap3A_766, %swap3A_767], %swap3A_770 {add = true, strides = array<i32>} : memref<16x1024xf32, #tpu.memory_space<vmem>>, vector<1x16xf32>,
        %get3A_771 = arith.index_cast %scan3A_213 : i32 to index
        %get3A_772 = arith.constant 992 : index
        %get3A_773 = tpu.vector_load %arg14[%get3A_771, %get3A_772] {strides = array<i32>} : memref<16x1024xf32, #tpu.memory_space<vmem>>, vector<1x16xf32>,
        %get3A_774 = vector.shape_cast %get3A_773 : vector<1x16xf32> to vector<16xf32>
        %swap3A_775 = arith.index_cast %scan3A_213 : i32 to index
        %swap3A_776 = arith.constant 992 : index
        %swap3A_777 = tpu.vector_load %arg10[%swap3A_775, %swap3A_776] {strides = array<i32>} : memref<16x1024xf32, #tpu.memory_space<vmem>>, vector<1x16xf32>,
        %swap3A_778 = vector.shape_cast %swap3A_777 : vector<1x16xf32> to vector<16xf32>
        %swap3A_779 = vector.shape_cast %get3A_774 : vector<16xf32> to vector<1x16xf32>
        tpu.vector_store %arg10[%swap3A_775, %swap3A_776], %swap3A_779 {add = true, strides = array<i32>} : memref<16x1024xf32, #tpu.memory_space<vmem>>, vector<1x16xf32>,
        %get3A_780 = arith.index_cast %scan3A_213 : i32 to index
        %get3A_781 = arith.constant 1008 : index
        %get3A_782 = tpu.vector_load %arg14[%get3A_780, %get3A_781] {strides = array<i32>} : memref<16x1024xf32, #tpu.memory_space<vmem>>, vector<1x16xf32>,
        %get3A_783 = vector.shape_cast %get3A_782 : vector<1x16xf32> to vector<16xf32>
        %swap3A_784 = arith.index_cast %scan3A_213 : i32 to index
        %swap3A_785 = arith.constant 1008 : index
        %swap3A_786 = tpu.vector_load %arg10[%swap3A_784, %swap3A_785] {strides = array<i32>} : memref<16x1024xf32, #tpu.memory_space<vmem>>, vector<1x16xf32>,
        %swap3A_787 = vector.shape_cast %swap3A_786 : vector<1x16xf32> to vector<16xf32>
        %swap3A_788 = vector.shape_cast %get3A_783 : vector<16xf32> to vector<1x16xf32>
        tpu.vector_store %arg10[%swap3A_784, %swap3A_785], %swap3A_788 {add = true, strides = array<i32>} : memref<16x1024xf32, #tpu.memory_space<vmem>>, vector<1x16xf32>,
        %scan3A_789 = arith.constant 0 : i32
        scf.yield %scan3A_789 : i32
      }
      %scan3A_154 = arith.constant 16 : i32
      %add3A_155 = arith.constant 1 : i32
      %add3A_156 = arith.addi %mul3A_35, %add3A_155 : i32
      %mul3A_157 = arith.constant 16 : i32
      %mul3A_158 = arith.muli %add3A_156, %mul3A_157 : i32
      %add3A_159 = arith.addi %mul3A_2, %mul3A_158 : i32
      %dma_start3A_160 = arith.constant 0 : i32
      %dma_start3A_161 = tpu.memref_slice %arg6[%add3A_159, %dma_start3A_160] : memref<8192x1024xf32, #tpu.memory_space<hbm>> -> memref<16x1024xf32, #tpu.memory_space<hbm>>
      %dma_start3A_162 = arith.constant 0 : i32
      %dma_start3A_163 = tpu.memref_slice %arg6[%add3A_159, %dma_start3A_162] : memref<8192x1024xf32, #tpu.memory_space<hbm>> -> memref<16x1024xf32, #tpu.memory_space<hbm>>
      tpu.enqueue_dma source(%arg10 : memref<16x1024xf32, #tpu.memory_space<vmem>>) target(%dma_start3A_163 : memref<16x1024xf32, #tpu.memory_space<hbm>>) target_semaphore(%arg24 : memref<!tpu.dma_semaphore, #tpu.memory_space<semaphore_mem>>)
      %dma_wait3A_164 = tpu.memref_slice %arg7[%mul3A_66] : memref<256xi32, #tpu.memory_space<vmem>> -> memref<16xi32, #tpu.memory_space<vmem>>
      %dma_wait3A_165 = arith.constant 0 : i32
      %dma_wait3A_166 = arith.constant 0 : i32
      %dma_wait3A_167 = tpu.memref_slice %arg4[%dma_wait3A_165, %dma_wait3A_166] : memref<50265x1024xf32, #tpu.memory_space<hbm>> -> memref<50265x1024xf32, #tpu.memory_space<hbm>>
      tpu.wait_indirect_dma semaphore(%arg18 : memref<!tpu.dma_semaphore, #tpu.memory_space<semaphore_mem>>) src(%dma_wait3A_167 : memref<50265x1024xf32, #tpu.memory_space<hbm>>) dst(%arg11 : memref<16x1024xf32, #tpu.memory_space<vmem>>)
      %dma_wait3A_168 = tpu.memref_slice %arg8[%mul3A_103] : memref<256xi32, #tpu.memory_space<vmem>> -> memref<16xi32, #tpu.memory_space<vmem>>
      %dma_wait3A_169 = arith.constant 0 : i32
      %dma_wait3A_170 = arith.constant 0 : i32
      %dma_wait3A_171 = tpu.memref_slice %arg5[%dma_wait3A_169, %dma_wait3A_170] : memref<4098x1024xf32, #tpu.memory_space<hbm>> -> memref<4098x1024xf32, #tpu.memory_space<hbm>>
      tpu.wait_indirect_dma semaphore(%arg22 : memref<!tpu.dma_semaphore, #tpu.memory_space<semaphore_mem>>) src(%dma_wait3A_171 : memref<4098x1024xf32, #tpu.memory_space<hbm>>) dst(%arg15 : memref<16x1024xf32, #tpu.memory_space<vmem>>)
      %scan3A_172 = arith.constant 0 : i32
      %scan3A_173 = arith.constant 0 : i32
      %scan3A_174 = arith.constant 16 : i32
      %scan3A_175 = arith.addi %scan3A_173, %scan3A_174 : i32
      %scan3A_176 = arith.constant 1 : i32
      %scan3A_177 = scf.for %scan3A_213 = %scan3A_173 to %scan3A_175 step %scan3A_176 iter_args(%scan3A_214 = %scan3A_172) -> (i32)  : i32 {
        %get3A = arith.index_cast %scan3A_213 : i32 to index
        %get3A_215 = arith.constant 0 : index
        %get3A_216 = tpu.vector_load %arg15[%get3A, %get3A_215] {strides = array<i32>} : memref<16x1024xf32, #tpu.memory_space<vmem>>, vector<1x16xf32>,
        %get3A_217 = vector.shape_cast %get3A_216 : vector<1x16xf32> to vector<16xf32>
        %swap3A = arith.index_cast %scan3A_213 : i32 to index
        %swap3A_218 = arith.constant 0 : index
        %swap3A_219 = tpu.vector_load %arg11[%swap3A, %swap3A_218] {strides = array<i32>} : memref<16x1024xf32, #tpu.memory_space<vmem>>, vector<1x16xf32>,
        %swap3A_220 = vector.shape_cast %swap3A_219 : vector<1x16xf32> to vector<16xf32>
        %swap3A_221 = vector.shape_cast %get3A_217 : vector<16xf32> to vector<1x16xf32>
        tpu.vector_store %arg11[%swap3A, %swap3A_218], %swap3A_221 {add = true, strides = array<i32>} : memref<16x1024xf32, #tpu.memory_space<vmem>>, vector<1x16xf32>,
        %get3A_222 = arith.index_cast %scan3A_213 : i32 to index
        %get3A_223 = arith.constant 16 : index
        %get3A_224 = tpu.vector_load %arg15[%get3A_222, %get3A_223] {strides = array<i32>} : memref<16x1024xf32, #tpu.memory_space<vmem>>, vector<1x16xf32>,
        %get3A_225 = vector.shape_cast %get3A_224 : vector<1x16xf32> to vector<16xf32>
        %swap3A_226 = arith.index_cast %scan3A_213 : i32 to index
        %swap3A_227 = arith.constant 16 : index
        %swap3A_228 = tpu.vector_load %arg11[%swap3A_226, %swap3A_227] {strides = array<i32>} : memref<16x1024xf32, #tpu.memory_space<vmem>>, vector<1x16xf32>,
        %swap3A_229 = vector.shape_cast %swap3A_228 : vector<1x16xf32> to vector<16xf32>
        %swap3A_230 = vector.shape_cast %get3A_225 : vector<16xf32> to vector<1x16xf32>
        tpu.vector_store %arg11[%swap3A_226, %swap3A_227], %swap3A_230 {add = true, strides = array<i32>} : memref<16x1024xf32, #tpu.memory_space<vmem>>, vector<1x16xf32>,
        %get3A_231 = arith.index_cast %scan3A_213 : i32 to index
        %get3A_232 = arith.constant 32 : index
        %get3A_233 = tpu.vector_load %arg15[%get3A_231, %get3A_232] {strides = array<i32>} : memref<16x1024xf32, #tpu.memory_space<vmem>>, vector<1x16xf32>,
        %get3A_234 = vector.shape_cast %get3A_233 : vector<1x16xf32> to vector<16xf32>
        %swap3A_235 = arith.index_cast %scan3A_213 : i32 to index
        %swap3A_236 = arith.constant 32 : index
        %swap3A_237 = tpu.vector_load %arg11[%swap3A_235, %swap3A_236] {strides = array<i32>} : memref<16x1024xf32, #tpu.memory_space<vmem>>, vector<1x16xf32>,
        %swap3A_238 = vector.shape_cast %swap3A_237 : vector<1x16xf32> to vector<16xf32>
        %swap3A_239 = vector.shape_cast %get3A_234 : vector<16xf32> to vector<1x16xf32>
        tpu.vector_store %arg11[%swap3A_235, %swap3A_236], %swap3A_239 {add = true, strides = array<i32>} : memref<16x1024xf32, #tpu.memory_space<vmem>>, vector<1x16xf32>,
        %get3A_240 = arith.index_cast %scan3A_213 : i32 to index
        %get3A_241 = arith.constant 48 : index
        %get3A_242 = tpu.vector_load %arg15[%get3A_240, %get3A_241] {strides = array<i32>} : memref<16x1024xf32, #tpu.memory_space<vmem>>, vector<1x16xf32>,
        %get3A_243 = vector.shape_cast %get3A_242 : vector<1x16xf32> to vector<16xf32>
        %swap3A_244 = arith.index_cast %scan3A_213 : i32 to index
        %swap3A_245 = arith.constant 48 : index
        %swap3A_246 = tpu.vector_load %arg11[%swap3A_244, %swap3A_245] {strides = array<i32>} : memref<16x1024xf32, #tpu.memory_space<vmem>>, vector<1x16xf32>,
        %swap3A_247 = vector.shape_cast %swap3A_246 : vector<1x16xf32> to vector<16xf32>
        %swap3A_248 = vector.shape_cast %get3A_243 : vector<16xf32> to vector<1x16xf32>
        tpu.vector_store %arg11[%swap3A_244, %swap3A_245], %swap3A_248 {add = true, strides = array<i32>} : memref<16x1024xf32, #tpu.memory_space<vmem>>, vector<1x16xf32>,
        %get3A_249 = arith.index_cast %scan3A_213 : i32 to index
        %get3A_250 = arith.constant 64 : index
        %get3A_251 = tpu.vector_load %arg15[%get3A_249, %get3A_250] {strides = array<i32>} : memref<16x1024xf32, #tpu.memory_space<vmem>>, vector<1x16xf32>,
        %get3A_252 = vector.shape_cast %get3A_251 : vector<1x16xf32> to vector<16xf32>
        %swap3A_253 = arith.index_cast %scan3A_213 : i32 to index
        %swap3A_254 = arith.constant 64 : index
        %swap3A_255 = tpu.vector_load %arg11[%swap3A_253, %swap3A_254] {strides = array<i32>} : memref<16x1024xf32, #tpu.memory_space<vmem>>, vector<1x16xf32>,
        %swap3A_256 = vector.shape_cast %swap3A_255 : vector<1x16xf32> to vector<16xf32>
        %swap3A_257 = vector.shape_cast %get3A_252 : vector<16xf32> to vector<1x16xf32>
        tpu.vector_store %arg11[%swap3A_253, %swap3A_254], %swap3A_257 {add = true, strides = array<i32>} : memref<16x1024xf32, #tpu.memory_space<vmem>>, vector<1x16xf32>,
        %get3A_258 = arith.index_cast %scan3A_213 : i32 to index
        %get3A_259 = arith.constant 80 : index
        %get3A_260 = tpu.vector_load %arg15[%get3A_258, %get3A_259] {strides = array<i32>} : memref<16x1024xf32, #tpu.memory_space<vmem>>, vector<1x16xf32>,
        %get3A_261 = vector.shape_cast %get3A_260 : vector<1x16xf32> to vector<16xf32>
        %swap3A_262 = arith.index_cast %scan3A_213 : i32 to index
        %swap3A_263 = arith.constant 80 : index
        %swap3A_264 = tpu.vector_load %arg11[%swap3A_262, %swap3A_263] {strides = array<i32>} : memref<16x1024xf32, #tpu.memory_space<vmem>>, vector<1x16xf32>,
        %swap3A_265 = vector.shape_cast %swap3A_264 : vector<1x16xf32> to vector<16xf32>
        %swap3A_266 = vector.shape_cast %get3A_261 : vector<16xf32> to vector<1x16xf32>
        tpu.vector_store %arg11[%swap3A_262, %swap3A_263], %swap3A_266 {add = true, strides = array<i32>} : memref<16x1024xf32, #tpu.memory_space<vmem>>, vector<1x16xf32>,
        %get3A_267 = arith.index_cast %scan3A_213 : i32 to index
        %get3A_268 = arith.constant 96 : index
        %get3A_269 = tpu.vector_load %arg15[%get3A_267, %get3A_268] {strides = array<i32>} : memref<16x1024xf32, #tpu.memory_space<vmem>>, vector<1x16xf32>,
        %get3A_270 = vector.shape_cast %get3A_269 : vector<1x16xf32> to vector<16xf32>
        %swap3A_271 = arith.index_cast %scan3A_213 : i32 to index
        %swap3A_272 = arith.constant 96 : index
        %swap3A_273 = tpu.vector_load %arg11[%swap3A_271, %swap3A_272] {strides = array<i32>} : memref<16x1024xf32, #tpu.memory_space<vmem>>, vector<1x16xf32>,
        %swap3A_274 = vector.shape_cast %swap3A_273 : vector<1x16xf32> to vector<16xf32>
        %swap3A_275 = vector.shape_cast %get3A_270 : vector<16xf32> to vector<1x16xf32>
        tpu.vector_store %arg11[%swap3A_271, %swap3A_272], %swap3A_275 {add = true, strides = array<i32>} : memref<16x1024xf32, #tpu.memory_space<vmem>>, vector<1x16xf32>,
        %get3A_276 = arith.index_cast %scan3A_213 : i32 to index
        %get3A_277 = arith.constant 112 : index
        %get3A_278 = tpu.vector_load %arg15[%get3A_276, %get3A_277] {strides = array<i32>} : memref<16x1024xf32, #tpu.memory_space<vmem>>, vector<1x16xf32>,
        %get3A_279 = vector.shape_cast %get3A_278 : vector<1x16xf32> to vector<16xf32>
        %swap3A_280 = arith.index_cast %scan3A_213 : i32 to index
        %swap3A_281 = arith.constant 112 : index
        %swap3A_282 = tpu.vector_load %arg11[%swap3A_280, %swap3A_281] {strides = array<i32>} : memref<16x1024xf32, #tpu.memory_space<vmem>>, vector<1x16xf32>,
        %swap3A_283 = vector.shape_cast %swap3A_282 : vector<1x16xf32> to vector<16xf32>
        %swap3A_284 = vector.shape_cast %get3A_279 : vector<16xf32> to vector<1x16xf32>
        tpu.vector_store %arg11[%swap3A_280, %swap3A_281], %swap3A_284 {add = true, strides = array<i32>} : memref<16x1024xf32, #tpu.memory_space<vmem>>, vector<1x16xf32>,
        %get3A_285 = arith.index_cast %scan3A_213 : i32 to index
        %get3A_286 = arith.constant 128 : index
        %get3A_287 = tpu.vector_load %arg15[%get3A_285, %get3A_286] {strides = array<i32>} : memref<16x1024xf32, #tpu.memory_space<vmem>>, vector<1x16xf32>,
        %get3A_288 = vector.shape_cast %get3A_287 : vector<1x16xf32> to vector<16xf32>
        %swap3A_289 = arith.index_cast %scan3A_213 : i32 to index
        %swap3A_290 = arith.constant 128 : index
        %swap3A_291 = tpu.vector_load %arg11[%swap3A_289, %swap3A_290] {strides = array<i32>} : memref<16x1024xf32, #tpu.memory_space<vmem>>, vector<1x16xf32>,
        %swap3A_292 = vector.shape_cast %swap3A_291 : vector<1x16xf32> to vector<16xf32>
        %swap3A_293 = vector.shape_cast %get3A_288 : vector<16xf32> to vector<1x16xf32>
        tpu.vector_store %arg11[%swap3A_289, %swap3A_290], %swap3A_293 {add = true, strides = array<i32>} : memref<16x1024xf32, #tpu.memory_space<vmem>>, vector<1x16xf32>,
        %get3A_294 = arith.index_cast %scan3A_213 : i32 to index
        %get3A_295 = arith.constant 144 : index
        %get3A_296 = tpu.vector_load %arg15[%get3A_294, %get3A_295] {strides = array<i32>} : memref<16x1024xf32, #tpu.memory_space<vmem>>, vector<1x16xf32>,
        %get3A_297 = vector.shape_cast %get3A_296 : vector<1x16xf32> to vector<16xf32>
        %swap3A_298 = arith.index_cast %scan3A_213 : i32 to index
        %swap3A_299 = arith.constant 144 : index
        %swap3A_300 = tpu.vector_load %arg11[%swap3A_298, %swap3A_299] {strides = array<i32>} : memref<16x1024xf32, #tpu.memory_space<vmem>>, vector<1x16xf32>,
        %swap3A_301 = vector.shape_cast %swap3A_300 : vector<1x16xf32> to vector<16xf32>
        %swap3A_302 = vector.shape_cast %get3A_297 : vector<16xf32> to vector<1x16xf32>
        tpu.vector_store %arg11[%swap3A_298, %swap3A_299], %swap3A_302 {add = true, strides = array<i32>} : memref<16x1024xf32, #tpu.memory_space<vmem>>, vector<1x16xf32>,
        %get3A_303 = arith.index_cast %scan3A_213 : i32 to index
        %get3A_304 = arith.constant 160 : index
        %get3A_305 = tpu.vector_load %arg15[%get3A_303, %get3A_304] {strides = array<i32>} : memref<16x1024xf32, #tpu.memory_space<vmem>>, vector<1x16xf32>,
        %get3A_306 = vector.shape_cast %get3A_305 : vector<1x16xf32> to vector<16xf32>
        %swap3A_307 = arith.index_cast %scan3A_213 : i32 to index
        %swap3A_308 = arith.constant 160 : index
        %swap3A_309 = tpu.vector_load %arg11[%swap3A_307, %swap3A_308] {strides = array<i32>} : memref<16x1024xf32, #tpu.memory_space<vmem>>, vector<1x16xf32>,
        %swap3A_310 = vector.shape_cast %swap3A_309 : vector<1x16xf32> to vector<16xf32>
        %swap3A_311 = vector.shape_cast %get3A_306 : vector<16xf32> to vector<1x16xf32>
        tpu.vector_store %arg11[%swap3A_307, %swap3A_308], %swap3A_311 {add = true, strides = array<i32>} : memref<16x1024xf32, #tpu.memory_space<vmem>>, vector<1x16xf32>,
        %get3A_312 = arith.index_cast %scan3A_213 : i32 to index
        %get3A_313 = arith.constant 176 : index
        %get3A_314 = tpu.vector_load %arg15[%get3A_312, %get3A_313] {strides = array<i32>} : memref<16x1024xf32, #tpu.memory_space<vmem>>, vector<1x16xf32>,
        %get3A_315 = vector.shape_cast %get3A_314 : vector<1x16xf32> to vector<16xf32>
        %swap3A_316 = arith.index_cast %scan3A_213 : i32 to index
        %swap3A_317 = arith.constant 176 : index
        %swap3A_318 = tpu.vector_load %arg11[%swap3A_316, %swap3A_317] {strides = array<i32>} : memref<16x1024xf32, #tpu.memory_space<vmem>>, vector<1x16xf32>,
        %swap3A_319 = vector.shape_cast %swap3A_318 : vector<1x16xf32> to vector<16xf32>
        %swap3A_320 = vector.shape_cast %get3A_315 : vector<16xf32> to vector<1x16xf32>
        tpu.vector_store %arg11[%swap3A_316, %swap3A_317], %swap3A_320 {add = true, strides = array<i32>} : memref<16x1024xf32, #tpu.memory_space<vmem>>, vector<1x16xf32>,
        %get3A_321 = arith.index_cast %scan3A_213 : i32 to index
        %get3A_322 = arith.constant 192 : index
        %get3A_323 = tpu.vector_load %arg15[%get3A_321, %get3A_322] {strides = array<i32>} : memref<16x1024xf32, #tpu.memory_space<vmem>>, vector<1x16xf32>,
        %get3A_324 = vector.shape_cast %get3A_323 : vector<1x16xf32> to vector<16xf32>
        %swap3A_325 = arith.index_cast %scan3A_213 : i32 to index
        %swap3A_326 = arith.constant 192 : index
        %swap3A_327 = tpu.vector_load %arg11[%swap3A_325, %swap3A_326] {strides = array<i32>} : memref<16x1024xf32, #tpu.memory_space<vmem>>, vector<1x16xf32>,
        %swap3A_328 = vector.shape_cast %swap3A_327 : vector<1x16xf32> to vector<16xf32>
        %swap3A_329 = vector.shape_cast %get3A_324 : vector<16xf32> to vector<1x16xf32>
        tpu.vector_store %arg11[%swap3A_325, %swap3A_326], %swap3A_329 {add = true, strides = array<i32>} : memref<16x1024xf32, #tpu.memory_space<vmem>>, vector<1x16xf32>,
        %get3A_330 = arith.index_cast %scan3A_213 : i32 to index
        %get3A_331 = arith.constant 208 : index
        %get3A_332 = tpu.vector_load %arg15[%get3A_330, %get3A_331] {strides = array<i32>} : memref<16x1024xf32, #tpu.memory_space<vmem>>, vector<1x16xf32>,
        %get3A_333 = vector.shape_cast %get3A_332 : vector<1x16xf32> to vector<16xf32>
        %swap3A_334 = arith.index_cast %scan3A_213 : i32 to index
        %swap3A_335 = arith.constant 208 : index
        %swap3A_336 = tpu.vector_load %arg11[%swap3A_334, %swap3A_335] {strides = array<i32>} : memref<16x1024xf32, #tpu.memory_space<vmem>>, vector<1x16xf32>,
        %swap3A_337 = vector.shape_cast %swap3A_336 : vector<1x16xf32> to vector<16xf32>
        %swap3A_338 = vector.shape_cast %get3A_333 : vector<16xf32> to vector<1x16xf32>
        tpu.vector_store %arg11[%swap3A_334, %swap3A_335], %swap3A_338 {add = true, strides = array<i32>} : memref<16x1024xf32, #tpu.memory_space<vmem>>, vector<1x16xf32>,
        %get3A_339 = arith.index_cast %scan3A_213 : i32 to index
        %get3A_340 = arith.constant 224 : index
        %get3A_341 = tpu.vector_load %arg15[%get3A_339, %get3A_340] {strides = array<i32>} : memref<16x1024xf32, #tpu.memory_space<vmem>>, vector<1x16xf32>,
        %get3A_342 = vector.shape_cast %get3A_341 : vector<1x16xf32> to vector<16xf32>
        %swap3A_343 = arith.index_cast %scan3A_213 : i32 to index
        %swap3A_344 = arith.constant 224 : index
        %swap3A_345 = tpu.vector_load %arg11[%swap3A_343, %swap3A_344] {strides = array<i32>} : memref<16x1024xf32, #tpu.memory_space<vmem>>, vector<1x16xf32>,
        %swap3A_346 = vector.shape_cast %swap3A_345 : vector<1x16xf32> to vector<16xf32>
        %swap3A_347 = vector.shape_cast %get3A_342 : vector<16xf32> to vector<1x16xf32>
        tpu.vector_store %arg11[%swap3A_343, %swap3A_344], %swap3A_347 {add = true, strides = array<i32>} : memref<16x1024xf32, #tpu.memory_space<vmem>>, vector<1x16xf32>,
        %get3A_348 = arith.index_cast %scan3A_213 : i32 to index
        %get3A_349 = arith.constant 240 : index
        %get3A_350 = tpu.vector_load %arg15[%get3A_348, %get3A_349] {strides = array<i32>} : memref<16x1024xf32, #tpu.memory_space<vmem>>, vector<1x16xf32>,
        %get3A_351 = vector.shape_cast %get3A_350 : vector<1x16xf32> to vector<16xf32>
        %swap3A_352 = arith.index_cast %scan3A_213 : i32 to index
        %swap3A_353 = arith.constant 240 : index
        %swap3A_354 = tpu.vector_load %arg11[%swap3A_352, %swap3A_353] {strides = array<i32>} : memref<16x1024xf32, #tpu.memory_space<vmem>>, vector<1x16xf32>,
        %swap3A_355 = vector.shape_cast %swap3A_354 : vector<1x16xf32> to vector<16xf32>
        %swap3A_356 = vector.shape_cast %get3A_351 : vector<16xf32> to vector<1x16xf32>
        tpu.vector_store %arg11[%swap3A_352, %swap3A_353], %swap3A_356 {add = true, strides = array<i32>} : memref<16x1024xf32, #tpu.memory_space<vmem>>, vector<1x16xf32>,
        %get3A_357 = arith.index_cast %scan3A_213 : i32 to index
        %get3A_358 = arith.constant 256 : index
        %get3A_359 = tpu.vector_load %arg15[%get3A_357, %get3A_358] {strides = array<i32>} : memref<16x1024xf32, #tpu.memory_space<vmem>>, vector<1x16xf32>,
        %get3A_360 = vector.shape_cast %get3A_359 : vector<1x16xf32> to vector<16xf32>
        %swap3A_361 = arith.index_cast %scan3A_213 : i32 to index
        %swap3A_362 = arith.constant 256 : index
        %swap3A_363 = tpu.vector_load %arg11[%swap3A_361, %swap3A_362] {strides = array<i32>} : memref<16x1024xf32, #tpu.memory_space<vmem>>, vector<1x16xf32>,
        %swap3A_364 = vector.shape_cast %swap3A_363 : vector<1x16xf32> to vector<16xf32>
        %swap3A_365 = vector.shape_cast %get3A_360 : vector<16xf32> to vector<1x16xf32>
        tpu.vector_store %arg11[%swap3A_361, %swap3A_362], %swap3A_365 {add = true, strides = array<i32>} : memref<16x1024xf32, #tpu.memory_space<vmem>>, vector<1x16xf32>,
        %get3A_366 = arith.index_cast %scan3A_213 : i32 to index
        %get3A_367 = arith.constant 272 : index
        %get3A_368 = tpu.vector_load %arg15[%get3A_366, %get3A_367] {strides = array<i32>} : memref<16x1024xf32, #tpu.memory_space<vmem>>, vector<1x16xf32>,
        %get3A_369 = vector.shape_cast %get3A_368 : vector<1x16xf32> to vector<16xf32>
        %swap3A_370 = arith.index_cast %scan3A_213 : i32 to index
        %swap3A_371 = arith.constant 272 : index
        %swap3A_372 = tpu.vector_load %arg11[%swap3A_370, %swap3A_371] {strides = array<i32>} : memref<16x1024xf32, #tpu.memory_space<vmem>>, vector<1x16xf32>,
        %swap3A_373 = vector.shape_cast %swap3A_372 : vector<1x16xf32> to vector<16xf32>
        %swap3A_374 = vector.shape_cast %get3A_369 : vector<16xf32> to vector<1x16xf32>
        tpu.vector_store %arg11[%swap3A_370, %swap3A_371], %swap3A_374 {add = true, strides = array<i32>} : memref<16x1024xf32, #tpu.memory_space<vmem>>, vector<1x16xf32>,
        %get3A_375 = arith.index_cast %scan3A_213 : i32 to index
        %get3A_376 = arith.constant 288 : index
        %get3A_377 = tpu.vector_load %arg15[%get3A_375, %get3A_376] {strides = array<i32>} : memref<16x1024xf32, #tpu.memory_space<vmem>>, vector<1x16xf32>,
        %get3A_378 = vector.shape_cast %get3A_377 : vector<1x16xf32> to vector<16xf32>
        %swap3A_379 = arith.index_cast %scan3A_213 : i32 to index
        %swap3A_380 = arith.constant 288 : index
        %swap3A_381 = tpu.vector_load %arg11[%swap3A_379, %swap3A_380] {strides = array<i32>} : memref<16x1024xf32, #tpu.memory_space<vmem>>, vector<1x16xf32>,
        %swap3A_382 = vector.shape_cast %swap3A_381 : vector<1x16xf32> to vector<16xf32>
        %swap3A_383 = vector.shape_cast %get3A_378 : vector<16xf32> to vector<1x16xf32>
        tpu.vector_store %arg11[%swap3A_379, %swap3A_380], %swap3A_383 {add = true, strides = array<i32>} : memref<16x1024xf32, #tpu.memory_space<vmem>>, vector<1x16xf32>,
        %get3A_384 = arith.index_cast %scan3A_213 : i32 to index
        %get3A_385 = arith.constant 304 : index
        %get3A_386 = tpu.vector_load %arg15[%get3A_384, %get3A_385] {strides = array<i32>} : memref<16x1024xf32, #tpu.memory_space<vmem>>, vector<1x16xf32>,
        %get3A_387 = vector.shape_cast %get3A_386 : vector<1x16xf32> to vector<16xf32>
        %swap3A_388 = arith.index_cast %scan3A_213 : i32 to index
        %swap3A_389 = arith.constant 304 : index
        %swap3A_390 = tpu.vector_load %arg11[%swap3A_388, %swap3A_389] {strides = array<i32>} : memref<16x1024xf32, #tpu.memory_space<vmem>>, vector<1x16xf32>,
        %swap3A_391 = vector.shape_cast %swap3A_390 : vector<1x16xf32> to vector<16xf32>
        %swap3A_392 = vector.shape_cast %get3A_387 : vector<16xf32> to vector<1x16xf32>
        tpu.vector_store %arg11[%swap3A_388, %swap3A_389], %swap3A_392 {add = true, strides = array<i32>} : memref<16x1024xf32, #tpu.memory_space<vmem>>, vector<1x16xf32>,
        %get3A_393 = arith.index_cast %scan3A_213 : i32 to index
        %get3A_394 = arith.constant 320 : index
        %get3A_395 = tpu.vector_load %arg15[%get3A_393, %get3A_394] {strides = array<i32>} : memref<16x1024xf32, #tpu.memory_space<vmem>>, vector<1x16xf32>,
        %get3A_396 = vector.shape_cast %get3A_395 : vector<1x16xf32> to vector<16xf32>
        %swap3A_397 = arith.index_cast %scan3A_213 : i32 to index
        %swap3A_398 = arith.constant 320 : index
        %swap3A_399 = tpu.vector_load %arg11[%swap3A_397, %swap3A_398] {strides = array<i32>} : memref<16x1024xf32, #tpu.memory_space<vmem>>, vector<1x16xf32>,
        %swap3A_400 = vector.shape_cast %swap3A_399 : vector<1x16xf32> to vector<16xf32>
        %swap3A_401 = vector.shape_cast %get3A_396 : vector<16xf32> to vector<1x16xf32>
        tpu.vector_store %arg11[%swap3A_397, %swap3A_398], %swap3A_401 {add = true, strides = array<i32>} : memref<16x1024xf32, #tpu.memory_space<vmem>>, vector<1x16xf32>,
        %get3A_402 = arith.index_cast %scan3A_213 : i32 to index
        %get3A_403 = arith.constant 336 : index
        %get3A_404 = tpu.vector_load %arg15[%get3A_402, %get3A_403] {strides = array<i32>} : memref<16x1024xf32, #tpu.memory_space<vmem>>, vector<1x16xf32>,
        %get3A_405 = vector.shape_cast %get3A_404 : vector<1x16xf32> to vector<16xf32>
        %swap3A_406 = arith.index_cast %scan3A_213 : i32 to index
        %swap3A_407 = arith.constant 336 : index
        %swap3A_408 = tpu.vector_load %arg11[%swap3A_406, %swap3A_407] {strides = array<i32>} : memref<16x1024xf32, #tpu.memory_space<vmem>>, vector<1x16xf32>,
        %swap3A_409 = vector.shape_cast %swap3A_408 : vector<1x16xf32> to vector<16xf32>
        %swap3A_410 = vector.shape_cast %get3A_405 : vector<16xf32> to vector<1x16xf32>
        tpu.vector_store %arg11[%swap3A_406, %swap3A_407], %swap3A_410 {add = true, strides = array<i32>} : memref<16x1024xf32, #tpu.memory_space<vmem>>, vector<1x16xf32>,
        %get3A_411 = arith.index_cast %scan3A_213 : i32 to index
        %get3A_412 = arith.constant 352 : index
        %get3A_413 = tpu.vector_load %arg15[%get3A_411, %get3A_412] {strides = array<i32>} : memref<16x1024xf32, #tpu.memory_space<vmem>>, vector<1x16xf32>,
        %get3A_414 = vector.shape_cast %get3A_413 : vector<1x16xf32> to vector<16xf32>
        %swap3A_415 = arith.index_cast %scan3A_213 : i32 to index
        %swap3A_416 = arith.constant 352 : index
        %swap3A_417 = tpu.vector_load %arg11[%swap3A_415, %swap3A_416] {strides = array<i32>} : memref<16x1024xf32, #tpu.memory_space<vmem>>, vector<1x16xf32>,
        %swap3A_418 = vector.shape_cast %swap3A_417 : vector<1x16xf32> to vector<16xf32>
        %swap3A_419 = vector.shape_cast %get3A_414 : vector<16xf32> to vector<1x16xf32>
        tpu.vector_store %arg11[%swap3A_415, %swap3A_416], %swap3A_419 {add = true, strides = array<i32>} : memref<16x1024xf32, #tpu.memory_space<vmem>>, vector<1x16xf32>,
        %get3A_420 = arith.index_cast %scan3A_213 : i32 to index
        %get3A_421 = arith.constant 368 : index
        %get3A_422 = tpu.vector_load %arg15[%get3A_420, %get3A_421] {strides = array<i32>} : memref<16x1024xf32, #tpu.memory_space<vmem>>, vector<1x16xf32>,
        %get3A_423 = vector.shape_cast %get3A_422 : vector<1x16xf32> to vector<16xf32>
        %swap3A_424 = arith.index_cast %scan3A_213 : i32 to index
        %swap3A_425 = arith.constant 368 : index
        %swap3A_426 = tpu.vector_load %arg11[%swap3A_424, %swap3A_425] {strides = array<i32>} : memref<16x1024xf32, #tpu.memory_space<vmem>>, vector<1x16xf32>,
        %swap3A_427 = vector.shape_cast %swap3A_426 : vector<1x16xf32> to vector<16xf32>
        %swap3A_428 = vector.shape_cast %get3A_423 : vector<16xf32> to vector<1x16xf32>
        tpu.vector_store %arg11[%swap3A_424, %swap3A_425], %swap3A_428 {add = true, strides = array<i32>} : memref<16x1024xf32, #tpu.memory_space<vmem>>, vector<1x16xf32>,
        %get3A_429 = arith.index_cast %scan3A_213 : i32 to index
        %get3A_430 = arith.constant 384 : index
        %get3A_431 = tpu.vector_load %arg15[%get3A_429, %get3A_430] {strides = array<i32>} : memref<16x1024xf32, #tpu.memory_space<vmem>>, vector<1x16xf32>,
        %get3A_432 = vector.shape_cast %get3A_431 : vector<1x16xf32> to vector<16xf32>
        %swap3A_433 = arith.index_cast %scan3A_213 : i32 to index
        %swap3A_434 = arith.constant 384 : index
        %swap3A_435 = tpu.vector_load %arg11[%swap3A_433, %swap3A_434] {strides = array<i32>} : memref<16x1024xf32, #tpu.memory_space<vmem>>, vector<1x16xf32>,
        %swap3A_436 = vector.shape_cast %swap3A_435 : vector<1x16xf32> to vector<16xf32>
        %swap3A_437 = vector.shape_cast %get3A_432 : vector<16xf32> to vector<1x16xf32>
        tpu.vector_store %arg11[%swap3A_433, %swap3A_434], %swap3A_437 {add = true, strides = array<i32>} : memref<16x1024xf32, #tpu.memory_space<vmem>>, vector<1x16xf32>,
        %get3A_438 = arith.index_cast %scan3A_213 : i32 to index
        %get3A_439 = arith.constant 400 : index
        %get3A_440 = tpu.vector_load %arg15[%get3A_438, %get3A_439] {strides = array<i32>} : memref<16x1024xf32, #tpu.memory_space<vmem>>, vector<1x16xf32>,
        %get3A_441 = vector.shape_cast %get3A_440 : vector<1x16xf32> to vector<16xf32>
        %swap3A_442 = arith.index_cast %scan3A_213 : i32 to index
        %swap3A_443 = arith.constant 400 : index
        %swap3A_444 = tpu.vector_load %arg11[%swap3A_442, %swap3A_443] {strides = array<i32>} : memref<16x1024xf32, #tpu.memory_space<vmem>>, vector<1x16xf32>,
        %swap3A_445 = vector.shape_cast %swap3A_444 : vector<1x16xf32> to vector<16xf32>
        %swap3A_446 = vector.shape_cast %get3A_441 : vector<16xf32> to vector<1x16xf32>
        tpu.vector_store %arg11[%swap3A_442, %swap3A_443], %swap3A_446 {add = true, strides = array<i32>} : memref<16x1024xf32, #tpu.memory_space<vmem>>, vector<1x16xf32>,
        %get3A_447 = arith.index_cast %scan3A_213 : i32 to index
        %get3A_448 = arith.constant 416 : index
        %get3A_449 = tpu.vector_load %arg15[%get3A_447, %get3A_448] {strides = array<i32>} : memref<16x1024xf32, #tpu.memory_space<vmem>>, vector<1x16xf32>,
        %get3A_450 = vector.shape_cast %get3A_449 : vector<1x16xf32> to vector<16xf32>
        %swap3A_451 = arith.index_cast %scan3A_213 : i32 to index
        %swap3A_452 = arith.constant 416 : index
        %swap3A_453 = tpu.vector_load %arg11[%swap3A_451, %swap3A_452] {strides = array<i32>} : memref<16x1024xf32, #tpu.memory_space<vmem>>, vector<1x16xf32>,
        %swap3A_454 = vector.shape_cast %swap3A_453 : vector<1x16xf32> to vector<16xf32>
        %swap3A_455 = vector.shape_cast %get3A_450 : vector<16xf32> to vector<1x16xf32>
        tpu.vector_store %arg11[%swap3A_451, %swap3A_452], %swap3A_455 {add = true, strides = array<i32>} : memref<16x1024xf32, #tpu.memory_space<vmem>>, vector<1x16xf32>,
        %get3A_456 = arith.index_cast %scan3A_213 : i32 to index
        %get3A_457 = arith.constant 432 : index
        %get3A_458 = tpu.vector_load %arg15[%get3A_456, %get3A_457] {strides = array<i32>} : memref<16x1024xf32, #tpu.memory_space<vmem>>, vector<1x16xf32>,
        %get3A_459 = vector.shape_cast %get3A_458 : vector<1x16xf32> to vector<16xf32>
        %swap3A_460 = arith.index_cast %scan3A_213 : i32 to index
        %swap3A_461 = arith.constant 432 : index
        %swap3A_462 = tpu.vector_load %arg11[%swap3A_460, %swap3A_461] {strides = array<i32>} : memref<16x1024xf32, #tpu.memory_space<vmem>>, vector<1x16xf32>,
        %swap3A_463 = vector.shape_cast %swap3A_462 : vector<1x16xf32> to vector<16xf32>
        %swap3A_464 = vector.shape_cast %get3A_459 : vector<16xf32> to vector<1x16xf32>
        tpu.vector_store %arg11[%swap3A_460, %swap3A_461], %swap3A_464 {add = true, strides = array<i32>} : memref<16x1024xf32, #tpu.memory_space<vmem>>, vector<1x16xf32>,
        %get3A_465 = arith.index_cast %scan3A_213 : i32 to index
        %get3A_466 = arith.constant 448 : index
        %get3A_467 = tpu.vector_load %arg15[%get3A_465, %get3A_466] {strides = array<i32>} : memref<16x1024xf32, #tpu.memory_space<vmem>>, vector<1x16xf32>,
        %get3A_468 = vector.shape_cast %get3A_467 : vector<1x16xf32> to vector<16xf32>
        %swap3A_469 = arith.index_cast %scan3A_213 : i32 to index
        %swap3A_470 = arith.constant 448 : index
        %swap3A_471 = tpu.vector_load %arg11[%swap3A_469, %swap3A_470] {strides = array<i32>} : memref<16x1024xf32, #tpu.memory_space<vmem>>, vector<1x16xf32>,
        %swap3A_472 = vector.shape_cast %swap3A_471 : vector<1x16xf32> to vector<16xf32>
        %swap3A_473 = vector.shape_cast %get3A_468 : vector<16xf32> to vector<1x16xf32>
        tpu.vector_store %arg11[%swap3A_469, %swap3A_470], %swap3A_473 {add = true, strides = array<i32>} : memref<16x1024xf32, #tpu.memory_space<vmem>>, vector<1x16xf32>,
        %get3A_474 = arith.index_cast %scan3A_213 : i32 to index
        %get3A_475 = arith.constant 464 : index
        %get3A_476 = tpu.vector_load %arg15[%get3A_474, %get3A_475] {strides = array<i32>} : memref<16x1024xf32, #tpu.memory_space<vmem>>, vector<1x16xf32>,
        %get3A_477 = vector.shape_cast %get3A_476 : vector<1x16xf32> to vector<16xf32>
        %swap3A_478 = arith.index_cast %scan3A_213 : i32 to index
        %swap3A_479 = arith.constant 464 : index
        %swap3A_480 = tpu.vector_load %arg11[%swap3A_478, %swap3A_479] {strides = array<i32>} : memref<16x1024xf32, #tpu.memory_space<vmem>>, vector<1x16xf32>,
        %swap3A_481 = vector.shape_cast %swap3A_480 : vector<1x16xf32> to vector<16xf32>
        %swap3A_482 = vector.shape_cast %get3A_477 : vector<16xf32> to vector<1x16xf32>
        tpu.vector_store %arg11[%swap3A_478, %swap3A_479], %swap3A_482 {add = true, strides = array<i32>} : memref<16x1024xf32, #tpu.memory_space<vmem>>, vector<1x16xf32>,
        %get3A_483 = arith.index_cast %scan3A_213 : i32 to index
        %get3A_484 = arith.constant 480 : index
        %get3A_485 = tpu.vector_load %arg15[%get3A_483, %get3A_484] {strides = array<i32>} : memref<16x1024xf32, #tpu.memory_space<vmem>>, vector<1x16xf32>,
        %get3A_486 = vector.shape_cast %get3A_485 : vector<1x16xf32> to vector<16xf32>
        %swap3A_487 = arith.index_cast %scan3A_213 : i32 to index
        %swap3A_488 = arith.constant 480 : index
        %swap3A_489 = tpu.vector_load %arg11[%swap3A_487, %swap3A_488] {strides = array<i32>} : memref<16x1024xf32, #tpu.memory_space<vmem>>, vector<1x16xf32>,
        %swap3A_490 = vector.shape_cast %swap3A_489 : vector<1x16xf32> to vector<16xf32>
        %swap3A_491 = vector.shape_cast %get3A_486 : vector<16xf32> to vector<1x16xf32>
        tpu.vector_store %arg11[%swap3A_487, %swap3A_488], %swap3A_491 {add = true, strides = array<i32>} : memref<16x1024xf32, #tpu.memory_space<vmem>>, vector<1x16xf32>,
        %get3A_492 = arith.index_cast %scan3A_213 : i32 to index
        %get3A_493 = arith.constant 496 : index
        %get3A_494 = tpu.vector_load %arg15[%get3A_492, %get3A_493] {strides = array<i32>} : memref<16x1024xf32, #tpu.memory_space<vmem>>, vector<1x16xf32>,
        %get3A_495 = vector.shape_cast %get3A_494 : vector<1x16xf32> to vector<16xf32>
        %swap3A_496 = arith.index_cast %scan3A_213 : i32 to index
        %swap3A_497 = arith.constant 496 : index
        %swap3A_498 = tpu.vector_load %arg11[%swap3A_496, %swap3A_497] {strides = array<i32>} : memref<16x1024xf32, #tpu.memory_space<vmem>>, vector<1x16xf32>,
        %swap3A_499 = vector.shape_cast %swap3A_498 : vector<1x16xf32> to vector<16xf32>
        %swap3A_500 = vector.shape_cast %get3A_495 : vector<16xf32> to vector<1x16xf32>
        tpu.vector_store %arg11[%swap3A_496, %swap3A_497], %swap3A_500 {add = true, strides = array<i32>} : memref<16x1024xf32, #tpu.memory_space<vmem>>, vector<1x16xf32>,
        %get3A_501 = arith.index_cast %scan3A_213 : i32 to index
        %get3A_502 = arith.constant 512 : index
        %get3A_503 = tpu.vector_load %arg15[%get3A_501, %get3A_502] {strides = array<i32>} : memref<16x1024xf32, #tpu.memory_space<vmem>>, vector<1x16xf32>,
        %get3A_504 = vector.shape_cast %get3A_503 : vector<1x16xf32> to vector<16xf32>
        %swap3A_505 = arith.index_cast %scan3A_213 : i32 to index
        %swap3A_506 = arith.constant 512 : index
        %swap3A_507 = tpu.vector_load %arg11[%swap3A_505, %swap3A_506] {strides = array<i32>} : memref<16x1024xf32, #tpu.memory_space<vmem>>, vector<1x16xf32>,
        %swap3A_508 = vector.shape_cast %swap3A_507 : vector<1x16xf32> to vector<16xf32>
        %swap3A_509 = vector.shape_cast %get3A_504 : vector<16xf32> to vector<1x16xf32>
        tpu.vector_store %arg11[%swap3A_505, %swap3A_506], %swap3A_509 {add = true, strides = array<i32>} : memref<16x1024xf32, #tpu.memory_space<vmem>>, vector<1x16xf32>,
        %get3A_510 = arith.index_cast %scan3A_213 : i32 to index
        %get3A_511 = arith.constant 528 : index
        %get3A_512 = tpu.vector_load %arg15[%get3A_510, %get3A_511] {strides = array<i32>} : memref<16x1024xf32, #tpu.memory_space<vmem>>, vector<1x16xf32>,
        %get3A_513 = vector.shape_cast %get3A_512 : vector<1x16xf32> to vector<16xf32>
        %swap3A_514 = arith.index_cast %scan3A_213 : i32 to index
        %swap3A_515 = arith.constant 528 : index
        %swap3A_516 = tpu.vector_load %arg11[%swap3A_514, %swap3A_515] {strides = array<i32>} : memref<16x1024xf32, #tpu.memory_space<vmem>>, vector<1x16xf32>,
        %swap3A_517 = vector.shape_cast %swap3A_516 : vector<1x16xf32> to vector<16xf32>
        %swap3A_518 = vector.shape_cast %get3A_513 : vector<16xf32> to vector<1x16xf32>
        tpu.vector_store %arg11[%swap3A_514, %swap3A_515], %swap3A_518 {add = true, strides = array<i32>} : memref<16x1024xf32, #tpu.memory_space<vmem>>, vector<1x16xf32>,
        %get3A_519 = arith.index_cast %scan3A_213 : i32 to index
        %get3A_520 = arith.constant 544 : index
        %get3A_521 = tpu.vector_load %arg15[%get3A_519, %get3A_520] {strides = array<i32>} : memref<16x1024xf32, #tpu.memory_space<vmem>>, vector<1x16xf32>,
        %get3A_522 = vector.shape_cast %get3A_521 : vector<1x16xf32> to vector<16xf32>
        %swap3A_523 = arith.index_cast %scan3A_213 : i32 to index
        %swap3A_524 = arith.constant 544 : index
        %swap3A_525 = tpu.vector_load %arg11[%swap3A_523, %swap3A_524] {strides = array<i32>} : memref<16x1024xf32, #tpu.memory_space<vmem>>, vector<1x16xf32>,
        %swap3A_526 = vector.shape_cast %swap3A_525 : vector<1x16xf32> to vector<16xf32>
        %swap3A_527 = vector.shape_cast %get3A_522 : vector<16xf32> to vector<1x16xf32>
        tpu.vector_store %arg11[%swap3A_523, %swap3A_524], %swap3A_527 {add = true, strides = array<i32>} : memref<16x1024xf32, #tpu.memory_space<vmem>>, vector<1x16xf32>,
        %get3A_528 = arith.index_cast %scan3A_213 : i32 to index
        %get3A_529 = arith.constant 560 : index
        %get3A_530 = tpu.vector_load %arg15[%get3A_528, %get3A_529] {strides = array<i32>} : memref<16x1024xf32, #tpu.memory_space<vmem>>, vector<1x16xf32>,
        %get3A_531 = vector.shape_cast %get3A_530 : vector<1x16xf32> to vector<16xf32>
        %swap3A_532 = arith.index_cast %scan3A_213 : i32 to index
        %swap3A_533 = arith.constant 560 : index
        %swap3A_534 = tpu.vector_load %arg11[%swap3A_532, %swap3A_533] {strides = array<i32>} : memref<16x1024xf32, #tpu.memory_space<vmem>>, vector<1x16xf32>,
        %swap3A_535 = vector.shape_cast %swap3A_534 : vector<1x16xf32> to vector<16xf32>
        %swap3A_536 = vector.shape_cast %get3A_531 : vector<16xf32> to vector<1x16xf32>
        tpu.vector_store %arg11[%swap3A_532, %swap3A_533], %swap3A_536 {add = true, strides = array<i32>} : memref<16x1024xf32, #tpu.memory_space<vmem>>, vector<1x16xf32>,
        %get3A_537 = arith.index_cast %scan3A_213 : i32 to index
        %get3A_538 = arith.constant 576 : index
        %get3A_539 = tpu.vector_load %arg15[%get3A_537, %get3A_538] {strides = array<i32>} : memref<16x1024xf32, #tpu.memory_space<vmem>>, vector<1x16xf32>,
        %get3A_540 = vector.shape_cast %get3A_539 : vector<1x16xf32> to vector<16xf32>
        %swap3A_541 = arith.index_cast %scan3A_213 : i32 to index
        %swap3A_542 = arith.constant 576 : index
        %swap3A_543 = tpu.vector_load %arg11[%swap3A_541, %swap3A_542] {strides = array<i32>} : memref<16x1024xf32, #tpu.memory_space<vmem>>, vector<1x16xf32>,
        %swap3A_544 = vector.shape_cast %swap3A_543 : vector<1x16xf32> to vector<16xf32>
        %swap3A_545 = vector.shape_cast %get3A_540 : vector<16xf32> to vector<1x16xf32>
        tpu.vector_store %arg11[%swap3A_541, %swap3A_542], %swap3A_545 {add = true, strides = array<i32>} : memref<16x1024xf32, #tpu.memory_space<vmem>>, vector<1x16xf32>,
        %get3A_546 = arith.index_cast %scan3A_213 : i32 to index
        %get3A_547 = arith.constant 592 : index
        %get3A_548 = tpu.vector_load %arg15[%get3A_546, %get3A_547] {strides = array<i32>} : memref<16x1024xf32, #tpu.memory_space<vmem>>, vector<1x16xf32>,
        %get3A_549 = vector.shape_cast %get3A_548 : vector<1x16xf32> to vector<16xf32>
        %swap3A_550 = arith.index_cast %scan3A_213 : i32 to index
        %swap3A_551 = arith.constant 592 : index
        %swap3A_552 = tpu.vector_load %arg11[%swap3A_550, %swap3A_551] {strides = array<i32>} : memref<16x1024xf32, #tpu.memory_space<vmem>>, vector<1x16xf32>,
        %swap3A_553 = vector.shape_cast %swap3A_552 : vector<1x16xf32> to vector<16xf32>
        %swap3A_554 = vector.shape_cast %get3A_549 : vector<16xf32> to vector<1x16xf32>
        tpu.vector_store %arg11[%swap3A_550, %swap3A_551], %swap3A_554 {add = true, strides = array<i32>} : memref<16x1024xf32, #tpu.memory_space<vmem>>, vector<1x16xf32>,
        %get3A_555 = arith.index_cast %scan3A_213 : i32 to index
        %get3A_556 = arith.constant 608 : index
        %get3A_557 = tpu.vector_load %arg15[%get3A_555, %get3A_556] {strides = array<i32>} : memref<16x1024xf32, #tpu.memory_space<vmem>>, vector<1x16xf32>,
        %get3A_558 = vector.shape_cast %get3A_557 : vector<1x16xf32> to vector<16xf32>
        %swap3A_559 = arith.index_cast %scan3A_213 : i32 to index
        %swap3A_560 = arith.constant 608 : index
        %swap3A_561 = tpu.vector_load %arg11[%swap3A_559, %swap3A_560] {strides = array<i32>} : memref<16x1024xf32, #tpu.memory_space<vmem>>, vector<1x16xf32>,
        %swap3A_562 = vector.shape_cast %swap3A_561 : vector<1x16xf32> to vector<16xf32>
        %swap3A_563 = vector.shape_cast %get3A_558 : vector<16xf32> to vector<1x16xf32>
        tpu.vector_store %arg11[%swap3A_559, %swap3A_560], %swap3A_563 {add = true, strides = array<i32>} : memref<16x1024xf32, #tpu.memory_space<vmem>>, vector<1x16xf32>,
        %get3A_564 = arith.index_cast %scan3A_213 : i32 to index
        %get3A_565 = arith.constant 624 : index
        %get3A_566 = tpu.vector_load %arg15[%get3A_564, %get3A_565] {strides = array<i32>} : memref<16x1024xf32, #tpu.memory_space<vmem>>, vector<1x16xf32>,
        %get3A_567 = vector.shape_cast %get3A_566 : vector<1x16xf32> to vector<16xf32>
        %swap3A_568 = arith.index_cast %scan3A_213 : i32 to index
        %swap3A_569 = arith.constant 624 : index
        %swap3A_570 = tpu.vector_load %arg11[%swap3A_568, %swap3A_569] {strides = array<i32>} : memref<16x1024xf32, #tpu.memory_space<vmem>>, vector<1x16xf32>,
        %swap3A_571 = vector.shape_cast %swap3A_570 : vector<1x16xf32> to vector<16xf32>
        %swap3A_572 = vector.shape_cast %get3A_567 : vector<16xf32> to vector<1x16xf32>
        tpu.vector_store %arg11[%swap3A_568, %swap3A_569], %swap3A_572 {add = true, strides = array<i32>} : memref<16x1024xf32, #tpu.memory_space<vmem>>, vector<1x16xf32>,
        %get3A_573 = arith.index_cast %scan3A_213 : i32 to index
        %get3A_574 = arith.constant 640 : index
        %get3A_575 = tpu.vector_load %arg15[%get3A_573, %get3A_574] {strides = array<i32>} : memref<16x1024xf32, #tpu.memory_space<vmem>>, vector<1x16xf32>,
        %get3A_576 = vector.shape_cast %get3A_575 : vector<1x16xf32> to vector<16xf32>
        %swap3A_577 = arith.index_cast %scan3A_213 : i32 to index
        %swap3A_578 = arith.constant 640 : index
        %swap3A_579 = tpu.vector_load %arg11[%swap3A_577, %swap3A_578] {strides = array<i32>} : memref<16x1024xf32, #tpu.memory_space<vmem>>, vector<1x16xf32>,
        %swap3A_580 = vector.shape_cast %swap3A_579 : vector<1x16xf32> to vector<16xf32>
        %swap3A_581 = vector.shape_cast %get3A_576 : vector<16xf32> to vector<1x16xf32>
        tpu.vector_store %arg11[%swap3A_577, %swap3A_578], %swap3A_581 {add = true, strides = array<i32>} : memref<16x1024xf32, #tpu.memory_space<vmem>>, vector<1x16xf32>,
        %get3A_582 = arith.index_cast %scan3A_213 : i32 to index
        %get3A_583 = arith.constant 656 : index
        %get3A_584 = tpu.vector_load %arg15[%get3A_582, %get3A_583] {strides = array<i32>} : memref<16x1024xf32, #tpu.memory_space<vmem>>, vector<1x16xf32>,
        %get3A_585 = vector.shape_cast %get3A_584 : vector<1x16xf32> to vector<16xf32>
        %swap3A_586 = arith.index_cast %scan3A_213 : i32 to index
        %swap3A_587 = arith.constant 656 : index
        %swap3A_588 = tpu.vector_load %arg11[%swap3A_586, %swap3A_587] {strides = array<i32>} : memref<16x1024xf32, #tpu.memory_space<vmem>>, vector<1x16xf32>,
        %swap3A_589 = vector.shape_cast %swap3A_588 : vector<1x16xf32> to vector<16xf32>
        %swap3A_590 = vector.shape_cast %get3A_585 : vector<16xf32> to vector<1x16xf32>
        tpu.vector_store %arg11[%swap3A_586, %swap3A_587], %swap3A_590 {add = true, strides = array<i32>} : memref<16x1024xf32, #tpu.memory_space<vmem>>, vector<1x16xf32>,
        %get3A_591 = arith.index_cast %scan3A_213 : i32 to index
        %get3A_592 = arith.constant 672 : index
        %get3A_593 = tpu.vector_load %arg15[%get3A_591, %get3A_592] {strides = array<i32>} : memref<16x1024xf32, #tpu.memory_space<vmem>>, vector<1x16xf32>,
        %get3A_594 = vector.shape_cast %get3A_593 : vector<1x16xf32> to vector<16xf32>
        %swap3A_595 = arith.index_cast %scan3A_213 : i32 to index
        %swap3A_596 = arith.constant 672 : index
        %swap3A_597 = tpu.vector_load %arg11[%swap3A_595, %swap3A_596] {strides = array<i32>} : memref<16x1024xf32, #tpu.memory_space<vmem>>, vector<1x16xf32>,
        %swap3A_598 = vector.shape_cast %swap3A_597 : vector<1x16xf32> to vector<16xf32>
        %swap3A_599 = vector.shape_cast %get3A_594 : vector<16xf32> to vector<1x16xf32>
        tpu.vector_store %arg11[%swap3A_595, %swap3A_596], %swap3A_599 {add = true, strides = array<i32>} : memref<16x1024xf32, #tpu.memory_space<vmem>>, vector<1x16xf32>,
        %get3A_600 = arith.index_cast %scan3A_213 : i32 to index
        %get3A_601 = arith.constant 688 : index
        %get3A_602 = tpu.vector_load %arg15[%get3A_600, %get3A_601] {strides = array<i32>} : memref<16x1024xf32, #tpu.memory_space<vmem>>, vector<1x16xf32>,
        %get3A_603 = vector.shape_cast %get3A_602 : vector<1x16xf32> to vector<16xf32>
        %swap3A_604 = arith.index_cast %scan3A_213 : i32 to index
        %swap3A_605 = arith.constant 688 : index
        %swap3A_606 = tpu.vector_load %arg11[%swap3A_604, %swap3A_605] {strides = array<i32>} : memref<16x1024xf32, #tpu.memory_space<vmem>>, vector<1x16xf32>,
        %swap3A_607 = vector.shape_cast %swap3A_606 : vector<1x16xf32> to vector<16xf32>
        %swap3A_608 = vector.shape_cast %get3A_603 : vector<16xf32> to vector<1x16xf32>
        tpu.vector_store %arg11[%swap3A_604, %swap3A_605], %swap3A_608 {add = true, strides = array<i32>} : memref<16x1024xf32, #tpu.memory_space<vmem>>, vector<1x16xf32>,
        %get3A_609 = arith.index_cast %scan3A_213 : i32 to index
        %get3A_610 = arith.constant 704 : index
        %get3A_611 = tpu.vector_load %arg15[%get3A_609, %get3A_610] {strides = array<i32>} : memref<16x1024xf32, #tpu.memory_space<vmem>>, vector<1x16xf32>,
        %get3A_612 = vector.shape_cast %get3A_611 : vector<1x16xf32> to vector<16xf32>
        %swap3A_613 = arith.index_cast %scan3A_213 : i32 to index
        %swap3A_614 = arith.constant 704 : index
        %swap3A_615 = tpu.vector_load %arg11[%swap3A_613, %swap3A_614] {strides = array<i32>} : memref<16x1024xf32, #tpu.memory_space<vmem>>, vector<1x16xf32>,
        %swap3A_616 = vector.shape_cast %swap3A_615 : vector<1x16xf32> to vector<16xf32>
        %swap3A_617 = vector.shape_cast %get3A_612 : vector<16xf32> to vector<1x16xf32>
        tpu.vector_store %arg11[%swap3A_613, %swap3A_614], %swap3A_617 {add = true, strides = array<i32>} : memref<16x1024xf32, #tpu.memory_space<vmem>>, vector<1x16xf32>,
        %get3A_618 = arith.index_cast %scan3A_213 : i32 to index
        %get3A_619 = arith.constant 720 : index
        %get3A_620 = tpu.vector_load %arg15[%get3A_618, %get3A_619] {strides = array<i32>} : memref<16x1024xf32, #tpu.memory_space<vmem>>, vector<1x16xf32>,
        %get3A_621 = vector.shape_cast %get3A_620 : vector<1x16xf32> to vector<16xf32>
        %swap3A_622 = arith.index_cast %scan3A_213 : i32 to index
        %swap3A_623 = arith.constant 720 : index
        %swap3A_624 = tpu.vector_load %arg11[%swap3A_622, %swap3A_623] {strides = array<i32>} : memref<16x1024xf32, #tpu.memory_space<vmem>>, vector<1x16xf32>,
        %swap3A_625 = vector.shape_cast %swap3A_624 : vector<1x16xf32> to vector<16xf32>
        %swap3A_626 = vector.shape_cast %get3A_621 : vector<16xf32> to vector<1x16xf32>
        tpu.vector_store %arg11[%swap3A_622, %swap3A_623], %swap3A_626 {add = true, strides = array<i32>} : memref<16x1024xf32, #tpu.memory_space<vmem>>, vector<1x16xf32>,
        %get3A_627 = arith.index_cast %scan3A_213 : i32 to index
        %get3A_628 = arith.constant 736 : index
        %get3A_629 = tpu.vector_load %arg15[%get3A_627, %get3A_628] {strides = array<i32>} : memref<16x1024xf32, #tpu.memory_space<vmem>>, vector<1x16xf32>,
        %get3A_630 = vector.shape_cast %get3A_629 : vector<1x16xf32> to vector<16xf32>
        %swap3A_631 = arith.index_cast %scan3A_213 : i32 to index
        %swap3A_632 = arith.constant 736 : index
        %swap3A_633 = tpu.vector_load %arg11[%swap3A_631, %swap3A_632] {strides = array<i32>} : memref<16x1024xf32, #tpu.memory_space<vmem>>, vector<1x16xf32>,
        %swap3A_634 = vector.shape_cast %swap3A_633 : vector<1x16xf32> to vector<16xf32>
        %swap3A_635 = vector.shape_cast %get3A_630 : vector<16xf32> to vector<1x16xf32>
        tpu.vector_store %arg11[%swap3A_631, %swap3A_632], %swap3A_635 {add = true, strides = array<i32>} : memref<16x1024xf32, #tpu.memory_space<vmem>>, vector<1x16xf32>,
        %get3A_636 = arith.index_cast %scan3A_213 : i32 to index
        %get3A_637 = arith.constant 752 : index
        %get3A_638 = tpu.vector_load %arg15[%get3A_636, %get3A_637] {strides = array<i32>} : memref<16x1024xf32, #tpu.memory_space<vmem>>, vector<1x16xf32>,
        %get3A_639 = vector.shape_cast %get3A_638 : vector<1x16xf32> to vector<16xf32>
        %swap3A_640 = arith.index_cast %scan3A_213 : i32 to index
        %swap3A_641 = arith.constant 752 : index
        %swap3A_642 = tpu.vector_load %arg11[%swap3A_640, %swap3A_641] {strides = array<i32>} : memref<16x1024xf32, #tpu.memory_space<vmem>>, vector<1x16xf32>,
        %swap3A_643 = vector.shape_cast %swap3A_642 : vector<1x16xf32> to vector<16xf32>
        %swap3A_644 = vector.shape_cast %get3A_639 : vector<16xf32> to vector<1x16xf32>
        tpu.vector_store %arg11[%swap3A_640, %swap3A_641], %swap3A_644 {add = true, strides = array<i32>} : memref<16x1024xf32, #tpu.memory_space<vmem>>, vector<1x16xf32>,
        %get3A_645 = arith.index_cast %scan3A_213 : i32 to index
        %get3A_646 = arith.constant 768 : index
        %get3A_647 = tpu.vector_load %arg15[%get3A_645, %get3A_646] {strides = array<i32>} : memref<16x1024xf32, #tpu.memory_space<vmem>>, vector<1x16xf32>,
        %get3A_648 = vector.shape_cast %get3A_647 : vector<1x16xf32> to vector<16xf32>
        %swap3A_649 = arith.index_cast %scan3A_213 : i32 to index
        %swap3A_650 = arith.constant 768 : index
        %swap3A_651 = tpu.vector_load %arg11[%swap3A_649, %swap3A_650] {strides = array<i32>} : memref<16x1024xf32, #tpu.memory_space<vmem>>, vector<1x16xf32>,
        %swap3A_652 = vector.shape_cast %swap3A_651 : vector<1x16xf32> to vector<16xf32>
        %swap3A_653 = vector.shape_cast %get3A_648 : vector<16xf32> to vector<1x16xf32>
        tpu.vector_store %arg11[%swap3A_649, %swap3A_650], %swap3A_653 {add = true, strides = array<i32>} : memref<16x1024xf32, #tpu.memory_space<vmem>>, vector<1x16xf32>,
        %get3A_654 = arith.index_cast %scan3A_213 : i32 to index
        %get3A_655 = arith.constant 784 : index
        %get3A_656 = tpu.vector_load %arg15[%get3A_654, %get3A_655] {strides = array<i32>} : memref<16x1024xf32, #tpu.memory_space<vmem>>, vector<1x16xf32>,
        %get3A_657 = vector.shape_cast %get3A_656 : vector<1x16xf32> to vector<16xf32>
        %swap3A_658 = arith.index_cast %scan3A_213 : i32 to index
        %swap3A_659 = arith.constant 784 : index
        %swap3A_660 = tpu.vector_load %arg11[%swap3A_658, %swap3A_659] {strides = array<i32>} : memref<16x1024xf32, #tpu.memory_space<vmem>>, vector<1x16xf32>,
        %swap3A_661 = vector.shape_cast %swap3A_660 : vector<1x16xf32> to vector<16xf32>
        %swap3A_662 = vector.shape_cast %get3A_657 : vector<16xf32> to vector<1x16xf32>
        tpu.vector_store %arg11[%swap3A_658, %swap3A_659], %swap3A_662 {add = true, strides = array<i32>} : memref<16x1024xf32, #tpu.memory_space<vmem>>, vector<1x16xf32>,
        %get3A_663 = arith.index_cast %scan3A_213 : i32 to index
        %get3A_664 = arith.constant 800 : index
        %get3A_665 = tpu.vector_load %arg15[%get3A_663, %get3A_664] {strides = array<i32>} : memref<16x1024xf32, #tpu.memory_space<vmem>>, vector<1x16xf32>,
        %get3A_666 = vector.shape_cast %get3A_665 : vector<1x16xf32> to vector<16xf32>
        %swap3A_667 = arith.index_cast %scan3A_213 : i32 to index
        %swap3A_668 = arith.constant 800 : index
        %swap3A_669 = tpu.vector_load %arg11[%swap3A_667, %swap3A_668] {strides = array<i32>} : memref<16x1024xf32, #tpu.memory_space<vmem>>, vector<1x16xf32>,
        %swap3A_670 = vector.shape_cast %swap3A_669 : vector<1x16xf32> to vector<16xf32>
        %swap3A_671 = vector.shape_cast %get3A_666 : vector<16xf32> to vector<1x16xf32>
        tpu.vector_store %arg11[%swap3A_667, %swap3A_668], %swap3A_671 {add = true, strides = array<i32>} : memref<16x1024xf32, #tpu.memory_space<vmem>>, vector<1x16xf32>,
        %get3A_672 = arith.index_cast %scan3A_213 : i32 to index
        %get3A_673 = arith.constant 816 : index
        %get3A_674 = tpu.vector_load %arg15[%get3A_672, %get3A_673] {strides = array<i32>} : memref<16x1024xf32, #tpu.memory_space<vmem>>, vector<1x16xf32>,
        %get3A_675 = vector.shape_cast %get3A_674 : vector<1x16xf32> to vector<16xf32>
        %swap3A_676 = arith.index_cast %scan3A_213 : i32 to index
        %swap3A_677 = arith.constant 816 : index
        %swap3A_678 = tpu.vector_load %arg11[%swap3A_676, %swap3A_677] {strides = array<i32>} : memref<16x1024xf32, #tpu.memory_space<vmem>>, vector<1x16xf32>,
        %swap3A_679 = vector.shape_cast %swap3A_678 : vector<1x16xf32> to vector<16xf32>
        %swap3A_680 = vector.shape_cast %get3A_675 : vector<16xf32> to vector<1x16xf32>
        tpu.vector_store %arg11[%swap3A_676, %swap3A_677], %swap3A_680 {add = true, strides = array<i32>} : memref<16x1024xf32, #tpu.memory_space<vmem>>, vector<1x16xf32>,
        %get3A_681 = arith.index_cast %scan3A_213 : i32 to index
        %get3A_682 = arith.constant 832 : index
        %get3A_683 = tpu.vector_load %arg15[%get3A_681, %get3A_682] {strides = array<i32>} : memref<16x1024xf32, #tpu.memory_space<vmem>>, vector<1x16xf32>,
        %get3A_684 = vector.shape_cast %get3A_683 : vector<1x16xf32> to vector<16xf32>
        %swap3A_685 = arith.index_cast %scan3A_213 : i32 to index
        %swap3A_686 = arith.constant 832 : index
        %swap3A_687 = tpu.vector_load %arg11[%swap3A_685, %swap3A_686] {strides = array<i32>} : memref<16x1024xf32, #tpu.memory_space<vmem>>, vector<1x16xf32>,
        %swap3A_688 = vector.shape_cast %swap3A_687 : vector<1x16xf32> to vector<16xf32>
        %swap3A_689 = vector.shape_cast %get3A_684 : vector<16xf32> to vector<1x16xf32>
        tpu.vector_store %arg11[%swap3A_685, %swap3A_686], %swap3A_689 {add = true, strides = array<i32>} : memref<16x1024xf32, #tpu.memory_space<vmem>>, vector<1x16xf32>,
        %get3A_690 = arith.index_cast %scan3A_213 : i32 to index
        %get3A_691 = arith.constant 848 : index
        %get3A_692 = tpu.vector_load %arg15[%get3A_690, %get3A_691] {strides = array<i32>} : memref<16x1024xf32, #tpu.memory_space<vmem>>, vector<1x16xf32>,
        %get3A_693 = vector.shape_cast %get3A_692 : vector<1x16xf32> to vector<16xf32>
        %swap3A_694 = arith.index_cast %scan3A_213 : i32 to index
        %swap3A_695 = arith.constant 848 : index
        %swap3A_696 = tpu.vector_load %arg11[%swap3A_694, %swap3A_695] {strides = array<i32>} : memref<16x1024xf32, #tpu.memory_space<vmem>>, vector<1x16xf32>,
        %swap3A_697 = vector.shape_cast %swap3A_696 : vector<1x16xf32> to vector<16xf32>
        %swap3A_698 = vector.shape_cast %get3A_693 : vector<16xf32> to vector<1x16xf32>
        tpu.vector_store %arg11[%swap3A_694, %swap3A_695], %swap3A_698 {add = true, strides = array<i32>} : memref<16x1024xf32, #tpu.memory_space<vmem>>, vector<1x16xf32>,
        %get3A_699 = arith.index_cast %scan3A_213 : i32 to index
        %get3A_700 = arith.constant 864 : index
        %get3A_701 = tpu.vector_load %arg15[%get3A_699, %get3A_700] {strides = array<i32>} : memref<16x1024xf32, #tpu.memory_space<vmem>>, vector<1x16xf32>,
        %get3A_702 = vector.shape_cast %get3A_701 : vector<1x16xf32> to vector<16xf32>
        %swap3A_703 = arith.index_cast %scan3A_213 : i32 to index
        %swap3A_704 = arith.constant 864 : index
        %swap3A_705 = tpu.vector_load %arg11[%swap3A_703, %swap3A_704] {strides = array<i32>} : memref<16x1024xf32, #tpu.memory_space<vmem>>, vector<1x16xf32>,
        %swap3A_706 = vector.shape_cast %swap3A_705 : vector<1x16xf32> to vector<16xf32>
        %swap3A_707 = vector.shape_cast %get3A_702 : vector<16xf32> to vector<1x16xf32>
        tpu.vector_store %arg11[%swap3A_703, %swap3A_704], %swap3A_707 {add = true, strides = array<i32>} : memref<16x1024xf32, #tpu.memory_space<vmem>>, vector<1x16xf32>,
        %get3A_708 = arith.index_cast %scan3A_213 : i32 to index
        %get3A_709 = arith.constant 880 : index
        %get3A_710 = tpu.vector_load %arg15[%get3A_708, %get3A_709] {strides = array<i32>} : memref<16x1024xf32, #tpu.memory_space<vmem>>, vector<1x16xf32>,
        %get3A_711 = vector.shape_cast %get3A_710 : vector<1x16xf32> to vector<16xf32>
        %swap3A_712 = arith.index_cast %scan3A_213 : i32 to index
        %swap3A_713 = arith.constant 880 : index
        %swap3A_714 = tpu.vector_load %arg11[%swap3A_712, %swap3A_713] {strides = array<i32>} : memref<16x1024xf32, #tpu.memory_space<vmem>>, vector<1x16xf32>,
        %swap3A_715 = vector.shape_cast %swap3A_714 : vector<1x16xf32> to vector<16xf32>
        %swap3A_716 = vector.shape_cast %get3A_711 : vector<16xf32> to vector<1x16xf32>
        tpu.vector_store %arg11[%swap3A_712, %swap3A_713], %swap3A_716 {add = true, strides = array<i32>} : memref<16x1024xf32, #tpu.memory_space<vmem>>, vector<1x16xf32>,
        %get3A_717 = arith.index_cast %scan3A_213 : i32 to index
        %get3A_718 = arith.constant 896 : index
        %get3A_719 = tpu.vector_load %arg15[%get3A_717, %get3A_718] {strides = array<i32>} : memref<16x1024xf32, #tpu.memory_space<vmem>>, vector<1x16xf32>,
        %get3A_720 = vector.shape_cast %get3A_719 : vector<1x16xf32> to vector<16xf32>
        %swap3A_721 = arith.index_cast %scan3A_213 : i32 to index
        %swap3A_722 = arith.constant 896 : index
        %swap3A_723 = tpu.vector_load %arg11[%swap3A_721, %swap3A_722] {strides = array<i32>} : memref<16x1024xf32, #tpu.memory_space<vmem>>, vector<1x16xf32>,
        %swap3A_724 = vector.shape_cast %swap3A_723 : vector<1x16xf32> to vector<16xf32>
        %swap3A_725 = vector.shape_cast %get3A_720 : vector<16xf32> to vector<1x16xf32>
        tpu.vector_store %arg11[%swap3A_721, %swap3A_722], %swap3A_725 {add = true, strides = array<i32>} : memref<16x1024xf32, #tpu.memory_space<vmem>>, vector<1x16xf32>,
        %get3A_726 = arith.index_cast %scan3A_213 : i32 to index
        %get3A_727 = arith.constant 912 : index
        %get3A_728 = tpu.vector_load %arg15[%get3A_726, %get3A_727] {strides = array<i32>} : memref<16x1024xf32, #tpu.memory_space<vmem>>, vector<1x16xf32>,
        %get3A_729 = vector.shape_cast %get3A_728 : vector<1x16xf32> to vector<16xf32>
        %swap3A_730 = arith.index_cast %scan3A_213 : i32 to index
        %swap3A_731 = arith.constant 912 : index
        %swap3A_732 = tpu.vector_load %arg11[%swap3A_730, %swap3A_731] {strides = array<i32>} : memref<16x1024xf32, #tpu.memory_space<vmem>>, vector<1x16xf32>,
        %swap3A_733 = vector.shape_cast %swap3A_732 : vector<1x16xf32> to vector<16xf32>
        %swap3A_734 = vector.shape_cast %get3A_729 : vector<16xf32> to vector<1x16xf32>
        tpu.vector_store %arg11[%swap3A_730, %swap3A_731], %swap3A_734 {add = true, strides = array<i32>} : memref<16x1024xf32, #tpu.memory_space<vmem>>, vector<1x16xf32>,
        %get3A_735 = arith.index_cast %scan3A_213 : i32 to index
        %get3A_736 = arith.constant 928 : index
        %get3A_737 = tpu.vector_load %arg15[%get3A_735, %get3A_736] {strides = array<i32>} : memref<16x1024xf32, #tpu.memory_space<vmem>>, vector<1x16xf32>,
        %get3A_738 = vector.shape_cast %get3A_737 : vector<1x16xf32> to vector<16xf32>
        %swap3A_739 = arith.index_cast %scan3A_213 : i32 to index
        %swap3A_740 = arith.constant 928 : index
        %swap3A_741 = tpu.vector_load %arg11[%swap3A_739, %swap3A_740] {strides = array<i32>} : memref<16x1024xf32, #tpu.memory_space<vmem>>, vector<1x16xf32>,
        %swap3A_742 = vector.shape_cast %swap3A_741 : vector<1x16xf32> to vector<16xf32>
        %swap3A_743 = vector.shape_cast %get3A_738 : vector<16xf32> to vector<1x16xf32>
        tpu.vector_store %arg11[%swap3A_739, %swap3A_740], %swap3A_743 {add = true, strides = array<i32>} : memref<16x1024xf32, #tpu.memory_space<vmem>>, vector<1x16xf32>,
        %get3A_744 = arith.index_cast %scan3A_213 : i32 to index
        %get3A_745 = arith.constant 944 : index
        %get3A_746 = tpu.vector_load %arg15[%get3A_744, %get3A_745] {strides = array<i32>} : memref<16x1024xf32, #tpu.memory_space<vmem>>, vector<1x16xf32>,
        %get3A_747 = vector.shape_cast %get3A_746 : vector<1x16xf32> to vector<16xf32>
        %swap3A_748 = arith.index_cast %scan3A_213 : i32 to index
        %swap3A_749 = arith.constant 944 : index
        %swap3A_750 = tpu.vector_load %arg11[%swap3A_748, %swap3A_749] {strides = array<i32>} : memref<16x1024xf32, #tpu.memory_space<vmem>>, vector<1x16xf32>,
        %swap3A_751 = vector.shape_cast %swap3A_750 : vector<1x16xf32> to vector<16xf32>
        %swap3A_752 = vector.shape_cast %get3A_747 : vector<16xf32> to vector<1x16xf32>
        tpu.vector_store %arg11[%swap3A_748, %swap3A_749], %swap3A_752 {add = true, strides = array<i32>} : memref<16x1024xf32, #tpu.memory_space<vmem>>, vector<1x16xf32>,
        %get3A_753 = arith.index_cast %scan3A_213 : i32 to index
        %get3A_754 = arith.constant 960 : index
        %get3A_755 = tpu.vector_load %arg15[%get3A_753, %get3A_754] {strides = array<i32>} : memref<16x1024xf32, #tpu.memory_space<vmem>>, vector<1x16xf32>,
        %get3A_756 = vector.shape_cast %get3A_755 : vector<1x16xf32> to vector<16xf32>
        %swap3A_757 = arith.index_cast %scan3A_213 : i32 to index
        %swap3A_758 = arith.constant 960 : index
        %swap3A_759 = tpu.vector_load %arg11[%swap3A_757, %swap3A_758] {strides = array<i32>} : memref<16x1024xf32, #tpu.memory_space<vmem>>, vector<1x16xf32>,
        %swap3A_760 = vector.shape_cast %swap3A_759 : vector<1x16xf32> to vector<16xf32>
        %swap3A_761 = vector.shape_cast %get3A_756 : vector<16xf32> to vector<1x16xf32>
        tpu.vector_store %arg11[%swap3A_757, %swap3A_758], %swap3A_761 {add = true, strides = array<i32>} : memref<16x1024xf32, #tpu.memory_space<vmem>>, vector<1x16xf32>,
        %get3A_762 = arith.index_cast %scan3A_213 : i32 to index
        %get3A_763 = arith.constant 976 : index
        %get3A_764 = tpu.vector_load %arg15[%get3A_762, %get3A_763] {strides = array<i32>} : memref<16x1024xf32, #tpu.memory_space<vmem>>, vector<1x16xf32>,
        %get3A_765 = vector.shape_cast %get3A_764 : vector<1x16xf32> to vector<16xf32>
        %swap3A_766 = arith.index_cast %scan3A_213 : i32 to index
        %swap3A_767 = arith.constant 976 : index
        %swap3A_768 = tpu.vector_load %arg11[%swap3A_766, %swap3A_767] {strides = array<i32>} : memref<16x1024xf32, #tpu.memory_space<vmem>>, vector<1x16xf32>,
        %swap3A_769 = vector.shape_cast %swap3A_768 : vector<1x16xf32> to vector<16xf32>
        %swap3A_770 = vector.shape_cast %get3A_765 : vector<16xf32> to vector<1x16xf32>
        tpu.vector_store %arg11[%swap3A_766, %swap3A_767], %swap3A_770 {add = true, strides = array<i32>} : memref<16x1024xf32, #tpu.memory_space<vmem>>, vector<1x16xf32>,
        %get3A_771 = arith.index_cast %scan3A_213 : i32 to index
        %get3A_772 = arith.constant 992 : index
        %get3A_773 = tpu.vector_load %arg15[%get3A_771, %get3A_772] {strides = array<i32>} : memref<16x1024xf32, #tpu.memory_space<vmem>>, vector<1x16xf32>,
        %get3A_774 = vector.shape_cast %get3A_773 : vector<1x16xf32> to vector<16xf32>
        %swap3A_775 = arith.index_cast %scan3A_213 : i32 to index
        %swap3A_776 = arith.constant 992 : index
        %swap3A_777 = tpu.vector_load %arg11[%swap3A_775, %swap3A_776] {strides = array<i32>} : memref<16x1024xf32, #tpu.memory_space<vmem>>, vector<1x16xf32>,
        %swap3A_778 = vector.shape_cast %swap3A_777 : vector<1x16xf32> to vector<16xf32>
        %swap3A_779 = vector.shape_cast %get3A_774 : vector<16xf32> to vector<1x16xf32>
        tpu.vector_store %arg11[%swap3A_775, %swap3A_776], %swap3A_779 {add = true, strides = array<i32>} : memref<16x1024xf32, #tpu.memory_space<vmem>>, vector<1x16xf32>,
        %get3A_780 = arith.index_cast %scan3A_213 : i32 to index
        %get3A_781 = arith.constant 1008 : index
        %get3A_782 = tpu.vector_load %arg15[%get3A_780, %get3A_781] {strides = array<i32>} : memref<16x1024xf32, #tpu.memory_space<vmem>>, vector<1x16xf32>,
        %get3A_783 = vector.shape_cast %get3A_782 : vector<1x16xf32> to vector<16xf32>
        %swap3A_784 = arith.index_cast %scan3A_213 : i32 to index
        %swap3A_785 = arith.constant 1008 : index
        %swap3A_786 = tpu.vector_load %arg11[%swap3A_784, %swap3A_785] {strides = array<i32>} : memref<16x1024xf32, #tpu.memory_space<vmem>>, vector<1x16xf32>,
        %swap3A_787 = vector.shape_cast %swap3A_786 : vector<1x16xf32> to vector<16xf32>
        %swap3A_788 = vector.shape_cast %get3A_783 : vector<16xf32> to vector<1x16xf32>
        tpu.vector_store %arg11[%swap3A_784, %swap3A_785], %swap3A_788 {add = true, strides = array<i32>} : memref<16x1024xf32, #tpu.memory_space<vmem>>, vector<1x16xf32>,
        %scan3A_789 = arith.constant 0 : i32
        scf.yield %scan3A_789 : i32
      }
      %scan3A_178 = arith.constant 16 : i32
      %add3A_179 = arith.constant 2 : i32
      %add3A_180 = arith.addi %mul3A_35, %add3A_179 : i32
      %mul3A_181 = arith.constant 16 : i32
      %mul3A_182 = arith.muli %add3A_180, %mul3A_181 : i32
      %add3A_183 = arith.addi %mul3A_2, %mul3A_182 : i32
      %dma_start3A_184 = arith.constant 0 : i32
      %dma_start3A_185 = tpu.memref_slice %arg6[%add3A_183, %dma_start3A_184] : memref<8192x1024xf32, #tpu.memory_space<hbm>> -> memref<16x1024xf32, #tpu.memory_space<hbm>>
      %dma_start3A_186 = arith.constant 0 : i32
      %dma_start3A_187 = tpu.memref_slice %arg6[%add3A_183, %dma_start3A_186] : memref<8192x1024xf32, #tpu.memory_space<hbm>> -> memref<16x1024xf32, #tpu.memory_space<hbm>>
      tpu.enqueue_dma source(%arg11 : memref<16x1024xf32, #tpu.memory_space<vmem>>) target(%dma_start3A_187 : memref<16x1024xf32, #tpu.memory_space<hbm>>) target_semaphore(%arg25 : memref<!tpu.dma_semaphore, #tpu.memory_space<semaphore_mem>>)
      %dma_wait3A_188 = tpu.memref_slice %arg7[%mul3A_79] : memref<256xi32, #tpu.memory_space<vmem>> -> memref<16xi32, #tpu.memory_space<vmem>>
      %dma_wait3A_189 = arith.constant 0 : i32
      %dma_wait3A_190 = arith.constant 0 : i32
      %dma_wait3A_191 = tpu.memref_slice %arg4[%dma_wait3A_189, %dma_wait3A_190] : memref<50265x1024xf32, #tpu.memory_space<hbm>> -> memref<50265x1024xf32, #tpu.memory_space<hbm>>
      tpu.wait_indirect_dma semaphore(%arg19 : memref<!tpu.dma_semaphore, #tpu.memory_space<semaphore_mem>>) src(%dma_wait3A_191 : memref<50265x1024xf32, #tpu.memory_space<hbm>>) dst(%arg12 : memref<16x1024xf32, #tpu.memory_space<vmem>>)
      %dma_wait3A_192 = tpu.memref_slice %arg8[%mul3A_135] : memref<256xi32, #tpu.memory_space<vmem>> -> memref<16xi32, #tpu.memory_space<vmem>>
      %dma_wait3A_193 = arith.constant 0 : i32
      %dma_wait3A_194 = arith.constant 0 : i32
      %dma_wait3A_195 = tpu.memref_slice %arg5[%dma_wait3A_193, %dma_wait3A_194] : memref<4098x1024xf32, #tpu.memory_space<hbm>> -> memref<4098x1024xf32, #tpu.memory_space<hbm>>
      tpu.wait_indirect_dma semaphore(%arg20 : memref<!tpu.dma_semaphore, #tpu.memory_space<semaphore_mem>>) src(%dma_wait3A_195 : memref<4098x1024xf32, #tpu.memory_space<hbm>>) dst(%arg13 : memref<16x1024xf32, #tpu.memory_space<vmem>>)
      %scan3A_196 = arith.constant 0 : i32
      %scan3A_197 = arith.constant 0 : i32
      %scan3A_198 = arith.constant 16 : i32
      %scan3A_199 = arith.addi %scan3A_197, %scan3A_198 : i32
      %scan3A_200 = arith.constant 1 : i32
      %scan3A_201 = scf.for %scan3A_213 = %scan3A_197 to %scan3A_199 step %scan3A_200 iter_args(%scan3A_214 = %scan3A_196) -> (i32)  : i32 {
        %get3A = arith.index_cast %scan3A_213 : i32 to index
        %get3A_215 = arith.constant 0 : index
        %get3A_216 = tpu.vector_load %arg13[%get3A, %get3A_215] {strides = array<i32>} : memref<16x1024xf32, #tpu.memory_space<vmem>>, vector<1x16xf32>,
        %get3A_217 = vector.shape_cast %get3A_216 : vector<1x16xf32> to vector<16xf32>
        %swap3A = arith.index_cast %scan3A_213 : i32 to index
        %swap3A_218 = arith.constant 0 : index
        %swap3A_219 = tpu.vector_load %arg12[%swap3A, %swap3A_218] {strides = array<i32>} : memref<16x1024xf32, #tpu.memory_space<vmem>>, vector<1x16xf32>,
        %swap3A_220 = vector.shape_cast %swap3A_219 : vector<1x16xf32> to vector<16xf32>
        %swap3A_221 = vector.shape_cast %get3A_217 : vector<16xf32> to vector<1x16xf32>
        tpu.vector_store %arg12[%swap3A, %swap3A_218], %swap3A_221 {add = true, strides = array<i32>} : memref<16x1024xf32, #tpu.memory_space<vmem>>, vector<1x16xf32>,
        %get3A_222 = arith.index_cast %scan3A_213 : i32 to index
        %get3A_223 = arith.constant 16 : index
        %get3A_224 = tpu.vector_load %arg13[%get3A_222, %get3A_223] {strides = array<i32>} : memref<16x1024xf32, #tpu.memory_space<vmem>>, vector<1x16xf32>,
        %get3A_225 = vector.shape_cast %get3A_224 : vector<1x16xf32> to vector<16xf32>
        %swap3A_226 = arith.index_cast %scan3A_213 : i32 to index
        %swap3A_227 = arith.constant 16 : index
        %swap3A_228 = tpu.vector_load %arg12[%swap3A_226, %swap3A_227] {strides = array<i32>} : memref<16x1024xf32, #tpu.memory_space<vmem>>, vector<1x16xf32>,
        %swap3A_229 = vector.shape_cast %swap3A_228 : vector<1x16xf32> to vector<16xf32>
        %swap3A_230 = vector.shape_cast %get3A_225 : vector<16xf32> to vector<1x16xf32>
        tpu.vector_store %arg12[%swap3A_226, %swap3A_227], %swap3A_230 {add = true, strides = array<i32>} : memref<16x1024xf32, #tpu.memory_space<vmem>>, vector<1x16xf32>,
        %get3A_231 = arith.index_cast %scan3A_213 : i32 to index
        %get3A_232 = arith.constant 32 : index
        %get3A_233 = tpu.vector_load %arg13[%get3A_231, %get3A_232] {strides = array<i32>} : memref<16x1024xf32, #tpu.memory_space<vmem>>, vector<1x16xf32>,
        %get3A_234 = vector.shape_cast %get3A_233 : vector<1x16xf32> to vector<16xf32>
        %swap3A_235 = arith.index_cast %scan3A_213 : i32 to index
        %swap3A_236 = arith.constant 32 : index
        %swap3A_237 = tpu.vector_load %arg12[%swap3A_235, %swap3A_236] {strides = array<i32>} : memref<16x1024xf32, #tpu.memory_space<vmem>>, vector<1x16xf32>,
        %swap3A_238 = vector.shape_cast %swap3A_237 : vector<1x16xf32> to vector<16xf32>
        %swap3A_239 = vector.shape_cast %get3A_234 : vector<16xf32> to vector<1x16xf32>
        tpu.vector_store %arg12[%swap3A_235, %swap3A_236], %swap3A_239 {add = true, strides = array<i32>} : memref<16x1024xf32, #tpu.memory_space<vmem>>, vector<1x16xf32>,
        %get3A_240 = arith.index_cast %scan3A_213 : i32 to index
        %get3A_241 = arith.constant 48 : index
        %get3A_242 = tpu.vector_load %arg13[%get3A_240, %get3A_241] {strides = array<i32>} : memref<16x1024xf32, #tpu.memory_space<vmem>>, vector<1x16xf32>,
        %get3A_243 = vector.shape_cast %get3A_242 : vector<1x16xf32> to vector<16xf32>
        %swap3A_244 = arith.index_cast %scan3A_213 : i32 to index
        %swap3A_245 = arith.constant 48 : index
        %swap3A_246 = tpu.vector_load %arg12[%swap3A_244, %swap3A_245] {strides = array<i32>} : memref<16x1024xf32, #tpu.memory_space<vmem>>, vector<1x16xf32>,
        %swap3A_247 = vector.shape_cast %swap3A_246 : vector<1x16xf32> to vector<16xf32>
        %swap3A_248 = vector.shape_cast %get3A_243 : vector<16xf32> to vector<1x16xf32>
        tpu.vector_store %arg12[%swap3A_244, %swap3A_245], %swap3A_248 {add = true, strides = array<i32>} : memref<16x1024xf32, #tpu.memory_space<vmem>>, vector<1x16xf32>,
        %get3A_249 = arith.index_cast %scan3A_213 : i32 to index
        %get3A_250 = arith.constant 64 : index
        %get3A_251 = tpu.vector_load %arg13[%get3A_249, %get3A_250] {strides = array<i32>} : memref<16x1024xf32, #tpu.memory_space<vmem>>, vector<1x16xf32>,
        %get3A_252 = vector.shape_cast %get3A_251 : vector<1x16xf32> to vector<16xf32>
        %swap3A_253 = arith.index_cast %scan3A_213 : i32 to index
        %swap3A_254 = arith.constant 64 : index
        %swap3A_255 = tpu.vector_load %arg12[%swap3A_253, %swap3A_254] {strides = array<i32>} : memref<16x1024xf32, #tpu.memory_space<vmem>>, vector<1x16xf32>,
        %swap3A_256 = vector.shape_cast %swap3A_255 : vector<1x16xf32> to vector<16xf32>
        %swap3A_257 = vector.shape_cast %get3A_252 : vector<16xf32> to vector<1x16xf32>
        tpu.vector_store %arg12[%swap3A_253, %swap3A_254], %swap3A_257 {add = true, strides = array<i32>} : memref<16x1024xf32, #tpu.memory_space<vmem>>, vector<1x16xf32>,
        %get3A_258 = arith.index_cast %scan3A_213 : i32 to index
        %get3A_259 = arith.constant 80 : index
        %get3A_260 = tpu.vector_load %arg13[%get3A_258, %get3A_259] {strides = array<i32>} : memref<16x1024xf32, #tpu.memory_space<vmem>>, vector<1x16xf32>,
        %get3A_261 = vector.shape_cast %get3A_260 : vector<1x16xf32> to vector<16xf32>
        %swap3A_262 = arith.index_cast %scan3A_213 : i32 to index
        %swap3A_263 = arith.constant 80 : index
        %swap3A_264 = tpu.vector_load %arg12[%swap3A_262, %swap3A_263] {strides = array<i32>} : memref<16x1024xf32, #tpu.memory_space<vmem>>, vector<1x16xf32>,
        %swap3A_265 = vector.shape_cast %swap3A_264 : vector<1x16xf32> to vector<16xf32>
        %swap3A_266 = vector.shape_cast %get3A_261 : vector<16xf32> to vector<1x16xf32>
        tpu.vector_store %arg12[%swap3A_262, %swap3A_263], %swap3A_266 {add = true, strides = array<i32>} : memref<16x1024xf32, #tpu.memory_space<vmem>>, vector<1x16xf32>,
        %get3A_267 = arith.index_cast %scan3A_213 : i32 to index
        %get3A_268 = arith.constant 96 : index
        %get3A_269 = tpu.vector_load %arg13[%get3A_267, %get3A_268] {strides = array<i32>} : memref<16x1024xf32, #tpu.memory_space<vmem>>, vector<1x16xf32>,
        %get3A_270 = vector.shape_cast %get3A_269 : vector<1x16xf32> to vector<16xf32>
        %swap3A_271 = arith.index_cast %scan3A_213 : i32 to index
        %swap3A_272 = arith.constant 96 : index
        %swap3A_273 = tpu.vector_load %arg12[%swap3A_271, %swap3A_272] {strides = array<i32>} : memref<16x1024xf32, #tpu.memory_space<vmem>>, vector<1x16xf32>,
        %swap3A_274 = vector.shape_cast %swap3A_273 : vector<1x16xf32> to vector<16xf32>
        %swap3A_275 = vector.shape_cast %get3A_270 : vector<16xf32> to vector<1x16xf32>
        tpu.vector_store %arg12[%swap3A_271, %swap3A_272], %swap3A_275 {add = true, strides = array<i32>} : memref<16x1024xf32, #tpu.memory_space<vmem>>, vector<1x16xf32>,
        %get3A_276 = arith.index_cast %scan3A_213 : i32 to index
        %get3A_277 = arith.constant 112 : index
        %get3A_278 = tpu.vector_load %arg13[%get3A_276, %get3A_277] {strides = array<i32>} : memref<16x1024xf32, #tpu.memory_space<vmem>>, vector<1x16xf32>,
        %get3A_279 = vector.shape_cast %get3A_278 : vector<1x16xf32> to vector<16xf32>
        %swap3A_280 = arith.index_cast %scan3A_213 : i32 to index
        %swap3A_281 = arith.constant 112 : index
        %swap3A_282 = tpu.vector_load %arg12[%swap3A_280, %swap3A_281] {strides = array<i32>} : memref<16x1024xf32, #tpu.memory_space<vmem>>, vector<1x16xf32>,
        %swap3A_283 = vector.shape_cast %swap3A_282 : vector<1x16xf32> to vector<16xf32>
        %swap3A_284 = vector.shape_cast %get3A_279 : vector<16xf32> to vector<1x16xf32>
        tpu.vector_store %arg12[%swap3A_280, %swap3A_281], %swap3A_284 {add = true, strides = array<i32>} : memref<16x1024xf32, #tpu.memory_space<vmem>>, vector<1x16xf32>,
        %get3A_285 = arith.index_cast %scan3A_213 : i32 to index
        %get3A_286 = arith.constant 128 : index
        %get3A_287 = tpu.vector_load %arg13[%get3A_285, %get3A_286] {strides = array<i32>} : memref<16x1024xf32, #tpu.memory_space<vmem>>, vector<1x16xf32>,
        %get3A_288 = vector.shape_cast %get3A_287 : vector<1x16xf32> to vector<16xf32>
        %swap3A_289 = arith.index_cast %scan3A_213 : i32 to index
        %swap3A_290 = arith.constant 128 : index
        %swap3A_291 = tpu.vector_load %arg12[%swap3A_289, %swap3A_290] {strides = array<i32>} : memref<16x1024xf32, #tpu.memory_space<vmem>>, vector<1x16xf32>,
        %swap3A_292 = vector.shape_cast %swap3A_291 : vector<1x16xf32> to vector<16xf32>
        %swap3A_293 = vector.shape_cast %get3A_288 : vector<16xf32> to vector<1x16xf32>
        tpu.vector_store %arg12[%swap3A_289, %swap3A_290], %swap3A_293 {add = true, strides = array<i32>} : memref<16x1024xf32, #tpu.memory_space<vmem>>, vector<1x16xf32>,
        %get3A_294 = arith.index_cast %scan3A_213 : i32 to index
        %get3A_295 = arith.constant 144 : index
        %get3A_296 = tpu.vector_load %arg13[%get3A_294, %get3A_295] {strides = array<i32>} : memref<16x1024xf32, #tpu.memory_space<vmem>>, vector<1x16xf32>,
        %get3A_297 = vector.shape_cast %get3A_296 : vector<1x16xf32> to vector<16xf32>
        %swap3A_298 = arith.index_cast %scan3A_213 : i32 to index
        %swap3A_299 = arith.constant 144 : index
        %swap3A_300 = tpu.vector_load %arg12[%swap3A_298, %swap3A_299] {strides = array<i32>} : memref<16x1024xf32, #tpu.memory_space<vmem>>, vector<1x16xf32>,
        %swap3A_301 = vector.shape_cast %swap3A_300 : vector<1x16xf32> to vector<16xf32>
        %swap3A_302 = vector.shape_cast %get3A_297 : vector<16xf32> to vector<1x16xf32>
        tpu.vector_store %arg12[%swap3A_298, %swap3A_299], %swap3A_302 {add = true, strides = array<i32>} : memref<16x1024xf32, #tpu.memory_space<vmem>>, vector<1x16xf32>,
        %get3A_303 = arith.index_cast %scan3A_213 : i32 to index
        %get3A_304 = arith.constant 160 : index
        %get3A_305 = tpu.vector_load %arg13[%get3A_303, %get3A_304] {strides = array<i32>} : memref<16x1024xf32, #tpu.memory_space<vmem>>, vector<1x16xf32>,
        %get3A_306 = vector.shape_cast %get3A_305 : vector<1x16xf32> to vector<16xf32>
        %swap3A_307 = arith.index_cast %scan3A_213 : i32 to index
        %swap3A_308 = arith.constant 160 : index
        %swap3A_309 = tpu.vector_load %arg12[%swap3A_307, %swap3A_308] {strides = array<i32>} : memref<16x1024xf32, #tpu.memory_space<vmem>>, vector<1x16xf32>,
        %swap3A_310 = vector.shape_cast %swap3A_309 : vector<1x16xf32> to vector<16xf32>
        %swap3A_311 = vector.shape_cast %get3A_306 : vector<16xf32> to vector<1x16xf32>
        tpu.vector_store %arg12[%swap3A_307, %swap3A_308], %swap3A_311 {add = true, strides = array<i32>} : memref<16x1024xf32, #tpu.memory_space<vmem>>, vector<1x16xf32>,
        %get3A_312 = arith.index_cast %scan3A_213 : i32 to index
        %get3A_313 = arith.constant 176 : index
        %get3A_314 = tpu.vector_load %arg13[%get3A_312, %get3A_313] {strides = array<i32>} : memref<16x1024xf32, #tpu.memory_space<vmem>>, vector<1x16xf32>,
        %get3A_315 = vector.shape_cast %get3A_314 : vector<1x16xf32> to vector<16xf32>
        %swap3A_316 = arith.index_cast %scan3A_213 : i32 to index
        %swap3A_317 = arith.constant 176 : index
        %swap3A_318 = tpu.vector_load %arg12[%swap3A_316, %swap3A_317] {strides = array<i32>} : memref<16x1024xf32, #tpu.memory_space<vmem>>, vector<1x16xf32>,
        %swap3A_319 = vector.shape_cast %swap3A_318 : vector<1x16xf32> to vector<16xf32>
        %swap3A_320 = vector.shape_cast %get3A_315 : vector<16xf32> to vector<1x16xf32>
        tpu.vector_store %arg12[%swap3A_316, %swap3A_317], %swap3A_320 {add = true, strides = array<i32>} : memref<16x1024xf32, #tpu.memory_space<vmem>>, vector<1x16xf32>,
        %get3A_321 = arith.index_cast %scan3A_213 : i32 to index
        %get3A_322 = arith.constant 192 : index
        %get3A_323 = tpu.vector_load %arg13[%get3A_321, %get3A_322] {strides = array<i32>} : memref<16x1024xf32, #tpu.memory_space<vmem>>, vector<1x16xf32>,
        %get3A_324 = vector.shape_cast %get3A_323 : vector<1x16xf32> to vector<16xf32>
        %swap3A_325 = arith.index_cast %scan3A_213 : i32 to index
        %swap3A_326 = arith.constant 192 : index
        %swap3A_327 = tpu.vector_load %arg12[%swap3A_325, %swap3A_326] {strides = array<i32>} : memref<16x1024xf32, #tpu.memory_space<vmem>>, vector<1x16xf32>,
        %swap3A_328 = vector.shape_cast %swap3A_327 : vector<1x16xf32> to vector<16xf32>
        %swap3A_329 = vector.shape_cast %get3A_324 : vector<16xf32> to vector<1x16xf32>
        tpu.vector_store %arg12[%swap3A_325, %swap3A_326], %swap3A_329 {add = true, strides = array<i32>} : memref<16x1024xf32, #tpu.memory_space<vmem>>, vector<1x16xf32>,
        %get3A_330 = arith.index_cast %scan3A_213 : i32 to index
        %get3A_331 = arith.constant 208 : index
        %get3A_332 = tpu.vector_load %arg13[%get3A_330, %get3A_331] {strides = array<i32>} : memref<16x1024xf32, #tpu.memory_space<vmem>>, vector<1x16xf32>,
        %get3A_333 = vector.shape_cast %get3A_332 : vector<1x16xf32> to vector<16xf32>
        %swap3A_334 = arith.index_cast %scan3A_213 : i32 to index
        %swap3A_335 = arith.constant 208 : index
        %swap3A_336 = tpu.vector_load %arg12[%swap3A_334, %swap3A_335] {strides = array<i32>} : memref<16x1024xf32, #tpu.memory_space<vmem>>, vector<1x16xf32>,
        %swap3A_337 = vector.shape_cast %swap3A_336 : vector<1x16xf32> to vector<16xf32>
        %swap3A_338 = vector.shape_cast %get3A_333 : vector<16xf32> to vector<1x16xf32>
        tpu.vector_store %arg12[%swap3A_334, %swap3A_335], %swap3A_338 {add = true, strides = array<i32>} : memref<16x1024xf32, #tpu.memory_space<vmem>>, vector<1x16xf32>,
        %get3A_339 = arith.index_cast %scan3A_213 : i32 to index
        %get3A_340 = arith.constant 224 : index
        %get3A_341 = tpu.vector_load %arg13[%get3A_339, %get3A_340] {strides = array<i32>} : memref<16x1024xf32, #tpu.memory_space<vmem>>, vector<1x16xf32>,
        %get3A_342 = vector.shape_cast %get3A_341 : vector<1x16xf32> to vector<16xf32>
        %swap3A_343 = arith.index_cast %scan3A_213 : i32 to index
        %swap3A_344 = arith.constant 224 : index
        %swap3A_345 = tpu.vector_load %arg12[%swap3A_343, %swap3A_344] {strides = array<i32>} : memref<16x1024xf32, #tpu.memory_space<vmem>>, vector<1x16xf32>,
        %swap3A_346 = vector.shape_cast %swap3A_345 : vector<1x16xf32> to vector<16xf32>
        %swap3A_347 = vector.shape_cast %get3A_342 : vector<16xf32> to vector<1x16xf32>
        tpu.vector_store %arg12[%swap3A_343, %swap3A_344], %swap3A_347 {add = true, strides = array<i32>} : memref<16x1024xf32, #tpu.memory_space<vmem>>, vector<1x16xf32>,
        %get3A_348 = arith.index_cast %scan3A_213 : i32 to index
        %get3A_349 = arith.constant 240 : index
        %get3A_350 = tpu.vector_load %arg13[%get3A_348, %get3A_349] {strides = array<i32>} : memref<16x1024xf32, #tpu.memory_space<vmem>>, vector<1x16xf32>,
        %get3A_351 = vector.shape_cast %get3A_350 : vector<1x16xf32> to vector<16xf32>
        %swap3A_352 = arith.index_cast %scan3A_213 : i32 to index
        %swap3A_353 = arith.constant 240 : index
        %swap3A_354 = tpu.vector_load %arg12[%swap3A_352, %swap3A_353] {strides = array<i32>} : memref<16x1024xf32, #tpu.memory_space<vmem>>, vector<1x16xf32>,
        %swap3A_355 = vector.shape_cast %swap3A_354 : vector<1x16xf32> to vector<16xf32>
        %swap3A_356 = vector.shape_cast %get3A_351 : vector<16xf32> to vector<1x16xf32>
        tpu.vector_store %arg12[%swap3A_352, %swap3A_353], %swap3A_356 {add = true, strides = array<i32>} : memref<16x1024xf32, #tpu.memory_space<vmem>>, vector<1x16xf32>,
        %get3A_357 = arith.index_cast %scan3A_213 : i32 to index
        %get3A_358 = arith.constant 256 : index
        %get3A_359 = tpu.vector_load %arg13[%get3A_357, %get3A_358] {strides = array<i32>} : memref<16x1024xf32, #tpu.memory_space<vmem>>, vector<1x16xf32>,
        %get3A_360 = vector.shape_cast %get3A_359 : vector<1x16xf32> to vector<16xf32>
        %swap3A_361 = arith.index_cast %scan3A_213 : i32 to index
        %swap3A_362 = arith.constant 256 : index
        %swap3A_363 = tpu.vector_load %arg12[%swap3A_361, %swap3A_362] {strides = array<i32>} : memref<16x1024xf32, #tpu.memory_space<vmem>>, vector<1x16xf32>,
        %swap3A_364 = vector.shape_cast %swap3A_363 : vector<1x16xf32> to vector<16xf32>
        %swap3A_365 = vector.shape_cast %get3A_360 : vector<16xf32> to vector<1x16xf32>
        tpu.vector_store %arg12[%swap3A_361, %swap3A_362], %swap3A_365 {add = true, strides = array<i32>} : memref<16x1024xf32, #tpu.memory_space<vmem>>, vector<1x16xf32>,
        %get3A_366 = arith.index_cast %scan3A_213 : i32 to index
        %get3A_367 = arith.constant 272 : index
        %get3A_368 = tpu.vector_load %arg13[%get3A_366, %get3A_367] {strides = array<i32>} : memref<16x1024xf32, #tpu.memory_space<vmem>>, vector<1x16xf32>,
        %get3A_369 = vector.shape_cast %get3A_368 : vector<1x16xf32> to vector<16xf32>
        %swap3A_370 = arith.index_cast %scan3A_213 : i32 to index
        %swap3A_371 = arith.constant 272 : index
        %swap3A_372 = tpu.vector_load %arg12[%swap3A_370, %swap3A_371] {strides = array<i32>} : memref<16x1024xf32, #tpu.memory_space<vmem>>, vector<1x16xf32>,
        %swap3A_373 = vector.shape_cast %swap3A_372 : vector<1x16xf32> to vector<16xf32>
        %swap3A_374 = vector.shape_cast %get3A_369 : vector<16xf32> to vector<1x16xf32>
        tpu.vector_store %arg12[%swap3A_370, %swap3A_371], %swap3A_374 {add = true, strides = array<i32>} : memref<16x1024xf32, #tpu.memory_space<vmem>>, vector<1x16xf32>,
        %get3A_375 = arith.index_cast %scan3A_213 : i32 to index
        %get3A_376 = arith.constant 288 : index
        %get3A_377 = tpu.vector_load %arg13[%get3A_375, %get3A_376] {strides = array<i32>} : memref<16x1024xf32, #tpu.memory_space<vmem>>, vector<1x16xf32>,
        %get3A_378 = vector.shape_cast %get3A_377 : vector<1x16xf32> to vector<16xf32>
        %swap3A_379 = arith.index_cast %scan3A_213 : i32 to index
        %swap3A_380 = arith.constant 288 : index
        %swap3A_381 = tpu.vector_load %arg12[%swap3A_379, %swap3A_380] {strides = array<i32>} : memref<16x1024xf32, #tpu.memory_space<vmem>>, vector<1x16xf32>,
        %swap3A_382 = vector.shape_cast %swap3A_381 : vector<1x16xf32> to vector<16xf32>
        %swap3A_383 = vector.shape_cast %get3A_378 : vector<16xf32> to vector<1x16xf32>
        tpu.vector_store %arg12[%swap3A_379, %swap3A_380], %swap3A_383 {add = true, strides = array<i32>} : memref<16x1024xf32, #tpu.memory_space<vmem>>, vector<1x16xf32>,
        %get3A_384 = arith.index_cast %scan3A_213 : i32 to index
        %get3A_385 = arith.constant 304 : index
        %get3A_386 = tpu.vector_load %arg13[%get3A_384, %get3A_385] {strides = array<i32>} : memref<16x1024xf32, #tpu.memory_space<vmem>>, vector<1x16xf32>,
        %get3A_387 = vector.shape_cast %get3A_386 : vector<1x16xf32> to vector<16xf32>
        %swap3A_388 = arith.index_cast %scan3A_213 : i32 to index
        %swap3A_389 = arith.constant 304 : index
        %swap3A_390 = tpu.vector_load %arg12[%swap3A_388, %swap3A_389] {strides = array<i32>} : memref<16x1024xf32, #tpu.memory_space<vmem>>, vector<1x16xf32>,
        %swap3A_391 = vector.shape_cast %swap3A_390 : vector<1x16xf32> to vector<16xf32>
        %swap3A_392 = vector.shape_cast %get3A_387 : vector<16xf32> to vector<1x16xf32>
        tpu.vector_store %arg12[%swap3A_388, %swap3A_389], %swap3A_392 {add = true, strides = array<i32>} : memref<16x1024xf32, #tpu.memory_space<vmem>>, vector<1x16xf32>,
        %get3A_393 = arith.index_cast %scan3A_213 : i32 to index
        %get3A_394 = arith.constant 320 : index
        %get3A_395 = tpu.vector_load %arg13[%get3A_393, %get3A_394] {strides = array<i32>} : memref<16x1024xf32, #tpu.memory_space<vmem>>, vector<1x16xf32>,
        %get3A_396 = vector.shape_cast %get3A_395 : vector<1x16xf32> to vector<16xf32>
        %swap3A_397 = arith.index_cast %scan3A_213 : i32 to index
        %swap3A_398 = arith.constant 320 : index
        %swap3A_399 = tpu.vector_load %arg12[%swap3A_397, %swap3A_398] {strides = array<i32>} : memref<16x1024xf32, #tpu.memory_space<vmem>>, vector<1x16xf32>,
        %swap3A_400 = vector.shape_cast %swap3A_399 : vector<1x16xf32> to vector<16xf32>
        %swap3A_401 = vector.shape_cast %get3A_396 : vector<16xf32> to vector<1x16xf32>
        tpu.vector_store %arg12[%swap3A_397, %swap3A_398], %swap3A_401 {add = true, strides = array<i32>} : memref<16x1024xf32, #tpu.memory_space<vmem>>, vector<1x16xf32>,
        %get3A_402 = arith.index_cast %scan3A_213 : i32 to index
        %get3A_403 = arith.constant 336 : index
        %get3A_404 = tpu.vector_load %arg13[%get3A_402, %get3A_403] {strides = array<i32>} : memref<16x1024xf32, #tpu.memory_space<vmem>>, vector<1x16xf32>,
        %get3A_405 = vector.shape_cast %get3A_404 : vector<1x16xf32> to vector<16xf32>
        %swap3A_406 = arith.index_cast %scan3A_213 : i32 to index
        %swap3A_407 = arith.constant 336 : index
        %swap3A_408 = tpu.vector_load %arg12[%swap3A_406, %swap3A_407] {strides = array<i32>} : memref<16x1024xf32, #tpu.memory_space<vmem>>, vector<1x16xf32>,
        %swap3A_409 = vector.shape_cast %swap3A_408 : vector<1x16xf32> to vector<16xf32>
        %swap3A_410 = vector.shape_cast %get3A_405 : vector<16xf32> to vector<1x16xf32>
        tpu.vector_store %arg12[%swap3A_406, %swap3A_407], %swap3A_410 {add = true, strides = array<i32>} : memref<16x1024xf32, #tpu.memory_space<vmem>>, vector<1x16xf32>,
        %get3A_411 = arith.index_cast %scan3A_213 : i32 to index
        %get3A_412 = arith.constant 352 : index
        %get3A_413 = tpu.vector_load %arg13[%get3A_411, %get3A_412] {strides = array<i32>} : memref<16x1024xf32, #tpu.memory_space<vmem>>, vector<1x16xf32>,
        %get3A_414 = vector.shape_cast %get3A_413 : vector<1x16xf32> to vector<16xf32>
        %swap3A_415 = arith.index_cast %scan3A_213 : i32 to index
        %swap3A_416 = arith.constant 352 : index
        %swap3A_417 = tpu.vector_load %arg12[%swap3A_415, %swap3A_416] {strides = array<i32>} : memref<16x1024xf32, #tpu.memory_space<vmem>>, vector<1x16xf32>,
        %swap3A_418 = vector.shape_cast %swap3A_417 : vector<1x16xf32> to vector<16xf32>
        %swap3A_419 = vector.shape_cast %get3A_414 : vector<16xf32> to vector<1x16xf32>
        tpu.vector_store %arg12[%swap3A_415, %swap3A_416], %swap3A_419 {add = true, strides = array<i32>} : memref<16x1024xf32, #tpu.memory_space<vmem>>, vector<1x16xf32>,
        %get3A_420 = arith.index_cast %scan3A_213 : i32 to index
        %get3A_421 = arith.constant 368 : index
        %get3A_422 = tpu.vector_load %arg13[%get3A_420, %get3A_421] {strides = array<i32>} : memref<16x1024xf32, #tpu.memory_space<vmem>>, vector<1x16xf32>,
        %get3A_423 = vector.shape_cast %get3A_422 : vector<1x16xf32> to vector<16xf32>
        %swap3A_424 = arith.index_cast %scan3A_213 : i32 to index
        %swap3A_425 = arith.constant 368 : index
        %swap3A_426 = tpu.vector_load %arg12[%swap3A_424, %swap3A_425] {strides = array<i32>} : memref<16x1024xf32, #tpu.memory_space<vmem>>, vector<1x16xf32>,
        %swap3A_427 = vector.shape_cast %swap3A_426 : vector<1x16xf32> to vector<16xf32>
        %swap3A_428 = vector.shape_cast %get3A_423 : vector<16xf32> to vector<1x16xf32>
        tpu.vector_store %arg12[%swap3A_424, %swap3A_425], %swap3A_428 {add = true, strides = array<i32>} : memref<16x1024xf32, #tpu.memory_space<vmem>>, vector<1x16xf32>,
        %get3A_429 = arith.index_cast %scan3A_213 : i32 to index
        %get3A_430 = arith.constant 384 : index
        %get3A_431 = tpu.vector_load %arg13[%get3A_429, %get3A_430] {strides = array<i32>} : memref<16x1024xf32, #tpu.memory_space<vmem>>, vector<1x16xf32>,
        %get3A_432 = vector.shape_cast %get3A_431 : vector<1x16xf32> to vector<16xf32>
        %swap3A_433 = arith.index_cast %scan3A_213 : i32 to index
        %swap3A_434 = arith.constant 384 : index
        %swap3A_435 = tpu.vector_load %arg12[%swap3A_433, %swap3A_434] {strides = array<i32>} : memref<16x1024xf32, #tpu.memory_space<vmem>>, vector<1x16xf32>,
        %swap3A_436 = vector.shape_cast %swap3A_435 : vector<1x16xf32> to vector<16xf32>
        %swap3A_437 = vector.shape_cast %get3A_432 : vector<16xf32> to vector<1x16xf32>
        tpu.vector_store %arg12[%swap3A_433, %swap3A_434], %swap3A_437 {add = true, strides = array<i32>} : memref<16x1024xf32, #tpu.memory_space<vmem>>, vector<1x16xf32>,
        %get3A_438 = arith.index_cast %scan3A_213 : i32 to index
        %get3A_439 = arith.constant 400 : index
        %get3A_440 = tpu.vector_load %arg13[%get3A_438, %get3A_439] {strides = array<i32>} : memref<16x1024xf32, #tpu.memory_space<vmem>>, vector<1x16xf32>,
        %get3A_441 = vector.shape_cast %get3A_440 : vector<1x16xf32> to vector<16xf32>
        %swap3A_442 = arith.index_cast %scan3A_213 : i32 to index
        %swap3A_443 = arith.constant 400 : index
        %swap3A_444 = tpu.vector_load %arg12[%swap3A_442, %swap3A_443] {strides = array<i32>} : memref<16x1024xf32, #tpu.memory_space<vmem>>, vector<1x16xf32>,
        %swap3A_445 = vector.shape_cast %swap3A_444 : vector<1x16xf32> to vector<16xf32>
        %swap3A_446 = vector.shape_cast %get3A_441 : vector<16xf32> to vector<1x16xf32>
        tpu.vector_store %arg12[%swap3A_442, %swap3A_443], %swap3A_446 {add = true, strides = array<i32>} : memref<16x1024xf32, #tpu.memory_space<vmem>>, vector<1x16xf32>,
        %get3A_447 = arith.index_cast %scan3A_213 : i32 to index
        %get3A_448 = arith.constant 416 : index
        %get3A_449 = tpu.vector_load %arg13[%get3A_447, %get3A_448] {strides = array<i32>} : memref<16x1024xf32, #tpu.memory_space<vmem>>, vector<1x16xf32>,
        %get3A_450 = vector.shape_cast %get3A_449 : vector<1x16xf32> to vector<16xf32>
        %swap3A_451 = arith.index_cast %scan3A_213 : i32 to index
        %swap3A_452 = arith.constant 416 : index
        %swap3A_453 = tpu.vector_load %arg12[%swap3A_451, %swap3A_452] {strides = array<i32>} : memref<16x1024xf32, #tpu.memory_space<vmem>>, vector<1x16xf32>,
        %swap3A_454 = vector.shape_cast %swap3A_453 : vector<1x16xf32> to vector<16xf32>
        %swap3A_455 = vector.shape_cast %get3A_450 : vector<16xf32> to vector<1x16xf32>
        tpu.vector_store %arg12[%swap3A_451, %swap3A_452], %swap3A_455 {add = true, strides = array<i32>} : memref<16x1024xf32, #tpu.memory_space<vmem>>, vector<1x16xf32>,
        %get3A_456 = arith.index_cast %scan3A_213 : i32 to index
        %get3A_457 = arith.constant 432 : index
        %get3A_458 = tpu.vector_load %arg13[%get3A_456, %get3A_457] {strides = array<i32>} : memref<16x1024xf32, #tpu.memory_space<vmem>>, vector<1x16xf32>,
        %get3A_459 = vector.shape_cast %get3A_458 : vector<1x16xf32> to vector<16xf32>
        %swap3A_460 = arith.index_cast %scan3A_213 : i32 to index
        %swap3A_461 = arith.constant 432 : index
        %swap3A_462 = tpu.vector_load %arg12[%swap3A_460, %swap3A_461] {strides = array<i32>} : memref<16x1024xf32, #tpu.memory_space<vmem>>, vector<1x16xf32>,
        %swap3A_463 = vector.shape_cast %swap3A_462 : vector<1x16xf32> to vector<16xf32>
        %swap3A_464 = vector.shape_cast %get3A_459 : vector<16xf32> to vector<1x16xf32>
        tpu.vector_store %arg12[%swap3A_460, %swap3A_461], %swap3A_464 {add = true, strides = array<i32>} : memref<16x1024xf32, #tpu.memory_space<vmem>>, vector<1x16xf32>,
        %get3A_465 = arith.index_cast %scan3A_213 : i32 to index
        %get3A_466 = arith.constant 448 : index
        %get3A_467 = tpu.vector_load %arg13[%get3A_465, %get3A_466] {strides = array<i32>} : memref<16x1024xf32, #tpu.memory_space<vmem>>, vector<1x16xf32>,
        %get3A_468 = vector.shape_cast %get3A_467 : vector<1x16xf32> to vector<16xf32>
        %swap3A_469 = arith.index_cast %scan3A_213 : i32 to index
        %swap3A_470 = arith.constant 448 : index
        %swap3A_471 = tpu.vector_load %arg12[%swap3A_469, %swap3A_470] {strides = array<i32>} : memref<16x1024xf32, #tpu.memory_space<vmem>>, vector<1x16xf32>,
        %swap3A_472 = vector.shape_cast %swap3A_471 : vector<1x16xf32> to vector<16xf32>
        %swap3A_473 = vector.shape_cast %get3A_468 : vector<16xf32> to vector<1x16xf32>
        tpu.vector_store %arg12[%swap3A_469, %swap3A_470], %swap3A_473 {add = true, strides = array<i32>} : memref<16x1024xf32, #tpu.memory_space<vmem>>, vector<1x16xf32>,
        %get3A_474 = arith.index_cast %scan3A_213 : i32 to index
        %get3A_475 = arith.constant 464 : index
        %get3A_476 = tpu.vector_load %arg13[%get3A_474, %get3A_475] {strides = array<i32>} : memref<16x1024xf32, #tpu.memory_space<vmem>>, vector<1x16xf32>,
        %get3A_477 = vector.shape_cast %get3A_476 : vector<1x16xf32> to vector<16xf32>
        %swap3A_478 = arith.index_cast %scan3A_213 : i32 to index
        %swap3A_479 = arith.constant 464 : index
        %swap3A_480 = tpu.vector_load %arg12[%swap3A_478, %swap3A_479] {strides = array<i32>} : memref<16x1024xf32, #tpu.memory_space<vmem>>, vector<1x16xf32>,
        %swap3A_481 = vector.shape_cast %swap3A_480 : vector<1x16xf32> to vector<16xf32>
        %swap3A_482 = vector.shape_cast %get3A_477 : vector<16xf32> to vector<1x16xf32>
        tpu.vector_store %arg12[%swap3A_478, %swap3A_479], %swap3A_482 {add = true, strides = array<i32>} : memref<16x1024xf32, #tpu.memory_space<vmem>>, vector<1x16xf32>,
        %get3A_483 = arith.index_cast %scan3A_213 : i32 to index
        %get3A_484 = arith.constant 480 : index
        %get3A_485 = tpu.vector_load %arg13[%get3A_483, %get3A_484] {strides = array<i32>} : memref<16x1024xf32, #tpu.memory_space<vmem>>, vector<1x16xf32>,
        %get3A_486 = vector.shape_cast %get3A_485 : vector<1x16xf32> to vector<16xf32>
        %swap3A_487 = arith.index_cast %scan3A_213 : i32 to index
        %swap3A_488 = arith.constant 480 : index
        %swap3A_489 = tpu.vector_load %arg12[%swap3A_487, %swap3A_488] {strides = array<i32>} : memref<16x1024xf32, #tpu.memory_space<vmem>>, vector<1x16xf32>,
        %swap3A_490 = vector.shape_cast %swap3A_489 : vector<1x16xf32> to vector<16xf32>
        %swap3A_491 = vector.shape_cast %get3A_486 : vector<16xf32> to vector<1x16xf32>
        tpu.vector_store %arg12[%swap3A_487, %swap3A_488], %swap3A_491 {add = true, strides = array<i32>} : memref<16x1024xf32, #tpu.memory_space<vmem>>, vector<1x16xf32>,
        %get3A_492 = arith.index_cast %scan3A_213 : i32 to index
        %get3A_493 = arith.constant 496 : index
        %get3A_494 = tpu.vector_load %arg13[%get3A_492, %get3A_493] {strides = array<i32>} : memref<16x1024xf32, #tpu.memory_space<vmem>>, vector<1x16xf32>,
        %get3A_495 = vector.shape_cast %get3A_494 : vector<1x16xf32> to vector<16xf32>
        %swap3A_496 = arith.index_cast %scan3A_213 : i32 to index
        %swap3A_497 = arith.constant 496 : index
        %swap3A_498 = tpu.vector_load %arg12[%swap3A_496, %swap3A_497] {strides = array<i32>} : memref<16x1024xf32, #tpu.memory_space<vmem>>, vector<1x16xf32>,
        %swap3A_499 = vector.shape_cast %swap3A_498 : vector<1x16xf32> to vector<16xf32>
        %swap3A_500 = vector.shape_cast %get3A_495 : vector<16xf32> to vector<1x16xf32>
        tpu.vector_store %arg12[%swap3A_496, %swap3A_497], %swap3A_500 {add = true, strides = array<i32>} : memref<16x1024xf32, #tpu.memory_space<vmem>>, vector<1x16xf32>,
        %get3A_501 = arith.index_cast %scan3A_213 : i32 to index
        %get3A_502 = arith.constant 512 : index
        %get3A_503 = tpu.vector_load %arg13[%get3A_501, %get3A_502] {strides = array<i32>} : memref<16x1024xf32, #tpu.memory_space<vmem>>, vector<1x16xf32>,
        %get3A_504 = vector.shape_cast %get3A_503 : vector<1x16xf32> to vector<16xf32>
        %swap3A_505 = arith.index_cast %scan3A_213 : i32 to index
        %swap3A_506 = arith.constant 512 : index
        %swap3A_507 = tpu.vector_load %arg12[%swap3A_505, %swap3A_506] {strides = array<i32>} : memref<16x1024xf32, #tpu.memory_space<vmem>>, vector<1x16xf32>,
        %swap3A_508 = vector.shape_cast %swap3A_507 : vector<1x16xf32> to vector<16xf32>
        %swap3A_509 = vector.shape_cast %get3A_504 : vector<16xf32> to vector<1x16xf32>
        tpu.vector_store %arg12[%swap3A_505, %swap3A_506], %swap3A_509 {add = true, strides = array<i32>} : memref<16x1024xf32, #tpu.memory_space<vmem>>, vector<1x16xf32>,
        %get3A_510 = arith.index_cast %scan3A_213 : i32 to index
        %get3A_511 = arith.constant 528 : index
        %get3A_512 = tpu.vector_load %arg13[%get3A_510, %get3A_511] {strides = array<i32>} : memref<16x1024xf32, #tpu.memory_space<vmem>>, vector<1x16xf32>,
        %get3A_513 = vector.shape_cast %get3A_512 : vector<1x16xf32> to vector<16xf32>
        %swap3A_514 = arith.index_cast %scan3A_213 : i32 to index
        %swap3A_515 = arith.constant 528 : index
        %swap3A_516 = tpu.vector_load %arg12[%swap3A_514, %swap3A_515] {strides = array<i32>} : memref<16x1024xf32, #tpu.memory_space<vmem>>, vector<1x16xf32>,
        %swap3A_517 = vector.shape_cast %swap3A_516 : vector<1x16xf32> to vector<16xf32>
        %swap3A_518 = vector.shape_cast %get3A_513 : vector<16xf32> to vector<1x16xf32>
        tpu.vector_store %arg12[%swap3A_514, %swap3A_515], %swap3A_518 {add = true, strides = array<i32>} : memref<16x1024xf32, #tpu.memory_space<vmem>>, vector<1x16xf32>,
        %get3A_519 = arith.index_cast %scan3A_213 : i32 to index
        %get3A_520 = arith.constant 544 : index
        %get3A_521 = tpu.vector_load %arg13[%get3A_519, %get3A_520] {strides = array<i32>} : memref<16x1024xf32, #tpu.memory_space<vmem>>, vector<1x16xf32>,
        %get3A_522 = vector.shape_cast %get3A_521 : vector<1x16xf32> to vector<16xf32>
        %swap3A_523 = arith.index_cast %scan3A_213 : i32 to index
        %swap3A_524 = arith.constant 544 : index
        %swap3A_525 = tpu.vector_load %arg12[%swap3A_523, %swap3A_524] {strides = array<i32>} : memref<16x1024xf32, #tpu.memory_space<vmem>>, vector<1x16xf32>,
        %swap3A_526 = vector.shape_cast %swap3A_525 : vector<1x16xf32> to vector<16xf32>
        %swap3A_527 = vector.shape_cast %get3A_522 : vector<16xf32> to vector<1x16xf32>
        tpu.vector_store %arg12[%swap3A_523, %swap3A_524], %swap3A_527 {add = true, strides = array<i32>} : memref<16x1024xf32, #tpu.memory_space<vmem>>, vector<1x16xf32>,
        %get3A_528 = arith.index_cast %scan3A_213 : i32 to index
        %get3A_529 = arith.constant 560 : index
        %get3A_530 = tpu.vector_load %arg13[%get3A_528, %get3A_529] {strides = array<i32>} : memref<16x1024xf32, #tpu.memory_space<vmem>>, vector<1x16xf32>,
        %get3A_531 = vector.shape_cast %get3A_530 : vector<1x16xf32> to vector<16xf32>
        %swap3A_532 = arith.index_cast %scan3A_213 : i32 to index
        %swap3A_533 = arith.constant 560 : index
        %swap3A_534 = tpu.vector_load %arg12[%swap3A_532, %swap3A_533] {strides = array<i32>} : memref<16x1024xf32, #tpu.memory_space<vmem>>, vector<1x16xf32>,
        %swap3A_535 = vector.shape_cast %swap3A_534 : vector<1x16xf32> to vector<16xf32>
        %swap3A_536 = vector.shape_cast %get3A_531 : vector<16xf32> to vector<1x16xf32>
        tpu.vector_store %arg12[%swap3A_532, %swap3A_533], %swap3A_536 {add = true, strides = array<i32>} : memref<16x1024xf32, #tpu.memory_space<vmem>>, vector<1x16xf32>,
        %get3A_537 = arith.index_cast %scan3A_213 : i32 to index
        %get3A_538 = arith.constant 576 : index
        %get3A_539 = tpu.vector_load %arg13[%get3A_537, %get3A_538] {strides = array<i32>} : memref<16x1024xf32, #tpu.memory_space<vmem>>, vector<1x16xf32>,
        %get3A_540 = vector.shape_cast %get3A_539 : vector<1x16xf32> to vector<16xf32>
        %swap3A_541 = arith.index_cast %scan3A_213 : i32 to index
        %swap3A_542 = arith.constant 576 : index
        %swap3A_543 = tpu.vector_load %arg12[%swap3A_541, %swap3A_542] {strides = array<i32>} : memref<16x1024xf32, #tpu.memory_space<vmem>>, vector<1x16xf32>,
        %swap3A_544 = vector.shape_cast %swap3A_543 : vector<1x16xf32> to vector<16xf32>
        %swap3A_545 = vector.shape_cast %get3A_540 : vector<16xf32> to vector<1x16xf32>
        tpu.vector_store %arg12[%swap3A_541, %swap3A_542], %swap3A_545 {add = true, strides = array<i32>} : memref<16x1024xf32, #tpu.memory_space<vmem>>, vector<1x16xf32>,
        %get3A_546 = arith.index_cast %scan3A_213 : i32 to index
        %get3A_547 = arith.constant 592 : index
        %get3A_548 = tpu.vector_load %arg13[%get3A_546, %get3A_547] {strides = array<i32>} : memref<16x1024xf32, #tpu.memory_space<vmem>>, vector<1x16xf32>,
        %get3A_549 = vector.shape_cast %get3A_548 : vector<1x16xf32> to vector<16xf32>
        %swap3A_550 = arith.index_cast %scan3A_213 : i32 to index
        %swap3A_551 = arith.constant 592 : index
        %swap3A_552 = tpu.vector_load %arg12[%swap3A_550, %swap3A_551] {strides = array<i32>} : memref<16x1024xf32, #tpu.memory_space<vmem>>, vector<1x16xf32>,
        %swap3A_553 = vector.shape_cast %swap3A_552 : vector<1x16xf32> to vector<16xf32>
        %swap3A_554 = vector.shape_cast %get3A_549 : vector<16xf32> to vector<1x16xf32>
        tpu.vector_store %arg12[%swap3A_550, %swap3A_551], %swap3A_554 {add = true, strides = array<i32>} : memref<16x1024xf32, #tpu.memory_space<vmem>>, vector<1x16xf32>,
        %get3A_555 = arith.index_cast %scan3A_213 : i32 to index
        %get3A_556 = arith.constant 608 : index
        %get3A_557 = tpu.vector_load %arg13[%get3A_555, %get3A_556] {strides = array<i32>} : memref<16x1024xf32, #tpu.memory_space<vmem>>, vector<1x16xf32>,
        %get3A_558 = vector.shape_cast %get3A_557 : vector<1x16xf32> to vector<16xf32>
        %swap3A_559 = arith.index_cast %scan3A_213 : i32 to index
        %swap3A_560 = arith.constant 608 : index
        %swap3A_561 = tpu.vector_load %arg12[%swap3A_559, %swap3A_560] {strides = array<i32>} : memref<16x1024xf32, #tpu.memory_space<vmem>>, vector<1x16xf32>,
        %swap3A_562 = vector.shape_cast %swap3A_561 : vector<1x16xf32> to vector<16xf32>
        %swap3A_563 = vector.shape_cast %get3A_558 : vector<16xf32> to vector<1x16xf32>
        tpu.vector_store %arg12[%swap3A_559, %swap3A_560], %swap3A_563 {add = true, strides = array<i32>} : memref<16x1024xf32, #tpu.memory_space<vmem>>, vector<1x16xf32>,
        %get3A_564 = arith.index_cast %scan3A_213 : i32 to index
        %get3A_565 = arith.constant 624 : index
        %get3A_566 = tpu.vector_load %arg13[%get3A_564, %get3A_565] {strides = array<i32>} : memref<16x1024xf32, #tpu.memory_space<vmem>>, vector<1x16xf32>,
        %get3A_567 = vector.shape_cast %get3A_566 : vector<1x16xf32> to vector<16xf32>
        %swap3A_568 = arith.index_cast %scan3A_213 : i32 to index
        %swap3A_569 = arith.constant 624 : index
        %swap3A_570 = tpu.vector_load %arg12[%swap3A_568, %swap3A_569] {strides = array<i32>} : memref<16x1024xf32, #tpu.memory_space<vmem>>, vector<1x16xf32>,
        %swap3A_571 = vector.shape_cast %swap3A_570 : vector<1x16xf32> to vector<16xf32>
        %swap3A_572 = vector.shape_cast %get3A_567 : vector<16xf32> to vector<1x16xf32>
        tpu.vector_store %arg12[%swap3A_568, %swap3A_569], %swap3A_572 {add = true, strides = array<i32>} : memref<16x1024xf32, #tpu.memory_space<vmem>>, vector<1x16xf32>,
        %get3A_573 = arith.index_cast %scan3A_213 : i32 to index
        %get3A_574 = arith.constant 640 : index
        %get3A_575 = tpu.vector_load %arg13[%get3A_573, %get3A_574] {strides = array<i32>} : memref<16x1024xf32, #tpu.memory_space<vmem>>, vector<1x16xf32>,
        %get3A_576 = vector.shape_cast %get3A_575 : vector<1x16xf32> to vector<16xf32>
        %swap3A_577 = arith.index_cast %scan3A_213 : i32 to index
        %swap3A_578 = arith.constant 640 : index
        %swap3A_579 = tpu.vector_load %arg12[%swap3A_577, %swap3A_578] {strides = array<i32>} : memref<16x1024xf32, #tpu.memory_space<vmem>>, vector<1x16xf32>,
        %swap3A_580 = vector.shape_cast %swap3A_579 : vector<1x16xf32> to vector<16xf32>
        %swap3A_581 = vector.shape_cast %get3A_576 : vector<16xf32> to vector<1x16xf32>
        tpu.vector_store %arg12[%swap3A_577, %swap3A_578], %swap3A_581 {add = true, strides = array<i32>} : memref<16x1024xf32, #tpu.memory_space<vmem>>, vector<1x16xf32>,
        %get3A_582 = arith.index_cast %scan3A_213 : i32 to index
        %get3A_583 = arith.constant 656 : index
        %get3A_584 = tpu.vector_load %arg13[%get3A_582, %get3A_583] {strides = array<i32>} : memref<16x1024xf32, #tpu.memory_space<vmem>>, vector<1x16xf32>,
        %get3A_585 = vector.shape_cast %get3A_584 : vector<1x16xf32> to vector<16xf32>
        %swap3A_586 = arith.index_cast %scan3A_213 : i32 to index
        %swap3A_587 = arith.constant 656 : index
        %swap3A_588 = tpu.vector_load %arg12[%swap3A_586, %swap3A_587] {strides = array<i32>} : memref<16x1024xf32, #tpu.memory_space<vmem>>, vector<1x16xf32>,
        %swap3A_589 = vector.shape_cast %swap3A_588 : vector<1x16xf32> to vector<16xf32>
        %swap3A_590 = vector.shape_cast %get3A_585 : vector<16xf32> to vector<1x16xf32>
        tpu.vector_store %arg12[%swap3A_586, %swap3A_587], %swap3A_590 {add = true, strides = array<i32>} : memref<16x1024xf32, #tpu.memory_space<vmem>>, vector<1x16xf32>,
        %get3A_591 = arith.index_cast %scan3A_213 : i32 to index
        %get3A_592 = arith.constant 672 : index
        %get3A_593 = tpu.vector_load %arg13[%get3A_591, %get3A_592] {strides = array<i32>} : memref<16x1024xf32, #tpu.memory_space<vmem>>, vector<1x16xf32>,
        %get3A_594 = vector.shape_cast %get3A_593 : vector<1x16xf32> to vector<16xf32>
        %swap3A_595 = arith.index_cast %scan3A_213 : i32 to index
        %swap3A_596 = arith.constant 672 : index
        %swap3A_597 = tpu.vector_load %arg12[%swap3A_595, %swap3A_596] {strides = array<i32>} : memref<16x1024xf32, #tpu.memory_space<vmem>>, vector<1x16xf32>,
        %swap3A_598 = vector.shape_cast %swap3A_597 : vector<1x16xf32> to vector<16xf32>
        %swap3A_599 = vector.shape_cast %get3A_594 : vector<16xf32> to vector<1x16xf32>
        tpu.vector_store %arg12[%swap3A_595, %swap3A_596], %swap3A_599 {add = true, strides = array<i32>} : memref<16x1024xf32, #tpu.memory_space<vmem>>, vector<1x16xf32>,
        %get3A_600 = arith.index_cast %scan3A_213 : i32 to index
        %get3A_601 = arith.constant 688 : index
        %get3A_602 = tpu.vector_load %arg13[%get3A_600, %get3A_601] {strides = array<i32>} : memref<16x1024xf32, #tpu.memory_space<vmem>>, vector<1x16xf32>,
        %get3A_603 = vector.shape_cast %get3A_602 : vector<1x16xf32> to vector<16xf32>
        %swap3A_604 = arith.index_cast %scan3A_213 : i32 to index
        %swap3A_605 = arith.constant 688 : index
        %swap3A_606 = tpu.vector_load %arg12[%swap3A_604, %swap3A_605] {strides = array<i32>} : memref<16x1024xf32, #tpu.memory_space<vmem>>, vector<1x16xf32>,
        %swap3A_607 = vector.shape_cast %swap3A_606 : vector<1x16xf32> to vector<16xf32>
        %swap3A_608 = vector.shape_cast %get3A_603 : vector<16xf32> to vector<1x16xf32>
        tpu.vector_store %arg12[%swap3A_604, %swap3A_605], %swap3A_608 {add = true, strides = array<i32>} : memref<16x1024xf32, #tpu.memory_space<vmem>>, vector<1x16xf32>,
        %get3A_609 = arith.index_cast %scan3A_213 : i32 to index
        %get3A_610 = arith.constant 704 : index
        %get3A_611 = tpu.vector_load %arg13[%get3A_609, %get3A_610] {strides = array<i32>} : memref<16x1024xf32, #tpu.memory_space<vmem>>, vector<1x16xf32>,
        %get3A_612 = vector.shape_cast %get3A_611 : vector<1x16xf32> to vector<16xf32>
        %swap3A_613 = arith.index_cast %scan3A_213 : i32 to index
        %swap3A_614 = arith.constant 704 : index
        %swap3A_615 = tpu.vector_load %arg12[%swap3A_613, %swap3A_614] {strides = array<i32>} : memref<16x1024xf32, #tpu.memory_space<vmem>>, vector<1x16xf32>,
        %swap3A_616 = vector.shape_cast %swap3A_615 : vector<1x16xf32> to vector<16xf32>
        %swap3A_617 = vector.shape_cast %get3A_612 : vector<16xf32> to vector<1x16xf32>
        tpu.vector_store %arg12[%swap3A_613, %swap3A_614], %swap3A_617 {add = true, strides = array<i32>} : memref<16x1024xf32, #tpu.memory_space<vmem>>, vector<1x16xf32>,
        %get3A_618 = arith.index_cast %scan3A_213 : i32 to index
        %get3A_619 = arith.constant 720 : index
        %get3A_620 = tpu.vector_load %arg13[%get3A_618, %get3A_619] {strides = array<i32>} : memref<16x1024xf32, #tpu.memory_space<vmem>>, vector<1x16xf32>,
        %get3A_621 = vector.shape_cast %get3A_620 : vector<1x16xf32> to vector<16xf32>
        %swap3A_622 = arith.index_cast %scan3A_213 : i32 to index
        %swap3A_623 = arith.constant 720 : index
        %swap3A_624 = tpu.vector_load %arg12[%swap3A_622, %swap3A_623] {strides = array<i32>} : memref<16x1024xf32, #tpu.memory_space<vmem>>, vector<1x16xf32>,
        %swap3A_625 = vector.shape_cast %swap3A_624 : vector<1x16xf32> to vector<16xf32>
        %swap3A_626 = vector.shape_cast %get3A_621 : vector<16xf32> to vector<1x16xf32>
        tpu.vector_store %arg12[%swap3A_622, %swap3A_623], %swap3A_626 {add = true, strides = array<i32>} : memref<16x1024xf32, #tpu.memory_space<vmem>>, vector<1x16xf32>,
        %get3A_627 = arith.index_cast %scan3A_213 : i32 to index
        %get3A_628 = arith.constant 736 : index
        %get3A_629 = tpu.vector_load %arg13[%get3A_627, %get3A_628] {strides = array<i32>} : memref<16x1024xf32, #tpu.memory_space<vmem>>, vector<1x16xf32>,
        %get3A_630 = vector.shape_cast %get3A_629 : vector<1x16xf32> to vector<16xf32>
        %swap3A_631 = arith.index_cast %scan3A_213 : i32 to index
        %swap3A_632 = arith.constant 736 : index
        %swap3A_633 = tpu.vector_load %arg12[%swap3A_631, %swap3A_632] {strides = array<i32>} : memref<16x1024xf32, #tpu.memory_space<vmem>>, vector<1x16xf32>,
        %swap3A_634 = vector.shape_cast %swap3A_633 : vector<1x16xf32> to vector<16xf32>
        %swap3A_635 = vector.shape_cast %get3A_630 : vector<16xf32> to vector<1x16xf32>
        tpu.vector_store %arg12[%swap3A_631, %swap3A_632], %swap3A_635 {add = true, strides = array<i32>} : memref<16x1024xf32, #tpu.memory_space<vmem>>, vector<1x16xf32>,
        %get3A_636 = arith.index_cast %scan3A_213 : i32 to index
        %get3A_637 = arith.constant 752 : index
        %get3A_638 = tpu.vector_load %arg13[%get3A_636, %get3A_637] {strides = array<i32>} : memref<16x1024xf32, #tpu.memory_space<vmem>>, vector<1x16xf32>,
        %get3A_639 = vector.shape_cast %get3A_638 : vector<1x16xf32> to vector<16xf32>
        %swap3A_640 = arith.index_cast %scan3A_213 : i32 to index
        %swap3A_641 = arith.constant 752 : index
        %swap3A_642 = tpu.vector_load %arg12[%swap3A_640, %swap3A_641] {strides = array<i32>} : memref<16x1024xf32, #tpu.memory_space<vmem>>, vector<1x16xf32>,
        %swap3A_643 = vector.shape_cast %swap3A_642 : vector<1x16xf32> to vector<16xf32>
        %swap3A_644 = vector.shape_cast %get3A_639 : vector<16xf32> to vector<1x16xf32>
        tpu.vector_store %arg12[%swap3A_640, %swap3A_641], %swap3A_644 {add = true, strides = array<i32>} : memref<16x1024xf32, #tpu.memory_space<vmem>>, vector<1x16xf32>,
        %get3A_645 = arith.index_cast %scan3A_213 : i32 to index
        %get3A_646 = arith.constant 768 : index
        %get3A_647 = tpu.vector_load %arg13[%get3A_645, %get3A_646] {strides = array<i32>} : memref<16x1024xf32, #tpu.memory_space<vmem>>, vector<1x16xf32>,
        %get3A_648 = vector.shape_cast %get3A_647 : vector<1x16xf32> to vector<16xf32>
        %swap3A_649 = arith.index_cast %scan3A_213 : i32 to index
        %swap3A_650 = arith.constant 768 : index
        %swap3A_651 = tpu.vector_load %arg12[%swap3A_649, %swap3A_650] {strides = array<i32>} : memref<16x1024xf32, #tpu.memory_space<vmem>>, vector<1x16xf32>,
        %swap3A_652 = vector.shape_cast %swap3A_651 : vector<1x16xf32> to vector<16xf32>
        %swap3A_653 = vector.shape_cast %get3A_648 : vector<16xf32> to vector<1x16xf32>
        tpu.vector_store %arg12[%swap3A_649, %swap3A_650], %swap3A_653 {add = true, strides = array<i32>} : memref<16x1024xf32, #tpu.memory_space<vmem>>, vector<1x16xf32>,
        %get3A_654 = arith.index_cast %scan3A_213 : i32 to index
        %get3A_655 = arith.constant 784 : index
        %get3A_656 = tpu.vector_load %arg13[%get3A_654, %get3A_655] {strides = array<i32>} : memref<16x1024xf32, #tpu.memory_space<vmem>>, vector<1x16xf32>,
        %get3A_657 = vector.shape_cast %get3A_656 : vector<1x16xf32> to vector<16xf32>
        %swap3A_658 = arith.index_cast %scan3A_213 : i32 to index
        %swap3A_659 = arith.constant 784 : index
        %swap3A_660 = tpu.vector_load %arg12[%swap3A_658, %swap3A_659] {strides = array<i32>} : memref<16x1024xf32, #tpu.memory_space<vmem>>, vector<1x16xf32>,
        %swap3A_661 = vector.shape_cast %swap3A_660 : vector<1x16xf32> to vector<16xf32>
        %swap3A_662 = vector.shape_cast %get3A_657 : vector<16xf32> to vector<1x16xf32>
        tpu.vector_store %arg12[%swap3A_658, %swap3A_659], %swap3A_662 {add = true, strides = array<i32>} : memref<16x1024xf32, #tpu.memory_space<vmem>>, vector<1x16xf32>,
        %get3A_663 = arith.index_cast %scan3A_213 : i32 to index
        %get3A_664 = arith.constant 800 : index
        %get3A_665 = tpu.vector_load %arg13[%get3A_663, %get3A_664] {strides = array<i32>} : memref<16x1024xf32, #tpu.memory_space<vmem>>, vector<1x16xf32>,
        %get3A_666 = vector.shape_cast %get3A_665 : vector<1x16xf32> to vector<16xf32>
        %swap3A_667 = arith.index_cast %scan3A_213 : i32 to index
        %swap3A_668 = arith.constant 800 : index
        %swap3A_669 = tpu.vector_load %arg12[%swap3A_667, %swap3A_668] {strides = array<i32>} : memref<16x1024xf32, #tpu.memory_space<vmem>>, vector<1x16xf32>,
        %swap3A_670 = vector.shape_cast %swap3A_669 : vector<1x16xf32> to vector<16xf32>
        %swap3A_671 = vector.shape_cast %get3A_666 : vector<16xf32> to vector<1x16xf32>
        tpu.vector_store %arg12[%swap3A_667, %swap3A_668], %swap3A_671 {add = true, strides = array<i32>} : memref<16x1024xf32, #tpu.memory_space<vmem>>, vector<1x16xf32>,
        %get3A_672 = arith.index_cast %scan3A_213 : i32 to index
        %get3A_673 = arith.constant 816 : index
        %get3A_674 = tpu.vector_load %arg13[%get3A_672, %get3A_673] {strides = array<i32>} : memref<16x1024xf32, #tpu.memory_space<vmem>>, vector<1x16xf32>,
        %get3A_675 = vector.shape_cast %get3A_674 : vector<1x16xf32> to vector<16xf32>
        %swap3A_676 = arith.index_cast %scan3A_213 : i32 to index
        %swap3A_677 = arith.constant 816 : index
        %swap3A_678 = tpu.vector_load %arg12[%swap3A_676, %swap3A_677] {strides = array<i32>} : memref<16x1024xf32, #tpu.memory_space<vmem>>, vector<1x16xf32>,
        %swap3A_679 = vector.shape_cast %swap3A_678 : vector<1x16xf32> to vector<16xf32>
        %swap3A_680 = vector.shape_cast %get3A_675 : vector<16xf32> to vector<1x16xf32>
        tpu.vector_store %arg12[%swap3A_676, %swap3A_677], %swap3A_680 {add = true, strides = array<i32>} : memref<16x1024xf32, #tpu.memory_space<vmem>>, vector<1x16xf32>,
        %get3A_681 = arith.index_cast %scan3A_213 : i32 to index
        %get3A_682 = arith.constant 832 : index
        %get3A_683 = tpu.vector_load %arg13[%get3A_681, %get3A_682] {strides = array<i32>} : memref<16x1024xf32, #tpu.memory_space<vmem>>, vector<1x16xf32>,
        %get3A_684 = vector.shape_cast %get3A_683 : vector<1x16xf32> to vector<16xf32>
        %swap3A_685 = arith.index_cast %scan3A_213 : i32 to index
        %swap3A_686 = arith.constant 832 : index
        %swap3A_687 = tpu.vector_load %arg12[%swap3A_685, %swap3A_686] {strides = array<i32>} : memref<16x1024xf32, #tpu.memory_space<vmem>>, vector<1x16xf32>,
        %swap3A_688 = vector.shape_cast %swap3A_687 : vector<1x16xf32> to vector<16xf32>
        %swap3A_689 = vector.shape_cast %get3A_684 : vector<16xf32> to vector<1x16xf32>
        tpu.vector_store %arg12[%swap3A_685, %swap3A_686], %swap3A_689 {add = true, strides = array<i32>} : memref<16x1024xf32, #tpu.memory_space<vmem>>, vector<1x16xf32>,
        %get3A_690 = arith.index_cast %scan3A_213 : i32 to index
        %get3A_691 = arith.constant 848 : index
        %get3A_692 = tpu.vector_load %arg13[%get3A_690, %get3A_691] {strides = array<i32>} : memref<16x1024xf32, #tpu.memory_space<vmem>>, vector<1x16xf32>,
        %get3A_693 = vector.shape_cast %get3A_692 : vector<1x16xf32> to vector<16xf32>
        %swap3A_694 = arith.index_cast %scan3A_213 : i32 to index
        %swap3A_695 = arith.constant 848 : index
        %swap3A_696 = tpu.vector_load %arg12[%swap3A_694, %swap3A_695] {strides = array<i32>} : memref<16x1024xf32, #tpu.memory_space<vmem>>, vector<1x16xf32>,
        %swap3A_697 = vector.shape_cast %swap3A_696 : vector<1x16xf32> to vector<16xf32>
        %swap3A_698 = vector.shape_cast %get3A_693 : vector<16xf32> to vector<1x16xf32>
        tpu.vector_store %arg12[%swap3A_694, %swap3A_695], %swap3A_698 {add = true, strides = array<i32>} : memref<16x1024xf32, #tpu.memory_space<vmem>>, vector<1x16xf32>,
        %get3A_699 = arith.index_cast %scan3A_213 : i32 to index
        %get3A_700 = arith.constant 864 : index
        %get3A_701 = tpu.vector_load %arg13[%get3A_699, %get3A_700] {strides = array<i32>} : memref<16x1024xf32, #tpu.memory_space<vmem>>, vector<1x16xf32>,
        %get3A_702 = vector.shape_cast %get3A_701 : vector<1x16xf32> to vector<16xf32>
        %swap3A_703 = arith.index_cast %scan3A_213 : i32 to index
        %swap3A_704 = arith.constant 864 : index
        %swap3A_705 = tpu.vector_load %arg12[%swap3A_703, %swap3A_704] {strides = array<i32>} : memref<16x1024xf32, #tpu.memory_space<vmem>>, vector<1x16xf32>,
        %swap3A_706 = vector.shape_cast %swap3A_705 : vector<1x16xf32> to vector<16xf32>
        %swap3A_707 = vector.shape_cast %get3A_702 : vector<16xf32> to vector<1x16xf32>
        tpu.vector_store %arg12[%swap3A_703, %swap3A_704], %swap3A_707 {add = true, strides = array<i32>} : memref<16x1024xf32, #tpu.memory_space<vmem>>, vector<1x16xf32>,
        %get3A_708 = arith.index_cast %scan3A_213 : i32 to index
        %get3A_709 = arith.constant 880 : index
        %get3A_710 = tpu.vector_load %arg13[%get3A_708, %get3A_709] {strides = array<i32>} : memref<16x1024xf32, #tpu.memory_space<vmem>>, vector<1x16xf32>,
        %get3A_711 = vector.shape_cast %get3A_710 : vector<1x16xf32> to vector<16xf32>
        %swap3A_712 = arith.index_cast %scan3A_213 : i32 to index
        %swap3A_713 = arith.constant 880 : index
        %swap3A_714 = tpu.vector_load %arg12[%swap3A_712, %swap3A_713] {strides = array<i32>} : memref<16x1024xf32, #tpu.memory_space<vmem>>, vector<1x16xf32>,
        %swap3A_715 = vector.shape_cast %swap3A_714 : vector<1x16xf32> to vector<16xf32>
        %swap3A_716 = vector.shape_cast %get3A_711 : vector<16xf32> to vector<1x16xf32>
        tpu.vector_store %arg12[%swap3A_712, %swap3A_713], %swap3A_716 {add = true, strides = array<i32>} : memref<16x1024xf32, #tpu.memory_space<vmem>>, vector<1x16xf32>,
        %get3A_717 = arith.index_cast %scan3A_213 : i32 to index
        %get3A_718 = arith.constant 896 : index
        %get3A_719 = tpu.vector_load %arg13[%get3A_717, %get3A_718] {strides = array<i32>} : memref<16x1024xf32, #tpu.memory_space<vmem>>, vector<1x16xf32>,
        %get3A_720 = vector.shape_cast %get3A_719 : vector<1x16xf32> to vector<16xf32>
        %swap3A_721 = arith.index_cast %scan3A_213 : i32 to index
        %swap3A_722 = arith.constant 896 : index
        %swap3A_723 = tpu.vector_load %arg12[%swap3A_721, %swap3A_722] {strides = array<i32>} : memref<16x1024xf32, #tpu.memory_space<vmem>>, vector<1x16xf32>,
        %swap3A_724 = vector.shape_cast %swap3A_723 : vector<1x16xf32> to vector<16xf32>
        %swap3A_725 = vector.shape_cast %get3A_720 : vector<16xf32> to vector<1x16xf32>
        tpu.vector_store %arg12[%swap3A_721, %swap3A_722], %swap3A_725 {add = true, strides = array<i32>} : memref<16x1024xf32, #tpu.memory_space<vmem>>, vector<1x16xf32>,
        %get3A_726 = arith.index_cast %scan3A_213 : i32 to index
        %get3A_727 = arith.constant 912 : index
        %get3A_728 = tpu.vector_load %arg13[%get3A_726, %get3A_727] {strides = array<i32>} : memref<16x1024xf32, #tpu.memory_space<vmem>>, vector<1x16xf32>,
        %get3A_729 = vector.shape_cast %get3A_728 : vector<1x16xf32> to vector<16xf32>
        %swap3A_730 = arith.index_cast %scan3A_213 : i32 to index
        %swap3A_731 = arith.constant 912 : index
        %swap3A_732 = tpu.vector_load %arg12[%swap3A_730, %swap3A_731] {strides = array<i32>} : memref<16x1024xf32, #tpu.memory_space<vmem>>, vector<1x16xf32>,
        %swap3A_733 = vector.shape_cast %swap3A_732 : vector<1x16xf32> to vector<16xf32>
        %swap3A_734 = vector.shape_cast %get3A_729 : vector<16xf32> to vector<1x16xf32>
        tpu.vector_store %arg12[%swap3A_730, %swap3A_731], %swap3A_734 {add = true, strides = array<i32>} : memref<16x1024xf32, #tpu.memory_space<vmem>>, vector<1x16xf32>,
        %get3A_735 = arith.index_cast %scan3A_213 : i32 to index
        %get3A_736 = arith.constant 928 : index
        %get3A_737 = tpu.vector_load %arg13[%get3A_735, %get3A_736] {strides = array<i32>} : memref<16x1024xf32, #tpu.memory_space<vmem>>, vector<1x16xf32>,
        %get3A_738 = vector.shape_cast %get3A_737 : vector<1x16xf32> to vector<16xf32>
        %swap3A_739 = arith.index_cast %scan3A_213 : i32 to index
        %swap3A_740 = arith.constant 928 : index
        %swap3A_741 = tpu.vector_load %arg12[%swap3A_739, %swap3A_740] {strides = array<i32>} : memref<16x1024xf32, #tpu.memory_space<vmem>>, vector<1x16xf32>,
        %swap3A_742 = vector.shape_cast %swap3A_741 : vector<1x16xf32> to vector<16xf32>
        %swap3A_743 = vector.shape_cast %get3A_738 : vector<16xf32> to vector<1x16xf32>
        tpu.vector_store %arg12[%swap3A_739, %swap3A_740], %swap3A_743 {add = true, strides = array<i32>} : memref<16x1024xf32, #tpu.memory_space<vmem>>, vector<1x16xf32>,
        %get3A_744 = arith.index_cast %scan3A_213 : i32 to index
        %get3A_745 = arith.constant 944 : index
        %get3A_746 = tpu.vector_load %arg13[%get3A_744, %get3A_745] {strides = array<i32>} : memref<16x1024xf32, #tpu.memory_space<vmem>>, vector<1x16xf32>,
        %get3A_747 = vector.shape_cast %get3A_746 : vector<1x16xf32> to vector<16xf32>
        %swap3A_748 = arith.index_cast %scan3A_213 : i32 to index
        %swap3A_749 = arith.constant 944 : index
        %swap3A_750 = tpu.vector_load %arg12[%swap3A_748, %swap3A_749] {strides = array<i32>} : memref<16x1024xf32, #tpu.memory_space<vmem>>, vector<1x16xf32>,
        %swap3A_751 = vector.shape_cast %swap3A_750 : vector<1x16xf32> to vector<16xf32>
        %swap3A_752 = vector.shape_cast %get3A_747 : vector<16xf32> to vector<1x16xf32>
        tpu.vector_store %arg12[%swap3A_748, %swap3A_749], %swap3A_752 {add = true, strides = array<i32>} : memref<16x1024xf32, #tpu.memory_space<vmem>>, vector<1x16xf32>,
        %get3A_753 = arith.index_cast %scan3A_213 : i32 to index
        %get3A_754 = arith.constant 960 : index
        %get3A_755 = tpu.vector_load %arg13[%get3A_753, %get3A_754] {strides = array<i32>} : memref<16x1024xf32, #tpu.memory_space<vmem>>, vector<1x16xf32>,
        %get3A_756 = vector.shape_cast %get3A_755 : vector<1x16xf32> to vector<16xf32>
        %swap3A_757 = arith.index_cast %scan3A_213 : i32 to index
        %swap3A_758 = arith.constant 960 : index
        %swap3A_759 = tpu.vector_load %arg12[%swap3A_757, %swap3A_758] {strides = array<i32>} : memref<16x1024xf32, #tpu.memory_space<vmem>>, vector<1x16xf32>,
        %swap3A_760 = vector.shape_cast %swap3A_759 : vector<1x16xf32> to vector<16xf32>
        %swap3A_761 = vector.shape_cast %get3A_756 : vector<16xf32> to vector<1x16xf32>
        tpu.vector_store %arg12[%swap3A_757, %swap3A_758], %swap3A_761 {add = true, strides = array<i32>} : memref<16x1024xf32, #tpu.memory_space<vmem>>, vector<1x16xf32>,
        %get3A_762 = arith.index_cast %scan3A_213 : i32 to index
        %get3A_763 = arith.constant 976 : index
        %get3A_764 = tpu.vector_load %arg13[%get3A_762, %get3A_763] {strides = array<i32>} : memref<16x1024xf32, #tpu.memory_space<vmem>>, vector<1x16xf32>,
        %get3A_765 = vector.shape_cast %get3A_764 : vector<1x16xf32> to vector<16xf32>
        %swap3A_766 = arith.index_cast %scan3A_213 : i32 to index
        %swap3A_767 = arith.constant 976 : index
        %swap3A_768 = tpu.vector_load %arg12[%swap3A_766, %swap3A_767] {strides = array<i32>} : memref<16x1024xf32, #tpu.memory_space<vmem>>, vector<1x16xf32>,
        %swap3A_769 = vector.shape_cast %swap3A_768 : vector<1x16xf32> to vector<16xf32>
        %swap3A_770 = vector.shape_cast %get3A_765 : vector<16xf32> to vector<1x16xf32>
        tpu.vector_store %arg12[%swap3A_766, %swap3A_767], %swap3A_770 {add = true, strides = array<i32>} : memref<16x1024xf32, #tpu.memory_space<vmem>>, vector<1x16xf32>,
        %get3A_771 = arith.index_cast %scan3A_213 : i32 to index
        %get3A_772 = arith.constant 992 : index
        %get3A_773 = tpu.vector_load %arg13[%get3A_771, %get3A_772] {strides = array<i32>} : memref<16x1024xf32, #tpu.memory_space<vmem>>, vector<1x16xf32>,
        %get3A_774 = vector.shape_cast %get3A_773 : vector<1x16xf32> to vector<16xf32>
        %swap3A_775 = arith.index_cast %scan3A_213 : i32 to index
        %swap3A_776 = arith.constant 992 : index
        %swap3A_777 = tpu.vector_load %arg12[%swap3A_775, %swap3A_776] {strides = array<i32>} : memref<16x1024xf32, #tpu.memory_space<vmem>>, vector<1x16xf32>,
        %swap3A_778 = vector.shape_cast %swap3A_777 : vector<1x16xf32> to vector<16xf32>
        %swap3A_779 = vector.shape_cast %get3A_774 : vector<16xf32> to vector<1x16xf32>
        tpu.vector_store %arg12[%swap3A_775, %swap3A_776], %swap3A_779 {add = true, strides = array<i32>} : memref<16x1024xf32, #tpu.memory_space<vmem>>, vector<1x16xf32>,
        %get3A_780 = arith.index_cast %scan3A_213 : i32 to index
        %get3A_781 = arith.constant 1008 : index
        %get3A_782 = tpu.vector_load %arg13[%get3A_780, %get3A_781] {strides = array<i32>} : memref<16x1024xf32, #tpu.memory_space<vmem>>, vector<1x16xf32>,
        %get3A_783 = vector.shape_cast %get3A_782 : vector<1x16xf32> to vector<16xf32>
        %swap3A_784 = arith.index_cast %scan3A_213 : i32 to index
        %swap3A_785 = arith.constant 1008 : index
        %swap3A_786 = tpu.vector_load %arg12[%swap3A_784, %swap3A_785] {strides = array<i32>} : memref<16x1024xf32, #tpu.memory_space<vmem>>, vector<1x16xf32>,
        %swap3A_787 = vector.shape_cast %swap3A_786 : vector<1x16xf32> to vector<16xf32>
        %swap3A_788 = vector.shape_cast %get3A_783 : vector<16xf32> to vector<1x16xf32>
        tpu.vector_store %arg12[%swap3A_784, %swap3A_785], %swap3A_788 {add = true, strides = array<i32>} : memref<16x1024xf32, #tpu.memory_space<vmem>>, vector<1x16xf32>,
        %scan3A_789 = arith.constant 0 : i32
        scf.yield %scan3A_789 : i32
      }
      %scan3A_202 = arith.constant 16 : i32
      %add3A_203 = arith.constant 3 : i32
      %add3A_204 = arith.addi %mul3A_35, %add3A_203 : i32
      %mul3A_205 = arith.constant 16 : i32
      %mul3A_206 = arith.muli %add3A_204, %mul3A_205 : i32
      %add3A_207 = arith.addi %mul3A_2, %mul3A_206 : i32
      %dma_start3A_208 = arith.constant 0 : i32
      %dma_start3A_209 = tpu.memref_slice %arg6[%add3A_207, %dma_start3A_208] : memref<8192x1024xf32, #tpu.memory_space<hbm>> -> memref<16x1024xf32, #tpu.memory_space<hbm>>
      %dma_start3A_210 = arith.constant 0 : i32
      %dma_start3A_211 = tpu.memref_slice %arg6[%add3A_207, %dma_start3A_210] : memref<8192x1024xf32, #tpu.memory_space<hbm>> -> memref<16x1024xf32, #tpu.memory_space<hbm>>
      tpu.enqueue_dma source(%arg12 : memref<16x1024xf32, #tpu.memory_space<vmem>>) target(%dma_start3A_211 : memref<16x1024xf32, #tpu.memory_space<hbm>>) target_semaphore(%arg26 : memref<!tpu.dma_semaphore, #tpu.memory_space<semaphore_mem>>)
      %scan3A_212 = arith.constant 0 : i32
      scf.yield %scan3A_212 : i32
    }
    %scan3A_8 = arith.constant 4 : i32
    %add3A_9 = arith.constant 192 : i32
    %add3A_10 = arith.addi %mul3A_2, %add3A_9 : i32
    %dma_wait3A = arith.constant 0 : i32
    %dma_wait3A_11 = tpu.memref_slice %arg6[%add3A_10, %dma_wait3A] : memref<8192x1024xf32, #tpu.memory_space<hbm>> -> memref<16x1024xf32, #tpu.memory_space<hbm>>
    %dma_wait3A_12 = arith.constant 0 : i32
    %dma_wait3A_13 = tpu.memref_slice %arg6[%add3A_10, %dma_wait3A_12] : memref<8192x1024xf32, #tpu.memory_space<hbm>> -> memref<16x1024xf32, #tpu.memory_space<hbm>>
    tpu.wait_dma2 semaphore(%arg23 : memref<!tpu.dma_semaphore, #tpu.memory_space<semaphore_mem>>) src(%arg9 : memref<16x1024xf32, #tpu.memory_space<vmem>>) dst(%dma_wait3A_13 : memref<16x1024xf32, #tpu.memory_space<hbm>>)
    %add3A_14 = arith.constant 208 : i32
    %add3A_15 = arith.addi %mul3A_2, %add3A_14 : i32
    %dma_wait3A_16 = arith.constant 0 : i32
    %dma_wait3A_17 = tpu.memref_slice %arg6[%add3A_15, %dma_wait3A_16] : memref<8192x1024xf32, #tpu.memory_space<hbm>> -> memref<16x1024xf32, #tpu.memory_space<hbm>>
    %dma_wait3A_18 = arith.constant 0 : i32
    %dma_wait3A_19 = tpu.memref_slice %arg6[%add3A_15, %dma_wait3A_18] : memref<8192x1024xf32, #tpu.memory_space<hbm>> -> memref<16x1024xf32, #tpu.memory_space<hbm>>
    tpu.wait_dma2 semaphore(%arg24 : memref<!tpu.dma_semaphore, #tpu.memory_space<semaphore_mem>>) src(%arg10 : memref<16x1024xf32, #tpu.memory_space<vmem>>) dst(%dma_wait3A_19 : memref<16x1024xf32, #tpu.memory_space<hbm>>)
    %add3A_20 = arith.constant 224 : i32
    %add3A_21 = arith.addi %mul3A_2, %add3A_20 : i32
    %dma_wait3A_22 = arith.constant 0 : i32
    %dma_wait3A_23 = tpu.memref_slice %arg6[%add3A_21, %dma_wait3A_22] : memref<8192x1024xf32, #tpu.memory_space<hbm>> -> memref<16x1024xf32, #tpu.memory_space<hbm>>
    %dma_wait3A_24 = arith.constant 0 : i32
    %dma_wait3A_25 = tpu.memref_slice %arg6[%add3A_21, %dma_wait3A_24] : memref<8192x1024xf32, #tpu.memory_space<hbm>> -> memref<16x1024xf32, #tpu.memory_space<hbm>>
    tpu.wait_dma2 semaphore(%arg25 : memref<!tpu.dma_semaphore, #tpu.memory_space<semaphore_mem>>) src(%arg11 : memref<16x1024xf32, #tpu.memory_space<vmem>>) dst(%dma_wait3A_25 : memref<16x1024xf32, #tpu.memory_space<hbm>>)
    %add3A_26 = arith.constant 240 : i32
    %add3A_27 = arith.addi %mul3A_2, %add3A_26 : i32
    %dma_wait3A_28 = arith.constant 0 : i32
    %dma_wait3A_29 = tpu.memref_slice %arg6[%add3A_27, %dma_wait3A_28] : memref<8192x1024xf32, #tpu.memory_space<hbm>> -> memref<16x1024xf32, #tpu.memory_space<hbm>>
    %dma_wait3A_30 = arith.constant 0 : i32
    %dma_wait3A_31 = tpu.memref_slice %arg6[%add3A_27, %dma_wait3A_30] : memref<8192x1024xf32, #tpu.memory_space<hbm>> -> memref<16x1024xf32, #tpu.memory_space<hbm>>
    tpu.wait_dma2 semaphore(%arg26 : memref<!tpu.dma_semaphore, #tpu.memory_space<semaphore_mem>>) src(%arg12 : memref<16x1024xf32, #tpu.memory_space<vmem>>) dst(%dma_wait3A_31 : memref<16x1024xf32, #tpu.memory_space<hbm>>)
    return
  }
}

module attributes {stable_mosaic.version = 14 : i64} {
  func.func @_pid_body(%arg0: memref<4x2048xi32, #tpu.memory_space<vmem>>, %arg1: memref<4x2048xi32, #tpu.memory_space<vmem>>) attributes {dimension_semantics = [], scalar_prefetch = 0 : i64, scratch_operands = 0 : i64, tpu.core_type = #tpu.core_type<tc>} {
    %get3A = arith.constant 0 : index
    %get3A_0 = arith.constant 0 : index
    %get3A_1 = vector.load %arg0[%get3A, %get3A_0] : memref<4x2048xi32, #tpu.memory_space<vmem>>, vector<4x2048xi32>
    %ne3A = arith.constant 1 : i32
    %ne3A_2 = vector.broadcast %ne3A : i32 to vector<4x2048xi32>
    %ne3A_3 = arith.cmpi ne, %get3A_1, %ne3A_2 : vector<4x2048xi32>
    %convert_element_type3A = arith.extui %ne3A_3 : vector<4x2048xi1> to vector<4x2048xi32>
    %broadcast_in_dim3A = arith.constant 0 : i32
    %broadcast_in_dim3A_4 = vector.broadcast %broadcast_in_dim3A : i32 to vector<4x1xi32>
    %slice3A = vector.extract_strided_slice %convert_element_type3A {offsets = [0, 0], sizes = [4, 2047], strides = [1, 1]} : vector<4x2048xi32> to vector<4x2047xi32>
    %concatenate3A = tpu.concatenate %broadcast_in_dim3A_4, %slice3A in 1 : vector<4x1xi32>, vector<4x2047xi32> -> vector<4x2048xi32>
    %add3A = arith.addi %convert_element_type3A, %concatenate3A : vector<4x2048xi32>
    %broadcast_in_dim3A_5 = arith.constant 0 : i32
    %broadcast_in_dim3A_6 = vector.broadcast %broadcast_in_dim3A_5 : i32 to vector<4x2xi32>
    %slice3A_7 = vector.extract_strided_slice %add3A {offsets = [0, 0], sizes = [4, 2046], strides = [1, 1]} : vector<4x2048xi32> to vector<4x2046xi32>
    %concatenate3A_8 = tpu.concatenate %broadcast_in_dim3A_6, %slice3A_7 in 1 : vector<4x2xi32>, vector<4x2046xi32> -> vector<4x2048xi32>
    %add3A_9 = arith.addi %add3A, %concatenate3A_8 : vector<4x2048xi32>
    %broadcast_in_dim3A_10 = arith.constant 0 : i32
    %broadcast_in_dim3A_11 = vector.broadcast %broadcast_in_dim3A_10 : i32 to vector<4x4xi32>
    %slice3A_12 = vector.extract_strided_slice %add3A_9 {offsets = [0, 0], sizes = [4, 2044], strides = [1, 1]} : vector<4x2048xi32> to vector<4x2044xi32>
    %concatenate3A_13 = tpu.concatenate %broadcast_in_dim3A_11, %slice3A_12 in 1 : vector<4x4xi32>, vector<4x2044xi32> -> vector<4x2048xi32>
    %add3A_14 = arith.addi %add3A_9, %concatenate3A_13 : vector<4x2048xi32>
    %broadcast_in_dim3A_15 = arith.constant 0 : i32
    %broadcast_in_dim3A_16 = vector.broadcast %broadcast_in_dim3A_15 : i32 to vector<4x8xi32>
    %slice3A_17 = vector.extract_strided_slice %add3A_14 {offsets = [0, 0], sizes = [4, 2040], strides = [1, 1]} : vector<4x2048xi32> to vector<4x2040xi32>
    %concatenate3A_18 = tpu.concatenate %broadcast_in_dim3A_16, %slice3A_17 in 1 : vector<4x8xi32>, vector<4x2040xi32> -> vector<4x2048xi32>
    %add3A_19 = arith.addi %add3A_14, %concatenate3A_18 : vector<4x2048xi32>
    %broadcast_in_dim3A_20 = arith.constant 0 : i32
    %broadcast_in_dim3A_21 = vector.broadcast %broadcast_in_dim3A_20 : i32 to vector<4x16xi32>
    %slice3A_22 = vector.extract_strided_slice %add3A_19 {offsets = [0, 0], sizes = [4, 2032], strides = [1, 1]} : vector<4x2048xi32> to vector<4x2032xi32>
    %concatenate3A_23 = tpu.concatenate %broadcast_in_dim3A_21, %slice3A_22 in 1 : vector<4x16xi32>, vector<4x2032xi32> -> vector<4x2048xi32>
    %add3A_24 = arith.addi %add3A_19, %concatenate3A_23 : vector<4x2048xi32>
    %broadcast_in_dim3A_25 = arith.constant 0 : i32
    %broadcast_in_dim3A_26 = vector.broadcast %broadcast_in_dim3A_25 : i32 to vector<4x32xi32>
    %slice3A_27 = vector.extract_strided_slice %add3A_24 {offsets = [0, 0], sizes = [4, 2016], strides = [1, 1]} : vector<4x2048xi32> to vector<4x2016xi32>
    %concatenate3A_28 = tpu.concatenate %broadcast_in_dim3A_26, %slice3A_27 in 1 : vector<4x32xi32>, vector<4x2016xi32> -> vector<4x2048xi32>
    %add3A_29 = arith.addi %add3A_24, %concatenate3A_28 : vector<4x2048xi32>
    %broadcast_in_dim3A_30 = arith.constant 0 : i32
    %broadcast_in_dim3A_31 = vector.broadcast %broadcast_in_dim3A_30 : i32 to vector<4x64xi32>
    %slice3A_32 = vector.extract_strided_slice %add3A_29 {offsets = [0, 0], sizes = [4, 1984], strides = [1, 1]} : vector<4x2048xi32> to vector<4x1984xi32>
    %concatenate3A_33 = tpu.concatenate %broadcast_in_dim3A_31, %slice3A_32 in 1 : vector<4x64xi32>, vector<4x1984xi32> -> vector<4x2048xi32>
    %add3A_34 = arith.addi %add3A_29, %concatenate3A_33 : vector<4x2048xi32>
    %broadcast_in_dim3A_35 = arith.constant 0 : i32
    %broadcast_in_dim3A_36 = vector.broadcast %broadcast_in_dim3A_35 : i32 to vector<4x128xi32>
    %slice3A_37 = vector.extract_strided_slice %add3A_34 {offsets = [0, 0], sizes = [4, 1920], strides = [1, 1]} : vector<4x2048xi32> to vector<4x1920xi32>
    %concatenate3A_38 = tpu.concatenate %broadcast_in_dim3A_36, %slice3A_37 in 1 : vector<4x128xi32>, vector<4x1920xi32> -> vector<4x2048xi32>
    %add3A_39 = arith.addi %add3A_34, %concatenate3A_38 : vector<4x2048xi32>
    %broadcast_in_dim3A_40 = arith.constant 0 : i32
    %broadcast_in_dim3A_41 = vector.broadcast %broadcast_in_dim3A_40 : i32 to vector<4x256xi32>
    %slice3A_42 = vector.extract_strided_slice %add3A_39 {offsets = [0, 0], sizes = [4, 1792], strides = [1, 1]} : vector<4x2048xi32> to vector<4x1792xi32>
    %concatenate3A_43 = tpu.concatenate %broadcast_in_dim3A_41, %slice3A_42 in 1 : vector<4x256xi32>, vector<4x1792xi32> -> vector<4x2048xi32>
    %add3A_44 = arith.addi %add3A_39, %concatenate3A_43 : vector<4x2048xi32>
    %broadcast_in_dim3A_45 = arith.constant 0 : i32
    %broadcast_in_dim3A_46 = vector.broadcast %broadcast_in_dim3A_45 : i32 to vector<4x512xi32>
    %slice3A_47 = vector.extract_strided_slice %add3A_44 {offsets = [0, 0], sizes = [4, 1536], strides = [1, 1]} : vector<4x2048xi32> to vector<4x1536xi32>
    %concatenate3A_48 = tpu.concatenate %broadcast_in_dim3A_46, %slice3A_47 in 1 : vector<4x512xi32>, vector<4x1536xi32> -> vector<4x2048xi32>
    %add3A_49 = arith.addi %add3A_44, %concatenate3A_48 : vector<4x2048xi32>
    %broadcast_in_dim3A_50 = arith.constant 0 : i32
    %broadcast_in_dim3A_51 = vector.broadcast %broadcast_in_dim3A_50 : i32 to vector<4x1024xi32>
    %slice3A_52 = vector.extract_strided_slice %add3A_49 {offsets = [0, 0], sizes = [4, 1024], strides = [1, 1]} : vector<4x2048xi32> to vector<4x1024xi32>
    %concatenate3A_53 = tpu.concatenate %broadcast_in_dim3A_51, %slice3A_52 in 1 : vector<4x1024xi32>, vector<4x1024xi32> -> vector<4x2048xi32>
    %add3A_54 = arith.addi %add3A_49, %concatenate3A_53 : vector<4x2048xi32>
    %mul3A = arith.muli %add3A_54, %convert_element_type3A : vector<4x2048xi32>
    %add3A_55 = arith.constant 1 : i32
    %add3A_56 = vector.broadcast %add3A_55 : i32 to vector<4x2048xi32>
    %add3A_57 = arith.addi %mul3A, %add3A_56 : vector<4x2048xi32>
    %swap3A = arith.constant 0 : index
    %swap3A_58 = arith.constant 0 : index
    %swap3A_59 = vector.load %arg1[%swap3A, %swap3A_58] : memref<4x2048xi32, #tpu.memory_space<vmem>>, vector<4x2048xi32>
    tpu.vector_store %arg1[%swap3A, %swap3A_58], %add3A_57 {strides = array<i32>} : memref<4x2048xi32, #tpu.memory_space<vmem>>, vector<4x2048xi32>,
    return
  }
}

module attributes {stable_mosaic.version = 14 : i64} {
  func.func @_ln_first_body(%arg0: i32, %arg1: memref<1024x1024xf32, #tpu.memory_space<vmem>>, %arg2: memref<1x1024xf32, #tpu.memory_space<vmem>>, %arg3: memref<1x1024xf32, #tpu.memory_space<vmem>>, %arg4: memref<1x1024xf32, #tpu.memory_space<vmem>>, %arg5: memref<1024x1024xf32, #tpu.memory_space<vmem>>) attributes {dimension_semantics = [#tpu.dimension_semantics<arbitrary>], iteration_bounds = array<i64: 8>, scalar_prefetch = 0 : i64, scratch_operands = 0 : i64, tpu.core_type = #tpu.core_type<tc>, window_params = [{transform_indices = @transform_0, window_bounds = array<i64: 1024, 1024>}, {pipeline_mode = #tpu.pipeline_mode<synchronous>, transform_indices = @transform_1, window_bounds = array<i64: 1, 1024>}, {pipeline_mode = #tpu.pipeline_mode<synchronous>, transform_indices = @transform_2, window_bounds = array<i64: 1, 1024>}, {pipeline_mode = #tpu.pipeline_mode<synchronous>, transform_indices = @transform_3, window_bounds = array<i64: 1, 1024>}, {transform_indices = @transform_4, window_bounds = array<i64: 1024, 1024>}]} {
    %get3A = arith.constant 0 : index
    %get3A_0 = arith.constant 0 : index
    %get3A_1 = vector.load %arg1[%get3A, %get3A_0] : memref<1024x1024xf32, #tpu.memory_space<vmem>>, vector<1024x1024xf32>
    %get3A_2 = arith.constant 0 : index
    %get3A_3 = arith.constant 0 : index
    %get3A_4 = vector.load %arg2[%get3A_2, %get3A_3] : memref<1x1024xf32, #tpu.memory_space<vmem>>, vector<1x1024xf32>
    %add3A = vector.broadcast %get3A_4 : vector<1x1024xf32> to vector<1024x1024xf32>
    %add3A_5 = arith.addf %get3A_1, %add3A : vector<1024x1024xf32>
    %reduce_sum3A = arith.constant dense<0.000000e+00> : vector<1024xf32>
    %reduce_sum3A_6 = vector.multi_reduction <add>, %add3A_5, %reduce_sum3A [1] : vector<1024x1024xf32> to vector<1024xf32>
    %broadcast_in_dim3A = vector.shape_cast %reduce_sum3A_6 : vector<1024xf32> to vector<1024x1xf32>
    %div3A = arith.constant 1.024000e+03 : f32
    %div3A_7 = vector.broadcast %div3A : f32 to vector<1024x1xf32>
    %div3A_8 = arith.divf %broadcast_in_dim3A, %div3A_7 : vector<1024x1xf32>
    %mul3A = arith.mulf %add3A_5, %add3A_5 : vector<1024x1024xf32>
    %reduce_sum3A_9 = arith.constant dense<0.000000e+00> : vector<1024xf32>
    %reduce_sum3A_10 = vector.multi_reduction <add>, %mul3A, %reduce_sum3A_9 [1] : vector<1024x1024xf32> to vector<1024xf32>
    %broadcast_in_dim3A_11 = vector.shape_cast %reduce_sum3A_10 : vector<1024xf32> to vector<1024x1xf32>
    %div3A_12 = arith.constant 1.024000e+03 : f32
    %div3A_13 = vector.broadcast %div3A_12 : f32 to vector<1024x1xf32>
    %div3A_14 = arith.divf %broadcast_in_dim3A_11, %div3A_13 : vector<1024x1xf32>
    %mul3A_15 = arith.mulf %div3A_8, %div3A_8 : vector<1024x1xf32>
    %sub3A = arith.subf %div3A_14, %mul3A_15 : vector<1024x1xf32>
    %sub3A_16 = vector.broadcast %div3A_8 : vector<1024x1xf32> to vector<1024x1024xf32>
    %sub3A_17 = arith.subf %add3A_5, %sub3A_16 : vector<1024x1024xf32>
    %add3A_18 = arith.constant 9.99999996E-13 : f32
    %add3A_19 = vector.broadcast %add3A_18 : f32 to vector<1024x1xf32>
    %add3A_20 = arith.addf %sub3A, %add3A_19 : vector<1024x1xf32>
    %rsqrt3A = math.rsqrt %add3A_20 : vector<1024x1xf32>
    %mul3A_21 = vector.broadcast %rsqrt3A : vector<1024x1xf32> to vector<1024x1024xf32>
    %mul3A_22 = arith.mulf %sub3A_17, %mul3A_21 : vector<1024x1024xf32>
    %get3A_23 = arith.constant 0 : index
    %get3A_24 = arith.constant 0 : index
    %get3A_25 = vector.load %arg3[%get3A_23, %get3A_24] : memref<1x1024xf32, #tpu.memory_space<vmem>>, vector<1x1024xf32>
    %mul3A_26 = vector.broadcast %get3A_25 : vector<1x1024xf32> to vector<1024x1024xf32>
    %mul3A_27 = arith.mulf %mul3A_22, %mul3A_26 : vector<1024x1024xf32>
    %get3A_28 = arith.constant 0 : index
    %get3A_29 = arith.constant 0 : index
    %get3A_30 = vector.load %arg4[%get3A_28, %get3A_29] : memref<1x1024xf32, #tpu.memory_space<vmem>>, vector<1x1024xf32>
    %add3A_31 = vector.broadcast %get3A_30 : vector<1x1024xf32> to vector<1024x1024xf32>
    %add3A_32 = arith.addf %mul3A_27, %add3A_31 : vector<1024x1024xf32>
    %swap3A = arith.constant 0 : index
    %swap3A_33 = arith.constant 0 : index
    %swap3A_34 = vector.load %arg5[%swap3A, %swap3A_33] : memref<1024x1024xf32, #tpu.memory_space<vmem>>, vector<1024x1024xf32>
    tpu.vector_store %arg5[%swap3A, %swap3A_33], %add3A_32 {strides = array<i32>} : memref<1024x1024xf32, #tpu.memory_space<vmem>>, vector<1024x1024xf32>,
    return
  }
  func.func @transform_0(%arg0: i32) -> (i32, i32) {
    %c0_i32 = arith.constant 0 : i32
    %c0_i32_0 = arith.constant 0 : i32
    return %arg0, %c0_i32 : i32, i32
  }
  func.func @transform_1(%arg0: i32) -> (i32, i32) {
    %c0_i32 = arith.constant 0 : i32
    %c0_i32_0 = arith.constant 0 : i32
    %c0_i32_1 = arith.constant 0 : i32
    return %c0_i32, %c0_i32_0 : i32, i32
  }
  func.func @transform_2(%arg0: i32) -> (i32, i32) {
    %c0_i32 = arith.constant 0 : i32
    %c0_i32_0 = arith.constant 0 : i32
    %c0_i32_1 = arith.constant 0 : i32
    return %c0_i32, %c0_i32_0 : i32, i32
  }
  func.func @transform_3(%arg0: i32) -> (i32, i32) {
    %c0_i32 = arith.constant 0 : i32
    %c0_i32_0 = arith.constant 0 : i32
    %c0_i32_1 = arith.constant 0 : i32
    return %c0_i32, %c0_i32_0 : i32, i32
  }
  func.func @transform_4(%arg0: i32) -> (i32, i32) {
    %add3A = arith.constant 0 : i32
    %add3A_0 = arith.addi %add3A, %arg0 : i32
    %c0_i32 = arith.constant 0 : i32
    %c0_i32_1 = arith.constant 0 : i32
    return %add3A_0, %c0_i32 : i32, i32
  }
}

</mosaic_0001>

<sc_bundles>
// kernel: kernel.5.cloned.1.call-start
scs
__scs_entry_jumppad:
0x0: {  	(pc) =	sbr.rel $0x88, $3  }
0x1: {  	(tag) =	ssettag $0x0;
	lr =	simm.s32 $0x1  }
0x2: {  	[smem:$0x3F9B] =	sst lr;
	_ =	strace $0xD0000000  }
0x3: {  	_ = 	snop  }
0x4: {  	_ = 	snop  }
0x5: {  	_ = 	snop  }
0x6: {  	_ = 	snop  }
0x7: {  	_ = 	snop  }
__scs_overlays_trampoline_lowered:
0x8: {  	[smem:$0x3FAA] =	sst s0  }
0x9: {  	[smem:$0x3FAB] =	sst s1  }
0xa: {  	[smem:$0x3FAC] =	sst s2  }
0xb: {  	[smem:$0x3FAD] =	sst s3  }
0xc: {  	[smem:$0x3FAE] =	sst s4  }
0xd: {  	[smem:$0x3FAF] =	sst s5  }
0xe: {  	[smem:$0x3FB0] =	sst s6  }
0xf: {  	[smem:$0x3FB1] =	sst s7  }
0x10: {  	[smem:$0x3FB2] =	sst s8  }
0x11: {  	[smem:$0x3FB3] =	sst s9;
	s0 =	simm.s32 @!p0 $0x0  }
0x12: {  	s1 =	sld [smem:$0x3F99];
	s0 =	simm.s32 @p0 $0x1  }
0x13: {  	[smem:$0x3FB4] =	sst s0;
	s0 =	simm.s32 @!p1 $0x0  }
0x14: {  	s2 =	sld [smem:$0x3F98];
	s0 =	simm.s32 @p1 $0x1  }
0x15: {  	[smem:$0x3FB5] =	sst s0;
	s0 =	simm.s32 @!p2 $0x0  }
0x16: {  	s3 =	sld [smem:$0x3FDB];
	s0 =	simm.s32 @p2 $0x1  }
0x17: {  	s4 =	simm.s32 $0x1BF5;
	[smem:$0x3FB7] =	sst s0  }
0x18: {  	s0 =	sld [smem:$0x3F9A];
	_ =	swait.ge [sflag:s4], $0x0  }
0x19: {  	s7 =	sld [smem:$0x3F9B]  }
0x1a: {  	s8 =	sadd.s32 $0xFFFFE003, lr  }
0x1b: {  	s9 =	sadd.s32 $0xFFFFFEF7, lr;
	s5 =	simm.s32 $0xFFFFFFFF;
	p2 =	slt.u32 s8, $0xFFFFF086  }
0x1c: {  	p1 =	slt.u32 s9, $0xF7A;
	s5 =	simm.s32 @!p2 $0x0  }
0x1d: {  	s5 =	simm.s32 @p1 $0x1;
	p0 =	seq.s32 s7, s2  }
0x1e: {  	s7 =	smul.u32 @!p0 $0xF7A, s2;
	p2 =	seq.s32 @!p0 s5, $0x0  }
0x1f: {  	s9 =	smul.u32 $0xF7A, s1;
	s8 =	simm.s32 @!p0 $0x1BF5;
	p2 =	por !p2, p0  }
0x20: {  	[sflag:s8] =	ssyncset.s32 @!p0 $0xFFFFF086;
	s6 =	sadd.s32 @!p0 s3, s7;
	s7 =	simm.s32 @!p0 $0x108  }
0x21: {  	s3 =	sadd.s32 s3, s9;
	s6 =	sadd.s32 @!p0 $0x88, s6;
	s7 =	simm.s32 @p2 $0x1082  }
0x22: {  	[simem:s7], [sflag:s8] =	dma.local @!p0 [hbm:s6], $0xF7A  }
0x23: {  	s9 =	sor.u32 $0xD0000000, s2;
	s6 =	simm.s32 $0x108;
	_ =	swait.ge @!p0 [sflag:s8], $0x0  }
0x24: {  	s3 =	sadd.s32 $0x88, s3;
	s6 =	simm.s32 @!p1 $0x1082;
	[sflag:s4] =	ssyncset.s32 $0xFFFFF086  }
0x25: {  	[simem:s6], [sflag:s4] =	dma.local [hbm:s3], $0xF7A  }
0x26: {  	[smem:$0x3F9B] =	sst s1;
	(tag) =	ssettag s2;
	_ =	strace s9  }
0x27: {  	s1 =	sld [smem:$0x3FAB]  }
0x28: {  	s2 =	sld [smem:$0x3FAC]  }
0x29: {  	s4 =	sld [smem:$0x3FAE]  }
0x2a: {  	p0 =	seq.s32 s5, $0x0;
	s5 =	sld [smem:$0x3FAF]  }
0x2b: {  	s6 =	sld [smem:$0x3FB0]  }
0x2c: {  	s7 =	sld [smem:$0x3FB1]  }
0x2d: {  	s3 =	simm.s32 $0x108;
	s8 =	sld [smem:$0x3FB2]  }
0x2e: {  	s3 =	simm.s32 @!p0 $0x1082;
	s9 =	sld [smem:$0x3FB3]  }
0x2f: {  	lr =	sadd.s32 s0, s3;
	s0 =	sld [smem:$0x3FAA]  }
0x30: {  	s3 =	sld [smem:$0x3FAD]  }
0x31: {  	[smem:$0x3FB6] =	sst s10  }
0x32: {  	s10 =	sld [smem:$0x3FB4];
	_ =	sdelay $0x3  }
0x33: {  	p0 =	seq.s32 s10, $0x1;
	s10 =	sld [smem:$0x3FB6];
	_ =	sdelay $0x3  }
0x34: {  	[smem:$0x3FB6] =	sst s10  }
0x35: {  	s10 =	sld [smem:$0x3FB5];
	_ =	sdelay $0x3  }
0x36: {  	p1 =	seq.s32 s10, $0x1;
	s10 =	sld [smem:$0x3FB6];
	_ =	sdelay $0x3  }
0x37: {  	[smem:$0x3FB6] =	sst s10  }
0x38: {  	s10 =	sld [smem:$0x3FB7]  }
0x39: {  	_ = 	snop;
	(pc) =	sbr.ind lr, $3  }
0x3a: {  	_ = 	snop  }
0x3b: {  	_ = 	snop  }
0x3c: {  	p2 =	seq.s32 s10, $0x1;
	s10 =	sld [smem:$0x3FB6]  }
0x3d: {  	_ =	shalt  }
0x3e: {  	_ =	shalt  }
0x3f: {  	_ =	shalt  }
0x40: {  	_ =	shalt  }
0x41: {  	_ =	shalt  }
0x42: {  	_ =	shalt  }
0x43: {  	_ =	shalt  }
0x44: {  	_ =	shalt  }
0x45: {  	_ =	shalt  }
0x46: {  	_ =	shalt  }
0x47: {  	_ =	shalt  }
0x48: {  	_ =	shalt  }
0x49: {  	_ =	shalt  }
0x4a: {  	_ =	shalt  }
0x4b: {  	_ =	shalt  }
0x4c: {  	_ =	shalt  }
0x4d: {  	_ =	shalt  }
0x4e: {  	_ =	shalt  }
0x4f: {  	_ =	shalt  }
0x50: {  	_ =	shalt  }
0x51: {  	_ =	shalt  }
0x52: {  	_ =	shalt  }
0x53: {  	_ =	shalt  }
0x54: {  	_ =	shalt  }
0x55: {  	_ =	shalt  }
0x56: {  	_ =	shalt  }
0x57: {  	_ =	shalt  }
0x58: {  	_ =	shalt  }
0x59: {  	_ =	shalt  }
0x5a: {  	_ =	shalt  }
0x5b: {  	_ =	shalt  }
0x5c: {  	_ =	shalt  }
0x5d: {  	_ =	shalt  }
0x5e: {  	_ =	shalt  }
0x5f: {  	_ =	shalt  }
0x60: {  	_ =	shalt  }
0x61: {  	_ =	shalt  }
0x62: {  	_ =	shalt  }
0x63: {  	_ =	shalt  }
0x64: {  	_ =	shalt  }
0x65: {  	_ =	shalt  }
0x66: {  	_ =	shalt  }
0x67: {  	_ =	shalt  }
0x68: {  	_ =	shalt  }
0x69: {  	_ =	shalt  }
0x6a: {  	_ =	shalt  }
0x6b: {  	_ =	shalt  }
0x6c: {  	_ =	shalt  }
0x6d: {  	_ =	shalt  }
0x6e: {  	_ =	shalt  }
0x6f: {  	_ =	shalt  }
0x70: {  	_ =	shalt  }
0x71: {  	_ =	shalt  }
0x72: {  	_ =	shalt  }
0x73: {  	_ =	shalt  }
0x74: {  	_ =	shalt  }
0x75: {  	_ =	shalt  }
0x76: {  	_ =	shalt  }
0x77: {  	_ =	shalt  }
0x78: {  	_ =	shalt  }
0x79: {  	_ =	shalt  }
0x7a: {  	_ =	shalt  }
0x7b: {  	_ =	shalt  }
0x7c: {  	_ =	shalt  }
0x7d: {  	_ =	shalt  }
0x7e: {  	_ =	shalt  }
0x7f: {  	_ =	shalt  }
0x80: {  	_ =	shalt  }
0x81: {  	_ =	shalt  }
0x82: {  	_ =	shalt  }
0x83: {  	_ =	shalt  }
0x84: {  	_ =	shalt  }
0x85: {  	_ =	shalt  }
0x86: {  	_ =	shalt  }
0x87: {  	_ =	shalt  }
.Lfunc_end0:
.L_simem_size_0:
called_computation_lowered:
.L_overlay_start_0:
0x88: {  	s2 =	sld [smem:$0x3FD9]  }
0x89: {  	s3 =	sld [smem:$0x3FFE];
	_ =	sdelay $0x1  }
0x8a: {  	s1 =	srdreg.scid  }
0x8b: {  	s0 =	sand.u32 $0x1, s1  }
0x8c: {  	s14 =	sshll.u32 s0, $0xA;
	s2 =	sadd.s32 s3, s2  }
0x8d: {  	s2 =	sadd.s32 s2, s14  }
0x8e: {  	[smem:$0x3FC2] =	sst s2  }
0x8f: {  	_ = 	snop  }
0x90: {  	s2 =	sld [smem:$0x3FD0];
	_ =	sdelay $0x1  }
0x91: {  	s15 =	sld [smem:$0x3FC8]  }
0x92: {  	s5 =	simm.s32 $0xA;
	s6 =	simm.s32 $0x10;
	s4 =	sld [smem:$0x3FC7]  }
0x93: {  	[smem:s6], [sflag:s5] =	dma.local [hbm:s2], $0x1  }
0x94: {  	_ =	swait.eq [sflag:s5], $0x1  }
0x95: {  	[sflag:s5] =	ssyncset.done $0x0  }
0x96: {  	[sflag:s5] =	ssyncadd.s32 $0xFFFFFFFF  }
0x97: {  	s16 =	sld [smem:$0x10];
	(tm) =	ssettm $0x1  }
0x98: {  	s17 =	sld [smem:$0x3FFB];
	_ =	sdelay $0x3  }
0x99: {  	_ =	strace s17  }
0x9a: {  	s5 =	sld [smem:$0x3FFC];
	_ =	sdelay $0x3  }
0x9b: {  	_ =	strace s5  }
0x9c: {  	s5 =	sld [smem:$0x3FFD];
	_ =	sdelay $0x3  }
0x9d: {  	_ =	strace s5  }
0x9e: {  	_ =	strace $0x8FFFFFFF  }
0x9f: {  	s18 =	sld [smem:$0x3FDB];
	_ =	sdelay $0x1  }
0xa0: {  	s19 =	simm.s32 $_scs_section_size  }
0xa1: {  	s7 =	simm.s32 $_size__tile_overlayer_lowered;
	s8 =	simm.s32 $_tile_overlayer_lowered  }
0xa2: {  	s22 =	simm.s32 $0x1BFF;
	s21 =	sshll.u32 s8, $0x1;
	s5 =	sadd.s32 s19, s18  }
0xa3: {  	s9 =	simm.s32 $0x0;
	s20 =	sshll.u32 s7, $0x1;
	s7 =	sadd.s32 s21, s5  }
0xa4: {  	[timem:s9], [sflag:s22] =	dma.local [hbm:s7], s20  }
0xa5: {  	_ =	swait.ge [sflag:s22], s20  }
0xa6: {  	s6 =	ssub.s32 $0x0, s20;
	[sflag:s22] =	ssyncset.done $0x0  }
0xa7: {  	[sflag:s22] =	ssyncadd.s32 s6;
	_ =	sdelay $0x1  }
0xa8: {  	s23 =	simm.s32 $0x1B8B  }
0xa9: {  	_ =	swait.ge [sflag:s23], $0x1  }
0xaa: {  	[sflag:s23] =	ssyncset.done $0x0  }
0xab: {  	s25 =	simm.s32 $0x1B8E;
	s24 =	sld [smem:$0x3FFE];
	[sflag:s23] =	ssyncadd.s32 $0xFFFFFFFF  }
0xac: {  	s26 =	simm.s32 $execute0_lowered;
	[smem:$0x3FD2] =	sst s25  }
0xad: {  	s7 =	sshll.u32 s26, $0x1;
	_ =	strace $0x80000046;
	[dreg:$0x1] =	wrdreg $0xFFFFFFFF  }
0xae: {  	s28 =	simm.s32 $_size_execute0_lowered;
	s5 =	sadd.s32 s5, s7;
	[dreg:$0x0] =	wrdreg $0x0  }
0xaf: {  	s7 =	sshll.u32 s28, $0x1;
	[dreg:$0x2] =	wrdreg s5  }
0xb0: {  	[dreg:$0x3] =	wrdreg s7  }
0xb1: {  	[dreg:$0x4] =	wrdreg $0xC0  }
0xb2: {  	_ =	task [dreg:s9], $0x5FFFF  }
0xb3: {  	[dreg:$0x1] =	wrdreg $0xFFFFFFFF  }
0xb4: {  	[dreg:$0x0] =	wrdreg $0x60  }
0xb5: {  	[dreg:$0x2] =	wrdreg s16  }
0xb6: {  	[dreg:$0x3] =	wrdreg s24  }
0xb7: {  	[dreg:$0x4] =	wrdreg s15  }
0xb8: {  	[dreg:$0x5] =	wrdreg s4  }
0xb9: {  	[dreg:$0x6] =	wrdreg $0x9  }
0xba: {  	_ =	task.clear_ibuf [dreg:s9], $0x7FFFF;
	_ =	strace $0x90000046  }
0xbb: {  	s29 =	simm.s32 $0x9;
	_ =	strace $0x80000048  }
0xbc: {  	_ =	swait.ge [sflag:s29], $0x1  }
0xbd: {  	[sflag:s29] =	ssyncadd.s32 $0xFFFFFFFF  }
0xbe: {  	_ =	strace $0x90000048  }
0xbf: {  	_ =	sfence  }
0xc0: {  	s30 =	sld [smem:$0x0];
	_ =	sdelay $0x2  }
0xc1: {  	s31 =	sshll.u32 s1, $0xD;
	s1 =	sshrl.u32 s1, $0x2  }
0xc2: {  	s3 =	sand.u32 $0x4000, s31;
	s1 =	sadd.s32 s1, s30  }
0xc3: {  	s0 =	sor.u32 s3, s0;
	s1 =	sshll.u32 s1, $0x11  }
0xc4: {  	s0 =	sor.u32 s1, s0  }
0xc5: {  	s0 =	sadd.s32 $0x8F2B, s0  }
0xc6: {  	[sflag:s0] =	ssyncadd.remote.s32 $0x1  }
0xc7: {  	_ =	sfence.sel $0xFFFF  }
0xc8: {  	[dreg:$0x0] =	wrdreg $0xFFFFFFFF;
	(pc) =	sbr.abs _section_cstart, $3  }
0xc9: {  	[dreg:$0x1] =	wrdreg $0xFFFFFFFF  }
0xca: {  	_ =	task.clear_ibuf [dreg:s9], $0x2FFFF;
	_ =	strace $0x9FFFFFFF  }
0xcb: {  	(tm) =	ssettm $0x7FFFFFFF  }
tec
execute0_lowered:
.L_overlay_start_1:
0x0: {  	(tag) =	ssettag $0x1  }
0x1: {  	s0 =	rddreg [dreg:$0x0]  }
0x2: {  	s1 =	rddreg [dreg:$0x1]  }
0x3: {  	s3 =	srdreg.scid;
	s2 =	rddreg [dreg:$0x2]  }
0x4: {  	s4 =	stileid.u32;
	s19 =	simm.s32 $0x4200;
	s20 =	simm.s32 $0x13200  }
0x5: {  	s21 =	simm.s32 $0x13A00;
	s22 =	simm.s32 $0x1;
	s28 =	simm.s32 $0x6  }
0x6: {  	s29 =	simm.s32 $0x3;
	s30 =	simm.s32 $0x7;
	s31 =	simm.s32 $0x4  }
0x7: {  	s6 =	sand.u32 $0x1, s3;
	s3 =	rddreg [dreg:$0x3];
	s5 =	sshll.u32 s4, $0x9  }
0x8: {  	s4 =	simm.s32 $0x0;
	s11 =	sadd.s32 $0x300, s2;
	s7 =	sshll.u32 s6, $0x8  }
0x9: {  	[smem:$0x7FF] =	sst s4;
	s8 =	ssub.s32 $0x2, s6;
	s6 =	sadd.s32 $0x1000, s1  }
0xa: {  	s12 =	sadd.s32 $0x100, s3;
	s13 =	sadd.s32 $0x200, s3;
	s14 =	sadd.s32 $0x300, s3  }
0xb: {  	s5 =	sor.u32 s7, s5;
	_ =	strace $0x80000047;
	s10 =	sshrl.u32 s8, $0x1  }
0xc: {  	s7 =	sshrl.u32 s5, $0x3;
	s24 =	ssub.s32 s8, s10;
	s10 =	sadd.s32 $0x200, s2  }
0xd: {  	s8 =	simm.s32 $0xC200;
	s9 =	sadd.s32 s7, s1;
	s0 =	sadd.s32 s0, s7  }
0xe: {  	v2 =	vlaneseq.u32;
	s26 =	smax.u32 s24, $0x1;
	s24 =	simm.s32 $0x5;
	[dreg:$0x5] =	wrdreg s0  }
0xf: {  	vm0 =	vmmov $0xffff;
	v1 =	vshrl.u32 v2, $0x3;
	s7 =	simm.s32 $0x0;
	s25 =	sadd.s32 $0xC00, s9;
	[dreg:$0x7] =	wrdreg s26  }
0x10: {  	v0 =	vand.u32 $0x7, v2;
	v2 =	vor.u32 $0x8, v2;
	v1 =	vmul.u32 $0x8, v1;
	s9 =	sadd.s32 $0x100, s2;
	[dreg:$0x6] =	wrdreg s25;
	s25 =	simm.s32 $0x2  }
.LBB2_1:
0x11: {  	[dreg:$0x8] =	wrdreg s7  }
0x12: {  	s0 =	rddreg [dreg:$0x5];
	s1 =	simm.s32 $0xC  }
0x13: {  	[tilespmem:s4], [sflag:$0xC] =	stream.linear.gather [hbm4b:s0+s4], $0x100, $0x38;
	[tilespmem:$0x1C200] =	vst v63  }
0x14: {  	_ =	swait.ge [sflag:s1], $0x100  }
0x15: {  	[sflag:s1] =	ssyncset.done $0x0  }
0x16: {  	s26 =	simm.s32 $0x100;
	s23 =	rddreg [dreg:$0x6];
	[sflag:s1] =	ssyncadd.s32 $0xFFFFFF00  }
0x17: {  	[tilespmem:s26], [sflag:$0xC] =	stream.linear.gather [hbm4b:s23+s4], $0x100, $0x38;
	[tilespmem:$0x1C200] =	vst v63  }
0x18: {  	_ =	swait.ge [sflag:s1], $0x100  }
0x19: {  	[sflag:s1] =	ssyncset.done $0x0  }
0x1a: {  	[sflag:s1] =	ssyncadd.s32 $0xFFFFFF00;
	s1 =	simm.s32 $0x0  }
.LBB2_2:
0x1b: {  	p0 =	seq.s32 s1, $0x0  }
0x1c: {  	s0 =	simm.s32 @!p0 $0x8  }
0x1d: {  	_ =	swait.ge @!p0 [sflag:s0], $0x4000  }
0x1e: {  	[sflag:s0] =	ssyncset.done @!p0 $0x0  }
0x1f: {  	s23 =	sshll.u32 s1, $0x6;
	[sflag:s0] =	ssyncadd.s32 @!p0 $0xFFFFC000  }
0x20: {  	v3 =	vld [tilespmem:s23+$0x0];
	_ =	sdelay $0x4  }
0x21: {  	v4 =	vshll.u32 v3, $0x3  }
0x22: {  	v3 =	vand.u32 $0x7, v3;
	v4 =	vand.u32 $0xFFFFFFC0, v4  }
0x23: {  	v3 =	vor.u32 v3, v4  }
0x24: {  	v4 =	vperm.xlane v3, v0;
	_ =	sdelay $0x1  }
0x25: {  	v4 =	vadd.s32 v1, v4;
	_ =	sdelay $0x3  }
0x26: {  	s26 =	simm.s32 $0x200  }
0x27: {  	[tilespmem:s26], [sflag:$0x1] =	stream.indirect_vreg.gather [hbm4b:s2+s4], $0x80, v4, vm0, $0xb8;
	[tilespmem:$0x1C200] =	vst v63  }
0x28: {  	s7 =	simm.s32 $0xA00;
	v3 =	vperm.xlane v3, v2  }
0x29: {  	[tilespmem:s7], [sflag:$0x1] =	stream.indirect_vreg.gather [hbm4b:s9+s4], $0x80, v4, vm0, $0xb8;
	[tilespmem:$0x1C200] =	vst v63  }
0x2a: {  	s15 =	simm.s32 $0x1200;
	v3 =	vadd.s32 v1, v3  }
0x2b: {  	[tilespmem:s15], [sflag:$0x1] =	stream.indirect_vreg.gather [hbm4b:s10+s4], $0x80, v4, vm0, $0xb8;
	[tilespmem:$0x1C200] =	vst v63  }
0x2c: {  	s16 =	simm.s32 $0x1A00  }
0x2d: {  	[tilespmem:s16], [sflag:$0x1] =	stream.indirect_vreg.gather [hbm4b:s11+s4], $0x80, v4, vm0, $0xb8;
	[tilespmem:$0x1C200] =	vst v63  }
0x2e: {  	s17 =	simm.s32 $0x2200  }
0x2f: {  	[tilespmem:s17], [sflag:$0x1] =	stream.indirect_vreg.gather [hbm4b:s2+s4], $0x80, v3, vm0, $0xb8;
	[tilespmem:$0x1C200] =	vst v63  }
0x30: {  	s18 =	simm.s32 $0x2A00  }
0x31: {  	[tilespmem:s18], [sflag:$0x1] =	stream.indirect_vreg.gather [hbm4b:s9+s4], $0x80, v3, vm0, $0xb8;
	[tilespmem:$0x1C200] =	vst v63  }
0x32: {  	s26 =	simm.s32 $0x3200  }
0x33: {  	[tilespmem:s26], [sflag:$0x1] =	stream.indirect_vreg.gather [hbm4b:s10+s4], $0x80, v3, vm0, $0xb8;
	[tilespmem:$0x1C200] =	vst v63  }
0x34: {  	s0 =	simm.s32 @!p0 $0x9;
	s7 =	simm.s32 $0x3A00  }
0x35: {  	[tilespmem:s7], [sflag:$0x1] =	stream.indirect_vreg.gather [hbm4b:s11+s4], $0x80, v3, vm0, $0xb8;
	[tilespmem:$0x1C200] =	vst v63  }
0x36: {  	_ =	swait.ge @!p0 [sflag:s0], $0x4000  }
0x37: {  	[sflag:s0] =	ssyncset.done @!p0 $0x0  }
0x38: {  	s7 =	sor.u32 $0x10, s23;
	[sflag:s0] =	ssyncadd.s32 @!p0 $0xFFFFC000  }
0x39: {  	v3 =	vld [tilespmem:s7+$0x0];
	_ =	sdelay $0x4  }
0x3a: {  	v58 =	vshll.u32 v3, $0x3  }
0x3b: {  	v3 =	vand.u32 $0x7, v3;
	v4 =	vand.u32 $0xFFFFFFC0, v58  }
0x3c: {  	v3 =	vor.u32 v3, v4  }
0x3d: {  	v4 =	vperm.xlane v3, v0;
	_ =	sdelay $0x1  }
0x3e: {  	v4 =	vadd.s32 v1, v4;
	_ =	sdelay $0x4  }
0x3f: {  	[tilespmem:s19], [sflag:$0x2] =	stream.indirect_vreg.gather [hbm4b:s2+s4], $0x80, v4, vm0, $0xb8;
	[tilespmem:$0x1C200] =	vst v63  }
0x40: {  	s15 =	simm.s32 $0x4A00;
	v3 =	vperm.xlane v3, v2  }
0x41: {  	[tilespmem:s15], [sflag:$0x2] =	stream.indirect_vreg.gather [hbm4b:s9+s4], $0x80, v4, vm0, $0xb8;
	[tilespmem:$0x1C200] =	vst v63  }
0x42: {  	s16 =	simm.s32 $0x5200;
	v3 =	vadd.s32 v1, v3  }
0x43: {  	[tilespmem:s16], [sflag:$0x2] =	stream.indirect_vreg.gather [hbm4b:s10+s4], $0x80, v4, vm0, $0xb8;
	[tilespmem:$0x1C200] =	vst v63  }
0x44: {  	s17 =	simm.s32 $0x5A00  }
0x45: {  	[tilespmem:s17], [sflag:$0x2] =	stream.indirect_vreg.gather [hbm4b:s11+s4], $0x80, v4, vm0, $0xb8;
	[tilespmem:$0x1C200] =	vst v63  }
0x46: {  	s18 =	simm.s32 $0x6200  }
0x47: {  	[tilespmem:s18], [sflag:$0x2] =	stream.indirect_vreg.gather [hbm4b:s2+s4], $0x80, v3, vm0, $0xb8;
	[tilespmem:$0x1C200] =	vst v63  }
0x48: {  	s19 =	simm.s32 $0x6A00  }
0x49: {  	[tilespmem:s19], [sflag:$0x2] =	stream.indirect_vreg.gather [hbm4b:s9+s4], $0x80, v3, vm0, $0xb8;
	[tilespmem:$0x1C200] =	vst v63  }
0x4a: {  	s26 =	simm.s32 $0x7200  }
0x4b: {  	[tilespmem:s26], [sflag:$0x2] =	stream.indirect_vreg.gather [hbm4b:s10+s4], $0x80, v3, vm0, $0xb8;
	[tilespmem:$0x1C200] =	vst v63  }
0x4c: {  	s0 =	simm.s32 @!p0 $0xA;
	s15 =	simm.s32 $0x7A00  }
0x4d: {  	[tilespmem:s15], [sflag:$0x2] =	stream.indirect_vreg.gather [hbm4b:s11+s4], $0x80, v3, vm0, $0xb8;
	[tilespmem:$0x1C200] =	vst v63  }
0x4e: {  	_ =	swait.ge @!p0 [sflag:s0], $0x4000  }
0x4f: {  	[sflag:s0] =	ssyncset.done @!p0 $0x0  }
0x50: {  	s26 =	sor.u32 $0x20, s23;
	[sflag:s0] =	ssyncadd.s32 @!p0 $0xFFFFC000  }
0x51: {  	v3 =	vld [tilespmem:s26+$0x0];
	_ =	sdelay $0x4  }
0x52: {  	v59 =	vshll.u32 v3, $0x3  }
0x53: {  	v3 =	vand.u32 $0x7, v3;
	v4 =	vand.u32 $0xFFFFFFC0, v59  }
0x54: {  	v3 =	vor.u32 v3, v4  }
0x55: {  	v4 =	vperm.xlane v3, v0;
	_ =	sdelay $0x1  }
0x56: {  	v4 =	vadd.s32 v1, v4;
	_ =	sdelay $0x3  }
0x57: {  	s16 =	simm.s32 $0x8200  }
0x58: {  	[tilespmem:s16], [sflag:$0x3] =	stream.indirect_vreg.gather [hbm4b:s2+s4], $0x80, v4, vm0, $0xb8;
	[tilespmem:$0x1C200] =	vst v63  }
0x59: {  	s17 =	simm.s32 $0x8A00;
	v3 =	vperm.xlane v3, v2  }
0x5a: {  	[tilespmem:s17], [sflag:$0x3] =	stream.indirect_vreg.gather [hbm4b:s9+s4], $0x80, v4, vm0, $0xb8;
	[tilespmem:$0x1C200] =	vst v63  }
0x5b: {  	s18 =	simm.s32 $0x9200;
	v3 =	vadd.s32 v1, v3  }
0x5c: {  	[tilespmem:s18], [sflag:$0x3] =	stream.indirect_vreg.gather [hbm4b:s10+s4], $0x80, v4, vm0, $0xb8;
	[tilespmem:$0x1C200] =	vst v63  }
0x5d: {  	s19 =	simm.s32 $0x9A00  }
0x5e: {  	[tilespmem:s19], [sflag:$0x3] =	stream.indirect_vreg.gather [hbm4b:s11+s4], $0x80, v4, vm0, $0xb8;
	[tilespmem:$0x1C200] =	vst v63  }
0x5f: {  	s15 =	simm.s32 $0xA200  }
0x60: {  	[tilespmem:s15], [sflag:$0x3] =	stream.indirect_vreg.gather [hbm4b:s2+s4], $0x80, v3, vm0, $0xb8;
	[tilespmem:$0x1C200] =	vst v63  }
0x61: {  	s16 =	simm.s32 $0xAA00  }
0x62: {  	[tilespmem:s16], [sflag:$0x3] =	stream.indirect_vreg.gather [hbm4b:s9+s4], $0x80, v3, vm0, $0xb8;
	[tilespmem:$0x1C200] =	vst v63  }
0x63: {  	s17 =	simm.s32 $0xB200  }
0x64: {  	[tilespmem:s17], [sflag:$0x3] =	stream.indirect_vreg.gather [hbm4b:s10+s4], $0x80, v3, vm0, $0xb8;
	[tilespmem:$0x1C200] =	vst v63  }
0x65: {  	s0 =	simm.s32 @!p0 $0xB;
	s18 =	simm.s32 $0xBA00  }
0x66: {  	[tilespmem:s18], [sflag:$0x3] =	stream.indirect_vreg.gather [hbm4b:s11+s4], $0x80, v3, vm0, $0xb8;
	[tilespmem:$0x1C200] =	vst v63  }
0x67: {  	_ =	swait.ge @!p0 [sflag:s0], $0x4000  }
0x68: {  	[sflag:s0] =	ssyncset.done @!p0 $0x0  }
0x69: {  	s18 =	sor.u32 $0x30, s23;
	[sflag:s0] =	ssyncadd.s32 @!p0 $0xFFFFC000  }
0x6a: {  	v3 =	vld [tilespmem:s18+$0x0];
	_ =	sdelay $0x4  }
0x6b: {  	v60 =	vshll.u32 v3, $0x3  }
0x6c: {  	v3 =	vand.u32 $0x7, v3;
	v4 =	vand.u32 $0xFFFFFFC0, v60  }
0x6d: {  	v3 =	vor.u32 v3, v4  }
0x6e: {  	v4 =	vperm.xlane v3, v0;
	_ =	sdelay $0x1  }
0x6f: {  	v4 =	vadd.s32 v1, v4;
	_ =	sdelay $0x3  }
0x70: {  	s0 =	simm.s32 $0x0  }
0x71: {  	[tilespmem:s8], [sflag:$0x4] =	stream.indirect_vreg.gather [hbm4b:s2+s0], $0x80, v4, vm0, $0xb8;
	[tilespmem:$0x1C200] =	vst v63  }
0x72: {  	s19 =	simm.s32 $0xCA00;
	v3 =	vperm.xlane v3, v2  }
0x73: {  	[tilespmem:s19], [sflag:$0x4] =	stream.indirect_vreg.gather [hbm4b:s9+s0], $0x80, v4, vm0, $0xb8;
	[tilespmem:$0x1C200] =	vst v63  }
0x74: {  	s15 =	simm.s32 $0xD200;
	v3 =	vadd.s32 v1, v3  }
0x75: {  	[tilespmem:s15], [sflag:$0x4] =	stream.indirect_vreg.gather [hbm4b:s10+s0], $0x80, v4, vm0, $0xb8;
	[tilespmem:$0x1C200] =	vst v63  }
0x76: {  	s16 =	simm.s32 $0xDA00  }
0x77: {  	[tilespmem:s16], [sflag:$0x4] =	stream.indirect_vreg.gather [hbm4b:s11+s0], $0x80, v4, vm0, $0xb8;
	[tilespmem:$0x1C200] =	vst v63  }
0x78: {  	s17 =	simm.s32 $0xE200  }
0x79: {  	[tilespmem:s17], [sflag:$0x4] =	stream.indirect_vreg.gather [hbm4b:s2+s0], $0x80, v3, vm0, $0xb8;
	[tilespmem:$0x1C200] =	vst v63  }
0x7a: {  	s19 =	simm.s32 $0xEA00  }
0x7b: {  	[tilespmem:s19], [sflag:$0x4] =	stream.indirect_vreg.gather [hbm4b:s9+s0], $0x80, v3, vm0, $0xb8;
	[tilespmem:$0x1C200] =	vst v63  }
0x7c: {  	s15 =	simm.s32 $0xF200  }
0x7d: {  	[tilespmem:s15], [sflag:$0x4] =	stream.indirect_vreg.gather [hbm4b:s10+s0], $0x80, v3, vm0, $0xb8;
	[tilespmem:$0x1C200] =	vst v63  }
0x7e: {  	s16 =	simm.s32 $0xFA00  }
0x7f: {  	[tilespmem:s16], [sflag:$0x4] =	stream.indirect_vreg.gather [hbm4b:s11+s0], $0x80, v3, vm0, $0xb8;
	[tilespmem:$0x1C200] =	vst v63  }
0x80: {  	v3 =	vld [tilespmem:s23+$0x100];
	_ =	sdelay $0x4  }
0x81: {  	v61 =	vshll.u32 v3, $0x3  }
0x82: {  	v3 =	vand.u32 $0x7, v3;
	v4 =	vand.u32 $0xFFFFFFC0, v61  }
0x83: {  	v3 =	vor.u32 v3, v4  }
0x84: {  	v4 =	vperm.xlane v3, v0;
	_ =	sdelay $0x1  }
0x85: {  	v4 =	vadd.s32 v1, v4;
	_ =	sdelay $0x3  }
0x86: {  	s17 =	simm.s32 $0x10200  }
0x87: {  	[tilespmem:s17], [sflag:$0x5] =	stream.indirect_vreg.gather [hbm4b:s3+s0], $0x80, v4, vm0, $0xb8;
	[tilespmem:$0x1C200] =	vst v63  }
0x88: {  	s19 =	simm.s32 $0x10A00;
	v3 =	vperm.xlane v3, v2  }
0x89: {  	[tilespmem:s19], [sflag:$0x5] =	stream.indirect_vreg.gather [hbm4b:s12+s0], $0x80, v4, vm0, $0xb8;
	[tilespmem:$0x1C200] =	vst v63  }
0x8a: {  	s15 =	simm.s32 $0x11200;
	v3 =	vadd.s32 v1, v3  }
0x8b: {  	[tilespmem:s15], [sflag:$0x5] =	stream.indirect_vreg.gather [hbm4b:s13+s0], $0x80, v4, vm0, $0xb8;
	[tilespmem:$0x1C200] =	vst v63  }
0x8c: {  	s16 =	simm.s32 $0x11A00  }
0x8d: {  	[tilespmem:s16], [sflag:$0x5] =	stream.indirect_vreg.gather [hbm4b:s14+s0], $0x80, v4, vm0, $0xb8;
	[tilespmem:$0x1C200] =	vst v63  }
0x8e: {  	s17 =	simm.s32 $0x12200  }
0x8f: {  	[tilespmem:s17], [sflag:$0x5] =	stream.indirect_vreg.gather [hbm4b:s3+s0], $0x80, v3, vm0, $0xb8;
	[tilespmem:$0x1C200] =	vst v63  }
0x90: {  	s19 =	simm.s32 $0x12A00  }
0x91: {  	[tilespmem:s19], [sflag:$0x5] =	stream.indirect_vreg.gather [hbm4b:s12+s0], $0x80, v3, vm0, $0xb8;
	[tilespmem:$0x1C200] =	vst v63  }
0x92: {  	_ = 	snop  }
0x93: {  	[tilespmem:s20], [sflag:$0x5] =	stream.indirect_vreg.gather [hbm4b:s13+s0], $0x80, v3, vm0, $0xb8;
	[tilespmem:$0x1C200] =	vst v63  }
0x94: {  	_ = 	snop  }
0x95: {  	[tilespmem:s21], [sflag:$0x5] =	stream.indirect_vreg.gather [hbm4b:s14+s0], $0x80, v3, vm0, $0xb8;
	[tilespmem:$0x1C200] =	vst v63  }
0x96: {  	v3 =	vld [tilespmem:s7+$0x100];
	_ =	sdelay $0x4  }
0x97: {  	v62 =	vshll.u32 v3, $0x3  }
0x98: {  	v3 =	vand.u32 $0x7, v3;
	v4 =	vand.u32 $0xFFFFFFC0, v62  }
0x99: {  	v3 =	vor.u32 v3, v4  }
0x9a: {  	v4 =	vperm.xlane v3, v0;
	_ =	sdelay $0x1  }
0x9b: {  	v4 =	vadd.s32 v1, v4;
	_ =	sdelay $0x3  }
0x9c: {  	s15 =	simm.s32 $0x14200  }
0x9d: {  	[tilespmem:s15], [sflag:$0x6] =	stream.indirect_vreg.gather [hbm4b:s3+s0], $0x80, v4, vm0, $0xb8;
	[tilespmem:$0x1C200] =	vst v63  }
0x9e: {  	s16 =	simm.s32 $0x14A00;
	v3 =	vperm.xlane v3, v2  }
0x9f: {  	[tilespmem:s16], [sflag:$0x6] =	stream.indirect_vreg.gather [hbm4b:s12+s0], $0x80, v4, vm0, $0xb8;
	[tilespmem:$0x1C200] =	vst v63  }
0xa0: {  	s17 =	simm.s32 $0x15200;
	v3 =	vadd.s32 v1, v3  }
0xa1: {  	[tilespmem:s17], [sflag:$0x6] =	stream.indirect_vreg.gather [hbm4b:s13+s0], $0x80, v4, vm0, $0xb8;
	[tilespmem:$0x1C200] =	vst v63  }
0xa2: {  	s19 =	simm.s32 $0x15A00  }
0xa3: {  	[tilespmem:s19], [sflag:$0x6] =	stream.indirect_vreg.gather [hbm4b:s14+s0], $0x80, v4, vm0, $0xb8;
	[tilespmem:$0x1C200] =	vst v63  }
0xa4: {  	s15 =	simm.s32 $0x16200  }
0xa5: {  	[tilespmem:s15], [sflag:$0x6] =	stream.indirect_vreg.gather [hbm4b:s3+s0], $0x80, v3, vm0, $0xb8;
	[tilespmem:$0x1C200] =	vst v63  }
0xa6: {  	s16 =	simm.s32 $0x16A00  }
0xa7: {  	[tilespmem:s16], [sflag:$0x6] =	stream.indirect_vreg.gather [hbm4b:s12+s0], $0x80, v3, vm0, $0xb8;
	[tilespmem:$0x1C200] =	vst v63  }
0xa8: {  	s17 =	simm.s32 $0x17200  }
0xa9: {  	[tilespmem:s17], [sflag:$0x6] =	stream.indirect_vreg.gather [hbm4b:s13+s0], $0x80, v3, vm0, $0xb8;
	[tilespmem:$0x1C200] =	vst v63  }
0xaa: {  	s19 =	simm.s32 $0x17A00  }
0xab: {  	[tilespmem:s19], [sflag:$0x6] =	stream.indirect_vreg.gather [hbm4b:s14+s0], $0x80, v3, vm0, $0xb8;
	[tilespmem:$0x1C200] =	vst v63  }
0xac: {  	v3 =	vld [tilespmem:s26+$0x100];
	_ =	sdelay $0x4  }
0xad: {  	v63 =	vshll.u32 v3, $0x3  }
0xae: {  	v3 =	vand.u32 $0x7, v3;
	v4 =	vand.u32 $0xFFFFFFC0, v63  }
0xaf: {  	v3 =	vor.u32 v3, v4  }
0xb0: {  	v4 =	vperm.xlane v3, v0;
	_ =	sdelay $0x1  }
0xb1: {  	v4 =	vadd.s32 v1, v4;
	_ =	sdelay $0x3  }
0xb2: {  	s15 =	simm.s32 $0x18200  }
0xb3: {  	[tilespmem:s15], [sflag:$0x7] =	stream.indirect_vreg.gather [hbm4b:s3+s0], $0x80, v4, vm0, $0xb8;
	[tilespmem:$0x1C200] =	vst v63  }
0xb4: {  	s16 =	simm.s32 $0x18A00;
	v3 =	vperm.xlane v3, v2  }
0xb5: {  	[tilespmem:s16], [sflag:$0x7] =	stream.indirect_vreg.gather [hbm4b:s12+s0], $0x80, v4, vm0, $0xb8;
	[tilespmem:$0x1C200] =	vst v63  }
0xb6: {  	s17 =	simm.s32 $0x19200;
	v3 =	vadd.s32 v1, v3  }
0xb7: {  	[tilespmem:s17], [sflag:$0x7] =	stream.indirect_vreg.gather [hbm4b:s13+s0], $0x80, v4, vm0, $0xb8;
	[tilespmem:$0x1C200] =	vst v63  }
0xb8: {  	s19 =	simm.s32 $0x19A00  }
0xb9: {  	[tilespmem:s19], [sflag:$0x7] =	stream.indirect_vreg.gather [hbm4b:s14+s0], $0x80, v4, vm0, $0xb8;
	[tilespmem:$0x1C200] =	vst v63  }
0xba: {  	s15 =	simm.s32 $0x1A200  }
0xbb: {  	[tilespmem:s15], [sflag:$0x7] =	stream.indirect_vreg.gather [hbm4b:s3+s0], $0x80, v3, vm0, $0xb8;
	[tilespmem:$0x1C200] =	vst v63  }
0xbc: {  	s16 =	simm.s32 $0x1AA00  }
0xbd: {  	[tilespmem:s16], [sflag:$0x7] =	stream.indirect_vreg.gather [hbm4b:s12+s0], $0x80, v3, vm0, $0xb8;
	[tilespmem:$0x1C200] =	vst v63  }
0xbe: {  	s17 =	simm.s32 $0x1B200  }
0xbf: {  	[tilespmem:s17], [sflag:$0x7] =	stream.indirect_vreg.gather [hbm4b:s13+s0], $0x80, v3, vm0, $0xb8;
	[tilespmem:$0x1C200] =	vst v63  }
0xc0: {  	s19 =	simm.s32 $0x1BA00  }
0xc1: {  	[tilespmem:s19], [sflag:$0x7] =	stream.indirect_vreg.gather [hbm4b:s14+s0], $0x80, v3, vm0, $0xb8;
	[tilespmem:$0x1C200] =	vst v63  }
0xc2: {  	_ =	swait.ge [sflag:s22], $0x4000  }
0xc3: {  	[sflag:s22] =	ssyncset.done $0x0  }
0xc4: {  	[sflag:s22] =	ssyncadd.s32 $0xFFFFC000  }
0xc5: {  	_ =	swait.ge [sflag:s24], $0x4000  }
0xc6: {  	s8 =	simm.s32 $0x0;
	[sflag:s24] =	ssyncset.done $0x0  }
0xc7: {  	s15 =	simm.s32 $0x0;
	s17 =	simm.s32 $0xFFFFC000;
	[sflag:s24] =	ssyncadd.s32 $0xFFFFC000  }
.LBB2_3:
0xc8: {  	s16 =	sadd.s32 $0x4000, s17  }
0xc9: {  	s19 =	sand.u32 $0x380, s15;
	s16 =	sand.u32 $0x2000, s16  }
0xca: {  	s16 =	sor.u32 s19, s16  }
0xcb: {  	v3 =	vld [tilespmem:s16+$0x10200]  }
0xcc: {  	v4 =	vld [tilespmem:s16+$0x10220]  }
0xcd: {  	v5 =	vld [tilespmem:s16+$0x10230]  }
0xce: {  	v6 =	vld [tilespmem:s16+$0x10240]  }
0xcf: {  	v7 =	vld [tilespmem:s16+$0x10250]  }
0xd0: {  	v24 =	vld [tilespmem:s16+$0x10270]  }
0xd1: {  	v25 =	vld [tilespmem:s16+$0x10600]  }
0xd2: {  	v26 =	vld [tilespmem:s16+$0x10610]  }
0xd3: {  	v27 =	vld [tilespmem:s16+$0x10620]  }
0xd4: {  	v28 =	vld [tilespmem:s16+$0x10640]  }
0xd5: {  	v29 =	vld [tilespmem:s16+$0x10650]  }
0xd6: {  	v30 =	vld [tilespmem:s16+$0x10660]  }
0xd7: {  	v31 =	vld [tilespmem:s16+$0x10670]  }
0xd8: {  	v32 =	vld [tilespmem:s16+$0x10A10]  }
0xd9: {  	v33 =	vld [tilespmem:s16+$0x10A20]  }
0xda: {  	v34 =	vld [tilespmem:s16+$0x10A30]  }
0xdb: {  	v35 =	vld [tilespmem:s16+$0x10A40]  }
0xdc: {  	v36 =	vld [tilespmem:s16+$0x10A60]  }
0xdd: {  	v37 =	vld [tilespmem:s16+$0x10A70]  }
0xde: {  	v38 =	vld [tilespmem:s16+$0x10E00]  }
0xdf: {  	v39 =	vld [tilespmem:s16+$0x10E10]  }
0xe0: {  	v40 =	vld [tilespmem:s16+$0x10E30]  }
0xe1: {  	v41 =	vld [tilespmem:s16+$0x10E40]  }
0xe2: {  	v42 =	vld [tilespmem:s16+$0x10E50]  }
0xe3: {  	v43 =	vld [tilespmem:s16+$0x10E60]  }
0xe4: {  	v44 =	vld [tilespmem:s16+$0x11200]  }
0xe5: {  	v45 =	vld [tilespmem:s16+$0x11210]  }
0xe6: {  	v46 =	vld [tilespmem:s16+$0x11220]  }
0xe7: {  	v47 =	vld [tilespmem:s16+$0x11230]  }
0xe8: {  	v48 =	vld [tilespmem:s16+$0x11250]  }
0xe9: {  	v49 =	vld [tilespmem:s16+$0x11260]  }
0xea: {  	v50 =	vld [tilespmem:s16+$0x11270]  }
0xeb: {  	v51 =	vld [tilespmem:s16+$0x11600]  }
0xec: {  	v52 =	vld [tilespmem:s16+$0x11620]  }
0xed: {  	v53 =	vld [tilespmem:s16+$0x11630]  }
0xee: {  	v54 =	vld [tilespmem:s16+$0x11640]  }
0xef: {  	v55 =	vld [tilespmem:s16+$0x11650]  }
0xf0: {  	v56 =	vld [tilespmem:s16+$0x11670]  }
0xf1: {  	v57 =	vld [tilespmem:s16+$0x11A00]  }
0xf2: {  	v58 =	vld [tilespmem:s16+$0x11A10]  }
0xf3: {  	v59 =	vld [tilespmem:s16+$0x11A20]  }
0xf4: {  	v60 =	vld [tilespmem:s16+$0x11A40]  }
0xf5: {  	v61 =	vld [tilespmem:s16+$0x11A50]  }
0xf6: {  	v62 =	vld [tilespmem:s16+$0x11A60]  }
0xf7: {  	v63 =	vld [tilespmem:s16+$0x11A70]  }
0xf8: {  	[tilespmem:s16+$0x200] =	vst.add.f32.msk $0xffff, v3  }
0xf9: {  	v3 =	vld [tilespmem:s16+$0x10210]  }
0xfa: {  	[tilespmem:s16+$0x220] =	vst.add.f32.msk $0xffff, v4  }
0xfb: {  	[tilespmem:s16+$0x230] =	vst.add.f32.msk $0xffff, v5  }
0xfc: {  	[tilespmem:s16+$0x240] =	vst.add.f32.msk $0xffff, v6  }
0xfd: {  	[tilespmem:s16+$0x250] =	vst.add.f32.msk $0xffff, v7  }
0xfe: {  	[tilespmem:s16+$0x210] =	vst.add.f32.msk $0xffff, v3  }
0xff: {  	v3 =	vld [tilespmem:s16+$0x10260]  }
0x100: {  	[tilespmem:s16+$0x270] =	vst.add.f32.msk $0xffff, v24  }
0x101: {  	[tilespmem:s16+$0x600] =	vst.add.f32.msk $0xffff, v25  }
0x102: {  	[tilespmem:s16+$0x610] =	vst.add.f32.msk $0xffff, v26  }
0x103: {  	[tilespmem:s16+$0x620] =	vst.add.f32.msk $0xffff, v27  }
0x104: {  	[tilespmem:s16+$0x260] =	vst.add.f32.msk $0xffff, v3  }
0x105: {  	v3 =	vld [tilespmem:s16+$0x10630]  }
0x106: {  	[tilespmem:s16+$0x640] =	vst.add.f32.msk $0xffff, v28  }
0x107: {  	[tilespmem:s16+$0x650] =	vst.add.f32.msk $0xffff, v29  }
0x108: {  	[tilespmem:s16+$0x660] =	vst.add.f32.msk $0xffff, v30  }
0x109: {  	[tilespmem:s16+$0x670] =	vst.add.f32.msk $0xffff, v31  }
0x10a: {  	[tilespmem:s16+$0x630] =	vst.add.f32.msk $0xffff, v3  }
0x10b: {  	v3 =	vld [tilespmem:s16+$0x10A00]  }
0x10c: {  	[tilespmem:s16+$0xA10] =	vst.add.f32.msk $0xffff, v32  }
0x10d: {  	[tilespmem:s16+$0xA20] =	vst.add.f32.msk $0xffff, v33  }
0x10e: {  	[tilespmem:s16+$0xA30] =	vst.add.f32.msk $0xffff, v34  }
0x10f: {  	[tilespmem:s16+$0xA40] =	vst.add.f32.msk $0xffff, v35  }
0x110: {  	[tilespmem:s16+$0xA00] =	vst.add.f32.msk $0xffff, v3  }
0x111: {  	v3 =	vld [tilespmem:s16+$0x10A50]  }
0x112: {  	[tilespmem:s16+$0xA60] =	vst.add.f32.msk $0xffff, v36  }
0x113: {  	[tilespmem:s16+$0xA70] =	vst.add.f32.msk $0xffff, v37  }
0x114: {  	[tilespmem:s16+$0xE00] =	vst.add.f32.msk $0xffff, v38  }
0x115: {  	[tilespmem:s16+$0xE10] =	vst.add.f32.msk $0xffff, v39  }
0x116: {  	[tilespmem:s16+$0xA50] =	vst.add.f32.msk $0xffff, v3  }
0x117: {  	v3 =	vld [tilespmem:s16+$0x10E20]  }
0x118: {  	[tilespmem:s16+$0xE30] =	vst.add.f32.msk $0xffff, v40  }
0x119: {  	[tilespmem:s16+$0xE40] =	vst.add.f32.msk $0xffff, v41  }
0x11a: {  	[tilespmem:s16+$0xE50] =	vst.add.f32.msk $0xffff, v42  }
0x11b: {  	[tilespmem:s16+$0xE60] =	vst.add.f32.msk $0xffff, v43  }
0x11c: {  	[tilespmem:s16+$0xE20] =	vst.add.f32.msk $0xffff, v3  }
0x11d: {  	v3 =	vld [tilespmem:s16+$0x10E70]  }
0x11e: {  	[tilespmem:s16+$0x1200] =	vst.add.f32.msk $0xffff, v44  }
0x11f: {  	[tilespmem:s16+$0x1210] =	vst.add.f32.msk $0xffff, v45  }
0x120: {  	[tilespmem:s16+$0x1220] =	vst.add.f32.msk $0xffff, v46  }
0x121: {  	[tilespmem:s16+$0x1230] =	vst.add.f32.msk $0xffff, v47  }
0x122: {  	[tilespmem:s16+$0xE70] =	vst.add.f32.msk $0xffff, v3  }
0x123: {  	v3 =	vld [tilespmem:s16+$0x11240]  }
0x124: {  	[tilespmem:s16+$0x1250] =	vst.add.f32.msk $0xffff, v48  }
0x125: {  	[tilespmem:s16+$0x1260] =	vst.add.f32.msk $0xffff, v49  }
0x126: {  	[tilespmem:s16+$0x1270] =	vst.add.f32.msk $0xffff, v50  }
0x127: {  	[tilespmem:s16+$0x1600] =	vst.add.f32.msk $0xffff, v51  }
0x128: {  	[tilespmem:s16+$0x1240] =	vst.add.f32.msk $0xffff, v3  }
0x129: {  	v3 =	vld [tilespmem:s16+$0x11610]  }
0x12a: {  	[tilespmem:s16+$0x1620] =	vst.add.f32.msk $0xffff, v52  }
0x12b: {  	[tilespmem:s16+$0x1630] =	vst.add.f32.msk $0xffff, v53  }
0x12c: {  	[tilespmem:s16+$0x1640] =	vst.add.f32.msk $0xffff, v54  }
0x12d: {  	[tilespmem:s16+$0x1650] =	vst.add.f32.msk $0xffff, v55  }
0x12e: {  	[tilespmem:s16+$0x1610] =	vst.add.f32.msk $0xffff, v3  }
0x12f: {  	v3 =	vld [tilespmem:s16+$0x11660]  }
0x130: {  	[tilespmem:s16+$0x1670] =	vst.add.f32.msk $0xffff, v56  }
0x131: {  	[tilespmem:s16+$0x1A00] =	vst.add.f32.msk $0xffff, v57  }
0x132: {  	[tilespmem:s16+$0x1A10] =	vst.add.f32.msk $0xffff, v58  }
0x133: {  	[tilespmem:s16+$0x1A20] =	vst.add.f32.msk $0xffff, v59  }
0x134: {  	[tilespmem:s16+$0x1660] =	vst.add.f32.msk $0xffff, v3  }
0x135: {  	v3 =	vld [tilespmem:s16+$0x11A30]  }
0x136: {  	[tilespmem:s16+$0x1A40] =	vst.add.f32.msk $0xffff, v60  }
0x137: {  	s19 =	sand.u32 $0x7, s0;
	[tilespmem:s16+$0x1A50] =	vst.add.f32.msk $0xffff, v61  }
0x138: {  	s19 =	sshll.u32 s19, $0x7;
	[tilespmem:s16+$0x1A60] =	vst.add.f32.msk $0xffff, v62  }
0x139: {  	s19 =	sadd.s32 s19, s8;
	[tilespmem:s16+$0x1A70] =	vst.add.f32.msk $0xffff, v63  }
0x13a: {  	[tilespmem:s16+$0x1A30] =	vst.add.f32.msk $0xffff, v3;
	s16 =	sor.u32 $0x1C00, s19  }
0x13b: {  	v3 =	vld [tilespmem:s16+$0x10200];
	_ =	sdelay $0x4  }
0x13c: {  	[tilespmem:s16+$0x200] =	vst.add.f32.msk $0xffff, v3;
	s16 =	sor.u32 $0x1C10, s19  }
0x13d: {  	v3 =	vld [tilespmem:s16+$0x10200];
	_ =	sdelay $0x4  }
0x13e: {  	[tilespmem:s16+$0x200] =	vst.add.f32.msk $0xffff, v3;
	s16 =	sor.u32 $0x1C20, s19  }
0x13f: {  	v3 =	vld [tilespmem:s16+$0x10200];
	_ =	sdelay $0x4  }
0x140: {  	[tilespmem:s16+$0x200] =	vst.add.f32.msk $0xffff, v3;
	s16 =	sor.u32 $0x1C30, s19  }
0x141: {  	v3 =	vld [tilespmem:s16+$0x10200];
	_ =	sdelay $0x4  }
0x142: {  	[tilespmem:s16+$0x200] =	vst.add.f32.msk $0xffff, v3;
	s16 =	sor.u32 $0x1C40, s19  }
0x143: {  	v3 =	vld [tilespmem:s16+$0x10200];
	_ =	sdelay $0x4  }
0x144: {  	[tilespmem:s16+$0x200] =	vst.add.f32.msk $0xffff, v3;
	s16 =	sor.u32 $0x1C50, s19  }
0x145: {  	v3 =	vld [tilespmem:s16+$0x10200];
	_ =	sdelay $0x4  }
0x146: {  	[tilespmem:s16+$0x200] =	vst.add.f32.msk $0xffff, v3;
	s16 =	sor.u32 $0x1C60, s19  }
0x147: {  	v3 =	vld [tilespmem:s16+$0x10200];
	_ =	sdelay $0x4  }
0x148: {  	s19 =	sor.u32 $0x1C70, s19;
	[tilespmem:s16+$0x200] =	vst.add.f32.msk $0xffff, v3  }
0x149: {  	p0 =	sne.s32 s15, $0x780;
	v3 =	vld [tilespmem:s19+$0x10200]  }
.Ltmp0:
0x14a: {  	_ = 	snop;
	(pc) =	sbr.rel @p0 .LBB2_3-.Ltmp0, $3  }
0x14b: {  	_ =	sdelay $0x1  }
0x14c: {  	s17 =	sadd.s32 $0x400, s17  }
0x14d: {  	s15 =	sadd.s32 $0x80, s15;
	s0 =	sadd.s32 $0x1, s0;
	s8 =	sadd.s32 $0x400, s8;
	[tilespmem:s19+$0x200] =	vst.add.f32.msk $0xffff, v3  }
0x14e: {  	s0 =	sadd.s32 s5, s23  }
0x14f: {  	s0 =	sshll.u32 s0, $0x7  }
0x150: {  	s15 =	simm.s32 $0x200;
	s8 =	sadd.s32 s6, s0;
	s0 =	simm.s32 $0x0  }
0x151: {  	[hbm4b:s8+s0] =	stream.linear.scatter [tilespmem:s15], [sflag:$0x8], $0x4000, $0x38;
	[tilespmem:$0x1C200] =	vst v63  }
0x152: {  	v3 =	vld [tilespmem:s18+$0x100];
	_ =	sdelay $0x4  }
0x153: {  	v4 =	vshll.u32 v3, $0x3  }
0x154: {  	v3 =	vand.u32 $0x7, v3;
	v4 =	vand.u32 $0xFFFFFFC0, v4  }
0x155: {  	v3 =	vor.u32 v3, v4  }
0x156: {  	v4 =	vperm.xlane v3, v0;
	_ =	sdelay $0x1  }
0x157: {  	v4 =	vadd.s32 v1, v4;
	_ =	sdelay $0x3  }
0x158: {  	s23 =	simm.s32 $0x10200  }
0x159: {  	[tilespmem:s23], [sflag:$0x5] =	stream.indirect_vreg.gather [hbm4b:s3+s0], $0x80, v4, vm0, $0xb8;
	[tilespmem:$0x1C200] =	vst v63  }
0x15a: {  	s15 =	simm.s32 $0x10A00;
	v3 =	vperm.xlane v3, v2  }
0x15b: {  	[tilespmem:s15], [sflag:$0x5] =	stream.indirect_vreg.gather [hbm4b:s12+s0], $0x80, v4, vm0, $0xb8;
	[tilespmem:$0x1C200] =	vst v63  }
0x15c: {  	s16 =	simm.s32 $0x11200;
	v3 =	vadd.s32 v1, v3  }
0x15d: {  	[tilespmem:s16], [sflag:$0x5] =	stream.indirect_vreg.gather [hbm4b:s13+s0], $0x80, v4, vm0, $0xb8;
	[tilespmem:$0x1C200] =	vst v63  }
0x15e: {  	s17 =	simm.s32 $0x11A00  }
0x15f: {  	[tilespmem:s17], [sflag:$0x5] =	stream.indirect_vreg.gather [hbm4b:s14+s0], $0x80, v4, vm0, $0xb8;
	[tilespmem:$0x1C200] =	vst v63  }
0x160: {  	s19 =	simm.s32 $0x12200  }
0x161: {  	[tilespmem:s19], [sflag:$0x5] =	stream.indirect_vreg.gather [hbm4b:s3+s0], $0x80, v3, vm0, $0xb8;
	[tilespmem:$0x1C200] =	vst v63  }
0x162: {  	s23 =	simm.s32 $0x12A00  }
0x163: {  	[tilespmem:s23], [sflag:$0x5] =	stream.indirect_vreg.gather [hbm4b:s12+s0], $0x80, v3, vm0, $0xb8;
	[tilespmem:$0x1C200] =	vst v63  }
0x164: {  	_ = 	snop  }
0x165: {  	[tilespmem:s20], [sflag:$0x5] =	stream.indirect_vreg.gather [hbm4b:s13+s0], $0x80, v3, vm0, $0xb8;
	[tilespmem:$0x1C200] =	vst v63  }
0x166: {  	_ = 	snop  }
0x167: {  	[tilespmem:s21], [sflag:$0x5] =	stream.indirect_vreg.gather [hbm4b:s14+s0], $0x80, v3, vm0, $0xb8;
	[tilespmem:$0x1C200] =	vst v63  }
0x168: {  	_ =	swait.ge [sflag:s25], $0x4000  }
0x169: {  	[sflag:s25] =	ssyncset.done $0x0  }
0x16a: {  	[sflag:s25] =	ssyncadd.s32 $0xFFFFC000  }
0x16b: {  	_ =	swait.ge [sflag:s28], $0x4000  }
0x16c: {  	s8 =	simm.s32 $0x0;
	[sflag:s28] =	ssyncset.done $0x0  }
0x16d: {  	s15 =	simm.s32 $0x0;
	s17 =	simm.s32 $0xFFFFC000;
	[sflag:s28] =	ssyncadd.s32 $0xFFFFC000  }
.LBB2_5:
0x16e: {  	s16 =	sadd.s32 $0x4000, s17  }
0x16f: {  	s19 =	sand.u32 $0x380, s15;
	s16 =	sand.u32 $0x2000, s16  }
0x170: {  	s16 =	sor.u32 s19, s16  }
0x171: {  	v3 =	vld [tilespmem:s16+$0x14200]  }
0x172: {  	v4 =	vld [tilespmem:s16+$0x14220]  }
0x173: {  	v5 =	vld [tilespmem:s16+$0x14230]  }
0x174: {  	v6 =	vld [tilespmem:s16+$0x14240]  }
0x175: {  	v7 =	vld [tilespmem:s16+$0x14250]  }
0x176: {  	v24 =	vld [tilespmem:s16+$0x14270]  }
0x177: {  	v25 =	vld [tilespmem:s16+$0x14600]  }
0x178: {  	v26 =	vld [tilespmem:s16+$0x14610]  }
0x179: {  	v27 =	vld [tilespmem:s16+$0x14620]  }
0x17a: {  	v28 =	vld [tilespmem:s16+$0x14640]  }
0x17b: {  	v29 =	vld [tilespmem:s16+$0x14650]  }
0x17c: {  	v30 =	vld [tilespmem:s16+$0x14660]  }
0x17d: {  	v31 =	vld [tilespmem:s16+$0x14670]  }
0x17e: {  	v32 =	vld [tilespmem:s16+$0x14A10]  }
0x17f: {  	v33 =	vld [tilespmem:s16+$0x14A20]  }
0x180: {  	v34 =	vld [tilespmem:s16+$0x14A30]  }
0x181: {  	v35 =	vld [tilespmem:s16+$0x14A40]  }
0x182: {  	v36 =	vld [tilespmem:s16+$0x14A60]  }
0x183: {  	v37 =	vld [tilespmem:s16+$0x14A70]  }
0x184: {  	v38 =	vld [tilespmem:s16+$0x14E00]  }
0x185: {  	v39 =	vld [tilespmem:s16+$0x14E10]  }
0x186: {  	v40 =	vld [tilespmem:s16+$0x14E30]  }
0x187: {  	v41 =	vld [tilespmem:s16+$0x14E40]  }
0x188: {  	v42 =	vld [tilespmem:s16+$0x14E50]  }
0x189: {  	v43 =	vld [tilespmem:s16+$0x14E60]  }
0x18a: {  	v44 =	vld [tilespmem:s16+$0x15200]  }
0x18b: {  	v45 =	vld [tilespmem:s16+$0x15210]  }
0x18c: {  	v46 =	vld [tilespmem:s16+$0x15220]  }
0x18d: {  	v47 =	vld [tilespmem:s16+$0x15230]  }
0x18e: {  	v48 =	vld [tilespmem:s16+$0x15250]  }
0x18f: {  	v49 =	vld [tilespmem:s16+$0x15260]  }
0x190: {  	v50 =	vld [tilespmem:s16+$0x15270]  }
0x191: {  	v51 =	vld [tilespmem:s16+$0x15600]  }
0x192: {  	v52 =	vld [tilespmem:s16+$0x15620]  }
0x193: {  	v53 =	vld [tilespmem:s16+$0x15630]  }
0x194: {  	v54 =	vld [tilespmem:s16+$0x15640]  }
0x195: {  	v55 =	vld [tilespmem:s16+$0x15650]  }
0x196: {  	v56 =	vld [tilespmem:s16+$0x15670]  }
0x197: {  	v57 =	vld [tilespmem:s16+$0x15A00]  }
0x198: {  	v58 =	vld [tilespmem:s16+$0x15A10]  }
0x199: {  	v59 =	vld [tilespmem:s16+$0x15A20]  }
0x19a: {  	v60 =	vld [tilespmem:s16+$0x15A40]  }
0x19b: {  	v61 =	vld [tilespmem:s16+$0x15A50]  }
0x19c: {  	v62 =	vld [tilespmem:s16+$0x15A60]  }
0x19d: {  	v63 =	vld [tilespmem:s16+$0x15A70]  }
0x19e: {  	[tilespmem:s16+$0x4200] =	vst.add.f32.msk $0xffff, v3  }
0x19f: {  	v3 =	vld [tilespmem:s16+$0x14210]  }
0x1a0: {  	[tilespmem:s16+$0x4220] =	vst.add.f32.msk $0xffff, v4  }
0x1a1: {  	[tilespmem:s16+$0x4230] =	vst.add.f32.msk $0xffff, v5  }
0x1a2: {  	[tilespmem:s16+$0x4240] =	vst.add.f32.msk $0xffff, v6  }
0x1a3: {  	[tilespmem:s16+$0x4250] =	vst.add.f32.msk $0xffff, v7  }
0x1a4: {  	[tilespmem:s16+$0x4210] =	vst.add.f32.msk $0xffff, v3  }
0x1a5: {  	v3 =	vld [tilespmem:s16+$0x14260]  }
0x1a6: {  	[tilespmem:s16+$0x4270] =	vst.add.f32.msk $0xffff, v24  }
0x1a7: {  	[tilespmem:s16+$0x4600] =	vst.add.f32.msk $0xffff, v25  }
0x1a8: {  	[tilespmem:s16+$0x4610] =	vst.add.f32.msk $0xffff, v26  }
0x1a9: {  	[tilespmem:s16+$0x4620] =	vst.add.f32.msk $0xffff, v27  }
0x1aa: {  	[tilespmem:s16+$0x4260] =	vst.add.f32.msk $0xffff, v3  }
0x1ab: {  	v3 =	vld [tilespmem:s16+$0x14630]  }
0x1ac: {  	[tilespmem:s16+$0x4640] =	vst.add.f32.msk $0xffff, v28  }
0x1ad: {  	[tilespmem:s16+$0x4650] =	vst.add.f32.msk $0xffff, v29  }
0x1ae: {  	[tilespmem:s16+$0x4660] =	vst.add.f32.msk $0xffff, v30  }
0x1af: {  	[tilespmem:s16+$0x4670] =	vst.add.f32.msk $0xffff, v31  }
0x1b0: {  	[tilespmem:s16+$0x4630] =	vst.add.f32.msk $0xffff, v3  }
0x1b1: {  	v3 =	vld [tilespmem:s16+$0x14A00]  }
0x1b2: {  	[tilespmem:s16+$0x4A10] =	vst.add.f32.msk $0xffff, v32  }
0x1b3: {  	[tilespmem:s16+$0x4A20] =	vst.add.f32.msk $0xffff, v33  }
0x1b4: {  	[tilespmem:s16+$0x4A30] =	vst.add.f32.msk $0xffff, v34  }
0x1b5: {  	[tilespmem:s16+$0x4A40] =	vst.add.f32.msk $0xffff, v35  }
0x1b6: {  	[tilespmem:s16+$0x4A00] =	vst.add.f32.msk $0xffff, v3  }
0x1b7: {  	v3 =	vld [tilespmem:s16+$0x14A50]  }
0x1b8: {  	[tilespmem:s16+$0x4A60] =	vst.add.f32.msk $0xffff, v36  }
0x1b9: {  	[tilespmem:s16+$0x4A70] =	vst.add.f32.msk $0xffff, v37  }
0x1ba: {  	[tilespmem:s16+$0x4E00] =	vst.add.f32.msk $0xffff, v38  }
0x1bb: {  	[tilespmem:s16+$0x4E10] =	vst.add.f32.msk $0xffff, v39  }
0x1bc: {  	[tilespmem:s16+$0x4A50] =	vst.add.f32.msk $0xffff, v3  }
0x1bd: {  	v3 =	vld [tilespmem:s16+$0x14E20]  }
0x1be: {  	[tilespmem:s16+$0x4E30] =	vst.add.f32.msk $0xffff, v40  }
0x1bf: {  	[tilespmem:s16+$0x4E40] =	vst.add.f32.msk $0xffff, v41  }
0x1c0: {  	[tilespmem:s16+$0x4E50] =	vst.add.f32.msk $0xffff, v42  }
0x1c1: {  	[tilespmem:s16+$0x4E60] =	vst.add.f32.msk $0xffff, v43  }
0x1c2: {  	[tilespmem:s16+$0x4E20] =	vst.add.f32.msk $0xffff, v3  }
0x1c3: {  	v3 =	vld [tilespmem:s16+$0x14E70]  }
0x1c4: {  	[tilespmem:s16+$0x5200] =	vst.add.f32.msk $0xffff, v44  }
0x1c5: {  	[tilespmem:s16+$0x5210] =	vst.add.f32.msk $0xffff, v45  }
0x1c6: {  	[tilespmem:s16+$0x5220] =	vst.add.f32.msk $0xffff, v46  }
0x1c7: {  	[tilespmem:s16+$0x5230] =	vst.add.f32.msk $0xffff, v47  }
0x1c8: {  	[tilespmem:s16+$0x4E70] =	vst.add.f32.msk $0xffff, v3  }
0x1c9: {  	v3 =	vld [tilespmem:s16+$0x15240]  }
0x1ca: {  	[tilespmem:s16+$0x5250] =	vst.add.f32.msk $0xffff, v48  }
0x1cb: {  	[tilespmem:s16+$0x5260] =	vst.add.f32.msk $0xffff, v49  }
0x1cc: {  	[tilespmem:s16+$0x5270] =	vst.add.f32.msk $0xffff, v50  }
0x1cd: {  	[tilespmem:s16+$0x5600] =	vst.add.f32.msk $0xffff, v51  }
0x1ce: {  	[tilespmem:s16+$0x5240] =	vst.add.f32.msk $0xffff, v3  }
0x1cf: {  	v3 =	vld [tilespmem:s16+$0x15610]  }
0x1d0: {  	[tilespmem:s16+$0x5620] =	vst.add.f32.msk $0xffff, v52  }
0x1d1: {  	[tilespmem:s16+$0x5630] =	vst.add.f32.msk $0xffff, v53  }
0x1d2: {  	[tilespmem:s16+$0x5640] =	vst.add.f32.msk $0xffff, v54  }
0x1d3: {  	[tilespmem:s16+$0x5650] =	vst.add.f32.msk $0xffff, v55  }
0x1d4: {  	[tilespmem:s16+$0x5610] =	vst.add.f32.msk $0xffff, v3  }
0x1d5: {  	v3 =	vld [tilespmem:s16+$0x15660]  }
0x1d6: {  	[tilespmem:s16+$0x5670] =	vst.add.f32.msk $0xffff, v56  }
0x1d7: {  	[tilespmem:s16+$0x5A00] =	vst.add.f32.msk $0xffff, v57  }
0x1d8: {  	[tilespmem:s16+$0x5A10] =	vst.add.f32.msk $0xffff, v58  }
0x1d9: {  	[tilespmem:s16+$0x5A20] =	vst.add.f32.msk $0xffff, v59  }
0x1da: {  	[tilespmem:s16+$0x5660] =	vst.add.f32.msk $0xffff, v3  }
0x1db: {  	v3 =	vld [tilespmem:s16+$0x15A30]  }
0x1dc: {  	[tilespmem:s16+$0x5A40] =	vst.add.f32.msk $0xffff, v60  }
0x1dd: {  	s23 =	sand.u32 $0x7, s0;
	[tilespmem:s16+$0x5A50] =	vst.add.f32.msk $0xffff, v61  }
0x1de: {  	s19 =	sshll.u32 s23, $0x7;
	[tilespmem:s16+$0x5A60] =	vst.add.f32.msk $0xffff, v62  }
0x1df: {  	s19 =	sadd.s32 s19, s8;
	[tilespmem:s16+$0x5A70] =	vst.add.f32.msk $0xffff, v63  }
0x1e0: {  	s23 =	sor.u32 $0x1C00, s19;
	[tilespmem:s16+$0x5A30] =	vst.add.f32.msk $0xffff, v3  }
0x1e1: {  	v3 =	vld [tilespmem:s23+$0x14200];
	_ =	sdelay $0x4  }
0x1e2: {  	[tilespmem:s23+$0x4200] =	vst.add.f32.msk $0xffff, v3;
	s23 =	sor.u32 $0x1C10, s19  }
0x1e3: {  	v3 =	vld [tilespmem:s23+$0x14200];
	_ =	sdelay $0x4  }
0x1e4: {  	[tilespmem:s23+$0x4200] =	vst.add.f32.msk $0xffff, v3;
	s23 =	sor.u32 $0x1C20, s19  }
0x1e5: {  	v3 =	vld [tilespmem:s23+$0x14200];
	_ =	sdelay $0x4  }
0x1e6: {  	[tilespmem:s23+$0x4200] =	vst.add.f32.msk $0xffff, v3;
	s23 =	sor.u32 $0x1C30, s19  }
0x1e7: {  	v3 =	vld [tilespmem:s23+$0x14200];
	_ =	sdelay $0x4  }
0x1e8: {  	[tilespmem:s23+$0x4200] =	vst.add.f32.msk $0xffff, v3;
	s23 =	sor.u32 $0x1C40, s19  }
0x1e9: {  	v3 =	vld [tilespmem:s23+$0x14200];
	_ =	sdelay $0x4  }
0x1ea: {  	[tilespmem:s23+$0x4200] =	vst.add.f32.msk $0xffff, v3;
	s23 =	sor.u32 $0x1C50, s19  }
0x1eb: {  	v3 =	vld [tilespmem:s23+$0x14200];
	_ =	sdelay $0x4  }
0x1ec: {  	[tilespmem:s23+$0x4200] =	vst.add.f32.msk $0xffff, v3;
	s23 =	sor.u32 $0x1C60, s19  }
0x1ed: {  	v3 =	vld [tilespmem:s23+$0x14200];
	_ =	sdelay $0x4  }
0x1ee: {  	[tilespmem:s23+$0x4200] =	vst.add.f32.msk $0xffff, v3;
	s23 =	sor.u32 $0x1C70, s19  }
0x1ef: {  	p0 =	sne.s32 s15, $0x780;
	v3 =	vld [tilespmem:s23+$0x14200]  }
.Ltmp1:
0x1f0: {  	_ = 	snop;
	(pc) =	sbr.rel @p0 .LBB2_5-.Ltmp1, $3  }
0x1f1: {  	_ =	sdelay $0x1  }
0x1f2: {  	s0 =	sadd.s32 $0x1, s0  }
0x1f3: {  	s17 =	sadd.s32 $0x400, s17;
	s15 =	sadd.s32 $0x80, s15;
	s8 =	sadd.s32 $0x400, s8;
	[tilespmem:s23+$0x4200] =	vst.add.f32.msk $0xffff, v3  }
0x1f4: {  	s0 =	sadd.s32 s5, s7  }
0x1f5: {  	s0 =	sshll.u32 s0, $0x7  }
0x1f6: {  	s19 =	simm.s32 $0x4200;
	s23 =	sadd.s32 s6, s0;
	s0 =	simm.s32 $0x0  }
0x1f7: {  	[hbm4b:s23+s0] =	stream.linear.scatter [tilespmem:s19], [sflag:$0x9], $0x4000, $0x38;
	[tilespmem:$0x1C200] =	vst v63  }
0x1f8: {  	_ =	swait.ge [sflag:s29], $0x4000  }
0x1f9: {  	[sflag:s29] =	ssyncset.done $0x0  }
0x1fa: {  	[sflag:s29] =	ssyncadd.s32 $0xFFFFC000  }
0x1fb: {  	_ =	swait.ge [sflag:s30], $0x4000  }
0x1fc: {  	s7 =	simm.s32 $0xFFFFC000;
	[sflag:s30] =	ssyncset.done $0x0  }
0x1fd: {  	s8 =	simm.s32 $0x0;
	s15 =	simm.s32 $0x0;
	[sflag:s30] =	ssyncadd.s32 $0xFFFFC000  }
.LBB2_7:
0x1fe: {  	s16 =	sadd.s32 $0x4000, s7  }
0x1ff: {  	s17 =	sand.u32 $0x380, s15;
	s16 =	sand.u32 $0x2000, s16  }
0x200: {  	s16 =	sor.u32 s17, s16  }
0x201: {  	v3 =	vld [tilespmem:s16+$0x18200]  }
0x202: {  	v4 =	vld [tilespmem:s16+$0x18220]  }
0x203: {  	v5 =	vld [tilespmem:s16+$0x18230]  }
0x204: {  	v6 =	vld [tilespmem:s16+$0x18240]  }
0x205: {  	v7 =	vld [tilespmem:s16+$0x18250]  }
0x206: {  	v24 =	vld [tilespmem:s16+$0x18270]  }
0x207: {  	v25 =	vld [tilespmem:s16+$0x18600]  }
0x208: {  	v26 =	vld [tilespmem:s16+$0x18610]  }
0x209: {  	v27 =	vld [tilespmem:s16+$0x18620]  }
0x20a: {  	v28 =	vld [tilespmem:s16+$0x18640]  }
0x20b: {  	v29 =	vld [tilespmem:s16+$0x18650]  }
0x20c: {  	v30 =	vld [tilespmem:s16+$0x18660]  }
0x20d: {  	v31 =	vld [tilespmem:s16+$0x18670]  }
0x20e: {  	v32 =	vld [tilespmem:s16+$0x18A10]  }
0x20f: {  	v33 =	vld [tilespmem:s16+$0x18A20]  }
0x210: {  	v34 =	vld [tilespmem:s16+$0x18A30]  }
0x211: {  	v35 =	vld [tilespmem:s16+$0x18A40]  }
0x212: {  	v36 =	vld [tilespmem:s16+$0x18A60]  }
0x213: {  	v37 =	vld [tilespmem:s16+$0x18A70]  }
0x214: {  	v38 =	vld [tilespmem:s16+$0x18E00]  }
0x215: {  	v39 =	vld [tilespmem:s16+$0x18E10]  }
0x216: {  	v40 =	vld [tilespmem:s16+$0x18E30]  }
0x217: {  	v41 =	vld [tilespmem:s16+$0x18E40]  }
0x218: {  	v42 =	vld [tilespmem:s16+$0x18E50]  }
0x219: {  	v43 =	vld [tilespmem:s16+$0x18E60]  }
0x21a: {  	v44 =	vld [tilespmem:s16+$0x19200]  }
0x21b: {  	v45 =	vld [tilespmem:s16+$0x19210]  }
0x21c: {  	v46 =	vld [tilespmem:s16+$0x19220]  }
0x21d: {  	v47 =	vld [tilespmem:s16+$0x19230]  }
0x21e: {  	v48 =	vld [tilespmem:s16+$0x19250]  }
0x21f: {  	v49 =	vld [tilespmem:s16+$0x19260]  }
0x220: {  	v50 =	vld [tilespmem:s16+$0x19270]  }
0x221: {  	v51 =	vld [tilespmem:s16+$0x19600]  }
0x222: {  	v52 =	vld [tilespmem:s16+$0x19620]  }
0x223: {  	v53 =	vld [tilespmem:s16+$0x19630]  }
0x224: {  	v54 =	vld [tilespmem:s16+$0x19640]  }
0x225: {  	v55 =	vld [tilespmem:s16+$0x19650]  }
0x226: {  	v56 =	vld [tilespmem:s16+$0x19670]  }
0x227: {  	v57 =	vld [tilespmem:s16+$0x19A00]  }
0x228: {  	v58 =	vld [tilespmem:s16+$0x19A10]  }
0x229: {  	v59 =	vld [tilespmem:s16+$0x19A20]  }
0x22a: {  	v60 =	vld [tilespmem:s16+$0x19A40]  }
0x22b: {  	v61 =	vld [tilespmem:s16+$0x19A50]  }
0x22c: {  	v62 =	vld [tilespmem:s16+$0x19A60]  }
0x22d: {  	v63 =	vld [tilespmem:s16+$0x19A70]  }
0x22e: {  	[tilespmem:s16+$0x8200] =	vst.add.f32.msk $0xffff, v3  }
0x22f: {  	v3 =	vld [tilespmem:s16+$0x18210]  }
0x230: {  	[tilespmem:s16+$0x8220] =	vst.add.f32.msk $0xffff, v4  }
0x231: {  	[tilespmem:s16+$0x8230] =	vst.add.f32.msk $0xffff, v5  }
0x232: {  	[tilespmem:s16+$0x8240] =	vst.add.f32.msk $0xffff, v6  }
0x233: {  	[tilespmem:s16+$0x8250] =	vst.add.f32.msk $0xffff, v7  }
0x234: {  	[tilespmem:s16+$0x8210] =	vst.add.f32.msk $0xffff, v3  }
0x235: {  	v3 =	vld [tilespmem:s16+$0x18260]  }
0x236: {  	[tilespmem:s16+$0x8270] =	vst.add.f32.msk $0xffff, v24  }
0x237: {  	[tilespmem:s16+$0x8600] =	vst.add.f32.msk $0xffff, v25  }
0x238: {  	[tilespmem:s16+$0x8610] =	vst.add.f32.msk $0xffff, v26  }
0x239: {  	[tilespmem:s16+$0x8620] =	vst.add.f32.msk $0xffff, v27  }
0x23a: {  	[tilespmem:s16+$0x8260] =	vst.add.f32.msk $0xffff, v3  }
0x23b: {  	v3 =	vld [tilespmem:s16+$0x18630]  }
0x23c: {  	[tilespmem:s16+$0x8640] =	vst.add.f32.msk $0xffff, v28  }
0x23d: {  	[tilespmem:s16+$0x8650] =	vst.add.f32.msk $0xffff, v29  }
0x23e: {  	[tilespmem:s16+$0x8660] =	vst.add.f32.msk $0xffff, v30  }
0x23f: {  	[tilespmem:s16+$0x8670] =	vst.add.f32.msk $0xffff, v31  }
0x240: {  	[tilespmem:s16+$0x8630] =	vst.add.f32.msk $0xffff, v3  }
0x241: {  	v3 =	vld [tilespmem:s16+$0x18A00]  }
0x242: {  	[tilespmem:s16+$0x8A10] =	vst.add.f32.msk $0xffff, v32  }
0x243: {  	[tilespmem:s16+$0x8A20] =	vst.add.f32.msk $0xffff, v33  }
0x244: {  	[tilespmem:s16+$0x8A30] =	vst.add.f32.msk $0xffff, v34  }
0x245: {  	[tilespmem:s16+$0x8A40] =	vst.add.f32.msk $0xffff, v35  }
0x246: {  	[tilespmem:s16+$0x8A00] =	vst.add.f32.msk $0xffff, v3  }
0x247: {  	v3 =	vld [tilespmem:s16+$0x18A50]  }
0x248: {  	[tilespmem:s16+$0x8A60] =	vst.add.f32.msk $0xffff, v36  }
0x249: {  	[tilespmem:s16+$0x8A70] =	vst.add.f32.msk $0xffff, v37  }
0x24a: {  	[tilespmem:s16+$0x8E00] =	vst.add.f32.msk $0xffff, v38  }
0x24b: {  	[tilespmem:s16+$0x8E10] =	vst.add.f32.msk $0xffff, v39  }
0x24c: {  	[tilespmem:s16+$0x8A50] =	vst.add.f32.msk $0xffff, v3  }
0x24d: {  	v3 =	vld [tilespmem:s16+$0x18E20]  }
0x24e: {  	[tilespmem:s16+$0x8E30] =	vst.add.f32.msk $0xffff, v40  }
0x24f: {  	[tilespmem:s16+$0x8E40] =	vst.add.f32.msk $0xffff, v41  }
0x250: {  	[tilespmem:s16+$0x8E50] =	vst.add.f32.msk $0xffff, v42  }
0x251: {  	[tilespmem:s16+$0x8E60] =	vst.add.f32.msk $0xffff, v43  }
0x252: {  	[tilespmem:s16+$0x8E20] =	vst.add.f32.msk $0xffff, v3  }
0x253: {  	v3 =	vld [tilespmem:s16+$0x18E70]  }
0x254: {  	[tilespmem:s16+$0x9200] =	vst.add.f32.msk $0xffff, v44  }
0x255: {  	[tilespmem:s16+$0x9210] =	vst.add.f32.msk $0xffff, v45  }
0x256: {  	[tilespmem:s16+$0x9220] =	vst.add.f32.msk $0xffff, v46  }
0x257: {  	[tilespmem:s16+$0x9230] =	vst.add.f32.msk $0xffff, v47  }
0x258: {  	[tilespmem:s16+$0x8E70] =	vst.add.f32.msk $0xffff, v3  }
0x259: {  	v3 =	vld [tilespmem:s16+$0x19240]  }
0x25a: {  	[tilespmem:s16+$0x9250] =	vst.add.f32.msk $0xffff, v48  }
0x25b: {  	[tilespmem:s16+$0x9260] =	vst.add.f32.msk $0xffff, v49  }
0x25c: {  	[tilespmem:s16+$0x9270] =	vst.add.f32.msk $0xffff, v50  }
0x25d: {  	[tilespmem:s16+$0x9600] =	vst.add.f32.msk $0xffff, v51  }
0x25e: {  	[tilespmem:s16+$0x9240] =	vst.add.f32.msk $0xffff, v3  }
0x25f: {  	v3 =	vld [tilespmem:s16+$0x19610]  }
0x260: {  	[tilespmem:s16+$0x9620] =	vst.add.f32.msk $0xffff, v52  }
0x261: {  	[tilespmem:s16+$0x9630] =	vst.add.f32.msk $0xffff, v53  }
0x262: {  	[tilespmem:s16+$0x9640] =	vst.add.f32.msk $0xffff, v54  }
0x263: {  	[tilespmem:s16+$0x9650] =	vst.add.f32.msk $0xffff, v55  }
0x264: {  	[tilespmem:s16+$0x9610] =	vst.add.f32.msk $0xffff, v3  }
0x265: {  	v3 =	vld [tilespmem:s16+$0x19660]  }
0x266: {  	[tilespmem:s16+$0x9670] =	vst.add.f32.msk $0xffff, v56  }
0x267: {  	[tilespmem:s16+$0x9A00] =	vst.add.f32.msk $0xffff, v57  }
0x268: {  	[tilespmem:s16+$0x9A10] =	vst.add.f32.msk $0xffff, v58  }
0x269: {  	[tilespmem:s16+$0x9A20] =	vst.add.f32.msk $0xffff, v59  }
0x26a: {  	[tilespmem:s16+$0x9660] =	vst.add.f32.msk $0xffff, v3  }
0x26b: {  	v3 =	vld [tilespmem:s16+$0x19A30]  }
0x26c: {  	[tilespmem:s16+$0x9A40] =	vst.add.f32.msk $0xffff, v60  }
0x26d: {  	s23 =	sand.u32 $0x7, s0;
	[tilespmem:s16+$0x9A50] =	vst.add.f32.msk $0xffff, v61  }
0x26e: {  	s17 =	sshll.u32 s23, $0x7;
	[tilespmem:s16+$0x9A60] =	vst.add.f32.msk $0xffff, v62  }
0x26f: {  	s17 =	sadd.s32 s17, s8;
	[tilespmem:s16+$0x9A70] =	vst.add.f32.msk $0xffff, v63  }
0x270: {  	s23 =	sor.u32 $0x1C00, s17;
	[tilespmem:s16+$0x9A30] =	vst.add.f32.msk $0xffff, v3  }
0x271: {  	v3 =	vld [tilespmem:s23+$0x18200];
	_ =	sdelay $0x4  }
0x272: {  	[tilespmem:s23+$0x8200] =	vst.add.f32.msk $0xffff, v3;
	s23 =	sor.u32 $0x1C10, s17  }
0x273: {  	v3 =	vld [tilespmem:s23+$0x18200];
	_ =	sdelay $0x4  }
0x274: {  	[tilespmem:s23+$0x8200] =	vst.add.f32.msk $0xffff, v3;
	s23 =	sor.u32 $0x1C20, s17  }
0x275: {  	v3 =	vld [tilespmem:s23+$0x18200];
	_ =	sdelay $0x4  }
0x276: {  	[tilespmem:s23+$0x8200] =	vst.add.f32.msk $0xffff, v3;
	s23 =	sor.u32 $0x1C30, s17  }
0x277: {  	v3 =	vld [tilespmem:s23+$0x18200];
	_ =	sdelay $0x4  }
0x278: {  	[tilespmem:s23+$0x8200] =	vst.add.f32.msk $0xffff, v3;
	s23 =	sor.u32 $0x1C40, s17  }
0x279: {  	v3 =	vld [tilespmem:s23+$0x18200];
	_ =	sdelay $0x4  }
0x27a: {  	[tilespmem:s23+$0x8200] =	vst.add.f32.msk $0xffff, v3;
	s23 =	sor.u32 $0x1C50, s17  }
0x27b: {  	v3 =	vld [tilespmem:s23+$0x18200];
	_ =	sdelay $0x4  }
0x27c: {  	[tilespmem:s23+$0x8200] =	vst.add.f32.msk $0xffff, v3;
	s23 =	sor.u32 $0x1C60, s17  }
0x27d: {  	v3 =	vld [tilespmem:s23+$0x18200];
	_ =	sdelay $0x4  }
0x27e: {  	[tilespmem:s23+$0x8200] =	vst.add.f32.msk $0xffff, v3;
	s23 =	sor.u32 $0x1C70, s17  }
0x27f: {  	p0 =	sne.s32 s15, $0x780;
	v3 =	vld [tilespmem:s23+$0x18200]  }
.Ltmp2:
0x280: {  	_ = 	snop;
	(pc) =	sbr.rel @p0 .LBB2_7-.Ltmp2, $3  }
0x281: {  	_ =	sdelay $0x1  }
0x282: {  	s0 =	sadd.s32 $0x1, s0  }
0x283: {  	s7 =	sadd.s32 $0x400, s7;
	s15 =	sadd.s32 $0x80, s15;
	s8 =	sadd.s32 $0x400, s8;
	[tilespmem:s23+$0x8200] =	vst.add.f32.msk $0xffff, v3  }
0x284: {  	s0 =	sadd.s32 s5, s26  }
0x285: {  	s0 =	sshll.u32 s0, $0x7  }
0x286: {  	s8 =	simm.s32 $0x8200;
	s7 =	sadd.s32 s6, s0;
	s0 =	simm.s32 $0x0  }
0x287: {  	[hbm4b:s7+s0] =	stream.linear.scatter [tilespmem:s8], [sflag:$0xA], $0x4000, $0x38;
	[tilespmem:$0x1C200] =	vst v63  }
0x288: {  	_ =	swait.ge [sflag:s31], $0x4000  }
0x289: {  	[sflag:s31] =	ssyncset.done $0x0  }
0x28a: {  	[sflag:s31] =	ssyncadd.s32 $0xFFFFC000  }
0x28b: {  	_ =	swait.ge [sflag:s24], $0x4000  }
0x28c: {  	s15 =	simm.s32 $0x0;
	[sflag:s24] =	ssyncset.done $0x0  }
0x28d: {  	s7 =	simm.s32 $0xFFFFC000;
	s8 =	simm.s32 $0x0;
	[sflag:s24] =	ssyncadd.s32 $0xFFFFC000  }
.LBB2_9:
0x28e: {  	s16 =	sadd.s32 $0x4000, s7  }
0x28f: {  	s17 =	sand.u32 $0x380, s15;
	s16 =	sand.u32 $0x2000, s16  }
0x290: {  	s16 =	sor.u32 s17, s16  }
0x291: {  	v3 =	vld [tilespmem:s16+$0x10200]  }
0x292: {  	v4 =	vld [tilespmem:s16+$0x10220]  }
0x293: {  	v5 =	vld [tilespmem:s16+$0x10230]  }
0x294: {  	v6 =	vld [tilespmem:s16+$0x10240]  }
0x295: {  	v7 =	vld [tilespmem:s16+$0x10250]  }
0x296: {  	v24 =	vld [tilespmem:s16+$0x10270]  }
0x297: {  	v25 =	vld [tilespmem:s16+$0x10600]  }
0x298: {  	v26 =	vld [tilespmem:s16+$0x10610]  }
0x299: {  	v27 =	vld [tilespmem:s16+$0x10620]  }
0x29a: {  	v28 =	vld [tilespmem:s16+$0x10640]  }
0x29b: {  	v29 =	vld [tilespmem:s16+$0x10650]  }
0x29c: {  	v30 =	vld [tilespmem:s16+$0x10660]  }
0x29d: {  	v31 =	vld [tilespmem:s16+$0x10670]  }
0x29e: {  	v32 =	vld [tilespmem:s16+$0x10A10]  }
0x29f: {  	v33 =	vld [tilespmem:s16+$0x10A20]  }
0x2a0: {  	v34 =	vld [tilespmem:s16+$0x10A30]  }
0x2a1: {  	v35 =	vld [tilespmem:s16+$0x10A40]  }
0x2a2: {  	v36 =	vld [tilespmem:s16+$0x10A60]  }
0x2a3: {  	v37 =	vld [tilespmem:s16+$0x10A70]  }
0x2a4: {  	v38 =	vld [tilespmem:s16+$0x10E00]  }
0x2a5: {  	v39 =	vld [tilespmem:s16+$0x10E10]  }
0x2a6: {  	v40 =	vld [tilespmem:s16+$0x10E30]  }
0x2a7: {  	v41 =	vld [tilespmem:s16+$0x10E40]  }
0x2a8: {  	v42 =	vld [tilespmem:s16+$0x10E50]  }
0x2a9: {  	v43 =	vld [tilespmem:s16+$0x10E60]  }
0x2aa: {  	v44 =	vld [tilespmem:s16+$0x11200]  }
0x2ab: {  	v45 =	vld [tilespmem:s16+$0x11210]  }
0x2ac: {  	v46 =	vld [tilespmem:s16+$0x11220]  }
0x2ad: {  	v47 =	vld [tilespmem:s16+$0x11230]  }
0x2ae: {  	v48 =	vld [tilespmem:s16+$0x11250]  }
0x2af: {  	v49 =	vld [tilespmem:s16+$0x11260]  }
0x2b0: {  	v50 =	vld [tilespmem:s16+$0x11270]  }
0x2b1: {  	v51 =	vld [tilespmem:s16+$0x11600]  }
0x2b2: {  	v52 =	vld [tilespmem:s16+$0x11620]  }
0x2b3: {  	v53 =	vld [tilespmem:s16+$0x11630]  }
0x2b4: {  	v54 =	vld [tilespmem:s16+$0x11640]  }
0x2b5: {  	v55 =	vld [tilespmem:s16+$0x11650]  }
0x2b6: {  	v56 =	vld [tilespmem:s16+$0x11670]  }
0x2b7: {  	v57 =	vld [tilespmem:s16+$0x11A00]  }
0x2b8: {  	v58 =	vld [tilespmem:s16+$0x11A10]  }
0x2b9: {  	v59 =	vld [tilespmem:s16+$0x11A20]  }
0x2ba: {  	v60 =	vld [tilespmem:s16+$0x11A40]  }
0x2bb: {  	v61 =	vld [tilespmem:s16+$0x11A50]  }
0x2bc: {  	v62 =	vld [tilespmem:s16+$0x11A60]  }
0x2bd: {  	v63 =	vld [tilespmem:s16+$0x11A70]  }
0x2be: {  	[tilespmem:s16+$0xC200] =	vst.add.f32.msk $0xffff, v3  }
0x2bf: {  	v3 =	vld [tilespmem:s16+$0x10210]  }
0x2c0: {  	[tilespmem:s16+$0xC220] =	vst.add.f32.msk $0xffff, v4  }
0x2c1: {  	[tilespmem:s16+$0xC230] =	vst.add.f32.msk $0xffff, v5  }
0x2c2: {  	[tilespmem:s16+$0xC240] =	vst.add.f32.msk $0xffff, v6  }
0x2c3: {  	[tilespmem:s16+$0xC250] =	vst.add.f32.msk $0xffff, v7  }
0x2c4: {  	[tilespmem:s16+$0xC210] =	vst.add.f32.msk $0xffff, v3  }
0x2c5: {  	v3 =	vld [tilespmem:s16+$0x10260]  }
0x2c6: {  	[tilespmem:s16+$0xC270] =	vst.add.f32.msk $0xffff, v24  }
0x2c7: {  	[tilespmem:s16+$0xC600] =	vst.add.f32.msk $0xffff, v25  }
0x2c8: {  	[tilespmem:s16+$0xC610] =	vst.add.f32.msk $0xffff, v26  }
0x2c9: {  	[tilespmem:s16+$0xC620] =	vst.add.f32.msk $0xffff, v27  }
0x2ca: {  	[tilespmem:s16+$0xC260] =	vst.add.f32.msk $0xffff, v3  }
0x2cb: {  	v3 =	vld [tilespmem:s16+$0x10630]  }
0x2cc: {  	[tilespmem:s16+$0xC640] =	vst.add.f32.msk $0xffff, v28  }
0x2cd: {  	[tilespmem:s16+$0xC650] =	vst.add.f32.msk $0xffff, v29  }
0x2ce: {  	[tilespmem:s16+$0xC660] =	vst.add.f32.msk $0xffff, v30  }
0x2cf: {  	[tilespmem:s16+$0xC670] =	vst.add.f32.msk $0xffff, v31  }
0x2d0: {  	[tilespmem:s16+$0xC630] =	vst.add.f32.msk $0xffff, v3  }
0x2d1: {  	v3 =	vld [tilespmem:s16+$0x10A00]  }
0x2d2: {  	[tilespmem:s16+$0xCA10] =	vst.add.f32.msk $0xffff, v32  }
0x2d3: {  	[tilespmem:s16+$0xCA20] =	vst.add.f32.msk $0xffff, v33  }
0x2d4: {  	[tilespmem:s16+$0xCA30] =	vst.add.f32.msk $0xffff, v34  }
0x2d5: {  	[tilespmem:s16+$0xCA40] =	vst.add.f32.msk $0xffff, v35  }
0x2d6: {  	[tilespmem:s16+$0xCA00] =	vst.add.f32.msk $0xffff, v3  }
0x2d7: {  	v3 =	vld [tilespmem:s16+$0x10A50]  }
0x2d8: {  	[tilespmem:s16+$0xCA60] =	vst.add.f32.msk $0xffff, v36  }
0x2d9: {  	[tilespmem:s16+$0xCA70] =	vst.add.f32.msk $0xffff, v37  }
0x2da: {  	[tilespmem:s16+$0xCE00] =	vst.add.f32.msk $0xffff, v38  }
0x2db: {  	[tilespmem:s16+$0xCE10] =	vst.add.f32.msk $0xffff, v39  }
0x2dc: {  	[tilespmem:s16+$0xCA50] =	vst.add.f32.msk $0xffff, v3  }
0x2dd: {  	v3 =	vld [tilespmem:s16+$0x10E20]  }
0x2de: {  	[tilespmem:s16+$0xCE30] =	vst.add.f32.msk $0xffff, v40  }
0x2df: {  	[tilespmem:s16+$0xCE40] =	vst.add.f32.msk $0xffff, v41  }
0x2e0: {  	[tilespmem:s16+$0xCE50] =	vst.add.f32.msk $0xffff, v42  }
0x2e1: {  	[tilespmem:s16+$0xCE60] =	vst.add.f32.msk $0xffff, v43  }
0x2e2: {  	[tilespmem:s16+$0xCE20] =	vst.add.f32.msk $0xffff, v3  }
0x2e3: {  	v3 =	vld [tilespmem:s16+$0x10E70]  }
0x2e4: {  	[tilespmem:s16+$0xD200] =	vst.add.f32.msk $0xffff, v44  }
0x2e5: {  	[tilespmem:s16+$0xD210] =	vst.add.f32.msk $0xffff, v45  }
0x2e6: {  	[tilespmem:s16+$0xD220] =	vst.add.f32.msk $0xffff, v46  }
0x2e7: {  	[tilespmem:s16+$0xD230] =	vst.add.f32.msk $0xffff, v47  }
0x2e8: {  	[tilespmem:s16+$0xCE70] =	vst.add.f32.msk $0xffff, v3  }
0x2e9: {  	v3 =	vld [tilespmem:s16+$0x11240]  }
0x2ea: {  	[tilespmem:s16+$0xD250] =	vst.add.f32.msk $0xffff, v48  }
0x2eb: {  	[tilespmem:s16+$0xD260] =	vst.add.f32.msk $0xffff, v49  }
0x2ec: {  	[tilespmem:s16+$0xD270] =	vst.add.f32.msk $0xffff, v50  }
0x2ed: {  	[tilespmem:s16+$0xD600] =	vst.add.f32.msk $0xffff, v51  }
0x2ee: {  	[tilespmem:s16+$0xD240] =	vst.add.f32.msk $0xffff, v3  }
0x2ef: {  	v3 =	vld [tilespmem:s16+$0x11610]  }
0x2f0: {  	[tilespmem:s16+$0xD620] =	vst.add.f32.msk $0xffff, v52  }
0x2f1: {  	[tilespmem:s16+$0xD630] =	vst.add.f32.msk $0xffff, v53  }
0x2f2: {  	[tilespmem:s16+$0xD640] =	vst.add.f32.msk $0xffff, v54  }
0x2f3: {  	[tilespmem:s16+$0xD650] =	vst.add.f32.msk $0xffff, v55  }
0x2f4: {  	[tilespmem:s16+$0xD610] =	vst.add.f32.msk $0xffff, v3  }
0x2f5: {  	v3 =	vld [tilespmem:s16+$0x11660]  }
0x2f6: {  	[tilespmem:s16+$0xD670] =	vst.add.f32.msk $0xffff, v56  }
0x2f7: {  	[tilespmem:s16+$0xDA00] =	vst.add.f32.msk $0xffff, v57  }
0x2f8: {  	[tilespmem:s16+$0xDA10] =	vst.add.f32.msk $0xffff, v58  }
0x2f9: {  	[tilespmem:s16+$0xDA20] =	vst.add.f32.msk $0xffff, v59  }
0x2fa: {  	[tilespmem:s16+$0xD660] =	vst.add.f32.msk $0xffff, v3  }
0x2fb: {  	v3 =	vld [tilespmem:s16+$0x11A30]  }
0x2fc: {  	[tilespmem:s16+$0xDA40] =	vst.add.f32.msk $0xffff, v60  }
0x2fd: {  	s26 =	sand.u32 $0x7, s0;
	[tilespmem:s16+$0xDA50] =	vst.add.f32.msk $0xffff, v61  }
0x2fe: {  	s17 =	sshll.u32 s26, $0x7;
	[tilespmem:s16+$0xDA60] =	vst.add.f32.msk $0xffff, v62  }
0x2ff: {  	s17 =	sadd.s32 s17, s8;
	[tilespmem:s16+$0xDA70] =	vst.add.f32.msk $0xffff, v63  }
0x300: {  	s23 =	sor.u32 $0x1C00, s17;
	[tilespmem:s16+$0xDA30] =	vst.add.f32.msk $0xffff, v3  }
0x301: {  	v3 =	vld [tilespmem:s23+$0x10200];
	_ =	sdelay $0x4  }
0x302: {  	s26 =	sor.u32 $0x1C10, s17;
	[tilespmem:s23+$0xC200] =	vst.add.f32.msk $0xffff, v3  }
0x303: {  	v3 =	vld [tilespmem:s26+$0x10200];
	_ =	sdelay $0x4  }
0x304: {  	s23 =	sor.u32 $0x1C20, s17;
	[tilespmem:s26+$0xC200] =	vst.add.f32.msk $0xffff, v3  }
0x305: {  	v3 =	vld [tilespmem:s23+$0x10200];
	_ =	sdelay $0x4  }
0x306: {  	s26 =	sor.u32 $0x1C30, s17;
	[tilespmem:s23+$0xC200] =	vst.add.f32.msk $0xffff, v3  }
0x307: {  	v3 =	vld [tilespmem:s26+$0x10200];
	_ =	sdelay $0x4  }
0x308: {  	s23 =	sor.u32 $0x1C40, s17;
	[tilespmem:s26+$0xC200] =	vst.add.f32.msk $0xffff, v3  }
0x309: {  	v3 =	vld [tilespmem:s23+$0x10200];
	_ =	sdelay $0x4  }
0x30a: {  	s26 =	sor.u32 $0x1C50, s17;
	[tilespmem:s23+$0xC200] =	vst.add.f32.msk $0xffff, v3  }
0x30b: {  	v3 =	vld [tilespmem:s26+$0x10200];
	_ =	sdelay $0x4  }
0x30c: {  	s23 =	sor.u32 $0x1C60, s17;
	[tilespmem:s26+$0xC200] =	vst.add.f32.msk $0xffff, v3  }
0x30d: {  	v3 =	vld [tilespmem:s23+$0x10200];
	_ =	sdelay $0x4  }
0x30e: {  	s26 =	sor.u32 $0x1C70, s17;
	[tilespmem:s23+$0xC200] =	vst.add.f32.msk $0xffff, v3  }
0x30f: {  	p0 =	sne.s32 s15, $0x780;
	v3 =	vld [tilespmem:s26+$0x10200]  }
.Ltmp3:
0x310: {  	_ = 	snop;
	(pc) =	sbr.rel @p0 .LBB2_9-.Ltmp3, $3  }
0x311: {  	_ =	sdelay $0x1  }
0x312: {  	s0 =	sadd.s32 $0x1, s0  }
0x313: {  	s7 =	sadd.s32 $0x400, s7;
	s15 =	sadd.s32 $0x80, s15;
	s8 =	sadd.s32 $0x400, s8;
	[tilespmem:s26+$0xC200] =	vst.add.f32.msk $0xffff, v3  }
0x314: {  	s1 =	sadd.s32 $0x1, s1  }
0x315: {  	p0 =	sne.s32 s1, $0x4  }
.Ltmp4:
0x316: {  	_ = 	snop;
	(pc) =	sbr.rel @p0 .LBB2_2-.Ltmp4, $4  }
0x317: {  	s0 =	sadd.s32 s5, s18  }
0x318: {  	s0 =	sshll.u32 s0, $0x7  }
0x319: {  	s8 =	simm.s32 $0xC200;
	s0 =	sadd.s32 s6, s0  }
0x31a: {  	[hbm4b:s0+s4] =	stream.linear.scatter [tilespmem:s8], [sflag:$0xB], $0x4000, $0x38;
	[tilespmem:$0x1C200] =	vst v63  }
0x31b: {  	s0 =	simm.s32 $0x8  }
0x31c: {  	_ =	swait.ge [sflag:s0], $0x4000  }
0x31d: {  	[sflag:s0] =	ssyncset.done $0x0  }
0x31e: {  	s18 =	simm.s32 $0x9;
	[sflag:s0] =	ssyncadd.s32 $0xFFFFC000  }
0x31f: {  	_ =	swait.ge [sflag:s18], $0x4000  }
0x320: {  	[sflag:s18] =	ssyncset.done $0x0  }
0x321: {  	s23 =	simm.s32 $0xA;
	[sflag:s18] =	ssyncadd.s32 $0xFFFFC000  }
0x322: {  	_ =	swait.ge [sflag:s23], $0x4000  }
0x323: {  	[sflag:s23] =	ssyncset.done $0x0  }
0x324: {  	s1 =	simm.s32 $0xB;
	[sflag:s23] =	ssyncadd.s32 $0xFFFFC000  }
0x325: {  	_ =	swait.ge [sflag:s1], $0x4000  }
0x326: {  	s7 =	rddreg [dreg:$0x8]  }
0x327: {  	s26 =	rddreg [dreg:$0x7];
	s7 =	sadd.s32 $0x1, s7  }
0x328: {  	p0 =	sne.s32 s7, s26  }
.Ltmp5:
0x329: {  	_ = 	snop;
	(pc) =	sbr.rel @p0 .LBB2_1-.Ltmp5, $3  }
0x32a: {  	_ =	sdelay $0x1  }
0x32b: {  	[sflag:s1] =	ssyncset.done $0x0  }
0x32c: {  	[sflag:s1] =	ssyncadd.s32 $0xFFFFC000  }
0x32d: {  	_ =	sfence.sel $0x180000  }
0x32e: {  	[bflag:$0x0] =	sbarrier.arrive $0xFFFF  }
0x32f: {  	_ =	strace $0x90000047  }
0x330: {  	s0 =	stileid.u32;
	[bflag:$0x2] =	sbarrier.arrive $0xFFFF  }
0x331: {  	p0 =	sne.s32 s0, $0x0;
	s0 =	rddreg [dreg:$0x4]  }
0x332: {  	s0 =	sadd.s32 @!p0 $0x100000, s0  }
0x333: {  	[sflag:s0] =	ssyncadd.tile.s32 @!p0 $0x1;
	_ =	shalt  }
.Lfunc_end2:
_tile_overlayer_lowered:
.L_overlay_start_2:
0x334: {  	(tag) =	ssettag $0x2  }
0x335: {  	s0 =	rddreg [dreg:$0x0];
	s2 =	stileid.u32  }
0x336: {  	s1 =	rddreg [dreg:$0x1];
	p0 =	sne.s32 s2, $0x0  }
0x337: {  	s3 =	rddreg [dreg:$0x2];
	[bflag:$0x3] =	sbarrier.arrive $0xFFFF;
	s2 =	simm.s32 @!p0 $0x1C0C  }
0x338: {  	[timem:s3], [sflag:s2] =	dma.local @!p0 [hbm:s0], s1  }
0x339: {  	s0 =	simm.s32 @!p0 $0xC  }
0x33a: {  	_ =	swait.ge @!p0 [sflag:s0], s1  }
0x33b: {  	s1 =	ssub.s32 @!p0 $0x0, s1;
	[sflag:s0] =	ssyncset.done @!p0 $0x0  }
0x33c: {  	[sflag:s0] =	ssyncadd.s32 @!p0 s1  }
0x33d: {  	[bflag:$0x3] =	sbarrier.arrive $0xFFFF  }
0x33e: {  	_ =	shalt  }

</sc_bundles>
